<compile_context>
chip_gen: v7x
topology: tpu7x:2x2x1
jax: 0.10.2.dev20260603
libtpu: 0.0.44.dev20260713+nightly
codegen_flags: <defaults>
</compile_context>

<pallas_src>
import functools

import jax
import jax.numpy as jnp
from jax import lax
from jax.experimental import pallas as pl
from jax.experimental.pallas import tpu as pltpu
from jax.experimental.pallas import tpu_sc as plsc

N = 10000
NPAD = 10240
E = 320000
IN = 128
HID = 256
OUT = 128

NC = 2
NS = 16
NW = NC * NS
C = 80
CHPT = 125
EPT = CHPT * C
EPAD = NW * EPT
NPR = NPAD - N
RPT = NPAD // NS
APT = RPT
AWB = [(i * 80, 80) for i in range(8)]
WB = 80

_mesh = plsc.VectorSubcoreMesh(core_axis_name="c", subcore_axis_name="s")


@functools.partial(
    pl.kernel,
    out_type=jax.ShapeDtypeStruct((NC, NPAD), jnp.float32),
    mesh=_mesh,
    scratch_types=[
        [pltpu.VMEM((C,), jnp.int32)] * 4,
        pltpu.VMEM((C,), jnp.float32),
        pltpu.VMEM((RPT,), jnp.float32),
        pltpu.VMEM_SHARED((NPAD,), jnp.float32),
        [pltpu.SemaphoreType.DMA] * 4,
        [pltpu.SemaphoreType.DMA] * 4,
    ],
)
def _deg_kernel(dst_hbm, ones_hbm, zeros_hbm, out_hbm,
                idx, ones_v, stage_v, acc, semi, sems):
    c = lax.axis_index("c")
    s = lax.axis_index("s")
    pltpu.sync_copy(ones_hbm, ones_v)
    pltpu.sync_copy(zeros_hbm, stage_v)
    pltpu.sync_copy(stage_v, acc.at[pl.ds(s * RPT, RPT)])
    plsc.subcore_barrier()

    ebase = (c * NS + s) * EPT

    def d_at(j):
        return dst_hbm.at[pl.ds(pl.multiple_of(ebase + j * C, 8), C)]

    def load(j, b):
        pltpu.async_copy(d_at(j), idx[b], semi[b])

    def wait_scatter(b):
        pltpu.make_async_copy(ones_v, acc.at[idx[b]], sems[b]).wait()

    def step(j, b, do_load, do_wait):
        if do_load:
            if do_wait:
                wait_scatter((b + 2) % 4)
            load(j + 2, (b + 2) % 4)
        pltpu.make_async_copy(d_at(j), idx[b], semi[b]).wait()
        pltpu.async_copy(ones_v, acc.at[idx[b]], sems[b], add=True)

    load(0, 0)
    load(1, 1)

    def body(k, carry):
        for r in range(4):
            step(4 * k + 2 + r, (2 + r) % 4, True, True)
        return carry

    KMAIN = (CHPT - 4) // 4
    step(0, 0, True, False)
    step(1, 1, True, False)
    lax.fori_loop(0, KMAIN, body, 0)
    for j in range(4 * KMAIN + 2, CHPT):
        step(j, j % 4, j + 2 < CHPT, j - 2 >= 0)
    for j in range(max(0, CHPT - 4), CHPT):
        wait_scatter(j % 4)

    plsc.subcore_barrier()
    pltpu.sync_copy(acc.at[pl.ds(s * RPT, RPT)], stage_v)
    pltpu.sync_copy(stage_v, out_hbm.at[c, pl.ds(s * RPT, RPT)])


@functools.partial(
    pl.kernel,
    out_type=jax.ShapeDtypeStruct((NC, NPAD, IN), jnp.float32),
    mesh=_mesh,
    scratch_types=[
        [pltpu.VMEM((C,), jnp.int32)] * 4,
        [pltpu.VMEM((C,), jnp.int32)] * 4,
        [pltpu.VMEM((C, IN), jnp.float32)] * 4,
        pltpu.VMEM_SHARED((NPAD, IN), jnp.float32),
        [pltpu.SemaphoreType.DMA] * 4,
        [pltpu.SemaphoreType.DMA] * 4,
        [pltpu.SemaphoreType.DMA] * 4,
    ],
)
def _agg_kernel(src_hbm, dst_hbm, tab_hbm, zrows_hbm, out_hbm,
                srcv, dstv, rows, acc, semi, semg, sems):
    c = lax.axis_index("c")
    s = lax.axis_index("s")
    ebase = (c * NS + s) * EPT

    def s_at(j):
        return src_hbm.at[pl.ds(pl.multiple_of(ebase + j * C, 8), C)]

    def d_at(j):
        return dst_hbm.at[pl.ds(pl.multiple_of(ebase + j * C, 8), C)]

    def load_idx(j, b):
        pltpu.async_copy(s_at(j), srcv[b], semi[b])
        pltpu.async_copy(d_at(j), dstv[b], semi[b])

    def start_gather(j, b):
        pltpu.make_async_copy(s_at(j), srcv[b], semi[b]).wait()
        pltpu.make_async_copy(d_at(j), dstv[b], semi[b]).wait()
        pltpu.async_copy(tab_hbm.at[srcv[b]], rows[b], semg[b])

    def start_scatter(b):
        pltpu.make_async_copy(tab_hbm.at[srcv[b]], rows[b], semg[b]).wait()
        pltpu.async_copy(rows[b], acc.at[dstv[b]], sems[b], add=True)

    def wait_scatter(b):
        pltpu.make_async_copy(rows[b], acc.at[dstv[b]], sems[b]).wait()

    def step(j, b, do_load, do_wait, do_gather):
        if do_load:
            if do_wait:
                wait_scatter((b + 2) % 4)
            load_idx(j + 2, (b + 2) % 4)
        if do_gather:
            start_gather(j + 1, (b + 1) % 4)
        start_scatter(b)

    load_idx(0, 0)
    load_idx(1, 1)
    pltpu.sync_copy(zrows_hbm, rows[3])
    for r0, w in AWB:
        pltpu.async_copy(rows[3].at[pl.ds(0, w)],
                         acc.at[pl.ds(s * APT + r0, w)], sems[3])
    start_gather(0, 0)
    for r0, w in AWB:
        pltpu.make_async_copy(rows[3].at[pl.ds(0, w)],
                              acc.at[pl.ds(s * APT + r0, w)], sems[3]).wait()
    plsc.subcore_barrier()

    def body(k, carry):
        for r in range(4):
            step(4 * k + 2 + r, (2 + r) % 4, True, True, True)
        return carry

    KMAIN = (CHPT - 4) // 4
    step(0, 0, True, False, True)
    step(1, 1, True, False, True)
    lax.fori_loop(0, KMAIN, body, 0)
    for j in range(4 * KMAIN + 2, CHPT):
        step(j, j % 4, j + 2 < CHPT, j - 2 >= 0, j + 1 < CHPT)
    for j in range(max(0, CHPT - 4), CHPT):
        wait_scatter(j % 4)

    plsc.subcore_barrier()

    def wb_load(k):
        r0, w = AWB[k]
        pltpu.async_copy(acc.at[pl.ds(s * APT + r0, w)],
                         rows[k % 4].at[pl.ds(0, w)], semg[k % 4])

    def wb_store(k):
        r0, w = AWB[k]
        a0 = s * APT + r0
        pltpu.make_async_copy(acc.at[pl.ds(a0, w)],
                              rows[k % 4].at[pl.ds(0, w)], semg[k % 4]).wait()
        pltpu.async_copy(rows[k % 4].at[pl.ds(0, w)],
                         out_hbm.at[c, pl.ds(a0, w)], sems[k % 4])

    def wb_drain(k):
        r0, w = AWB[k]
        a0 = s * APT + r0
        pltpu.make_async_copy(rows[k % 4].at[pl.ds(0, w)],
                              out_hbm.at[c, pl.ds(a0, w)], sems[k % 4]).wait()

    nwb = len(AWB)
    for k in range(nwb):
        if k >= 4:
            wb_drain(k - 4)
        wb_load(k)
        if k >= 1:
            wb_store(k - 1)
    wb_store(nwb - 1)
    for k in range(max(0, nwb - 4), nwb):
        wb_drain(k)


RB = 1024
GRID = NPAD // RB


def _dis_block(pt):
    return lax.rsqrt(1.0 + pt[:, 0:1] + pt[:, 1:2])


def _xs_body(pt_ref, x_ref, xs_ref):
    dis = _dis_block(pt_ref[...])
    xs_ref[...] = x_ref[...] * dis


def _mid_body(pt_ref, x_ref, s1_ref, W1_ref, b1_ref, W2_ref, y_ref, ys_ref):
    dis = _dis_block(pt_ref[...])
    agg = s1_ref[0] + s1_ref[1]
    u = dis * agg + (dis * dis) * x_ref[...]
    h = jnp.dot(u, W1_ref[...], preferred_element_type=jnp.float32) + b1_ref[...]
    h = jnp.maximum(h, 0.0)
    y = jnp.dot(h, W2_ref[...], preferred_element_type=jnp.float32)
    y_ref[...] = y
    ys_ref[...] = y * dis


def _out_body(pt_ref, y_ref, s2_ref, b2_ref, Wl_ref, bl_ref, o_ref):
    dis = _dis_block(pt_ref[...])
    agg = s2_ref[0] + s2_ref[1]
    h2 = jnp.maximum(dis * agg + (dis * dis) * y_ref[...] + b2_ref[...], 0.0)
    o_ref[...] = jnp.dot(h2, Wl_ref[...], preferred_element_type=jnp.float32) + bl_ref[...]


def _row_spec(width):
    return pl.BlockSpec((RB, width), lambda i: (i, 0))


def _part_spec(width):
    return pl.BlockSpec((NC, RB, width), lambda i: (0, i, 0))


def _full_spec(shape):
    return pl.BlockSpec(shape, lambda i: tuple(0 for _ in shape))


_xs_call = pl.pallas_call(
    _xs_body,
    grid=(GRID,),
    in_specs=[_row_spec(2), _row_spec(IN)],
    out_specs=_row_spec(IN),
    out_shape=jax.ShapeDtypeStruct((NPAD, IN), jnp.float32),
)

_mid_call = pl.pallas_call(
    _mid_body,
    grid=(GRID,),
    in_specs=[
        _row_spec(2),
        _row_spec(IN),
        _part_spec(IN),
        _full_spec((IN, HID)),
        _full_spec((1, HID)),
        _full_spec((HID, OUT)),
    ],
    out_specs=[_row_spec(OUT), _row_spec(OUT)],
    out_shape=[
        jax.ShapeDtypeStruct((NPAD, OUT), jnp.float32),
        jax.ShapeDtypeStruct((NPAD, OUT), jnp.float32),
    ],
)

_out_call = pl.pallas_call(
    _out_body,
    grid=(GRID,),
    in_specs=[
        _row_spec(2),
        _row_spec(OUT),
        _part_spec(OUT),
        _full_spec((1, OUT)),
        _full_spec((OUT, 128)),
        _full_spec((1, 128)),
    ],
    out_specs=_row_spec(128),
    out_shape=jax.ShapeDtypeStruct((NPAD, 128), jnp.float32),
)


def kernel(x, edge_index, W1, b1, W2, b2, Wlin, blin):
    f32 = jnp.float32
    ppt = EPT - E // NW
    pad_dst = N + (jnp.arange(NW * ppt, dtype=jnp.int32) % NPR).reshape(NW, ppt)
    srcp = jnp.concatenate(
        [edge_index[0].reshape(NW, E // NW),
         jnp.zeros((NW, ppt), jnp.int32)], axis=1).reshape(-1)
    dstp = jnp.concatenate(
        [edge_index[1].reshape(NW, E // NW), pad_dst], axis=1).reshape(-1)

    xpad = jnp.pad(x, ((0, NPAD - N), (0, 0)))
    ones_c = jnp.ones((C,), f32)
    zeros_1d = jnp.zeros((RPT,), f32)
    zeros_rows = jnp.zeros((WB, IN), f32)

    degp = _deg_kernel(dstp, ones_c, zeros_1d)
    pt = degp.T
    xs = _xs_call(pt, xpad)
    s1 = _agg_kernel(srcp, dstp, xs, zeros_rows)
    y, ys = _mid_call(pt, xpad, s1, W1, b1.reshape(1, HID), W2)
    s2 = _agg_kernel(srcp, dstp, ys, zeros_rows)
    Wl = jnp.zeros((OUT, 128), f32).at[:, :2].set(Wlin)
    bl = jnp.zeros((1, 128), f32).at[0, :2].set(blin)
    o = _out_call(pt, y, s2, b2.reshape(1, OUT), Wl, bl)
    return o[:N, :2]

# --- scband reference (transcript-rebuilt; emitter-appended) ---
"""Pipeline reference for scband-gcnnetwork-65197603553734 (READ-ONLY COPY).

The authoritative reference and input builder live on the scoring server;
editing this copy changes nothing except your own understanding.
"""

import jax, jax.numpy as jnp
import numpy as np

N = 10000
E = 320000
IN = 128
HID = 256
OUT = 128


def gcn_conv(x, src, dst, W, b, n):
    # symmetric-normalized GCN aggregation (self-loops already appended to src/dst)
    ones = jnp.ones(src.shape[0], dtype=x.dtype)
    deg = jax.ops.segment_sum(ones, dst, num_segments=n)
    dis = jnp.where(deg > 0, 1.0 / jnp.sqrt(deg), 0.0)
    norm = dis[src] * dis[dst]
    xw = x @ W
    msg = xw[src] * norm[:, None]
    out = jax.ops.segment_sum(msg, dst, num_segments=n)
    return out + b


def setup_inputs(seed: int = 0) -> dict:
    key = jax.random.key(seed)
    ks = jax.random.split(key, 8)
    x = jax.random.normal(ks[0], (N, IN), dtype=jnp.float32)
    edge_index = jax.random.randint(ks[1], (2, E), 0, N, dtype=jnp.int32)
    W1 = jax.random.normal(ks[2], (IN, HID), dtype=jnp.float32) * (1.0 / np.sqrt(IN))
    b1 = jnp.zeros((HID,), dtype=jnp.float32)
    W2 = jax.random.normal(ks[3], (HID, OUT), dtype=jnp.float32) * (1.0 / np.sqrt(HID))
    b2 = jnp.zeros((OUT,), dtype=jnp.float32)
    Wlin = jax.random.normal(ks[4], (OUT, 2), dtype=jnp.float32) * (1.0 / np.sqrt(OUT))
    blin = jnp.zeros((2,), dtype=jnp.float32)
    return {"x": x, "edge_index": edge_index, "W1": W1, "b1": b1, "W2": W2, "b2": b2, "Wlin": Wlin, "blin": blin}


def reference(x, edge_index, W1, b1, W2, b2, Wlin, blin):
    src = edge_index[0]
    dst = edge_index[1]
    # GCNConv adds self-loops by default
    sl = jnp.arange(N, dtype=src.dtype)
    src = jnp.concatenate([src, sl])
    dst = jnp.concatenate([dst, sl])
    h = gcn_conv(x, src, dst, W1, b1, N)
    h = jax.nn.relu(h)
    h = gcn_conv(h, src, dst, W2, b2, N)
    h = jax.nn.relu(h)
    return h @ Wlin + blin

if __name__ == "__main__":
    import jax
    _d = setup_inputs()
    print(jax.jit(kernel)(*tuple(_d.values())))

</pallas_src>

<mosaic_0001>
#map = affine_map<(d0, d1) -> (0)>
#map1 = affine_map<(d0, d1) -> (0, 0)>
module attributes {stable_mosaic.version = 14 : i64} {
  func.func @_deg_kernel(%arg0: i32, %arg1: i32, %arg2: memref<320000xi32, #tpu.memory_space<hbm>>, %arg3: memref<80xf32, #tpu.memory_space<hbm>>, %arg4: memref<640xf32, #tpu.memory_space<hbm>>, %arg5: memref<2x10240xf32, #tpu.memory_space<hbm>>, %arg6: memref<80xi32, #tpu.memory_space<vmem>>, %arg7: memref<80xi32, #tpu.memory_space<vmem>>, %arg8: memref<80xi32, #tpu.memory_space<vmem>>, %arg9: memref<80xi32, #tpu.memory_space<vmem>>, %arg10: memref<80xf32, #tpu.memory_space<vmem>>, %arg11: memref<640xf32, #tpu.memory_space<vmem>>, %arg12: memref<10240xf32, #tpu.memory_space<vmem_shared>>, %arg13: memref<!tpu.dma_semaphore, #tpu.memory_space<semaphore_mem>>, %arg14: memref<!tpu.dma_semaphore, #tpu.memory_space<semaphore_mem>>, %arg15: memref<!tpu.dma_semaphore, #tpu.memory_space<semaphore_mem>>, %arg16: memref<!tpu.dma_semaphore, #tpu.memory_space<semaphore_mem>>, %arg17: memref<!tpu.dma_semaphore, #tpu.memory_space<semaphore_mem>>, %arg18: memref<!tpu.dma_semaphore, #tpu.memory_space<semaphore_mem>>, %arg19: memref<!tpu.dma_semaphore, #tpu.memory_space<semaphore_mem>>, %arg20: memref<!tpu.dma_semaphore, #tpu.memory_space<semaphore_mem>>) attributes {dimension_semantics = [#tpu.dimension_semantics<core_parallel>, #tpu.dimension_semantics<subcore_parallel>], iteration_bounds = array<i64: 2, 16>, scalar_prefetch = 0 : i64, scratch_operands = 15 : i64, tpu.core_type = #tpu.core_type<sc_vector_subcore>, window_params = [{transform_indices = #map}, {transform_indices = #map}, {transform_indices = #map}, {transform_indices = #map1}]} {
    "tpu.region"() ({
      %run_scoped3A = tpu.sem_alloc : memref<!tpu.dma_semaphore, #tpu.memory_space<semaphore_mem>>
      tpu.enqueue_dma source(%arg3 : memref<80xf32, #tpu.memory_space<hbm>>) target(%arg10 : memref<80xf32, #tpu.memory_space<vmem>>) target_semaphore(%run_scoped3A : memref<!tpu.dma_semaphore, #tpu.memory_space<semaphore_mem>>)
      tpu.wait_dma2 semaphore(%run_scoped3A : memref<!tpu.dma_semaphore, #tpu.memory_space<semaphore_mem>>) src(%arg3 : memref<80xf32, #tpu.memory_space<hbm>>) dst(%arg10 : memref<80xf32, #tpu.memory_space<vmem>>)
      tpu.yield
    }) : () -> ()
    "tpu.region"() ({
      %run_scoped3A = tpu.sem_alloc : memref<!tpu.dma_semaphore, #tpu.memory_space<semaphore_mem>>
      tpu.enqueue_dma source(%arg4 : memref<640xf32, #tpu.memory_space<hbm>>) target(%arg11 : memref<640xf32, #tpu.memory_space<vmem>>) target_semaphore(%run_scoped3A : memref<!tpu.dma_semaphore, #tpu.memory_space<semaphore_mem>>)
      tpu.wait_dma2 semaphore(%run_scoped3A : memref<!tpu.dma_semaphore, #tpu.memory_space<semaphore_mem>>) src(%arg4 : memref<640xf32, #tpu.memory_space<hbm>>) dst(%arg11 : memref<640xf32, #tpu.memory_space<vmem>>)
      tpu.yield
    }) : () -> ()
    %mul3A = arith.constant 640 : i32
    %mul3A_0 = arith.muli %arg1, %mul3A : i32
    "tpu.region"() ({
      %run_scoped3A = tpu.sem_alloc : memref<!tpu.dma_semaphore, #tpu.memory_space<semaphore_mem>>
      %dma_start3A_82 = tpu.memref_slice %arg12[%mul3A_0] : memref<10240xf32, #tpu.memory_space<vmem_shared>> -> memref<640xf32, #tpu.memory_space<vmem_shared>>
      %dma_start3A_83 = tpu.memref_slice %arg12[%mul3A_0] : memref<10240xf32, #tpu.memory_space<vmem_shared>> -> memref<640xf32, #tpu.memory_space<vmem_shared>>
      tpu.enqueue_dma source(%arg11 : memref<640xf32, #tpu.memory_space<vmem>>) target(%dma_start3A_83 : memref<640xf32, #tpu.memory_space<vmem_shared>>) target_semaphore(%run_scoped3A : memref<!tpu.dma_semaphore, #tpu.memory_space<semaphore_mem>>)
      %dma_wait3A_84 = tpu.memref_slice %arg12[%mul3A_0] : memref<10240xf32, #tpu.memory_space<vmem_shared>> -> memref<640xf32, #tpu.memory_space<vmem_shared>>
      %dma_wait3A_85 = tpu.memref_slice %arg12[%mul3A_0] : memref<10240xf32, #tpu.memory_space<vmem_shared>> -> memref<640xf32, #tpu.memory_space<vmem_shared>>
      tpu.wait_dma2 semaphore(%run_scoped3A : memref<!tpu.dma_semaphore, #tpu.memory_space<semaphore_mem>>) src(%arg11 : memref<640xf32, #tpu.memory_space<vmem>>) dst(%dma_wait3A_85 : memref<640xf32, #tpu.memory_space<vmem_shared>>)
      tpu.yield
    }) : () -> ()
    %barrier3A = arith.constant 0 : index
    tpu.barrier barrier_id(%barrier3A)
    %mul3A_1 = arith.constant 16 : i32
    %mul3A_2 = arith.muli %arg0, %mul3A_1 : i32
    %add3A = arith.addi %mul3A_2, %arg1 : i32
    %mul3A_3 = arith.constant 10000 : i32
    %mul3A_4 = arith.muli %add3A, %mul3A_3 : i32
    %add3A_5 = arith.constant 0 : i32
    %add3A_6 = arith.addi %mul3A_4, %add3A_5 : i32
    %multiple_of3A = tpu.assume_multiple %add3A_6, 8 : i32
    %dma_start3A = tpu.memref_slice %arg2[%multiple_of3A] : memref<320000xi32, #tpu.memory_space<hbm>> -> memref<80xi32, #tpu.memory_space<hbm>>
    %dma_start3A_7 = tpu.memref_slice %arg2[%multiple_of3A] : memref<320000xi32, #tpu.memory_space<hbm>> -> memref<80xi32, #tpu.memory_space<hbm>>
    tpu.enqueue_dma source(%dma_start3A_7 : memref<80xi32, #tpu.memory_space<hbm>>) target(%arg6 : memref<80xi32, #tpu.memory_space<vmem>>) target_semaphore(%arg13 : memref<!tpu.dma_semaphore, #tpu.memory_space<semaphore_mem>>)
    %add3A_8 = arith.constant 80 : i32
    %add3A_9 = arith.addi %mul3A_4, %add3A_8 : i32
    %multiple_of3A_10 = tpu.assume_multiple %add3A_9, 8 : i32
    %dma_start3A_11 = tpu.memref_slice %arg2[%multiple_of3A_10] : memref<320000xi32, #tpu.memory_space<hbm>> -> memref<80xi32, #tpu.memory_space<hbm>>
    %dma_start3A_12 = tpu.memref_slice %arg2[%multiple_of3A_10] : memref<320000xi32, #tpu.memory_space<hbm>> -> memref<80xi32, #tpu.memory_space<hbm>>
    tpu.enqueue_dma source(%dma_start3A_12 : memref<80xi32, #tpu.memory_space<hbm>>) target(%arg7 : memref<80xi32, #tpu.memory_space<vmem>>) target_semaphore(%arg14 : memref<!tpu.dma_semaphore, #tpu.memory_space<semaphore_mem>>)
    %add3A_13 = arith.constant 160 : i32
    %add3A_14 = arith.addi %mul3A_4, %add3A_13 : i32
    %multiple_of3A_15 = tpu.assume_multiple %add3A_14, 8 : i32
    %dma_start3A_16 = tpu.memref_slice %arg2[%multiple_of3A_15] : memref<320000xi32, #tpu.memory_space<hbm>> -> memref<80xi32, #tpu.memory_space<hbm>>
    %dma_start3A_17 = tpu.memref_slice %arg2[%multiple_of3A_15] : memref<320000xi32, #tpu.memory_space<hbm>> -> memref<80xi32, #tpu.memory_space<hbm>>
    tpu.enqueue_dma source(%dma_start3A_17 : memref<80xi32, #tpu.memory_space<hbm>>) target(%arg8 : memref<80xi32, #tpu.memory_space<vmem>>) target_semaphore(%arg15 : memref<!tpu.dma_semaphore, #tpu.memory_space<semaphore_mem>>)
    %add3A_18 = arith.constant 0 : i32
    %add3A_19 = arith.addi %mul3A_4, %add3A_18 : i32
    %multiple_of3A_20 = tpu.assume_multiple %add3A_19, 8 : i32
    %dma_wait3A = tpu.memref_slice %arg2[%multiple_of3A_20] : memref<320000xi32, #tpu.memory_space<hbm>> -> memref<80xi32, #tpu.memory_space<hbm>>
    %dma_wait3A_21 = tpu.memref_slice %arg2[%multiple_of3A_20] : memref<320000xi32, #tpu.memory_space<hbm>> -> memref<80xi32, #tpu.memory_space<hbm>>
    tpu.wait_dma2 semaphore(%arg13 : memref<!tpu.dma_semaphore, #tpu.memory_space<semaphore_mem>>) src(%dma_wait3A_21 : memref<80xi32, #tpu.memory_space<hbm>>) dst(%arg6 : memref<80xi32, #tpu.memory_space<vmem>>)
    %dma_start3A_22 = arith.constant 0 : i32
    %dma_start3A_23 = tpu.memref_slice %arg12[%dma_start3A_22] : memref<10240xf32, #tpu.memory_space<vmem_shared>> -> memref<10240xf32, #tpu.memory_space<vmem_shared>>
    tpu.enqueue_indirect_dma source(%arg10 : memref<80xf32, #tpu.memory_space<vmem>>) target(%dma_start3A_23 : memref<10240xf32, #tpu.memory_space<vmem_shared>>) offsets(%arg6 : memref<80xi32, #tpu.memory_space<vmem>>) semaphore(%arg17 : memref<!tpu.dma_semaphore, #tpu.memory_space<semaphore_mem>>) {add = true}
    %add3A_24 = arith.constant 240 : i32
    %add3A_25 = arith.addi %mul3A_4, %add3A_24 : i32
    %multiple_of3A_26 = tpu.assume_multiple %add3A_25, 8 : i32
    %dma_start3A_27 = tpu.memref_slice %arg2[%multiple_of3A_26] : memref<320000xi32, #tpu.memory_space<hbm>> -> memref<80xi32, #tpu.memory_space<hbm>>
    %dma_start3A_28 = tpu.memref_slice %arg2[%multiple_of3A_26] : memref<320000xi32, #tpu.memory_space<hbm>> -> memref<80xi32, #tpu.memory_space<hbm>>
    tpu.enqueue_dma source(%dma_start3A_28 : memref<80xi32, #tpu.memory_space<hbm>>) target(%arg9 : memref<80xi32, #tpu.memory_space<vmem>>) target_semaphore(%arg16 : memref<!tpu.dma_semaphore, #tpu.memory_space<semaphore_mem>>)
    %add3A_29 = arith.constant 80 : i32
    %add3A_30 = arith.addi %mul3A_4, %add3A_29 : i32
    %multiple_of3A_31 = tpu.assume_multiple %add3A_30, 8 : i32
    %dma_wait3A_32 = tpu.memref_slice %arg2[%multiple_of3A_31] : memref<320000xi32, #tpu.memory_space<hbm>> -> memref<80xi32, #tpu.memory_space<hbm>>
    %dma_wait3A_33 = tpu.memref_slice %arg2[%multiple_of3A_31] : memref<320000xi32, #tpu.memory_space<hbm>> -> memref<80xi32, #tpu.memory_space<hbm>>
    tpu.wait_dma2 semaphore(%arg14 : memref<!tpu.dma_semaphore, #tpu.memory_space<semaphore_mem>>) src(%dma_wait3A_33 : memref<80xi32, #tpu.memory_space<hbm>>) dst(%arg7 : memref<80xi32, #tpu.memory_space<vmem>>)
    %dma_start3A_34 = arith.constant 0 : i32
    %dma_start3A_35 = tpu.memref_slice %arg12[%dma_start3A_34] : memref<10240xf32, #tpu.memory_space<vmem_shared>> -> memref<10240xf32, #tpu.memory_space<vmem_shared>>
    tpu.enqueue_indirect_dma source(%arg10 : memref<80xf32, #tpu.memory_space<vmem>>) target(%dma_start3A_35 : memref<10240xf32, #tpu.memory_space<vmem_shared>>) offsets(%arg7 : memref<80xi32, #tpu.memory_space<vmem>>) semaphore(%arg18 : memref<!tpu.dma_semaphore, #tpu.memory_space<semaphore_mem>>) {add = true}
    %scan3A = arith.constant 0 : i32
    %scan3A_36 = arith.constant 0 : i32
    %scan3A_37 = arith.constant 30 : i32
    %scan3A_38 = arith.addi %scan3A_36, %scan3A_37 : i32
    %scan3A_39 = arith.constant 1 : i32
    scf.for %scan3A_82 = %scan3A_36 to %scan3A_38 step %scan3A_39  : i32 {
      %mul3A_83 = arith.constant 4 : i32
      %mul3A_84 = arith.muli %mul3A_83, %scan3A_82 : i32
      %add3A_85 = arith.constant 2 : i32
      %add3A_86 = arith.addi %mul3A_84, %add3A_85 : i32
      %add3A_87 = arith.constant 0 : i32
      %add3A_88 = arith.addi %add3A_86, %add3A_87 : i32
      %dma_wait3A_89 = arith.constant 0 : i32
      %dma_wait3A_90 = tpu.memref_slice %arg12[%dma_wait3A_89] : memref<10240xf32, #tpu.memory_space<vmem_shared>> -> memref<10240xf32, #tpu.memory_space<vmem_shared>>
      tpu.wait_indirect_dma semaphore(%arg17 : memref<!tpu.dma_semaphore, #tpu.memory_space<semaphore_mem>>) src(%arg10 : memref<80xf32, #tpu.memory_space<vmem>>) dst(%dma_wait3A_90 : memref<10240xf32, #tpu.memory_space<vmem_shared>>)
      %add3A_91 = arith.constant 2 : i32
      %add3A_92 = arith.addi %add3A_88, %add3A_91 : i32
      %mul3A_93 = arith.constant 80 : i32
      %mul3A_94 = arith.muli %add3A_92, %mul3A_93 : i32
      %add3A_95 = arith.addi %mul3A_4, %mul3A_94 : i32
      %multiple_of3A_96 = tpu.assume_multiple %add3A_95, 8 : i32
      %dma_start3A_97 = tpu.memref_slice %arg2[%multiple_of3A_96] : memref<320000xi32, #tpu.memory_space<hbm>> -> memref<80xi32, #tpu.memory_space<hbm>>
      %dma_start3A_98 = tpu.memref_slice %arg2[%multiple_of3A_96] : memref<320000xi32, #tpu.memory_space<hbm>> -> memref<80xi32, #tpu.memory_space<hbm>>
      tpu.enqueue_dma source(%dma_start3A_98 : memref<80xi32, #tpu.memory_space<hbm>>) target(%arg6 : memref<80xi32, #tpu.memory_space<vmem>>) target_semaphore(%arg13 : memref<!tpu.dma_semaphore, #tpu.memory_space<semaphore_mem>>)
      %mul3A_99 = arith.constant 80 : i32
      %mul3A_100 = arith.muli %add3A_88, %mul3A_99 : i32
      %add3A_101 = arith.addi %mul3A_4, %mul3A_100 : i32
      %multiple_of3A_102 = tpu.assume_multiple %add3A_101, 8 : i32
      %dma_wait3A_103 = tpu.memref_slice %arg2[%multiple_of3A_102] : memref<320000xi32, #tpu.memory_space<hbm>> -> memref<80xi32, #tpu.memory_space<hbm>>
      %dma_wait3A_104 = tpu.memref_slice %arg2[%multiple_of3A_102] : memref<320000xi32, #tpu.memory_space<hbm>> -> memref<80xi32, #tpu.memory_space<hbm>>
      tpu.wait_dma2 semaphore(%arg15 : memref<!tpu.dma_semaphore, #tpu.memory_space<semaphore_mem>>) src(%dma_wait3A_104 : memref<80xi32, #tpu.memory_space<hbm>>) dst(%arg8 : memref<80xi32, #tpu.memory_space<vmem>>)
      %dma_start3A_105 = arith.constant 0 : i32
      %dma_start3A_106 = tpu.memref_slice %arg12[%dma_start3A_105] : memref<10240xf32, #tpu.memory_space<vmem_shared>> -> memref<10240xf32, #tpu.memory_space<vmem_shared>>
      tpu.enqueue_indirect_dma source(%arg10 : memref<80xf32, #tpu.memory_space<vmem>>) target(%dma_start3A_106 : memref<10240xf32, #tpu.memory_space<vmem_shared>>) offsets(%arg8 : memref<80xi32, #tpu.memory_space<vmem>>) semaphore(%arg19 : memref<!tpu.dma_semaphore, #tpu.memory_space<semaphore_mem>>) {add = true}
      %mul3A_107 = arith.constant 4 : i32
      %mul3A_108 = arith.muli %mul3A_107, %scan3A_82 : i32
      %add3A_109 = arith.constant 2 : i32
      %add3A_110 = arith.addi %mul3A_108, %add3A_109 : i32
      %add3A_111 = arith.constant 1 : i32
      %add3A_112 = arith.addi %add3A_110, %add3A_111 : i32
      %dma_wait3A_113 = arith.constant 0 : i32
      %dma_wait3A_114 = tpu.memref_slice %arg12[%dma_wait3A_113] : memref<10240xf32, #tpu.memory_space<vmem_shared>> -> memref<10240xf32, #tpu.memory_space<vmem_shared>>
      tpu.wait_indirect_dma semaphore(%arg18 : memref<!tpu.dma_semaphore, #tpu.memory_space<semaphore_mem>>) src(%arg10 : memref<80xf32, #tpu.memory_space<vmem>>) dst(%dma_wait3A_114 : memref<10240xf32, #tpu.memory_space<vmem_shared>>)
      %add3A_115 = arith.constant 2 : i32
      %add3A_116 = arith.addi %add3A_112, %add3A_115 : i32
      %mul3A_117 = arith.constant 80 : i32
      %mul3A_118 = arith.muli %add3A_116, %mul3A_117 : i32
      %add3A_119 = arith.addi %mul3A_4, %mul3A_118 : i32
      %multiple_of3A_120 = tpu.assume_multiple %add3A_119, 8 : i32
      %dma_start3A_121 = tpu.memref_slice %arg2[%multiple_of3A_120] : memref<320000xi32, #tpu.memory_space<hbm>> -> memref<80xi32, #tpu.memory_space<hbm>>
      %dma_start3A_122 = tpu.memref_slice %arg2[%multiple_of3A_120] : memref<320000xi32, #tpu.memory_space<hbm>> -> memref<80xi32, #tpu.memory_space<hbm>>
      tpu.enqueue_dma source(%dma_start3A_122 : memref<80xi32, #tpu.memory_space<hbm>>) target(%arg7 : memref<80xi32, #tpu.memory_space<vmem>>) target_semaphore(%arg14 : memref<!tpu.dma_semaphore, #tpu.memory_space<semaphore_mem>>)
      %mul3A_123 = arith.constant 80 : i32
      %mul3A_124 = arith.muli %add3A_112, %mul3A_123 : i32
      %add3A_125 = arith.addi %mul3A_4, %mul3A_124 : i32
      %multiple_of3A_126 = tpu.assume_multiple %add3A_125, 8 : i32
      %dma_wait3A_127 = tpu.memref_slice %arg2[%multiple_of3A_126] : memref<320000xi32, #tpu.memory_space<hbm>> -> memref<80xi32, #tpu.memory_space<hbm>>
      %dma_wait3A_128 = tpu.memref_slice %arg2[%multiple_of3A_126] : memref<320000xi32, #tpu.memory_space<hbm>> -> memref<80xi32, #tpu.memory_space<hbm>>
      tpu.wait_dma2 semaphore(%arg16 : memref<!tpu.dma_semaphore, #tpu.memory_space<semaphore_mem>>) src(%dma_wait3A_128 : memref<80xi32, #tpu.memory_space<hbm>>) dst(%arg9 : memref<80xi32, #tpu.memory_space<vmem>>)
      %dma_start3A_129 = arith.constant 0 : i32
      %dma_start3A_130 = tpu.memref_slice %arg12[%dma_start3A_129] : memref<10240xf32, #tpu.memory_space<vmem_shared>> -> memref<10240xf32, #tpu.memory_space<vmem_shared>>
      tpu.enqueue_indirect_dma source(%arg10 : memref<80xf32, #tpu.memory_space<vmem>>) target(%dma_start3A_130 : memref<10240xf32, #tpu.memory_space<vmem_shared>>) offsets(%arg9 : memref<80xi32, #tpu.memory_space<vmem>>) semaphore(%arg20 : memref<!tpu.dma_semaphore, #tpu.memory_space<semaphore_mem>>) {add = true}
      %mul3A_131 = arith.constant 4 : i32
      %mul3A_132 = arith.muli %mul3A_131, %scan3A_82 : i32
      %add3A_133 = arith.constant 2 : i32
      %add3A_134 = arith.addi %mul3A_132, %add3A_133 : i32
      %add3A_135 = arith.constant 2 : i32
      %add3A_136 = arith.addi %add3A_134, %add3A_135 : i32
      %dma_wait3A_137 = arith.constant 0 : i32
      %dma_wait3A_138 = tpu.memref_slice %arg12[%dma_wait3A_137] : memref<10240xf32, #tpu.memory_space<vmem_shared>> -> memref<10240xf32, #tpu.memory_space<vmem_shared>>
      tpu.wait_indirect_dma semaphore(%arg19 : memref<!tpu.dma_semaphore, #tpu.memory_space<semaphore_mem>>) src(%arg10 : memref<80xf32, #tpu.memory_space<vmem>>) dst(%dma_wait3A_138 : memref<10240xf32, #tpu.memory_space<vmem_shared>>)
      %add3A_139 = arith.constant 2 : i32
      %add3A_140 = arith.addi %add3A_136, %add3A_139 : i32
      %mul3A_141 = arith.constant 80 : i32
      %mul3A_142 = arith.muli %add3A_140, %mul3A_141 : i32
      %add3A_143 = arith.addi %mul3A_4, %mul3A_142 : i32
      %multiple_of3A_144 = tpu.assume_multiple %add3A_143, 8 : i32
      %dma_start3A_145 = tpu.memref_slice %arg2[%multiple_of3A_144] : memref<320000xi32, #tpu.memory_space<hbm>> -> memref<80xi32, #tpu.memory_space<hbm>>
      %dma_start3A_146 = tpu.memref_slice %arg2[%multiple_of3A_144] : memref<320000xi32, #tpu.memory_space<hbm>> -> memref<80xi32, #tpu.memory_space<hbm>>
      tpu.enqueue_dma source(%dma_start3A_146 : memref<80xi32, #tpu.memory_space<hbm>>) target(%arg8 : memref<80xi32, #tpu.memory_space<vmem>>) target_semaphore(%arg15 : memref<!tpu.dma_semaphore, #tpu.memory_space<semaphore_mem>>)
      %mul3A_147 = arith.constant 80 : i32
      %mul3A_148 = arith.muli %add3A_136, %mul3A_147 : i32
      %add3A_149 = arith.addi %mul3A_4, %mul3A_148 : i32
      %multiple_of3A_150 = tpu.assume_multiple %add3A_149, 8 : i32
      %dma_wait3A_151 = tpu.memref_slice %arg2[%multiple_of3A_150] : memref<320000xi32, #tpu.memory_space<hbm>> -> memref<80xi32, #tpu.memory_space<hbm>>
      %dma_wait3A_152 = tpu.memref_slice %arg2[%multiple_of3A_150] : memref<320000xi32, #tpu.memory_space<hbm>> -> memref<80xi32, #tpu.memory_space<hbm>>
      tpu.wait_dma2 semaphore(%arg13 : memref<!tpu.dma_semaphore, #tpu.memory_space<semaphore_mem>>) src(%dma_wait3A_152 : memref<80xi32, #tpu.memory_space<hbm>>) dst(%arg6 : memref<80xi32, #tpu.memory_space<vmem>>)
      %dma_start3A_153 = arith.constant 0 : i32
      %dma_start3A_154 = tpu.memref_slice %arg12[%dma_start3A_153] : memref<10240xf32, #tpu.memory_space<vmem_shared>> -> memref<10240xf32, #tpu.memory_space<vmem_shared>>
      tpu.enqueue_indirect_dma source(%arg10 : memref<80xf32, #tpu.memory_space<vmem>>) target(%dma_start3A_154 : memref<10240xf32, #tpu.memory_space<vmem_shared>>) offsets(%arg6 : memref<80xi32, #tpu.memory_space<vmem>>) semaphore(%arg17 : memref<!tpu.dma_semaphore, #tpu.memory_space<semaphore_mem>>) {add = true}
      %mul3A_155 = arith.constant 4 : i32
      %mul3A_156 = arith.muli %mul3A_155, %scan3A_82 : i32
      %add3A_157 = arith.constant 2 : i32
      %add3A_158 = arith.addi %mul3A_156, %add3A_157 : i32
      %add3A_159 = arith.constant 3 : i32
      %add3A_160 = arith.addi %add3A_158, %add3A_159 : i32
      %dma_wait3A_161 = arith.constant 0 : i32
      %dma_wait3A_162 = tpu.memref_slice %arg12[%dma_wait3A_161] : memref<10240xf32, #tpu.memory_space<vmem_shared>> -> memref<10240xf32, #tpu.memory_space<vmem_shared>>
      tpu.wait_indirect_dma semaphore(%arg20 : memref<!tpu.dma_semaphore, #tpu.memory_space<semaphore_mem>>) src(%arg10 : memref<80xf32, #tpu.memory_space<vmem>>) dst(%dma_wait3A_162 : memref<10240xf32, #tpu.memory_space<vmem_shared>>)
      %add3A_163 = arith.constant 2 : i32
      %add3A_164 = arith.addi %add3A_160, %add3A_163 : i32
      %mul3A_165 = arith.constant 80 : i32
      %mul3A_166 = arith.muli %add3A_164, %mul3A_165 : i32
      %add3A_167 = arith.addi %mul3A_4, %mul3A_166 : i32
      %multiple_of3A_168 = tpu.assume_multiple %add3A_167, 8 : i32
      %dma_start3A_169 = tpu.memref_slice %arg2[%multiple_of3A_168] : memref<320000xi32, #tpu.memory_space<hbm>> -> memref<80xi32, #tpu.memory_space<hbm>>
      %dma_start3A_170 = tpu.memref_slice %arg2[%multiple_of3A_168] : memref<320000xi32, #tpu.memory_space<hbm>> -> memref<80xi32, #tpu.memory_space<hbm>>
      tpu.enqueue_dma source(%dma_start3A_170 : memref<80xi32, #tpu.memory_space<hbm>>) target(%arg9 : memref<80xi32, #tpu.memory_space<vmem>>) target_semaphore(%arg16 : memref<!tpu.dma_semaphore, #tpu.memory_space<semaphore_mem>>)
      %mul3A_171 = arith.constant 80 : i32
      %mul3A_172 = arith.muli %add3A_160, %mul3A_171 : i32
      %add3A_173 = arith.addi %mul3A_4, %mul3A_172 : i32
      %multiple_of3A_174 = tpu.assume_multiple %add3A_173, 8 : i32
      %dma_wait3A_175 = tpu.memref_slice %arg2[%multiple_of3A_174] : memref<320000xi32, #tpu.memory_space<hbm>> -> memref<80xi32, #tpu.memory_space<hbm>>
      %dma_wait3A_176 = tpu.memref_slice %arg2[%multiple_of3A_174] : memref<320000xi32, #tpu.memory_space<hbm>> -> memref<80xi32, #tpu.memory_space<hbm>>
      tpu.wait_dma2 semaphore(%arg14 : memref<!tpu.dma_semaphore, #tpu.memory_space<semaphore_mem>>) src(%dma_wait3A_176 : memref<80xi32, #tpu.memory_space<hbm>>) dst(%arg7 : memref<80xi32, #tpu.memory_space<vmem>>)
      %dma_start3A_177 = arith.constant 0 : i32
      %dma_start3A_178 = tpu.memref_slice %arg12[%dma_start3A_177] : memref<10240xf32, #tpu.memory_space<vmem_shared>> -> memref<10240xf32, #tpu.memory_space<vmem_shared>>
      tpu.enqueue_indirect_dma source(%arg10 : memref<80xf32, #tpu.memory_space<vmem>>) target(%dma_start3A_178 : memref<10240xf32, #tpu.memory_space<vmem_shared>>) offsets(%arg7 : memref<80xi32, #tpu.memory_space<vmem>>) semaphore(%arg18 : memref<!tpu.dma_semaphore, #tpu.memory_space<semaphore_mem>>) {add = true}
    }
    %scan3A_40 = arith.constant 30 : i32
    %dma_wait3A_41 = arith.constant 0 : i32
    %dma_wait3A_42 = tpu.memref_slice %arg12[%dma_wait3A_41] : memref<10240xf32, #tpu.memory_space<vmem_shared>> -> memref<10240xf32, #tpu.memory_space<vmem_shared>>
    tpu.wait_indirect_dma semaphore(%arg17 : memref<!tpu.dma_semaphore, #tpu.memory_space<semaphore_mem>>) src(%arg10 : memref<80xf32, #tpu.memory_space<vmem>>) dst(%dma_wait3A_42 : memref<10240xf32, #tpu.memory_space<vmem_shared>>)
    %add3A_43 = arith.constant 9920 : i32
    %add3A_44 = arith.addi %mul3A_4, %add3A_43 : i32
    %multiple_of3A_45 = tpu.assume_multiple %add3A_44, 8 : i32
    %dma_start3A_46 = tpu.memref_slice %arg2[%multiple_of3A_45] : memref<320000xi32, #tpu.memory_space<hbm>> -> memref<80xi32, #tpu.memory_space<hbm>>
    %dma_start3A_47 = tpu.memref_slice %arg2[%multiple_of3A_45] : memref<320000xi32, #tpu.memory_space<hbm>> -> memref<80xi32, #tpu.memory_space<hbm>>
    tpu.enqueue_dma source(%dma_start3A_47 : memref<80xi32, #tpu.memory_space<hbm>>) target(%arg6 : memref<80xi32, #tpu.memory_space<vmem>>) target_semaphore(%arg13 : memref<!tpu.dma_semaphore, #tpu.memory_space<semaphore_mem>>)
    %add3A_48 = arith.constant 9760 : i32
    %add3A_49 = arith.addi %mul3A_4, %add3A_48 : i32
    %multiple_of3A_50 = tpu.assume_multiple %add3A_49, 8 : i32
    %dma_wait3A_51 = tpu.memref_slice %arg2[%multiple_of3A_50] : memref<320000xi32, #tpu.memory_space<hbm>> -> memref<80xi32, #tpu.memory_space<hbm>>
    %dma_wait3A_52 = tpu.memref_slice %arg2[%multiple_of3A_50] : memref<320000xi32, #tpu.memory_space<hbm>> -> memref<80xi32, #tpu.memory_space<hbm>>
    tpu.wait_dma2 semaphore(%arg15 : memref<!tpu.dma_semaphore, #tpu.memory_space<semaphore_mem>>) src(%dma_wait3A_52 : memref<80xi32, #tpu.memory_space<hbm>>) dst(%arg8 : memref<80xi32, #tpu.memory_space<vmem>>)
    %dma_start3A_53 = arith.constant 0 : i32
    %dma_start3A_54 = tpu.memref_slice %arg12[%dma_start3A_53] : memref<10240xf32, #tpu.memory_space<vmem_shared>> -> memref<10240xf32, #tpu.memory_space<vmem_shared>>
    tpu.enqueue_indirect_dma source(%arg10 : memref<80xf32, #tpu.memory_space<vmem>>) target(%dma_start3A_54 : memref<10240xf32, #tpu.memory_space<vmem_shared>>) offsets(%arg8 : memref<80xi32, #tpu.memory_space<vmem>>) semaphore(%arg19 : memref<!tpu.dma_semaphore, #tpu.memory_space<semaphore_mem>>) {add = true}
    %add3A_55 = arith.constant 9840 : i32
    %add3A_56 = arith.addi %mul3A_4, %add3A_55 : i32
    %multiple_of3A_57 = tpu.assume_multiple %add3A_56, 8 : i32
    %dma_wait3A_58 = tpu.memref_slice %arg2[%multiple_of3A_57] : memref<320000xi32, #tpu.memory_space<hbm>> -> memref<80xi32, #tpu.memory_space<hbm>>
    %dma_wait3A_59 = tpu.memref_slice %arg2[%multiple_of3A_57] : memref<320000xi32, #tpu.memory_space<hbm>> -> memref<80xi32, #tpu.memory_space<hbm>>
    tpu.wait_dma2 semaphore(%arg16 : memref<!tpu.dma_semaphore, #tpu.memory_space<semaphore_mem>>) src(%dma_wait3A_59 : memref<80xi32, #tpu.memory_space<hbm>>) dst(%arg9 : memref<80xi32, #tpu.memory_space<vmem>>)
    %dma_start3A_60 = arith.constant 0 : i32
    %dma_start3A_61 = tpu.memref_slice %arg12[%dma_start3A_60] : memref<10240xf32, #tpu.memory_space<vmem_shared>> -> memref<10240xf32, #tpu.memory_space<vmem_shared>>
    tpu.enqueue_indirect_dma source(%arg10 : memref<80xf32, #tpu.memory_space<vmem>>) target(%dma_start3A_61 : memref<10240xf32, #tpu.memory_space<vmem_shared>>) offsets(%arg9 : memref<80xi32, #tpu.memory_space<vmem>>) semaphore(%arg20 : memref<!tpu.dma_semaphore, #tpu.memory_space<semaphore_mem>>) {add = true}
    %add3A_62 = arith.constant 9920 : i32
    %add3A_63 = arith.addi %mul3A_4, %add3A_62 : i32
    %multiple_of3A_64 = tpu.assume_multiple %add3A_63, 8 : i32
    %dma_wait3A_65 = tpu.memref_slice %arg2[%multiple_of3A_64] : memref<320000xi32, #tpu.memory_space<hbm>> -> memref<80xi32, #tpu.memory_space<hbm>>
    %dma_wait3A_66 = tpu.memref_slice %arg2[%multiple_of3A_64] : memref<320000xi32, #tpu.memory_space<hbm>> -> memref<80xi32, #tpu.memory_space<hbm>>
    tpu.wait_dma2 semaphore(%arg13 : memref<!tpu.dma_semaphore, #tpu.memory_space<semaphore_mem>>) src(%dma_wait3A_66 : memref<80xi32, #tpu.memory_space<hbm>>) dst(%arg6 : memref<80xi32, #tpu.memory_space<vmem>>)
    %dma_start3A_67 = arith.constant 0 : i32
    %dma_start3A_68 = tpu.memref_slice %arg12[%dma_start3A_67] : memref<10240xf32, #tpu.memory_space<vmem_shared>> -> memref<10240xf32, #tpu.memory_space<vmem_shared>>
    tpu.enqueue_indirect_dma source(%arg10 : memref<80xf32, #tpu.memory_space<vmem>>) target(%dma_start3A_68 : memref<10240xf32, #tpu.memory_space<vmem_shared>>) offsets(%arg6 : memref<80xi32, #tpu.memory_space<vmem>>) semaphore(%arg17 : memref<!tpu.dma_semaphore, #tpu.memory_space<semaphore_mem>>) {add = true}
    %dma_wait3A_69 = arith.constant 0 : i32
    %dma_wait3A_70 = tpu.memref_slice %arg12[%dma_wait3A_69] : memref<10240xf32, #tpu.memory_space<vmem_shared>> -> memref<10240xf32, #tpu.memory_space<vmem_shared>>
    tpu.wait_indirect_dma semaphore(%arg18 : memref<!tpu.dma_semaphore, #tpu.memory_space<semaphore_mem>>) src(%arg10 : memref<80xf32, #tpu.memory_space<vmem>>) dst(%dma_wait3A_70 : memref<10240xf32, #tpu.memory_space<vmem_shared>>)
    %dma_wait3A_71 = arith.constant 0 : i32
    %dma_wait3A_72 = tpu.memref_slice %arg12[%dma_wait3A_71] : memref<10240xf32, #tpu.memory_space<vmem_shared>> -> memref<10240xf32, #tpu.memory_space<vmem_shared>>
    tpu.wait_indirect_dma semaphore(%arg19 : memref<!tpu.dma_semaphore, #tpu.memory_space<semaphore_mem>>) src(%arg10 : memref<80xf32, #tpu.memory_space<vmem>>) dst(%dma_wait3A_72 : memref<10240xf32, #tpu.memory_space<vmem_shared>>)
    %dma_wait3A_73 = arith.constant 0 : i32
    %dma_wait3A_74 = tpu.memref_slice %arg12[%dma_wait3A_73] : memref<10240xf32, #tpu.memory_space<vmem_shared>> -> memref<10240xf32, #tpu.memory_space<vmem_shared>>
    tpu.wait_indirect_dma semaphore(%arg20 : memref<!tpu.dma_semaphore, #tpu.memory_space<semaphore_mem>>) src(%arg10 : memref<80xf32, #tpu.memory_space<vmem>>) dst(%dma_wait3A_74 : memref<10240xf32, #tpu.memory_space<vmem_shared>>)
    %dma_wait3A_75 = arith.constant 0 : i32
    %dma_wait3A_76 = tpu.memref_slice %arg12[%dma_wait3A_75] : memref<10240xf32, #tpu.memory_space<vmem_shared>> -> memref<10240xf32, #tpu.memory_space<vmem_shared>>
    tpu.wait_indirect_dma semaphore(%arg17 : memref<!tpu.dma_semaphore, #tpu.memory_space<semaphore_mem>>) src(%arg10 : memref<80xf32, #tpu.memory_space<vmem>>) dst(%dma_wait3A_76 : memref<10240xf32, #tpu.memory_space<vmem_shared>>)
    %barrier3A_77 = arith.constant 0 : index
    tpu.barrier barrier_id(%barrier3A_77)
    %mul3A_78 = arith.constant 640 : i32
    %mul3A_79 = arith.muli %arg1, %mul3A_78 : i32
    "tpu.region"() ({
      %run_scoped3A = tpu.sem_alloc : memref<!tpu.dma_semaphore, #tpu.memory_space<semaphore_mem>>
      %dma_start3A_82 = tpu.memref_slice %arg12[%mul3A_79] : memref<10240xf32, #tpu.memory_space<vmem_shared>> -> memref<640xf32, #tpu.memory_space<vmem_shared>>
      %dma_start3A_83 = tpu.memref_slice %arg12[%mul3A_79] : memref<10240xf32, #tpu.memory_space<vmem_shared>> -> memref<640xf32, #tpu.memory_space<vmem_shared>>
      tpu.enqueue_dma source(%dma_start3A_83 : memref<640xf32, #tpu.memory_space<vmem_shared>>) target(%arg11 : memref<640xf32, #tpu.memory_space<vmem>>) target_semaphore(%run_scoped3A : memref<!tpu.dma_semaphore, #tpu.memory_space<semaphore_mem>>)
      %dma_wait3A_84 = tpu.memref_slice %arg12[%mul3A_79] : memref<10240xf32, #tpu.memory_space<vmem_shared>> -> memref<640xf32, #tpu.memory_space<vmem_shared>>
      %dma_wait3A_85 = tpu.memref_slice %arg12[%mul3A_79] : memref<10240xf32, #tpu.memory_space<vmem_shared>> -> memref<640xf32, #tpu.memory_space<vmem_shared>>
      tpu.wait_dma2 semaphore(%run_scoped3A : memref<!tpu.dma_semaphore, #tpu.memory_space<semaphore_mem>>) src(%dma_wait3A_85 : memref<640xf32, #tpu.memory_space<vmem_shared>>) dst(%arg11 : memref<640xf32, #tpu.memory_space<vmem>>)
      tpu.yield
    }) : () -> ()
    %mul3A_80 = arith.constant 640 : i32
    %mul3A_81 = arith.muli %arg1, %mul3A_80 : i32
    "tpu.region"() ({
      %run_scoped3A = tpu.sem_alloc : memref<!tpu.dma_semaphore, #tpu.memory_space<semaphore_mem>>
      %dma_start3A_82 = tpu.memref_slice %arg5[%arg0, %mul3A_81] : memref<2x10240xf32, #tpu.memory_space<hbm>> -> memref<1x640xf32, #tpu.memory_space<hbm>>
      %dma_start3A_83 = tpu.memref_squeeze %dma_start3A_82 : memref<1x640xf32, #tpu.memory_space<hbm>> -> memref<640xf32, #tpu.memory_space<hbm>>
      %dma_start3A_84 = tpu.memref_slice %arg5[%arg0, %mul3A_81] : memref<2x10240xf32, #tpu.memory_space<hbm>> -> memref<1x640xf32, #tpu.memory_space<hbm>>
      %dma_start3A_85 = tpu.memref_squeeze %dma_start3A_84 : memref<1x640xf32, #tpu.memory_space<hbm>> -> memref<640xf32, #tpu.memory_space<hbm>>
      tpu.enqueue_dma source(%arg11 : memref<640xf32, #tpu.memory_space<vmem>>) target(%dma_start3A_85 : memref<640xf32, #tpu.memory_space<hbm>>) target_semaphore(%run_scoped3A : memref<!tpu.dma_semaphore, #tpu.memory_space<semaphore_mem>>)
      %dma_wait3A_86 = tpu.memref_slice %arg5[%arg0, %mul3A_81] : memref<2x10240xf32, #tpu.memory_space<hbm>> -> memref<1x640xf32, #tpu.memory_space<hbm>>
      %dma_wait3A_87 = tpu.memref_squeeze %dma_wait3A_86 : memref<1x640xf32, #tpu.memory_space<hbm>> -> memref<640xf32, #tpu.memory_space<hbm>>
      %dma_wait3A_88 = tpu.memref_slice %arg5[%arg0, %mul3A_81] : memref<2x10240xf32, #tpu.memory_space<hbm>> -> memref<1x640xf32, #tpu.memory_space<hbm>>
      %dma_wait3A_89 = tpu.memref_squeeze %dma_wait3A_88 : memref<1x640xf32, #tpu.memory_space<hbm>> -> memref<640xf32, #tpu.memory_space<hbm>>
      tpu.wait_dma2 semaphore(%run_scoped3A : memref<!tpu.dma_semaphore, #tpu.memory_space<semaphore_mem>>) src(%arg11 : memref<640xf32, #tpu.memory_space<vmem>>) dst(%dma_wait3A_89 : memref<640xf32, #tpu.memory_space<hbm>>)
      tpu.yield
    }) : () -> ()
    return
  }
}

#map = affine_map<(d0, d1) -> (0)>
#map1 = affine_map<(d0, d1) -> (0, 0)>
#map2 = affine_map<(d0, d1) -> (0, 0, 0)>
module attributes {stable_mosaic.version = 14 : i64} {
  func.func @_agg_kernel(%arg0: i32, %arg1: i32, %arg2: memref<320000xi32, #tpu.memory_space<hbm>>, %arg3: memref<320000xi32, #tpu.memory_space<hbm>>, %arg4: memref<10240x128xf32, #tpu.memory_space<hbm>>, %arg5: memref<80x128xf32, #tpu.memory_space<hbm>>, %arg6: memref<2x10240x128xf32, #tpu.memory_space<hbm>>, %arg7: memref<80xi32, #tpu.memory_space<vmem>>, %arg8: memref<80xi32, #tpu.memory_space<vmem>>, %arg9: memref<80xi32, #tpu.memory_space<vmem>>, %arg10: memref<80xi32, #tpu.memory_space<vmem>>, %arg11: memref<80xi32, #tpu.memory_space<vmem>>, %arg12: memref<80xi32, #tpu.memory_space<vmem>>, %arg13: memref<80xi32, #tpu.memory_space<vmem>>, %arg14: memref<80xi32, #tpu.memory_space<vmem>>, %arg15: memref<80x128xf32, #tpu.memory_space<vmem>>, %arg16: memref<80x128xf32, #tpu.memory_space<vmem>>, %arg17: memref<80x128xf32, #tpu.memory_space<vmem>>, %arg18: memref<80x128xf32, #tpu.memory_space<vmem>>, %arg19: memref<10240x128xf32, #tpu.memory_space<vmem_shared>>, %arg20: memref<!tpu.dma_semaphore, #tpu.memory_space<semaphore_mem>>, %arg21: memref<!tpu.dma_semaphore, #tpu.memory_space<semaphore_mem>>, %arg22: memref<!tpu.dma_semaphore, #tpu.memory_space<semaphore_mem>>, %arg23: memref<!tpu.dma_semaphore, #tpu.memory_space<semaphore_mem>>, %arg24: memref<!tpu.dma_semaphore, #tpu.memory_space<semaphore_mem>>, %arg25: memref<!tpu.dma_semaphore, #tpu.memory_space<semaphore_mem>>, %arg26: memref<!tpu.dma_semaphore, #tpu.memory_space<semaphore_mem>>, %arg27: memref<!tpu.dma_semaphore, #tpu.memory_space<semaphore_mem>>, %arg28: memref<!tpu.dma_semaphore, #tpu.memory_space<semaphore_mem>>, %arg29: memref<!tpu.dma_semaphore, #tpu.memory_space<semaphore_mem>>, %arg30: memref<!tpu.dma_semaphore, #tpu.memory_space<semaphore_mem>>, %arg31: memref<!tpu.dma_semaphore, #tpu.memory_space<semaphore_mem>>) attributes {dimension_semantics = [#tpu.dimension_semantics<core_parallel>, #tpu.dimension_semantics<subcore_parallel>], iteration_bounds = array<i64: 2, 16>, scalar_prefetch = 0 : i64, scratch_operands = 25 : i64, tpu.core_type = #tpu.core_type<sc_vector_subcore>, window_params = [{transform_indices = #map}, {transform_indices = #map}, {transform_indices = #map1}, {transform_indices = #map1}, {transform_indices = #map2}]} {
    %mul3A = arith.constant 16 : i32
    %mul3A_0 = arith.muli %arg0, %mul3A : i32
    %add3A = arith.addi %mul3A_0, %arg1 : i32
    %mul3A_1 = arith.constant 10000 : i32
    %mul3A_2 = arith.muli %add3A, %mul3A_1 : i32
    %add3A_3 = arith.constant 0 : i32
    %add3A_4 = arith.addi %mul3A_2, %add3A_3 : i32
    %multiple_of3A = tpu.assume_multiple %add3A_4, 8 : i32
    %dma_start3A = tpu.memref_slice %arg2[%multiple_of3A] : memref<320000xi32, #tpu.memory_space<hbm>> -> memref<80xi32, #tpu.memory_space<hbm>>
    %dma_start3A_5 = tpu.memref_slice %arg2[%multiple_of3A] : memref<320000xi32, #tpu.memory_space<hbm>> -> memref<80xi32, #tpu.memory_space<hbm>>
    tpu.enqueue_dma source(%dma_start3A_5 : memref<80xi32, #tpu.memory_space<hbm>>) target(%arg7 : memref<80xi32, #tpu.memory_space<vmem>>) target_semaphore(%arg20 : memref<!tpu.dma_semaphore, #tpu.memory_space<semaphore_mem>>)
    %add3A_6 = arith.constant 0 : i32
    %add3A_7 = arith.addi %mul3A_2, %add3A_6 : i32
    %multiple_of3A_8 = tpu.assume_multiple %add3A_7, 8 : i32
    %dma_start3A_9 = tpu.memref_slice %arg3[%multiple_of3A_8] : memref<320000xi32, #tpu.memory_space<hbm>> -> memref<80xi32, #tpu.memory_space<hbm>>
    %dma_start3A_10 = tpu.memref_slice %arg3[%multiple_of3A_8] : memref<320000xi32, #tpu.memory_space<hbm>> -> memref<80xi32, #tpu.memory_space<hbm>>
    tpu.enqueue_dma source(%dma_start3A_10 : memref<80xi32, #tpu.memory_space<hbm>>) target(%arg11 : memref<80xi32, #tpu.memory_space<vmem>>) target_semaphore(%arg20 : memref<!tpu.dma_semaphore, #tpu.memory_space<semaphore_mem>>)
    %add3A_11 = arith.constant 80 : i32
    %add3A_12 = arith.addi %mul3A_2, %add3A_11 : i32
    %multiple_of3A_13 = tpu.assume_multiple %add3A_12, 8 : i32
    %dma_start3A_14 = tpu.memref_slice %arg2[%multiple_of3A_13] : memref<320000xi32, #tpu.memory_space<hbm>> -> memref<80xi32, #tpu.memory_space<hbm>>
    %dma_start3A_15 = tpu.memref_slice %arg2[%multiple_of3A_13] : memref<320000xi32, #tpu.memory_space<hbm>> -> memref<80xi32, #tpu.memory_space<hbm>>
    tpu.enqueue_dma source(%dma_start3A_15 : memref<80xi32, #tpu.memory_space<hbm>>) target(%arg8 : memref<80xi32, #tpu.memory_space<vmem>>) target_semaphore(%arg21 : memref<!tpu.dma_semaphore, #tpu.memory_space<semaphore_mem>>)
    %add3A_16 = arith.constant 80 : i32
    %add3A_17 = arith.addi %mul3A_2, %add3A_16 : i32
    %multiple_of3A_18 = tpu.assume_multiple %add3A_17, 8 : i32
    %dma_start3A_19 = tpu.memref_slice %arg3[%multiple_of3A_18] : memref<320000xi32, #tpu.memory_space<hbm>> -> memref<80xi32, #tpu.memory_space<hbm>>
    %dma_start3A_20 = tpu.memref_slice %arg3[%multiple_of3A_18] : memref<320000xi32, #tpu.memory_space<hbm>> -> memref<80xi32, #tpu.memory_space<hbm>>
    tpu.enqueue_dma source(%dma_start3A_20 : memref<80xi32, #tpu.memory_space<hbm>>) target(%arg12 : memref<80xi32, #tpu.memory_space<vmem>>) target_semaphore(%arg21 : memref<!tpu.dma_semaphore, #tpu.memory_space<semaphore_mem>>)
    "tpu.region"() ({
      %run_scoped3A = tpu.sem_alloc : memref<!tpu.dma_semaphore, #tpu.memory_space<semaphore_mem>>
      tpu.enqueue_dma source(%arg5 : memref<80x128xf32, #tpu.memory_space<hbm>>) target(%arg18 : memref<80x128xf32, #tpu.memory_space<vmem>>) target_semaphore(%run_scoped3A : memref<!tpu.dma_semaphore, #tpu.memory_space<semaphore_mem>>)
      tpu.wait_dma2 semaphore(%run_scoped3A : memref<!tpu.dma_semaphore, #tpu.memory_space<semaphore_mem>>) src(%arg5 : memref<80x128xf32, #tpu.memory_space<hbm>>) dst(%arg18 : memref<80x128xf32, #tpu.memory_space<vmem>>)
      tpu.yield
    }) : () -> ()
    %mul3A_21 = arith.constant 640 : i32
    %mul3A_22 = arith.muli %arg1, %mul3A_21 : i32
    %add3A_23 = arith.constant 0 : i32
    %add3A_24 = arith.addi %mul3A_22, %add3A_23 : i32
    %dma_start3A_25 = arith.constant 0 : i32
    %dma_start3A_26 = arith.constant 0 : i32
    %dma_start3A_27 = tpu.memref_slice %arg18[%dma_start3A_25, %dma_start3A_26] : memref<80x128xf32, #tpu.memory_space<vmem>> -> memref<80x128xf32, #tpu.memory_space<vmem>>
    %dma_start3A_28 = arith.constant 0 : i32
    %dma_start3A_29 = tpu.memref_slice %arg19[%add3A_24, %dma_start3A_28] : memref<10240x128xf32, #tpu.memory_space<vmem_shared>> -> memref<80x128xf32, #tpu.memory_space<vmem_shared>>
    %dma_start3A_30 = arith.constant 0 : i32
    %dma_start3A_31 = tpu.memref_slice %arg19[%add3A_24, %dma_start3A_30] : memref<10240x128xf32, #tpu.memory_space<vmem_shared>> -> memref<80x128xf32, #tpu.memory_space<vmem_shared>>
    %dma_start3A_32 = arith.constant 0 : i32
    %dma_start3A_33 = arith.constant 0 : i32
    %dma_start3A_34 = tpu.memref_slice %arg18[%dma_start3A_32, %dma_start3A_33] : memref<80x128xf32, #tpu.memory_space<vmem>> -> memref<80x128xf32, #tpu.memory_space<vmem>>
    tpu.enqueue_dma source(%dma_start3A_34 : memref<80x128xf32, #tpu.memory_space<vmem>>) target(%dma_start3A_31 : memref<80x128xf32, #tpu.memory_space<vmem_shared>>) target_semaphore(%arg31 : memref<!tpu.dma_semaphore, #tpu.memory_space<semaphore_mem>>)
    %mul3A_35 = arith.constant 640 : i32
    %mul3A_36 = arith.muli %arg1, %mul3A_35 : i32
    %add3A_37 = arith.constant 80 : i32
    %add3A_38 = arith.addi %mul3A_36, %add3A_37 : i32
    %dma_start3A_39 = arith.constant 0 : i32
    %dma_start3A_40 = arith.constant 0 : i32
    %dma_start3A_41 = tpu.memref_slice %arg18[%dma_start3A_39, %dma_start3A_40] : memref<80x128xf32, #tpu.memory_space<vmem>> -> memref<80x128xf32, #tpu.memory_space<vmem>>
    %dma_start3A_42 = arith.constant 0 : i32
    %dma_start3A_43 = tpu.memref_slice %arg19[%add3A_38, %dma_start3A_42] : memref<10240x128xf32, #tpu.memory_space<vmem_shared>> -> memref<80x128xf32, #tpu.memory_space<vmem_shared>>
    %dma_start3A_44 = arith.constant 0 : i32
    %dma_start3A_45 = tpu.memref_slice %arg19[%add3A_38, %dma_start3A_44] : memref<10240x128xf32, #tpu.memory_space<vmem_shared>> -> memref<80x128xf32, #tpu.memory_space<vmem_shared>>
    %dma_start3A_46 = arith.constant 0 : i32
    %dma_start3A_47 = arith.constant 0 : i32
    %dma_start3A_48 = tpu.memref_slice %arg18[%dma_start3A_46, %dma_start3A_47] : memref<80x128xf32, #tpu.memory_space<vmem>> -> memref<80x128xf32, #tpu.memory_space<vmem>>
    tpu.enqueue_dma source(%dma_start3A_48 : memref<80x128xf32, #tpu.memory_space<vmem>>) target(%dma_start3A_45 : memref<80x128xf32, #tpu.memory_space<vmem_shared>>) target_semaphore(%arg31 : memref<!tpu.dma_semaphore, #tpu.memory_space<semaphore_mem>>)
    %mul3A_49 = arith.constant 640 : i32
    %mul3A_50 = arith.muli %arg1, %mul3A_49 : i32
    %add3A_51 = arith.constant 160 : i32
    %add3A_52 = arith.addi %mul3A_50, %add3A_51 : i32
    %dma_start3A_53 = arith.constant 0 : i32
    %dma_start3A_54 = arith.constant 0 : i32
    %dma_start3A_55 = tpu.memref_slice %arg18[%dma_start3A_53, %dma_start3A_54] : memref<80x128xf32, #tpu.memory_space<vmem>> -> memref<80x128xf32, #tpu.memory_space<vmem>>
    %dma_start3A_56 = arith.constant 0 : i32
    %dma_start3A_57 = tpu.memref_slice %arg19[%add3A_52, %dma_start3A_56] : memref<10240x128xf32, #tpu.memory_space<vmem_shared>> -> memref<80x128xf32, #tpu.memory_space<vmem_shared>>
    %dma_start3A_58 = arith.constant 0 : i32
    %dma_start3A_59 = tpu.memref_slice %arg19[%add3A_52, %dma_start3A_58] : memref<10240x128xf32, #tpu.memory_space<vmem_shared>> -> memref<80x128xf32, #tpu.memory_space<vmem_shared>>
    %dma_start3A_60 = arith.constant 0 : i32
    %dma_start3A_61 = arith.constant 0 : i32
    %dma_start3A_62 = tpu.memref_slice %arg18[%dma_start3A_60, %dma_start3A_61] : memref<80x128xf32, #tpu.memory_space<vmem>> -> memref<80x128xf32, #tpu.memory_space<vmem>>
    tpu.enqueue_dma source(%dma_start3A_62 : memref<80x128xf32, #tpu.memory_space<vmem>>) target(%dma_start3A_59 : memref<80x128xf32, #tpu.memory_space<vmem_shared>>) target_semaphore(%arg31 : memref<!tpu.dma_semaphore, #tpu.memory_space<semaphore_mem>>)
    %mul3A_63 = arith.constant 640 : i32
    %mul3A_64 = arith.muli %arg1, %mul3A_63 : i32
    %add3A_65 = arith.constant 240 : i32
    %add3A_66 = arith.addi %mul3A_64, %add3A_65 : i32
    %dma_start3A_67 = arith.constant 0 : i32
    %dma_start3A_68 = arith.constant 0 : i32
    %dma_start3A_69 = tpu.memref_slice %arg18[%dma_start3A_67, %dma_start3A_68] : memref<80x128xf32, #tpu.memory_space<vmem>> -> memref<80x128xf32, #tpu.memory_space<vmem>>
    %dma_start3A_70 = arith.constant 0 : i32
    %dma_start3A_71 = tpu.memref_slice %arg19[%add3A_66, %dma_start3A_70] : memref<10240x128xf32, #tpu.memory_space<vmem_shared>> -> memref<80x128xf32, #tpu.memory_space<vmem_shared>>
    %dma_start3A_72 = arith.constant 0 : i32
    %dma_start3A_73 = tpu.memref_slice %arg19[%add3A_66, %dma_start3A_72] : memref<10240x128xf32, #tpu.memory_space<vmem_shared>> -> memref<80x128xf32, #tpu.memory_space<vmem_shared>>
    %dma_start3A_74 = arith.constant 0 : i32
    %dma_start3A_75 = arith.constant 0 : i32
    %dma_start3A_76 = tpu.memref_slice %arg18[%dma_start3A_74, %dma_start3A_75] : memref<80x128xf32, #tpu.memory_space<vmem>> -> memref<80x128xf32, #tpu.memory_space<vmem>>
    tpu.enqueue_dma source(%dma_start3A_76 : memref<80x128xf32, #tpu.memory_space<vmem>>) target(%dma_start3A_73 : memref<80x128xf32, #tpu.memory_space<vmem_shared>>) target_semaphore(%arg31 : memref<!tpu.dma_semaphore, #tpu.memory_space<semaphore_mem>>)
    %mul3A_77 = arith.constant 640 : i32
    %mul3A_78 = arith.muli %arg1, %mul3A_77 : i32
    %add3A_79 = arith.constant 320 : i32
    %add3A_80 = arith.addi %mul3A_78, %add3A_79 : i32
    %dma_start3A_81 = arith.constant 0 : i32
    %dma_start3A_82 = arith.constant 0 : i32
    %dma_start3A_83 = tpu.memref_slice %arg18[%dma_start3A_81, %dma_start3A_82] : memref<80x128xf32, #tpu.memory_space<vmem>> -> memref<80x128xf32, #tpu.memory_space<vmem>>
    %dma_start3A_84 = arith.constant 0 : i32
    %dma_start3A_85 = tpu.memref_slice %arg19[%add3A_80, %dma_start3A_84] : memref<10240x128xf32, #tpu.memory_space<vmem_shared>> -> memref<80x128xf32, #tpu.memory_space<vmem_shared>>
    %dma_start3A_86 = arith.constant 0 : i32
    %dma_start3A_87 = tpu.memref_slice %arg19[%add3A_80, %dma_start3A_86] : memref<10240x128xf32, #tpu.memory_space<vmem_shared>> -> memref<80x128xf32, #tpu.memory_space<vmem_shared>>
    %dma_start3A_88 = arith.constant 0 : i32
    %dma_start3A_89 = arith.constant 0 : i32
    %dma_start3A_90 = tpu.memref_slice %arg18[%dma_start3A_88, %dma_start3A_89] : memref<80x128xf32, #tpu.memory_space<vmem>> -> memref<80x128xf32, #tpu.memory_space<vmem>>
    tpu.enqueue_dma source(%dma_start3A_90 : memref<80x128xf32, #tpu.memory_space<vmem>>) target(%dma_start3A_87 : memref<80x128xf32, #tpu.memory_space<vmem_shared>>) target_semaphore(%arg31 : memref<!tpu.dma_semaphore, #tpu.memory_space<semaphore_mem>>)
    %mul3A_91 = arith.constant 640 : i32
    %mul3A_92 = arith.muli %arg1, %mul3A_91 : i32
    %add3A_93 = arith.constant 400 : i32
    %add3A_94 = arith.addi %mul3A_92, %add3A_93 : i32
    %dma_start3A_95 = arith.constant 0 : i32
    %dma_start3A_96 = arith.constant 0 : i32
    %dma_start3A_97 = tpu.memref_slice %arg18[%dma_start3A_95, %dma_start3A_96] : memref<80x128xf32, #tpu.memory_space<vmem>> -> memref<80x128xf32, #tpu.memory_space<vmem>>
    %dma_start3A_98 = arith.constant 0 : i32
    %dma_start3A_99 = tpu.memref_slice %arg19[%add3A_94, %dma_start3A_98] : memref<10240x128xf32, #tpu.memory_space<vmem_shared>> -> memref<80x128xf32, #tpu.memory_space<vmem_shared>>
    %dma_start3A_100 = arith.constant 0 : i32
    %dma_start3A_101 = tpu.memref_slice %arg19[%add3A_94, %dma_start3A_100] : memref<10240x128xf32, #tpu.memory_space<vmem_shared>> -> memref<80x128xf32, #tpu.memory_space<vmem_shared>>
    %dma_start3A_102 = arith.constant 0 : i32
    %dma_start3A_103 = arith.constant 0 : i32
    %dma_start3A_104 = tpu.memref_slice %arg18[%dma_start3A_102, %dma_start3A_103] : memref<80x128xf32, #tpu.memory_space<vmem>> -> memref<80x128xf32, #tpu.memory_space<vmem>>
    tpu.enqueue_dma source(%dma_start3A_104 : memref<80x128xf32, #tpu.memory_space<vmem>>) target(%dma_start3A_101 : memref<80x128xf32, #tpu.memory_space<vmem_shared>>) target_semaphore(%arg31 : memref<!tpu.dma_semaphore, #tpu.memory_space<semaphore_mem>>)
    %mul3A_105 = arith.constant 640 : i32
    %mul3A_106 = arith.muli %arg1, %mul3A_105 : i32
    %add3A_107 = arith.constant 480 : i32
    %add3A_108 = arith.addi %mul3A_106, %add3A_107 : i32
    %dma_start3A_109 = arith.constant 0 : i32
    %dma_start3A_110 = arith.constant 0 : i32
    %dma_start3A_111 = tpu.memref_slice %arg18[%dma_start3A_109, %dma_start3A_110] : memref<80x128xf32, #tpu.memory_space<vmem>> -> memref<80x128xf32, #tpu.memory_space<vmem>>
    %dma_start3A_112 = arith.constant 0 : i32
    %dma_start3A_113 = tpu.memref_slice %arg19[%add3A_108, %dma_start3A_112] : memref<10240x128xf32, #tpu.memory_space<vmem_shared>> -> memref<80x128xf32, #tpu.memory_space<vmem_shared>>
    %dma_start3A_114 = arith.constant 0 : i32
    %dma_start3A_115 = tpu.memref_slice %arg19[%add3A_108, %dma_start3A_114] : memref<10240x128xf32, #tpu.memory_space<vmem_shared>> -> memref<80x128xf32, #tpu.memory_space<vmem_shared>>
    %dma_start3A_116 = arith.constant 0 : i32
    %dma_start3A_117 = arith.constant 0 : i32
    %dma_start3A_118 = tpu.memref_slice %arg18[%dma_start3A_116, %dma_start3A_117] : memref<80x128xf32, #tpu.memory_space<vmem>> -> memref<80x128xf32, #tpu.memory_space<vmem>>
    tpu.enqueue_dma source(%dma_start3A_118 : memref<80x128xf32, #tpu.memory_space<vmem>>) target(%dma_start3A_115 : memref<80x128xf32, #tpu.memory_space<vmem_shared>>) target_semaphore(%arg31 : memref<!tpu.dma_semaphore, #tpu.memory_space<semaphore_mem>>)
    %mul3A_119 = arith.constant 640 : i32
    %mul3A_120 = arith.muli %arg1, %mul3A_119 : i32
    %add3A_121 = arith.constant 560 : i32
    %add3A_122 = arith.addi %mul3A_120, %add3A_121 : i32
    %dma_start3A_123 = arith.constant 0 : i32
    %dma_start3A_124 = arith.constant 0 : i32
    %dma_start3A_125 = tpu.memref_slice %arg18[%dma_start3A_123, %dma_start3A_124] : memref<80x128xf32, #tpu.memory_space<vmem>> -> memref<80x128xf32, #tpu.memory_space<vmem>>
    %dma_start3A_126 = arith.constant 0 : i32
    %dma_start3A_127 = tpu.memref_slice %arg19[%add3A_122, %dma_start3A_126] : memref<10240x128xf32, #tpu.memory_space<vmem_shared>> -> memref<80x128xf32, #tpu.memory_space<vmem_shared>>
    %dma_start3A_128 = arith.constant 0 : i32
    %dma_start3A_129 = tpu.memref_slice %arg19[%add3A_122, %dma_start3A_128] : memref<10240x128xf32, #tpu.memory_space<vmem_shared>> -> memref<80x128xf32, #tpu.memory_space<vmem_shared>>
    %dma_start3A_130 = arith.constant 0 : i32
    %dma_start3A_131 = arith.constant 0 : i32
    %dma_start3A_132 = tpu.memref_slice %arg18[%dma_start3A_130, %dma_start3A_131] : memref<80x128xf32, #tpu.memory_space<vmem>> -> memref<80x128xf32, #tpu.memory_space<vmem>>
    tpu.enqueue_dma source(%dma_start3A_132 : memref<80x128xf32, #tpu.memory_space<vmem>>) target(%dma_start3A_129 : memref<80x128xf32, #tpu.memory_space<vmem_shared>>) target_semaphore(%arg31 : memref<!tpu.dma_semaphore, #tpu.memory_space<semaphore_mem>>)
    %add3A_133 = arith.constant 0 : i32
    %add3A_134 = arith.addi %mul3A_2, %add3A_133 : i32
    %multiple_of3A_135 = tpu.assume_multiple %add3A_134, 8 : i32
    %dma_wait3A = tpu.memref_slice %arg2[%multiple_of3A_135] : memref<320000xi32, #tpu.memory_space<hbm>> -> memref<80xi32, #tpu.memory_space<hbm>>
    %dma_wait3A_136 = tpu.memref_slice %arg2[%multiple_of3A_135] : memref<320000xi32, #tpu.memory_space<hbm>> -> memref<80xi32, #tpu.memory_space<hbm>>
    tpu.wait_dma2 semaphore(%arg20 : memref<!tpu.dma_semaphore, #tpu.memory_space<semaphore_mem>>) src(%dma_wait3A_136 : memref<80xi32, #tpu.memory_space<hbm>>) dst(%arg7 : memref<80xi32, #tpu.memory_space<vmem>>)
    %add3A_137 = arith.constant 0 : i32
    %add3A_138 = arith.addi %mul3A_2, %add3A_137 : i32
    %multiple_of3A_139 = tpu.assume_multiple %add3A_138, 8 : i32
    %dma_wait3A_140 = tpu.memref_slice %arg3[%multiple_of3A_139] : memref<320000xi32, #tpu.memory_space<hbm>> -> memref<80xi32, #tpu.memory_space<hbm>>
    %dma_wait3A_141 = tpu.memref_slice %arg3[%multiple_of3A_139] : memref<320000xi32, #tpu.memory_space<hbm>> -> memref<80xi32, #tpu.memory_space<hbm>>
    tpu.wait_dma2 semaphore(%arg20 : memref<!tpu.dma_semaphore, #tpu.memory_space<semaphore_mem>>) src(%dma_wait3A_141 : memref<80xi32, #tpu.memory_space<hbm>>) dst(%arg11 : memref<80xi32, #tpu.memory_space<vmem>>)
    %dma_start3A_142 = arith.constant 0 : i32
    %dma_start3A_143 = arith.constant 0 : i32
    %dma_start3A_144 = tpu.memref_slice %arg4[%dma_start3A_142, %dma_start3A_143] : memref<10240x128xf32, #tpu.memory_space<hbm>> -> memref<10240x128xf32, #tpu.memory_space<hbm>>
    tpu.enqueue_indirect_dma source(%dma_start3A_144 : memref<10240x128xf32, #tpu.memory_space<hbm>>) target(%arg15 : memref<80x128xf32, #tpu.memory_space<vmem>>) offsets(%arg7 : memref<80xi32, #tpu.memory_space<vmem>>) semaphore(%arg24 : memref<!tpu.dma_semaphore, #tpu.memory_space<semaphore_mem>>)
    %mul3A_145 = arith.constant 640 : i32
    %mul3A_146 = arith.muli %arg1, %mul3A_145 : i32
    %add3A_147 = arith.constant 0 : i32
    %add3A_148 = arith.addi %mul3A_146, %add3A_147 : i32
    %dma_wait3A_149 = arith.constant 0 : i32
    %dma_wait3A_150 = arith.constant 0 : i32
    %dma_wait3A_151 = tpu.memref_slice %arg18[%dma_wait3A_149, %dma_wait3A_150] : memref<80x128xf32, #tpu.memory_space<vmem>> -> memref<80x128xf32, #tpu.memory_space<vmem>>
    %dma_wait3A_152 = arith.constant 0 : i32
    %dma_wait3A_153 = tpu.memref_slice %arg19[%add3A_148, %dma_wait3A_152] : memref<10240x128xf32, #tpu.memory_space<vmem_shared>> -> memref<80x128xf32, #tpu.memory_space<vmem_shared>>
    %dma_wait3A_154 = arith.constant 0 : i32
    %dma_wait3A_155 = tpu.memref_slice %arg19[%add3A_148, %dma_wait3A_154] : memref<10240x128xf32, #tpu.memory_space<vmem_shared>> -> memref<80x128xf32, #tpu.memory_space<vmem_shared>>
    %dma_wait3A_156 = arith.constant 0 : i32
    %dma_wait3A_157 = arith.constant 0 : i32
    %dma_wait3A_158 = tpu.memref_slice %arg18[%dma_wait3A_156, %dma_wait3A_157] : memref<80x128xf32, #tpu.memory_space<vmem>> -> memref<80x128xf32, #tpu.memory_space<vmem>>
    tpu.wait_dma2 semaphore(%arg31 : memref<!tpu.dma_semaphore, #tpu.memory_space<semaphore_mem>>) src(%dma_wait3A_158 : memref<80x128xf32, #tpu.memory_space<vmem>>) dst(%dma_wait3A_155 : memref<80x128xf32, #tpu.memory_space<vmem_shared>>)
    %mul3A_159 = arith.constant 640 : i32
    %mul3A_160 = arith.muli %arg1, %mul3A_159 : i32
    %add3A_161 = arith.constant 80 : i32
    %add3A_162 = arith.addi %mul3A_160, %add3A_161 : i32
    %dma_wait3A_163 = arith.constant 0 : i32
    %dma_wait3A_164 = arith.constant 0 : i32
    %dma_wait3A_165 = tpu.memref_slice %arg18[%dma_wait3A_163, %dma_wait3A_164] : memref<80x128xf32, #tpu.memory_space<vmem>> -> memref<80x128xf32, #tpu.memory_space<vmem>>
    %dma_wait3A_166 = arith.constant 0 : i32
    %dma_wait3A_167 = tpu.memref_slice %arg19[%add3A_162, %dma_wait3A_166] : memref<10240x128xf32, #tpu.memory_space<vmem_shared>> -> memref<80x128xf32, #tpu.memory_space<vmem_shared>>
    %dma_wait3A_168 = arith.constant 0 : i32
    %dma_wait3A_169 = tpu.memref_slice %arg19[%add3A_162, %dma_wait3A_168] : memref<10240x128xf32, #tpu.memory_space<vmem_shared>> -> memref<80x128xf32, #tpu.memory_space<vmem_shared>>
    %dma_wait3A_170 = arith.constant 0 : i32
    %dma_wait3A_171 = arith.constant 0 : i32
    %dma_wait3A_172 = tpu.memref_slice %arg18[%dma_wait3A_170, %dma_wait3A_171] : memref<80x128xf32, #tpu.memory_space<vmem>> -> memref<80x128xf32, #tpu.memory_space<vmem>>
    tpu.wait_dma2 semaphore(%arg31 : memref<!tpu.dma_semaphore, #tpu.memory_space<semaphore_mem>>) src(%dma_wait3A_172 : memref<80x128xf32, #tpu.memory_space<vmem>>) dst(%dma_wait3A_169 : memref<80x128xf32, #tpu.memory_space<vmem_shared>>)
    %mul3A_173 = arith.constant 640 : i32
    %mul3A_174 = arith.muli %arg1, %mul3A_173 : i32
    %add3A_175 = arith.constant 160 : i32
    %add3A_176 = arith.addi %mul3A_174, %add3A_175 : i32
    %dma_wait3A_177 = arith.constant 0 : i32
    %dma_wait3A_178 = arith.constant 0 : i32
    %dma_wait3A_179 = tpu.memref_slice %arg18[%dma_wait3A_177, %dma_wait3A_178] : memref<80x128xf32, #tpu.memory_space<vmem>> -> memref<80x128xf32, #tpu.memory_space<vmem>>
    %dma_wait3A_180 = arith.constant 0 : i32
    %dma_wait3A_181 = tpu.memref_slice %arg19[%add3A_176, %dma_wait3A_180] : memref<10240x128xf32, #tpu.memory_space<vmem_shared>> -> memref<80x128xf32, #tpu.memory_space<vmem_shared>>
    %dma_wait3A_182 = arith.constant 0 : i32
    %dma_wait3A_183 = tpu.memref_slice %arg19[%add3A_176, %dma_wait3A_182] : memref<10240x128xf32, #tpu.memory_space<vmem_shared>> -> memref<80x128xf32, #tpu.memory_space<vmem_shared>>
    %dma_wait3A_184 = arith.constant 0 : i32
    %dma_wait3A_185 = arith.constant 0 : i32
    %dma_wait3A_186 = tpu.memref_slice %arg18[%dma_wait3A_184, %dma_wait3A_185] : memref<80x128xf32, #tpu.memory_space<vmem>> -> memref<80x128xf32, #tpu.memory_space<vmem>>
    tpu.wait_dma2 semaphore(%arg31 : memref<!tpu.dma_semaphore, #tpu.memory_space<semaphore_mem>>) src(%dma_wait3A_186 : memref<80x128xf32, #tpu.memory_space<vmem>>) dst(%dma_wait3A_183 : memref<80x128xf32, #tpu.memory_space<vmem_shared>>)
    %mul3A_187 = arith.constant 640 : i32
    %mul3A_188 = arith.muli %arg1, %mul3A_187 : i32
    %add3A_189 = arith.constant 240 : i32
    %add3A_190 = arith.addi %mul3A_188, %add3A_189 : i32
    %dma_wait3A_191 = arith.constant 0 : i32
    %dma_wait3A_192 = arith.constant 0 : i32
    %dma_wait3A_193 = tpu.memref_slice %arg18[%dma_wait3A_191, %dma_wait3A_192] : memref<80x128xf32, #tpu.memory_space<vmem>> -> memref<80x128xf32, #tpu.memory_space<vmem>>
    %dma_wait3A_194 = arith.constant 0 : i32
    %dma_wait3A_195 = tpu.memref_slice %arg19[%add3A_190, %dma_wait3A_194] : memref<10240x128xf32, #tpu.memory_space<vmem_shared>> -> memref<80x128xf32, #tpu.memory_space<vmem_shared>>
    %dma_wait3A_196 = arith.constant 0 : i32
    %dma_wait3A_197 = tpu.memref_slice %arg19[%add3A_190, %dma_wait3A_196] : memref<10240x128xf32, #tpu.memory_space<vmem_shared>> -> memref<80x128xf32, #tpu.memory_space<vmem_shared>>
    %dma_wait3A_198 = arith.constant 0 : i32
    %dma_wait3A_199 = arith.constant 0 : i32
    %dma_wait3A_200 = tpu.memref_slice %arg18[%dma_wait3A_198, %dma_wait3A_199] : memref<80x128xf32, #tpu.memory_space<vmem>> -> memref<80x128xf32, #tpu.memory_space<vmem>>
    tpu.wait_dma2 semaphore(%arg31 : memref<!tpu.dma_semaphore, #tpu.memory_space<semaphore_mem>>) src(%dma_wait3A_200 : memref<80x128xf32, #tpu.memory_space<vmem>>) dst(%dma_wait3A_197 : memref<80x128xf32, #tpu.memory_space<vmem_shared>>)
    %mul3A_201 = arith.constant 640 : i32
    %mul3A_202 = arith.muli %arg1, %mul3A_201 : i32
    %add3A_203 = arith.constant 320 : i32
    %add3A_204 = arith.addi %mul3A_202, %add3A_203 : i32
    %dma_wait3A_205 = arith.constant 0 : i32
    %dma_wait3A_206 = arith.constant 0 : i32
    %dma_wait3A_207 = tpu.memref_slice %arg18[%dma_wait3A_205, %dma_wait3A_206] : memref<80x128xf32, #tpu.memory_space<vmem>> -> memref<80x128xf32, #tpu.memory_space<vmem>>
    %dma_wait3A_208 = arith.constant 0 : i32
    %dma_wait3A_209 = tpu.memref_slice %arg19[%add3A_204, %dma_wait3A_208] : memref<10240x128xf32, #tpu.memory_space<vmem_shared>> -> memref<80x128xf32, #tpu.memory_space<vmem_shared>>
    %dma_wait3A_210 = arith.constant 0 : i32
    %dma_wait3A_211 = tpu.memref_slice %arg19[%add3A_204, %dma_wait3A_210] : memref<10240x128xf32, #tpu.memory_space<vmem_shared>> -> memref<80x128xf32, #tpu.memory_space<vmem_shared>>
    %dma_wait3A_212 = arith.constant 0 : i32
    %dma_wait3A_213 = arith.constant 0 : i32
    %dma_wait3A_214 = tpu.memref_slice %arg18[%dma_wait3A_212, %dma_wait3A_213] : memref<80x128xf32, #tpu.memory_space<vmem>> -> memref<80x128xf32, #tpu.memory_space<vmem>>
    tpu.wait_dma2 semaphore(%arg31 : memref<!tpu.dma_semaphore, #tpu.memory_space<semaphore_mem>>) src(%dma_wait3A_214 : memref<80x128xf32, #tpu.memory_space<vmem>>) dst(%dma_wait3A_211 : memref<80x128xf32, #tpu.memory_space<vmem_shared>>)
    %mul3A_215 = arith.constant 640 : i32
    %mul3A_216 = arith.muli %arg1, %mul3A_215 : i32
    %add3A_217 = arith.constant 400 : i32
    %add3A_218 = arith.addi %mul3A_216, %add3A_217 : i32
    %dma_wait3A_219 = arith.constant 0 : i32
    %dma_wait3A_220 = arith.constant 0 : i32
    %dma_wait3A_221 = tpu.memref_slice %arg18[%dma_wait3A_219, %dma_wait3A_220] : memref<80x128xf32, #tpu.memory_space<vmem>> -> memref<80x128xf32, #tpu.memory_space<vmem>>
    %dma_wait3A_222 = arith.constant 0 : i32
    %dma_wait3A_223 = tpu.memref_slice %arg19[%add3A_218, %dma_wait3A_222] : memref<10240x128xf32, #tpu.memory_space<vmem_shared>> -> memref<80x128xf32, #tpu.memory_space<vmem_shared>>
    %dma_wait3A_224 = arith.constant 0 : i32
    %dma_wait3A_225 = tpu.memref_slice %arg19[%add3A_218, %dma_wait3A_224] : memref<10240x128xf32, #tpu.memory_space<vmem_shared>> -> memref<80x128xf32, #tpu.memory_space<vmem_shared>>
    %dma_wait3A_226 = arith.constant 0 : i32
    %dma_wait3A_227 = arith.constant 0 : i32
    %dma_wait3A_228 = tpu.memref_slice %arg18[%dma_wait3A_226, %dma_wait3A_227] : memref<80x128xf32, #tpu.memory_space<vmem>> -> memref<80x128xf32, #tpu.memory_space<vmem>>
    tpu.wait_dma2 semaphore(%arg31 : memref<!tpu.dma_semaphore, #tpu.memory_space<semaphore_mem>>) src(%dma_wait3A_228 : memref<80x128xf32, #tpu.memory_space<vmem>>) dst(%dma_wait3A_225 : memref<80x128xf32, #tpu.memory_space<vmem_shared>>)
    %mul3A_229 = arith.constant 640 : i32
    %mul3A_230 = arith.muli %arg1, %mul3A_229 : i32
    %add3A_231 = arith.constant 480 : i32
    %add3A_232 = arith.addi %mul3A_230, %add3A_231 : i32
    %dma_wait3A_233 = arith.constant 0 : i32
    %dma_wait3A_234 = arith.constant 0 : i32
    %dma_wait3A_235 = tpu.memref_slice %arg18[%dma_wait3A_233, %dma_wait3A_234] : memref<80x128xf32, #tpu.memory_space<vmem>> -> memref<80x128xf32, #tpu.memory_space<vmem>>
    %dma_wait3A_236 = arith.constant 0 : i32
    %dma_wait3A_237 = tpu.memref_slice %arg19[%add3A_232, %dma_wait3A_236] : memref<10240x128xf32, #tpu.memory_space<vmem_shared>> -> memref<80x128xf32, #tpu.memory_space<vmem_shared>>
    %dma_wait3A_238 = arith.constant 0 : i32
    %dma_wait3A_239 = tpu.memref_slice %arg19[%add3A_232, %dma_wait3A_238] : memref<10240x128xf32, #tpu.memory_space<vmem_shared>> -> memref<80x128xf32, #tpu.memory_space<vmem_shared>>
    %dma_wait3A_240 = arith.constant 0 : i32
    %dma_wait3A_241 = arith.constant 0 : i32
    %dma_wait3A_242 = tpu.memref_slice %arg18[%dma_wait3A_240, %dma_wait3A_241] : memref<80x128xf32, #tpu.memory_space<vmem>> -> memref<80x128xf32, #tpu.memory_space<vmem>>
    tpu.wait_dma2 semaphore(%arg31 : memref<!tpu.dma_semaphore, #tpu.memory_space<semaphore_mem>>) src(%dma_wait3A_242 : memref<80x128xf32, #tpu.memory_space<vmem>>) dst(%dma_wait3A_239 : memref<80x128xf32, #tpu.memory_space<vmem_shared>>)
    %mul3A_243 = arith.constant 640 : i32
    %mul3A_244 = arith.muli %arg1, %mul3A_243 : i32
    %add3A_245 = arith.constant 560 : i32
    %add3A_246 = arith.addi %mul3A_244, %add3A_245 : i32
    %dma_wait3A_247 = arith.constant 0 : i32
    %dma_wait3A_248 = arith.constant 0 : i32
    %dma_wait3A_249 = tpu.memref_slice %arg18[%dma_wait3A_247, %dma_wait3A_248] : memref<80x128xf32, #tpu.memory_space<vmem>> -> memref<80x128xf32, #tpu.memory_space<vmem>>
    %dma_wait3A_250 = arith.constant 0 : i32
    %dma_wait3A_251 = tpu.memref_slice %arg19[%add3A_246, %dma_wait3A_250] : memref<10240x128xf32, #tpu.memory_space<vmem_shared>> -> memref<80x128xf32, #tpu.memory_space<vmem_shared>>
    %dma_wait3A_252 = arith.constant 0 : i32
    %dma_wait3A_253 = tpu.memref_slice %arg19[%add3A_246, %dma_wait3A_252] : memref<10240x128xf32, #tpu.memory_space<vmem_shared>> -> memref<80x128xf32, #tpu.memory_space<vmem_shared>>
    %dma_wait3A_254 = arith.constant 0 : i32
    %dma_wait3A_255 = arith.constant 0 : i32
    %dma_wait3A_256 = tpu.memref_slice %arg18[%dma_wait3A_254, %dma_wait3A_255] : memref<80x128xf32, #tpu.memory_space<vmem>> -> memref<80x128xf32, #tpu.memory_space<vmem>>
    tpu.wait_dma2 semaphore(%arg31 : memref<!tpu.dma_semaphore, #tpu.memory_space<semaphore_mem>>) src(%dma_wait3A_256 : memref<80x128xf32, #tpu.memory_space<vmem>>) dst(%dma_wait3A_253 : memref<80x128xf32, #tpu.memory_space<vmem_shared>>)
    %barrier3A = arith.constant 0 : index
    tpu.barrier barrier_id(%barrier3A)
    %add3A_257 = arith.constant 160 : i32
    %add3A_258 = arith.addi %mul3A_2, %add3A_257 : i32
    %multiple_of3A_259 = tpu.assume_multiple %add3A_258, 8 : i32
    %dma_start3A_260 = tpu.memref_slice %arg2[%multiple_of3A_259] : memref<320000xi32, #tpu.memory_space<hbm>> -> memref<80xi32, #tpu.memory_space<hbm>>
    %dma_start3A_261 = tpu.memref_slice %arg2[%multiple_of3A_259] : memref<320000xi32, #tpu.memory_space<hbm>> -> memref<80xi32, #tpu.memory_space<hbm>>
    tpu.enqueue_dma source(%dma_start3A_261 : memref<80xi32, #tpu.memory_space<hbm>>) target(%arg9 : memref<80xi32, #tpu.memory_space<vmem>>) target_semaphore(%arg22 : memref<!tpu.dma_semaphore, #tpu.memory_space<semaphore_mem>>)
    %add3A_262 = arith.constant 160 : i32
    %add3A_263 = arith.addi %mul3A_2, %add3A_262 : i32
    %multiple_of3A_264 = tpu.assume_multiple %add3A_263, 8 : i32
    %dma_start3A_265 = tpu.memref_slice %arg3[%multiple_of3A_264] : memref<320000xi32, #tpu.memory_space<hbm>> -> memref<80xi32, #tpu.memory_space<hbm>>
    %dma_start3A_266 = tpu.memref_slice %arg3[%multiple_of3A_264] : memref<320000xi32, #tpu.memory_space<hbm>> -> memref<80xi32, #tpu.memory_space<hbm>>
    tpu.enqueue_dma source(%dma_start3A_266 : memref<80xi32, #tpu.memory_space<hbm>>) target(%arg13 : memref<80xi32, #tpu.memory_space<vmem>>) target_semaphore(%arg22 : memref<!tpu.dma_semaphore, #tpu.memory_space<semaphore_mem>>)
    %add3A_267 = arith.constant 80 : i32
    %add3A_268 = arith.addi %mul3A_2, %add3A_267 : i32
    %multiple_of3A_269 = tpu.assume_multiple %add3A_268, 8 : i32
    %dma_wait3A_270 = tpu.memref_slice %arg2[%multiple_of3A_269] : memref<320000xi32, #tpu.memory_space<hbm>> -> memref<80xi32, #tpu.memory_space<hbm>>
    %dma_wait3A_271 = tpu.memref_slice %arg2[%multiple_of3A_269] : memref<320000xi32, #tpu.memory_space<hbm>> -> memref<80xi32, #tpu.memory_space<hbm>>
    tpu.wait_dma2 semaphore(%arg21 : memref<!tpu.dma_semaphore, #tpu.memory_space<semaphore_mem>>) src(%dma_wait3A_271 : memref<80xi32, #tpu.memory_space<hbm>>) dst(%arg8 : memref<80xi32, #tpu.memory_space<vmem>>)
    %add3A_272 = arith.constant 80 : i32
    %add3A_273 = arith.addi %mul3A_2, %add3A_272 : i32
    %multiple_of3A_274 = tpu.assume_multiple %add3A_273, 8 : i32
    %dma_wait3A_275 = tpu.memref_slice %arg3[%multiple_of3A_274] : memref<320000xi32, #tpu.memory_space<hbm>> -> memref<80xi32, #tpu.memory_space<hbm>>
    %dma_wait3A_276 = tpu.memref_slice %arg3[%multiple_of3A_274] : memref<320000xi32, #tpu.memory_space<hbm>> -> memref<80xi32, #tpu.memory_space<hbm>>
    tpu.wait_dma2 semaphore(%arg21 : memref<!tpu.dma_semaphore, #tpu.memory_space<semaphore_mem>>) src(%dma_wait3A_276 : memref<80xi32, #tpu.memory_space<hbm>>) dst(%arg12 : memref<80xi32, #tpu.memory_space<vmem>>)
    %dma_start3A_277 = arith.constant 0 : i32
    %dma_start3A_278 = arith.constant 0 : i32
    %dma_start3A_279 = tpu.memref_slice %arg4[%dma_start3A_277, %dma_start3A_278] : memref<10240x128xf32, #tpu.memory_space<hbm>> -> memref<10240x128xf32, #tpu.memory_space<hbm>>
    tpu.enqueue_indirect_dma source(%dma_start3A_279 : memref<10240x128xf32, #tpu.memory_space<hbm>>) target(%arg16 : memref<80x128xf32, #tpu.memory_space<vmem>>) offsets(%arg8 : memref<80xi32, #tpu.memory_space<vmem>>) semaphore(%arg25 : memref<!tpu.dma_semaphore, #tpu.memory_space<semaphore_mem>>)
    %dma_wait3A_280 = arith.constant 0 : i32
    %dma_wait3A_281 = arith.constant 0 : i32
    %dma_wait3A_282 = tpu.memref_slice %arg4[%dma_wait3A_280, %dma_wait3A_281] : memref<10240x128xf32, #tpu.memory_space<hbm>> -> memref<10240x128xf32, #tpu.memory_space<hbm>>
    tpu.wait_indirect_dma semaphore(%arg24 : memref<!tpu.dma_semaphore, #tpu.memory_space<semaphore_mem>>) src(%dma_wait3A_282 : memref<10240x128xf32, #tpu.memory_space<hbm>>) dst(%arg15 : memref<80x128xf32, #tpu.memory_space<vmem>>)
    %dma_start3A_283 = arith.constant 0 : i32
    %dma_start3A_284 = arith.constant 0 : i32
    %dma_start3A_285 = tpu.memref_slice %arg19[%dma_start3A_283, %dma_start3A_284] : memref<10240x128xf32, #tpu.memory_space<vmem_shared>> -> memref<10240x128xf32, #tpu.memory_space<vmem_shared>>
    tpu.enqueue_indirect_dma source(%arg15 : memref<80x128xf32, #tpu.memory_space<vmem>>) target(%dma_start3A_285 : memref<10240x128xf32, #tpu.memory_space<vmem_shared>>) offsets(%arg11 : memref<80xi32, #tpu.memory_space<vmem>>) semaphore(%arg28 : memref<!tpu.dma_semaphore, #tpu.memory_space<semaphore_mem>>) {add = true}
    %add3A_286 = arith.constant 240 : i32
    %add3A_287 = arith.addi %mul3A_2, %add3A_286 : i32
    %multiple_of3A_288 = tpu.assume_multiple %add3A_287, 8 : i32
    %dma_start3A_289 = tpu.memref_slice %arg2[%multiple_of3A_288] : memref<320000xi32, #tpu.memory_space<hbm>> -> memref<80xi32, #tpu.memory_space<hbm>>
    %dma_start3A_290 = tpu.memref_slice %arg2[%multiple_of3A_288] : memref<320000xi32, #tpu.memory_space<hbm>> -> memref<80xi32, #tpu.memory_space<hbm>>
    tpu.enqueue_dma source(%dma_start3A_290 : memref<80xi32, #tpu.memory_space<hbm>>) target(%arg10 : memref<80xi32, #tpu.memory_space<vmem>>) target_semaphore(%arg23 : memref<!tpu.dma_semaphore, #tpu.memory_space<semaphore_mem>>)
    %add3A_291 = arith.constant 240 : i32
    %add3A_292 = arith.addi %mul3A_2, %add3A_291 : i32
    %multiple_of3A_293 = tpu.assume_multiple %add3A_292, 8 : i32
    %dma_start3A_294 = tpu.memref_slice %arg3[%multiple_of3A_293] : memref<320000xi32, #tpu.memory_space<hbm>> -> memref<80xi32, #tpu.memory_space<hbm>>
    %dma_start3A_295 = tpu.memref_slice %arg3[%multiple_of3A_293] : memref<320000xi32, #tpu.memory_space<hbm>> -> memref<80xi32, #tpu.memory_space<hbm>>
    tpu.enqueue_dma source(%dma_start3A_295 : memref<80xi32, #tpu.memory_space<hbm>>) target(%arg14 : memref<80xi32, #tpu.memory_space<vmem>>) target_semaphore(%arg23 : memref<!tpu.dma_semaphore, #tpu.memory_space<semaphore_mem>>)
    %add3A_296 = arith.constant 160 : i32
    %add3A_297 = arith.addi %mul3A_2, %add3A_296 : i32
    %multiple_of3A_298 = tpu.assume_multiple %add3A_297, 8 : i32
    %dma_wait3A_299 = tpu.memref_slice %arg2[%multiple_of3A_298] : memref<320000xi32, #tpu.memory_space<hbm>> -> memref<80xi32, #tpu.memory_space<hbm>>
    %dma_wait3A_300 = tpu.memref_slice %arg2[%multiple_of3A_298] : memref<320000xi32, #tpu.memory_space<hbm>> -> memref<80xi32, #tpu.memory_space<hbm>>
    tpu.wait_dma2 semaphore(%arg22 : memref<!tpu.dma_semaphore, #tpu.memory_space<semaphore_mem>>) src(%dma_wait3A_300 : memref<80xi32, #tpu.memory_space<hbm>>) dst(%arg9 : memref<80xi32, #tpu.memory_space<vmem>>)
    %add3A_301 = arith.constant 160 : i32
    %add3A_302 = arith.addi %mul3A_2, %add3A_301 : i32
    %multiple_of3A_303 = tpu.assume_multiple %add3A_302, 8 : i32
    %dma_wait3A_304 = tpu.memref_slice %arg3[%multiple_of3A_303] : memref<320000xi32, #tpu.memory_space<hbm>> -> memref<80xi32, #tpu.memory_space<hbm>>
    %dma_wait3A_305 = tpu.memref_slice %arg3[%multiple_of3A_303] : memref<320000xi32, #tpu.memory_space<hbm>> -> memref<80xi32, #tpu.memory_space<hbm>>
    tpu.wait_dma2 semaphore(%arg22 : memref<!tpu.dma_semaphore, #tpu.memory_space<semaphore_mem>>) src(%dma_wait3A_305 : memref<80xi32, #tpu.memory_space<hbm>>) dst(%arg13 : memref<80xi32, #tpu.memory_space<vmem>>)
    %dma_start3A_306 = arith.constant 0 : i32
    %dma_start3A_307 = arith.constant 0 : i32
    %dma_start3A_308 = tpu.memref_slice %arg4[%dma_start3A_306, %dma_start3A_307] : memref<10240x128xf32, #tpu.memory_space<hbm>> -> memref<10240x128xf32, #tpu.memory_space<hbm>>
    tpu.enqueue_indirect_dma source(%dma_start3A_308 : memref<10240x128xf32, #tpu.memory_space<hbm>>) target(%arg17 : memref<80x128xf32, #tpu.memory_space<vmem>>) offsets(%arg9 : memref<80xi32, #tpu.memory_space<vmem>>) semaphore(%arg26 : memref<!tpu.dma_semaphore, #tpu.memory_space<semaphore_mem>>)
    %dma_wait3A_309 = arith.constant 0 : i32
    %dma_wait3A_310 = arith.constant 0 : i32
    %dma_wait3A_311 = tpu.memref_slice %arg4[%dma_wait3A_309, %dma_wait3A_310] : memref<10240x128xf32, #tpu.memory_space<hbm>> -> memref<10240x128xf32, #tpu.memory_space<hbm>>
    tpu.wait_indirect_dma semaphore(%arg25 : memref<!tpu.dma_semaphore, #tpu.memory_space<semaphore_mem>>) src(%dma_wait3A_311 : memref<10240x128xf32, #tpu.memory_space<hbm>>) dst(%arg16 : memref<80x128xf32, #tpu.memory_space<vmem>>)
    %dma_start3A_312 = arith.constant 0 : i32
    %dma_start3A_313 = arith.constant 0 : i32
    %dma_start3A_314 = tpu.memref_slice %arg19[%dma_start3A_312, %dma_start3A_313] : memref<10240x128xf32, #tpu.memory_space<vmem_shared>> -> memref<10240x128xf32, #tpu.memory_space<vmem_shared>>
    tpu.enqueue_indirect_dma source(%arg16 : memref<80x128xf32, #tpu.memory_space<vmem>>) target(%dma_start3A_314 : memref<10240x128xf32, #tpu.memory_space<vmem_shared>>) offsets(%arg12 : memref<80xi32, #tpu.memory_space<vmem>>) semaphore(%arg29 : memref<!tpu.dma_semaphore, #tpu.memory_space<semaphore_mem>>) {add = true}
    %scan3A = arith.constant 0 : i32
    %scan3A_315 = arith.constant 0 : i32
    %scan3A_316 = arith.constant 30 : i32
    %scan3A_317 = arith.addi %scan3A_315, %scan3A_316 : i32
    %scan3A_318 = arith.constant 1 : i32
    scf.for %scan3A_838 = %scan3A_315 to %scan3A_317 step %scan3A_318  : i32 {
      %mul3A_839 = arith.constant 4 : i32
      %mul3A_840 = arith.muli %mul3A_839, %scan3A_838 : i32
      %add3A_841 = arith.constant 2 : i32
      %add3A_842 = arith.addi %mul3A_840, %add3A_841 : i32
      %add3A_843 = arith.constant 0 : i32
      %add3A_844 = arith.addi %add3A_842, %add3A_843 : i32
      %dma_wait3A_845 = arith.constant 0 : i32
      %dma_wait3A_846 = arith.constant 0 : i32
      %dma_wait3A_847 = tpu.memref_slice %arg19[%dma_wait3A_845, %dma_wait3A_846] : memref<10240x128xf32, #tpu.memory_space<vmem_shared>> -> memref<10240x128xf32, #tpu.memory_space<vmem_shared>>
      tpu.wait_indirect_dma semaphore(%arg28 : memref<!tpu.dma_semaphore, #tpu.memory_space<semaphore_mem>>) src(%arg15 : memref<80x128xf32, #tpu.memory_space<vmem>>) dst(%dma_wait3A_847 : memref<10240x128xf32, #tpu.memory_space<vmem_shared>>)
      %add3A_848 = arith.constant 2 : i32
      %add3A_849 = arith.addi %add3A_844, %add3A_848 : i32
      %mul3A_850 = arith.constant 80 : i32
      %mul3A_851 = arith.muli %add3A_849, %mul3A_850 : i32
      %add3A_852 = arith.addi %mul3A_2, %mul3A_851 : i32
      %multiple_of3A_853 = tpu.assume_multiple %add3A_852, 8 : i32
      %dma_start3A_854 = tpu.memref_slice %arg2[%multiple_of3A_853] : memref<320000xi32, #tpu.memory_space<hbm>> -> memref<80xi32, #tpu.memory_space<hbm>>
      %dma_start3A_855 = tpu.memref_slice %arg2[%multiple_of3A_853] : memref<320000xi32, #tpu.memory_space<hbm>> -> memref<80xi32, #tpu.memory_space<hbm>>
      tpu.enqueue_dma source(%dma_start3A_855 : memref<80xi32, #tpu.memory_space<hbm>>) target(%arg7 : memref<80xi32, #tpu.memory_space<vmem>>) target_semaphore(%arg20 : memref<!tpu.dma_semaphore, #tpu.memory_space<semaphore_mem>>)
      %mul3A_856 = arith.constant 80 : i32
      %mul3A_857 = arith.muli %add3A_849, %mul3A_856 : i32
      %add3A_858 = arith.addi %mul3A_2, %mul3A_857 : i32
      %multiple_of3A_859 = tpu.assume_multiple %add3A_858, 8 : i32
      %dma_start3A_860 = tpu.memref_slice %arg3[%multiple_of3A_859] : memref<320000xi32, #tpu.memory_space<hbm>> -> memref<80xi32, #tpu.memory_space<hbm>>
      %dma_start3A_861 = tpu.memref_slice %arg3[%multiple_of3A_859] : memref<320000xi32, #tpu.memory_space<hbm>> -> memref<80xi32, #tpu.memory_space<hbm>>
      tpu.enqueue_dma source(%dma_start3A_861 : memref<80xi32, #tpu.memory_space<hbm>>) target(%arg11 : memref<80xi32, #tpu.memory_space<vmem>>) target_semaphore(%arg20 : memref<!tpu.dma_semaphore, #tpu.memory_space<semaphore_mem>>)
      %add3A_862 = arith.constant 1 : i32
      %add3A_863 = arith.addi %add3A_844, %add3A_862 : i32
      %mul3A_864 = arith.constant 80 : i32
      %mul3A_865 = arith.muli %add3A_863, %mul3A_864 : i32
      %add3A_866 = arith.addi %mul3A_2, %mul3A_865 : i32
      %multiple_of3A_867 = tpu.assume_multiple %add3A_866, 8 : i32
      %dma_wait3A_868 = tpu.memref_slice %arg2[%multiple_of3A_867] : memref<320000xi32, #tpu.memory_space<hbm>> -> memref<80xi32, #tpu.memory_space<hbm>>
      %dma_wait3A_869 = tpu.memref_slice %arg2[%multiple_of3A_867] : memref<320000xi32, #tpu.memory_space<hbm>> -> memref<80xi32, #tpu.memory_space<hbm>>
      tpu.wait_dma2 semaphore(%arg23 : memref<!tpu.dma_semaphore, #tpu.memory_space<semaphore_mem>>) src(%dma_wait3A_869 : memref<80xi32, #tpu.memory_space<hbm>>) dst(%arg10 : memref<80xi32, #tpu.memory_space<vmem>>)
      %mul3A_870 = arith.constant 80 : i32
      %mul3A_871 = arith.muli %add3A_863, %mul3A_870 : i32
      %add3A_872 = arith.addi %mul3A_2, %mul3A_871 : i32
      %multiple_of3A_873 = tpu.assume_multiple %add3A_872, 8 : i32
      %dma_wait3A_874 = tpu.memref_slice %arg3[%multiple_of3A_873] : memref<320000xi32, #tpu.memory_space<hbm>> -> memref<80xi32, #tpu.memory_space<hbm>>
      %dma_wait3A_875 = tpu.memref_slice %arg3[%multiple_of3A_873] : memref<320000xi32, #tpu.memory_space<hbm>> -> memref<80xi32, #tpu.memory_space<hbm>>
      tpu.wait_dma2 semaphore(%arg23 : memref<!tpu.dma_semaphore, #tpu.memory_space<semaphore_mem>>) src(%dma_wait3A_875 : memref<80xi32, #tpu.memory_space<hbm>>) dst(%arg14 : memref<80xi32, #tpu.memory_space<vmem>>)
      %dma_start3A_876 = arith.constant 0 : i32
      %dma_start3A_877 = arith.constant 0 : i32
      %dma_start3A_878 = tpu.memref_slice %arg4[%dma_start3A_876, %dma_start3A_877] : memref<10240x128xf32, #tpu.memory_space<hbm>> -> memref<10240x128xf32, #tpu.memory_space<hbm>>
      tpu.enqueue_indirect_dma source(%dma_start3A_878 : memref<10240x128xf32, #tpu.memory_space<hbm>>) target(%arg18 : memref<80x128xf32, #tpu.memory_space<vmem>>) offsets(%arg10 : memref<80xi32, #tpu.memory_space<vmem>>) semaphore(%arg27 : memref<!tpu.dma_semaphore, #tpu.memory_space<semaphore_mem>>)
      %dma_wait3A_879 = arith.constant 0 : i32
      %dma_wait3A_880 = arith.constant 0 : i32
      %dma_wait3A_881 = tpu.memref_slice %arg4[%dma_wait3A_879, %dma_wait3A_880] : memref<10240x128xf32, #tpu.memory_space<hbm>> -> memref<10240x128xf32, #tpu.memory_space<hbm>>
      tpu.wait_indirect_dma semaphore(%arg26 : memref<!tpu.dma_semaphore, #tpu.memory_space<semaphore_mem>>) src(%dma_wait3A_881 : memref<10240x128xf32, #tpu.memory_space<hbm>>) dst(%arg17 : memref<80x128xf32, #tpu.memory_space<vmem>>)
      %dma_start3A_882 = arith.constant 0 : i32
      %dma_start3A_883 = arith.constant 0 : i32
      %dma_start3A_884 = tpu.memref_slice %arg19[%dma_start3A_882, %dma_start3A_883] : memref<10240x128xf32, #tpu.memory_space<vmem_shared>> -> memref<10240x128xf32, #tpu.memory_space<vmem_shared>>
      tpu.enqueue_indirect_dma source(%arg17 : memref<80x128xf32, #tpu.memory_space<vmem>>) target(%dma_start3A_884 : memref<10240x128xf32, #tpu.memory_space<vmem_shared>>) offsets(%arg13 : memref<80xi32, #tpu.memory_space<vmem>>) semaphore(%arg30 : memref<!tpu.dma_semaphore, #tpu.memory_space<semaphore_mem>>) {add = true}
      %mul3A_885 = arith.constant 4 : i32
      %mul3A_886 = arith.muli %mul3A_885, %scan3A_838 : i32
      %add3A_887 = arith.constant 2 : i32
      %add3A_888 = arith.addi %mul3A_886, %add3A_887 : i32
      %add3A_889 = arith.constant 1 : i32
      %add3A_890 = arith.addi %add3A_888, %add3A_889 : i32
      %dma_wait3A_891 = arith.constant 0 : i32
      %dma_wait3A_892 = arith.constant 0 : i32
      %dma_wait3A_893 = tpu.memref_slice %arg19[%dma_wait3A_891, %dma_wait3A_892] : memref<10240x128xf32, #tpu.memory_space<vmem_shared>> -> memref<10240x128xf32, #tpu.memory_space<vmem_shared>>
      tpu.wait_indirect_dma semaphore(%arg29 : memref<!tpu.dma_semaphore, #tpu.memory_space<semaphore_mem>>) src(%arg16 : memref<80x128xf32, #tpu.memory_space<vmem>>) dst(%dma_wait3A_893 : memref<10240x128xf32, #tpu.memory_space<vmem_shared>>)
      %add3A_894 = arith.constant 2 : i32
      %add3A_895 = arith.addi %add3A_890, %add3A_894 : i32
      %mul3A_896 = arith.constant 80 : i32
      %mul3A_897 = arith.muli %add3A_895, %mul3A_896 : i32
      %add3A_898 = arith.addi %mul3A_2, %mul3A_897 : i32
      %multiple_of3A_899 = tpu.assume_multiple %add3A_898, 8 : i32
      %dma_start3A_900 = tpu.memref_slice %arg2[%multiple_of3A_899] : memref<320000xi32, #tpu.memory_space<hbm>> -> memref<80xi32, #tpu.memory_space<hbm>>
      %dma_start3A_901 = tpu.memref_slice %arg2[%multiple_of3A_899] : memref<320000xi32, #tpu.memory_space<hbm>> -> memref<80xi32, #tpu.memory_space<hbm>>
      tpu.enqueue_dma source(%dma_start3A_901 : memref<80xi32, #tpu.memory_space<hbm>>) target(%arg8 : memref<80xi32, #tpu.memory_space<vmem>>) target_semaphore(%arg21 : memref<!tpu.dma_semaphore, #tpu.memory_space<semaphore_mem>>)
      %mul3A_902 = arith.constant 80 : i32
      %mul3A_903 = arith.muli %add3A_895, %mul3A_902 : i32
      %add3A_904 = arith.addi %mul3A_2, %mul3A_903 : i32
      %multiple_of3A_905 = tpu.assume_multiple %add3A_904, 8 : i32
      %dma_start3A_906 = tpu.memref_slice %arg3[%multiple_of3A_905] : memref<320000xi32, #tpu.memory_space<hbm>> -> memref<80xi32, #tpu.memory_space<hbm>>
      %dma_start3A_907 = tpu.memref_slice %arg3[%multiple_of3A_905] : memref<320000xi32, #tpu.memory_space<hbm>> -> memref<80xi32, #tpu.memory_space<hbm>>
      tpu.enqueue_dma source(%dma_start3A_907 : memref<80xi32, #tpu.memory_space<hbm>>) target(%arg12 : memref<80xi32, #tpu.memory_space<vmem>>) target_semaphore(%arg21 : memref<!tpu.dma_semaphore, #tpu.memory_space<semaphore_mem>>)
      %add3A_908 = arith.constant 1 : i32
      %add3A_909 = arith.addi %add3A_890, %add3A_908 : i32
      %mul3A_910 = arith.constant 80 : i32
      %mul3A_911 = arith.muli %add3A_909, %mul3A_910 : i32
      %add3A_912 = arith.addi %mul3A_2, %mul3A_911 : i32
      %multiple_of3A_913 = tpu.assume_multiple %add3A_912, 8 : i32
      %dma_wait3A_914 = tpu.memref_slice %arg2[%multiple_of3A_913] : memref<320000xi32, #tpu.memory_space<hbm>> -> memref<80xi32, #tpu.memory_space<hbm>>
      %dma_wait3A_915 = tpu.memref_slice %arg2[%multiple_of3A_913] : memref<320000xi32, #tpu.memory_space<hbm>> -> memref<80xi32, #tpu.memory_space<hbm>>
      tpu.wait_dma2 semaphore(%arg20 : memref<!tpu.dma_semaphore, #tpu.memory_space<semaphore_mem>>) src(%dma_wait3A_915 : memref<80xi32, #tpu.memory_space<hbm>>) dst(%arg7 : memref<80xi32, #tpu.memory_space<vmem>>)
      %mul3A_916 = arith.constant 80 : i32
      %mul3A_917 = arith.muli %add3A_909, %mul3A_916 : i32
      %add3A_918 = arith.addi %mul3A_2, %mul3A_917 : i32
      %multiple_of3A_919 = tpu.assume_multiple %add3A_918, 8 : i32
      %dma_wait3A_920 = tpu.memref_slice %arg3[%multiple_of3A_919] : memref<320000xi32, #tpu.memory_space<hbm>> -> memref<80xi32, #tpu.memory_space<hbm>>
      %dma_wait3A_921 = tpu.memref_slice %arg3[%multiple_of3A_919] : memref<320000xi32, #tpu.memory_space<hbm>> -> memref<80xi32, #tpu.memory_space<hbm>>
      tpu.wait_dma2 semaphore(%arg20 : memref<!tpu.dma_semaphore, #tpu.memory_space<semaphore_mem>>) src(%dma_wait3A_921 : memref<80xi32, #tpu.memory_space<hbm>>) dst(%arg11 : memref<80xi32, #tpu.memory_space<vmem>>)
      %dma_start3A_922 = arith.constant 0 : i32
      %dma_start3A_923 = arith.constant 0 : i32
      %dma_start3A_924 = tpu.memref_slice %arg4[%dma_start3A_922, %dma_start3A_923] : memref<10240x128xf32, #tpu.memory_space<hbm>> -> memref<10240x128xf32, #tpu.memory_space<hbm>>
      tpu.enqueue_indirect_dma source(%dma_start3A_924 : memref<10240x128xf32, #tpu.memory_space<hbm>>) target(%arg15 : memref<80x128xf32, #tpu.memory_space<vmem>>) offsets(%arg7 : memref<80xi32, #tpu.memory_space<vmem>>) semaphore(%arg24 : memref<!tpu.dma_semaphore, #tpu.memory_space<semaphore_mem>>)
      %dma_wait3A_925 = arith.constant 0 : i32
      %dma_wait3A_926 = arith.constant 0 : i32
      %dma_wait3A_927 = tpu.memref_slice %arg4[%dma_wait3A_925, %dma_wait3A_926] : memref<10240x128xf32, #tpu.memory_space<hbm>> -> memref<10240x128xf32, #tpu.memory_space<hbm>>
      tpu.wait_indirect_dma semaphore(%arg27 : memref<!tpu.dma_semaphore, #tpu.memory_space<semaphore_mem>>) src(%dma_wait3A_927 : memref<10240x128xf32, #tpu.memory_space<hbm>>) dst(%arg18 : memref<80x128xf32, #tpu.memory_space<vmem>>)
      %dma_start3A_928 = arith.constant 0 : i32
      %dma_start3A_929 = arith.constant 0 : i32
      %dma_start3A_930 = tpu.memref_slice %arg19[%dma_start3A_928, %dma_start3A_929] : memref<10240x128xf32, #tpu.memory_space<vmem_shared>> -> memref<10240x128xf32, #tpu.memory_space<vmem_shared>>
      tpu.enqueue_indirect_dma source(%arg18 : memref<80x128xf32, #tpu.memory_space<vmem>>) target(%dma_start3A_930 : memref<10240x128xf32, #tpu.memory_space<vmem_shared>>) offsets(%arg14 : memref<80xi32, #tpu.memory_space<vmem>>) semaphore(%arg31 : memref<!tpu.dma_semaphore, #tpu.memory_space<semaphore_mem>>) {add = true}
      %mul3A_931 = arith.constant 4 : i32
      %mul3A_932 = arith.muli %mul3A_931, %scan3A_838 : i32
      %add3A_933 = arith.constant 2 : i32
      %add3A_934 = arith.addi %mul3A_932, %add3A_933 : i32
      %add3A_935 = arith.constant 2 : i32
      %add3A_936 = arith.addi %add3A_934, %add3A_935 : i32
      %dma_wait3A_937 = arith.constant 0 : i32
      %dma_wait3A_938 = arith.constant 0 : i32
      %dma_wait3A_939 = tpu.memref_slice %arg19[%dma_wait3A_937, %dma_wait3A_938] : memref<10240x128xf32, #tpu.memory_space<vmem_shared>> -> memref<10240x128xf32, #tpu.memory_space<vmem_shared>>
      tpu.wait_indirect_dma semaphore(%arg30 : memref<!tpu.dma_semaphore, #tpu.memory_space<semaphore_mem>>) src(%arg17 : memref<80x128xf32, #tpu.memory_space<vmem>>) dst(%dma_wait3A_939 : memref<10240x128xf32, #tpu.memory_space<vmem_shared>>)
      %add3A_940 = arith.constant 2 : i32
      %add3A_941 = arith.addi %add3A_936, %add3A_940 : i32
      %mul3A_942 = arith.constant 80 : i32
      %mul3A_943 = arith.muli %add3A_941, %mul3A_942 : i32
      %add3A_944 = arith.addi %mul3A_2, %mul3A_943 : i32
      %multiple_of3A_945 = tpu.assume_multiple %add3A_944, 8 : i32
      %dma_start3A_946 = tpu.memref_slice %arg2[%multiple_of3A_945] : memref<320000xi32, #tpu.memory_space<hbm>> -> memref<80xi32, #tpu.memory_space<hbm>>
      %dma_start3A_947 = tpu.memref_slice %arg2[%multiple_of3A_945] : memref<320000xi32, #tpu.memory_space<hbm>> -> memref<80xi32, #tpu.memory_space<hbm>>
      tpu.enqueue_dma source(%dma_start3A_947 : memref<80xi32, #tpu.memory_space<hbm>>) target(%arg9 : memref<80xi32, #tpu.memory_space<vmem>>) target_semaphore(%arg22 : memref<!tpu.dma_semaphore, #tpu.memory_space<semaphore_mem>>)
      %mul3A_948 = arith.constant 80 : i32
      %mul3A_949 = arith.muli %add3A_941, %mul3A_948 : i32
      %add3A_950 = arith.addi %mul3A_2, %mul3A_949 : i32
      %multiple_of3A_951 = tpu.assume_multiple %add3A_950, 8 : i32
      %dma_start3A_952 = tpu.memref_slice %arg3[%multiple_of3A_951] : memref<320000xi32, #tpu.memory_space<hbm>> -> memref<80xi32, #tpu.memory_space<hbm>>
      %dma_start3A_953 = tpu.memref_slice %arg3[%multiple_of3A_951] : memref<320000xi32, #tpu.memory_space<hbm>> -> memref<80xi32, #tpu.memory_space<hbm>>
      tpu.enqueue_dma source(%dma_start3A_953 : memref<80xi32, #tpu.memory_space<hbm>>) target(%arg13 : memref<80xi32, #tpu.memory_space<vmem>>) target_semaphore(%arg22 : memref<!tpu.dma_semaphore, #tpu.memory_space<semaphore_mem>>)
      %add3A_954 = arith.constant 1 : i32
      %add3A_955 = arith.addi %add3A_936, %add3A_954 : i32
      %mul3A_956 = arith.constant 80 : i32
      %mul3A_957 = arith.muli %add3A_955, %mul3A_956 : i32
      %add3A_958 = arith.addi %mul3A_2, %mul3A_957 : i32
      %multiple_of3A_959 = tpu.assume_multiple %add3A_958, 8 : i32
      %dma_wait3A_960 = tpu.memref_slice %arg2[%multiple_of3A_959] : memref<320000xi32, #tpu.memory_space<hbm>> -> memref<80xi32, #tpu.memory_space<hbm>>
      %dma_wait3A_961 = tpu.memref_slice %arg2[%multiple_of3A_959] : memref<320000xi32, #tpu.memory_space<hbm>> -> memref<80xi32, #tpu.memory_space<hbm>>
      tpu.wait_dma2 semaphore(%arg21 : memref<!tpu.dma_semaphore, #tpu.memory_space<semaphore_mem>>) src(%dma_wait3A_961 : memref<80xi32, #tpu.memory_space<hbm>>) dst(%arg8 : memref<80xi32, #tpu.memory_space<vmem>>)
      %mul3A_962 = arith.constant 80 : i32
      %mul3A_963 = arith.muli %add3A_955, %mul3A_962 : i32
      %add3A_964 = arith.addi %mul3A_2, %mul3A_963 : i32
      %multiple_of3A_965 = tpu.assume_multiple %add3A_964, 8 : i32
      %dma_wait3A_966 = tpu.memref_slice %arg3[%multiple_of3A_965] : memref<320000xi32, #tpu.memory_space<hbm>> -> memref<80xi32, #tpu.memory_space<hbm>>
      %dma_wait3A_967 = tpu.memref_slice %arg3[%multiple_of3A_965] : memref<320000xi32, #tpu.memory_space<hbm>> -> memref<80xi32, #tpu.memory_space<hbm>>
      tpu.wait_dma2 semaphore(%arg21 : memref<!tpu.dma_semaphore, #tpu.memory_space<semaphore_mem>>) src(%dma_wait3A_967 : memref<80xi32, #tpu.memory_space<hbm>>) dst(%arg12 : memref<80xi32, #tpu.memory_space<vmem>>)
      %dma_start3A_968 = arith.constant 0 : i32
      %dma_start3A_969 = arith.constant 0 : i32
      %dma_start3A_970 = tpu.memref_slice %arg4[%dma_start3A_968, %dma_start3A_969] : memref<10240x128xf32, #tpu.memory_space<hbm>> -> memref<10240x128xf32, #tpu.memory_space<hbm>>
      tpu.enqueue_indirect_dma source(%dma_start3A_970 : memref<10240x128xf32, #tpu.memory_space<hbm>>) target(%arg16 : memref<80x128xf32, #tpu.memory_space<vmem>>) offsets(%arg8 : memref<80xi32, #tpu.memory_space<vmem>>) semaphore(%arg25 : memref<!tpu.dma_semaphore, #tpu.memory_space<semaphore_mem>>)
      %dma_wait3A_971 = arith.constant 0 : i32
      %dma_wait3A_972 = arith.constant 0 : i32
      %dma_wait3A_973 = tpu.memref_slice %arg4[%dma_wait3A_971, %dma_wait3A_972] : memref<10240x128xf32, #tpu.memory_space<hbm>> -> memref<10240x128xf32, #tpu.memory_space<hbm>>
      tpu.wait_indirect_dma semaphore(%arg24 : memref<!tpu.dma_semaphore, #tpu.memory_space<semaphore_mem>>) src(%dma_wait3A_973 : memref<10240x128xf32, #tpu.memory_space<hbm>>) dst(%arg15 : memref<80x128xf32, #tpu.memory_space<vmem>>)
      %dma_start3A_974 = arith.constant 0 : i32
      %dma_start3A_975 = arith.constant 0 : i32
      %dma_start3A_976 = tpu.memref_slice %arg19[%dma_start3A_974, %dma_start3A_975] : memref<10240x128xf32, #tpu.memory_space<vmem_shared>> -> memref<10240x128xf32, #tpu.memory_space<vmem_shared>>
      tpu.enqueue_indirect_dma source(%arg15 : memref<80x128xf32, #tpu.memory_space<vmem>>) target(%dma_start3A_976 : memref<10240x128xf32, #tpu.memory_space<vmem_shared>>) offsets(%arg11 : memref<80xi32, #tpu.memory_space<vmem>>) semaphore(%arg28 : memref<!tpu.dma_semaphore, #tpu.memory_space<semaphore_mem>>) {add = true}
      %mul3A_977 = arith.constant 4 : i32
      %mul3A_978 = arith.muli %mul3A_977, %scan3A_838 : i32
      %add3A_979 = arith.constant 2 : i32
      %add3A_980 = arith.addi %mul3A_978, %add3A_979 : i32
      %add3A_981 = arith.constant 3 : i32
      %add3A_982 = arith.addi %add3A_980, %add3A_981 : i32
      %dma_wait3A_983 = arith.constant 0 : i32
      %dma_wait3A_984 = arith.constant 0 : i32
      %dma_wait3A_985 = tpu.memref_slice %arg19[%dma_wait3A_983, %dma_wait3A_984] : memref<10240x128xf32, #tpu.memory_space<vmem_shared>> -> memref<10240x128xf32, #tpu.memory_space<vmem_shared>>
      tpu.wait_indirect_dma semaphore(%arg31 : memref<!tpu.dma_semaphore, #tpu.memory_space<semaphore_mem>>) src(%arg18 : memref<80x128xf32, #tpu.memory_space<vmem>>) dst(%dma_wait3A_985 : memref<10240x128xf32, #tpu.memory_space<vmem_shared>>)
      %add3A_986 = arith.constant 2 : i32
      %add3A_987 = arith.addi %add3A_982, %add3A_986 : i32
      %mul3A_988 = arith.constant 80 : i32
      %mul3A_989 = arith.muli %add3A_987, %mul3A_988 : i32
      %add3A_990 = arith.addi %mul3A_2, %mul3A_989 : i32
      %multiple_of3A_991 = tpu.assume_multiple %add3A_990, 8 : i32
      %dma_start3A_992 = tpu.memref_slice %arg2[%multiple_of3A_991] : memref<320000xi32, #tpu.memory_space<hbm>> -> memref<80xi32, #tpu.memory_space<hbm>>
      %dma_start3A_993 = tpu.memref_slice %arg2[%multiple_of3A_991] : memref<320000xi32, #tpu.memory_space<hbm>> -> memref<80xi32, #tpu.memory_space<hbm>>
      tpu.enqueue_dma source(%dma_start3A_993 : memref<80xi32, #tpu.memory_space<hbm>>) target(%arg10 : memref<80xi32, #tpu.memory_space<vmem>>) target_semaphore(%arg23 : memref<!tpu.dma_semaphore, #tpu.memory_space<semaphore_mem>>)
      %mul3A_994 = arith.constant 80 : i32
      %mul3A_995 = arith.muli %add3A_987, %mul3A_994 : i32
      %add3A_996 = arith.addi %mul3A_2, %mul3A_995 : i32
      %multiple_of3A_997 = tpu.assume_multiple %add3A_996, 8 : i32
      %dma_start3A_998 = tpu.memref_slice %arg3[%multiple_of3A_997] : memref<320000xi32, #tpu.memory_space<hbm>> -> memref<80xi32, #tpu.memory_space<hbm>>
      %dma_start3A_999 = tpu.memref_slice %arg3[%multiple_of3A_997] : memref<320000xi32, #tpu.memory_space<hbm>> -> memref<80xi32, #tpu.memory_space<hbm>>
      tpu.enqueue_dma source(%dma_start3A_999 : memref<80xi32, #tpu.memory_space<hbm>>) target(%arg14 : memref<80xi32, #tpu.memory_space<vmem>>) target_semaphore(%arg23 : memref<!tpu.dma_semaphore, #tpu.memory_space<semaphore_mem>>)
      %add3A_1000 = arith.constant 1 : i32
      %add3A_1001 = arith.addi %add3A_982, %add3A_1000 : i32
      %mul3A_1002 = arith.constant 80 : i32
      %mul3A_1003 = arith.muli %add3A_1001, %mul3A_1002 : i32
      %add3A_1004 = arith.addi %mul3A_2, %mul3A_1003 : i32
      %multiple_of3A_1005 = tpu.assume_multiple %add3A_1004, 8 : i32
      %dma_wait3A_1006 = tpu.memref_slice %arg2[%multiple_of3A_1005] : memref<320000xi32, #tpu.memory_space<hbm>> -> memref<80xi32, #tpu.memory_space<hbm>>
      %dma_wait3A_1007 = tpu.memref_slice %arg2[%multiple_of3A_1005] : memref<320000xi32, #tpu.memory_space<hbm>> -> memref<80xi32, #tpu.memory_space<hbm>>
      tpu.wait_dma2 semaphore(%arg22 : memref<!tpu.dma_semaphore, #tpu.memory_space<semaphore_mem>>) src(%dma_wait3A_1007 : memref<80xi32, #tpu.memory_space<hbm>>) dst(%arg9 : memref<80xi32, #tpu.memory_space<vmem>>)
      %mul3A_1008 = arith.constant 80 : i32
      %mul3A_1009 = arith.muli %add3A_1001, %mul3A_1008 : i32
      %add3A_1010 = arith.addi %mul3A_2, %mul3A_1009 : i32
      %multiple_of3A_1011 = tpu.assume_multiple %add3A_1010, 8 : i32
      %dma_wait3A_1012 = tpu.memref_slice %arg3[%multiple_of3A_1011] : memref<320000xi32, #tpu.memory_space<hbm>> -> memref<80xi32, #tpu.memory_space<hbm>>
      %dma_wait3A_1013 = tpu.memref_slice %arg3[%multiple_of3A_1011] : memref<320000xi32, #tpu.memory_space<hbm>> -> memref<80xi32, #tpu.memory_space<hbm>>
      tpu.wait_dma2 semaphore(%arg22 : memref<!tpu.dma_semaphore, #tpu.memory_space<semaphore_mem>>) src(%dma_wait3A_1013 : memref<80xi32, #tpu.memory_space<hbm>>) dst(%arg13 : memref<80xi32, #tpu.memory_space<vmem>>)
      %dma_start3A_1014 = arith.constant 0 : i32
      %dma_start3A_1015 = arith.constant 0 : i32
      %dma_start3A_1016 = tpu.memref_slice %arg4[%dma_start3A_1014, %dma_start3A_1015] : memref<10240x128xf32, #tpu.memory_space<hbm>> -> memref<10240x128xf32, #tpu.memory_space<hbm>>
      tpu.enqueue_indirect_dma source(%dma_start3A_1016 : memref<10240x128xf32, #tpu.memory_space<hbm>>) target(%arg17 : memref<80x128xf32, #tpu.memory_space<vmem>>) offsets(%arg9 : memref<80xi32, #tpu.memory_space<vmem>>) semaphore(%arg26 : memref<!tpu.dma_semaphore, #tpu.memory_space<semaphore_mem>>)
      %dma_wait3A_1017 = arith.constant 0 : i32
      %dma_wait3A_1018 = arith.constant 0 : i32
      %dma_wait3A_1019 = tpu.memref_slice %arg4[%dma_wait3A_1017, %dma_wait3A_1018] : memref<10240x128xf32, #tpu.memory_space<hbm>> -> memref<10240x128xf32, #tpu.memory_space<hbm>>
      tpu.wait_indirect_dma semaphore(%arg25 : memref<!tpu.dma_semaphore, #tpu.memory_space<semaphore_mem>>) src(%dma_wait3A_1019 : memref<10240x128xf32, #tpu.memory_space<hbm>>) dst(%arg16 : memref<80x128xf32, #tpu.memory_space<vmem>>)
      %dma_start3A_1020 = arith.constant 0 : i32
      %dma_start3A_1021 = arith.constant 0 : i32
      %dma_start3A_1022 = tpu.memref_slice %arg19[%dma_start3A_1020, %dma_start3A_1021] : memref<10240x128xf32, #tpu.memory_space<vmem_shared>> -> memref<10240x128xf32, #tpu.memory_space<vmem_shared>>
      tpu.enqueue_indirect_dma source(%arg16 : memref<80x128xf32, #tpu.memory_space<vmem>>) target(%dma_start3A_1022 : memref<10240x128xf32, #tpu.memory_space<vmem_shared>>) offsets(%arg12 : memref<80xi32, #tpu.memory_space<vmem>>) semaphore(%arg29 : memref<!tpu.dma_semaphore, #tpu.memory_space<semaphore_mem>>) {add = true}
    }
    %scan3A_319 = arith.constant 30 : i32
    %dma_wait3A_320 = arith.constant 0 : i32
    %dma_wait3A_321 = arith.constant 0 : i32
    %dma_wait3A_322 = tpu.memref_slice %arg19[%dma_wait3A_320, %dma_wait3A_321] : memref<10240x128xf32, #tpu.memory_space<vmem_shared>> -> memref<10240x128xf32, #tpu.memory_space<vmem_shared>>
    tpu.wait_indirect_dma semaphore(%arg28 : memref<!tpu.dma_semaphore, #tpu.memory_space<semaphore_mem>>) src(%arg15 : memref<80x128xf32, #tpu.memory_space<vmem>>) dst(%dma_wait3A_322 : memref<10240x128xf32, #tpu.memory_space<vmem_shared>>)
    %add3A_323 = arith.constant 9920 : i32
    %add3A_324 = arith.addi %mul3A_2, %add3A_323 : i32
    %multiple_of3A_325 = tpu.assume_multiple %add3A_324, 8 : i32
    %dma_start3A_326 = tpu.memref_slice %arg2[%multiple_of3A_325] : memref<320000xi32, #tpu.memory_space<hbm>> -> memref<80xi32, #tpu.memory_space<hbm>>
    %dma_start3A_327 = tpu.memref_slice %arg2[%multiple_of3A_325] : memref<320000xi32, #tpu.memory_space<hbm>> -> memref<80xi32, #tpu.memory_space<hbm>>
    tpu.enqueue_dma source(%dma_start3A_327 : memref<80xi32, #tpu.memory_space<hbm>>) target(%arg7 : memref<80xi32, #tpu.memory_space<vmem>>) target_semaphore(%arg20 : memref<!tpu.dma_semaphore, #tpu.memory_space<semaphore_mem>>)
    %add3A_328 = arith.constant 9920 : i32
    %add3A_329 = arith.addi %mul3A_2, %add3A_328 : i32
    %multiple_of3A_330 = tpu.assume_multiple %add3A_329, 8 : i32
    %dma_start3A_331 = tpu.memref_slice %arg3[%multiple_of3A_330] : memref<320000xi32, #tpu.memory_space<hbm>> -> memref<80xi32, #tpu.memory_space<hbm>>
    %dma_start3A_332 = tpu.memref_slice %arg3[%multiple_of3A_330] : memref<320000xi32, #tpu.memory_space<hbm>> -> memref<80xi32, #tpu.memory_space<hbm>>
    tpu.enqueue_dma source(%dma_start3A_332 : memref<80xi32, #tpu.memory_space<hbm>>) target(%arg11 : memref<80xi32, #tpu.memory_space<vmem>>) target_semaphore(%arg20 : memref<!tpu.dma_semaphore, #tpu.memory_space<semaphore_mem>>)
    %add3A_333 = arith.constant 9840 : i32
    %add3A_334 = arith.addi %mul3A_2, %add3A_333 : i32
    %multiple_of3A_335 = tpu.assume_multiple %add3A_334, 8 : i32
    %dma_wait3A_336 = tpu.memref_slice %arg2[%multiple_of3A_335] : memref<320000xi32, #tpu.memory_space<hbm>> -> memref<80xi32, #tpu.memory_space<hbm>>
    %dma_wait3A_337 = tpu.memref_slice %arg2[%multiple_of3A_335] : memref<320000xi32, #tpu.memory_space<hbm>> -> memref<80xi32, #tpu.memory_space<hbm>>
    tpu.wait_dma2 semaphore(%arg23 : memref<!tpu.dma_semaphore, #tpu.memory_space<semaphore_mem>>) src(%dma_wait3A_337 : memref<80xi32, #tpu.memory_space<hbm>>) dst(%arg10 : memref<80xi32, #tpu.memory_space<vmem>>)
    %add3A_338 = arith.constant 9840 : i32
    %add3A_339 = arith.addi %mul3A_2, %add3A_338 : i32
    %multiple_of3A_340 = tpu.assume_multiple %add3A_339, 8 : i32
    %dma_wait3A_341 = tpu.memref_slice %arg3[%multiple_of3A_340] : memref<320000xi32, #tpu.memory_space<hbm>> -> memref<80xi32, #tpu.memory_space<hbm>>
    %dma_wait3A_342 = tpu.memref_slice %arg3[%multiple_of3A_340] : memref<320000xi32, #tpu.memory_space<hbm>> -> memref<80xi32, #tpu.memory_space<hbm>>
    tpu.wait_dma2 semaphore(%arg23 : memref<!tpu.dma_semaphore, #tpu.memory_space<semaphore_mem>>) src(%dma_wait3A_342 : memref<80xi32, #tpu.memory_space<hbm>>) dst(%arg14 : memref<80xi32, #tpu.memory_space<vmem>>)
    %dma_start3A_343 = arith.constant 0 : i32
    %dma_start3A_344 = arith.constant 0 : i32
    %dma_start3A_345 = tpu.memref_slice %arg4[%dma_start3A_343, %dma_start3A_344] : memref<10240x128xf32, #tpu.memory_space<hbm>> -> memref<10240x128xf32, #tpu.memory_space<hbm>>
    tpu.enqueue_indirect_dma source(%dma_start3A_345 : memref<10240x128xf32, #tpu.memory_space<hbm>>) target(%arg18 : memref<80x128xf32, #tpu.memory_space<vmem>>) offsets(%arg10 : memref<80xi32, #tpu.memory_space<vmem>>) semaphore(%arg27 : memref<!tpu.dma_semaphore, #tpu.memory_space<semaphore_mem>>)
    %dma_wait3A_346 = arith.constant 0 : i32
    %dma_wait3A_347 = arith.constant 0 : i32
    %dma_wait3A_348 = tpu.memref_slice %arg4[%dma_wait3A_346, %dma_wait3A_347] : memref<10240x128xf32, #tpu.memory_space<hbm>> -> memref<10240x128xf32, #tpu.memory_space<hbm>>
    tpu.wait_indirect_dma semaphore(%arg26 : memref<!tpu.dma_semaphore, #tpu.memory_space<semaphore_mem>>) src(%dma_wait3A_348 : memref<10240x128xf32, #tpu.memory_space<hbm>>) dst(%arg17 : memref<80x128xf32, #tpu.memory_space<vmem>>)
    %dma_start3A_349 = arith.constant 0 : i32
    %dma_start3A_350 = arith.constant 0 : i32
    %dma_start3A_351 = tpu.memref_slice %arg19[%dma_start3A_349, %dma_start3A_350] : memref<10240x128xf32, #tpu.memory_space<vmem_shared>> -> memref<10240x128xf32, #tpu.memory_space<vmem_shared>>
    tpu.enqueue_indirect_dma source(%arg17 : memref<80x128xf32, #tpu.memory_space<vmem>>) target(%dma_start3A_351 : memref<10240x128xf32, #tpu.memory_space<vmem_shared>>) offsets(%arg13 : memref<80xi32, #tpu.memory_space<vmem>>) semaphore(%arg30 : memref<!tpu.dma_semaphore, #tpu.memory_space<semaphore_mem>>) {add = true}
    %add3A_352 = arith.constant 9920 : i32
    %add3A_353 = arith.addi %mul3A_2, %add3A_352 : i32
    %multiple_of3A_354 = tpu.assume_multiple %add3A_353, 8 : i32
    %dma_wait3A_355 = tpu.memref_slice %arg2[%multiple_of3A_354] : memref<320000xi32, #tpu.memory_space<hbm>> -> memref<80xi32, #tpu.memory_space<hbm>>
    %dma_wait3A_356 = tpu.memref_slice %arg2[%multiple_of3A_354] : memref<320000xi32, #tpu.memory_space<hbm>> -> memref<80xi32, #tpu.memory_space<hbm>>
    tpu.wait_dma2 semaphore(%arg20 : memref<!tpu.dma_semaphore, #tpu.memory_space<semaphore_mem>>) src(%dma_wait3A_356 : memref<80xi32, #tpu.memory_space<hbm>>) dst(%arg7 : memref<80xi32, #tpu.memory_space<vmem>>)
    %add3A_357 = arith.constant 9920 : i32
    %add3A_358 = arith.addi %mul3A_2, %add3A_357 : i32
    %multiple_of3A_359 = tpu.assume_multiple %add3A_358, 8 : i32
    %dma_wait3A_360 = tpu.memref_slice %arg3[%multiple_of3A_359] : memref<320000xi32, #tpu.memory_space<hbm>> -> memref<80xi32, #tpu.memory_space<hbm>>
    %dma_wait3A_361 = tpu.memref_slice %arg3[%multiple_of3A_359] : memref<320000xi32, #tpu.memory_space<hbm>> -> memref<80xi32, #tpu.memory_space<hbm>>
    tpu.wait_dma2 semaphore(%arg20 : memref<!tpu.dma_semaphore, #tpu.memory_space<semaphore_mem>>) src(%dma_wait3A_361 : memref<80xi32, #tpu.memory_space<hbm>>) dst(%arg11 : memref<80xi32, #tpu.memory_space<vmem>>)
    %dma_start3A_362 = arith.constant 0 : i32
    %dma_start3A_363 = arith.constant 0 : i32
    %dma_start3A_364 = tpu.memref_slice %arg4[%dma_start3A_362, %dma_start3A_363] : memref<10240x128xf32, #tpu.memory_space<hbm>> -> memref<10240x128xf32, #tpu.memory_space<hbm>>
    tpu.enqueue_indirect_dma source(%dma_start3A_364 : memref<10240x128xf32, #tpu.memory_space<hbm>>) target(%arg15 : memref<80x128xf32, #tpu.memory_space<vmem>>) offsets(%arg7 : memref<80xi32, #tpu.memory_space<vmem>>) semaphore(%arg24 : memref<!tpu.dma_semaphore, #tpu.memory_space<semaphore_mem>>)
    %dma_wait3A_365 = arith.constant 0 : i32
    %dma_wait3A_366 = arith.constant 0 : i32
    %dma_wait3A_367 = tpu.memref_slice %arg4[%dma_wait3A_365, %dma_wait3A_366] : memref<10240x128xf32, #tpu.memory_space<hbm>> -> memref<10240x128xf32, #tpu.memory_space<hbm>>
    tpu.wait_indirect_dma semaphore(%arg27 : memref<!tpu.dma_semaphore, #tpu.memory_space<semaphore_mem>>) src(%dma_wait3A_367 : memref<10240x128xf32, #tpu.memory_space<hbm>>) dst(%arg18 : memref<80x128xf32, #tpu.memory_space<vmem>>)
    %dma_start3A_368 = arith.constant 0 : i32
    %dma_start3A_369 = arith.constant 0 : i32
    %dma_start3A_370 = tpu.memref_slice %arg19[%dma_start3A_368, %dma_start3A_369] : memref<10240x128xf32, #tpu.memory_space<vmem_shared>> -> memref<10240x128xf32, #tpu.memory_space<vmem_shared>>
    tpu.enqueue_indirect_dma source(%arg18 : memref<80x128xf32, #tpu.memory_space<vmem>>) target(%dma_start3A_370 : memref<10240x128xf32, #tpu.memory_space<vmem_shared>>) offsets(%arg14 : memref<80xi32, #tpu.memory_space<vmem>>) semaphore(%arg31 : memref<!tpu.dma_semaphore, #tpu.memory_space<semaphore_mem>>) {add = true}
    %dma_wait3A_371 = arith.constant 0 : i32
    %dma_wait3A_372 = arith.constant 0 : i32
    %dma_wait3A_373 = tpu.memref_slice %arg4[%dma_wait3A_371, %dma_wait3A_372] : memref<10240x128xf32, #tpu.memory_space<hbm>> -> memref<10240x128xf32, #tpu.memory_space<hbm>>
    tpu.wait_indirect_dma semaphore(%arg24 : memref<!tpu.dma_semaphore, #tpu.memory_space<semaphore_mem>>) src(%dma_wait3A_373 : memref<10240x128xf32, #tpu.memory_space<hbm>>) dst(%arg15 : memref<80x128xf32, #tpu.memory_space<vmem>>)
    %dma_start3A_374 = arith.constant 0 : i32
    %dma_start3A_375 = arith.constant 0 : i32
    %dma_start3A_376 = tpu.memref_slice %arg19[%dma_start3A_374, %dma_start3A_375] : memref<10240x128xf32, #tpu.memory_space<vmem_shared>> -> memref<10240x128xf32, #tpu.memory_space<vmem_shared>>
    tpu.enqueue_indirect_dma source(%arg15 : memref<80x128xf32, #tpu.memory_space<vmem>>) target(%dma_start3A_376 : memref<10240x128xf32, #tpu.memory_space<vmem_shared>>) offsets(%arg11 : memref<80xi32, #tpu.memory_space<vmem>>) semaphore(%arg28 : memref<!tpu.dma_semaphore, #tpu.memory_space<semaphore_mem>>) {add = true}
    %dma_wait3A_377 = arith.constant 0 : i32
    %dma_wait3A_378 = arith.constant 0 : i32
    %dma_wait3A_379 = tpu.memref_slice %arg19[%dma_wait3A_377, %dma_wait3A_378] : memref<10240x128xf32, #tpu.memory_space<vmem_shared>> -> memref<10240x128xf32, #tpu.memory_space<vmem_shared>>
    tpu.wait_indirect_dma semaphore(%arg29 : memref<!tpu.dma_semaphore, #tpu.memory_space<semaphore_mem>>) src(%arg16 : memref<80x128xf32, #tpu.memory_space<vmem>>) dst(%dma_wait3A_379 : memref<10240x128xf32, #tpu.memory_space<vmem_shared>>)
    %dma_wait3A_380 = arith.constant 0 : i32
    %dma_wait3A_381 = arith.constant 0 : i32
    %dma_wait3A_382 = tpu.memref_slice %arg19[%dma_wait3A_380, %dma_wait3A_381] : memref<10240x128xf32, #tpu.memory_space<vmem_shared>> -> memref<10240x128xf32, #tpu.memory_space<vmem_shared>>
    tpu.wait_indirect_dma semaphore(%arg30 : memref<!tpu.dma_semaphore, #tpu.memory_space<semaphore_mem>>) src(%arg17 : memref<80x128xf32, #tpu.memory_space<vmem>>) dst(%dma_wait3A_382 : memref<10240x128xf32, #tpu.memory_space<vmem_shared>>)
    %dma_wait3A_383 = arith.constant 0 : i32
    %dma_wait3A_384 = arith.constant 0 : i32
    %dma_wait3A_385 = tpu.memref_slice %arg19[%dma_wait3A_383, %dma_wait3A_384] : memref<10240x128xf32, #tpu.memory_space<vmem_shared>> -> memref<10240x128xf32, #tpu.memory_space<vmem_shared>>
    tpu.wait_indirect_dma semaphore(%arg31 : memref<!tpu.dma_semaphore, #tpu.memory_space<semaphore_mem>>) src(%arg18 : memref<80x128xf32, #tpu.memory_space<vmem>>) dst(%dma_wait3A_385 : memref<10240x128xf32, #tpu.memory_space<vmem_shared>>)
    %dma_wait3A_386 = arith.constant 0 : i32
    %dma_wait3A_387 = arith.constant 0 : i32
    %dma_wait3A_388 = tpu.memref_slice %arg19[%dma_wait3A_386, %dma_wait3A_387] : memref<10240x128xf32, #tpu.memory_space<vmem_shared>> -> memref<10240x128xf32, #tpu.memory_space<vmem_shared>>
    tpu.wait_indirect_dma semaphore(%arg28 : memref<!tpu.dma_semaphore, #tpu.memory_space<semaphore_mem>>) src(%arg15 : memref<80x128xf32, #tpu.memory_space<vmem>>) dst(%dma_wait3A_388 : memref<10240x128xf32, #tpu.memory_space<vmem_shared>>)
    %barrier3A_389 = arith.constant 0 : index
    tpu.barrier barrier_id(%barrier3A_389)
    %mul3A_390 = arith.constant 640 : i32
    %mul3A_391 = arith.muli %arg1, %mul3A_390 : i32
    %add3A_392 = arith.constant 0 : i32
    %add3A_393 = arith.addi %mul3A_391, %add3A_392 : i32
    %dma_start3A_394 = arith.constant 0 : i32
    %dma_start3A_395 = arith.constant 0 : i32
    %dma_start3A_396 = tpu.memref_slice %arg15[%dma_start3A_394, %dma_start3A_395] : memref<80x128xf32, #tpu.memory_space<vmem>> -> memref<80x128xf32, #tpu.memory_space<vmem>>
    %dma_start3A_397 = arith.constant 0 : i32
    %dma_start3A_398 = tpu.memref_slice %arg19[%add3A_393, %dma_start3A_397] : memref<10240x128xf32, #tpu.memory_space<vmem_shared>> -> memref<80x128xf32, #tpu.memory_space<vmem_shared>>
    %dma_start3A_399 = arith.constant 0 : i32
    %dma_start3A_400 = arith.constant 0 : i32
    %dma_start3A_401 = tpu.memref_slice %arg15[%dma_start3A_399, %dma_start3A_400] : memref<80x128xf32, #tpu.memory_space<vmem>> -> memref<80x128xf32, #tpu.memory_space<vmem>>
    %dma_start3A_402 = arith.constant 0 : i32
    %dma_start3A_403 = tpu.memref_slice %arg19[%add3A_393, %dma_start3A_402] : memref<10240x128xf32, #tpu.memory_space<vmem_shared>> -> memref<80x128xf32, #tpu.memory_space<vmem_shared>>
    tpu.enqueue_dma source(%dma_start3A_403 : memref<80x128xf32, #tpu.memory_space<vmem_shared>>) target(%dma_start3A_401 : memref<80x128xf32, #tpu.memory_space<vmem>>) target_semaphore(%arg24 : memref<!tpu.dma_semaphore, #tpu.memory_space<semaphore_mem>>)
    %mul3A_404 = arith.constant 640 : i32
    %mul3A_405 = arith.muli %arg1, %mul3A_404 : i32
    %add3A_406 = arith.constant 80 : i32
    %add3A_407 = arith.addi %mul3A_405, %add3A_406 : i32
    %dma_start3A_408 = arith.constant 0 : i32
    %dma_start3A_409 = arith.constant 0 : i32
    %dma_start3A_410 = tpu.memref_slice %arg16[%dma_start3A_408, %dma_start3A_409] : memref<80x128xf32, #tpu.memory_space<vmem>> -> memref<80x128xf32, #tpu.memory_space<vmem>>
    %dma_start3A_411 = arith.constant 0 : i32
    %dma_start3A_412 = tpu.memref_slice %arg19[%add3A_407, %dma_start3A_411] : memref<10240x128xf32, #tpu.memory_space<vmem_shared>> -> memref<80x128xf32, #tpu.memory_space<vmem_shared>>
    %dma_start3A_413 = arith.constant 0 : i32
    %dma_start3A_414 = arith.constant 0 : i32
    %dma_start3A_415 = tpu.memref_slice %arg16[%dma_start3A_413, %dma_start3A_414] : memref<80x128xf32, #tpu.memory_space<vmem>> -> memref<80x128xf32, #tpu.memory_space<vmem>>
    %dma_start3A_416 = arith.constant 0 : i32
    %dma_start3A_417 = tpu.memref_slice %arg19[%add3A_407, %dma_start3A_416] : memref<10240x128xf32, #tpu.memory_space<vmem_shared>> -> memref<80x128xf32, #tpu.memory_space<vmem_shared>>
    tpu.enqueue_dma source(%dma_start3A_417 : memref<80x128xf32, #tpu.memory_space<vmem_shared>>) target(%dma_start3A_415 : memref<80x128xf32, #tpu.memory_space<vmem>>) target_semaphore(%arg25 : memref<!tpu.dma_semaphore, #tpu.memory_space<semaphore_mem>>)
    %mul3A_418 = arith.constant 640 : i32
    %mul3A_419 = arith.muli %arg1, %mul3A_418 : i32
    %add3A_420 = arith.constant 0 : i32
    %add3A_421 = arith.addi %mul3A_419, %add3A_420 : i32
    %dma_wait3A_422 = arith.constant 0 : i32
    %dma_wait3A_423 = arith.constant 0 : i32
    %dma_wait3A_424 = tpu.memref_slice %arg15[%dma_wait3A_422, %dma_wait3A_423] : memref<80x128xf32, #tpu.memory_space<vmem>> -> memref<80x128xf32, #tpu.memory_space<vmem>>
    %dma_wait3A_425 = arith.constant 0 : i32
    %dma_wait3A_426 = tpu.memref_slice %arg19[%add3A_421, %dma_wait3A_425] : memref<10240x128xf32, #tpu.memory_space<vmem_shared>> -> memref<80x128xf32, #tpu.memory_space<vmem_shared>>
    %dma_wait3A_427 = arith.constant 0 : i32
    %dma_wait3A_428 = arith.constant 0 : i32
    %dma_wait3A_429 = tpu.memref_slice %arg15[%dma_wait3A_427, %dma_wait3A_428] : memref<80x128xf32, #tpu.memory_space<vmem>> -> memref<80x128xf32, #tpu.memory_space<vmem>>
    %dma_wait3A_430 = arith.constant 0 : i32
    %dma_wait3A_431 = tpu.memref_slice %arg19[%add3A_421, %dma_wait3A_430] : memref<10240x128xf32, #tpu.memory_space<vmem_shared>> -> memref<80x128xf32, #tpu.memory_space<vmem_shared>>
    tpu.wait_dma2 semaphore(%arg24 : memref<!tpu.dma_semaphore, #tpu.memory_space<semaphore_mem>>) src(%dma_wait3A_431 : memref<80x128xf32, #tpu.memory_space<vmem_shared>>) dst(%dma_wait3A_429 : memref<80x128xf32, #tpu.memory_space<vmem>>)
    %dma_start3A_432 = arith.constant 0 : i32
    %dma_start3A_433 = arith.constant 0 : i32
    %dma_start3A_434 = tpu.memref_slice %arg15[%dma_start3A_432, %dma_start3A_433] : memref<80x128xf32, #tpu.memory_space<vmem>> -> memref<80x128xf32, #tpu.memory_space<vmem>>
    %dma_start3A_435 = arith.constant 0 : i32
    %dma_start3A_436 = tpu.memref_slice %arg6[%arg0, %add3A_421, %dma_start3A_435] : memref<2x10240x128xf32, #tpu.memory_space<hbm>> -> memref<1x80x128xf32, #tpu.memory_space<hbm>>
    %dma_start3A_437 = tpu.memref_squeeze %dma_start3A_436 : memref<1x80x128xf32, #tpu.memory_space<hbm>> -> memref<80x128xf32, #tpu.memory_space<hbm>>
    %dma_start3A_438 = arith.constant 0 : i32
    %dma_start3A_439 = tpu.memref_slice %arg6[%arg0, %add3A_421, %dma_start3A_438] : memref<2x10240x128xf32, #tpu.memory_space<hbm>> -> memref<1x80x128xf32, #tpu.memory_space<hbm>>
    %dma_start3A_440 = tpu.memref_squeeze %dma_start3A_439 : memref<1x80x128xf32, #tpu.memory_space<hbm>> -> memref<80x128xf32, #tpu.memory_space<hbm>>
    %dma_start3A_441 = arith.constant 0 : i32
    %dma_start3A_442 = arith.constant 0 : i32
    %dma_start3A_443 = tpu.memref_slice %arg15[%dma_start3A_441, %dma_start3A_442] : memref<80x128xf32, #tpu.memory_space<vmem>> -> memref<80x128xf32, #tpu.memory_space<vmem>>
    tpu.enqueue_dma source(%dma_start3A_443 : memref<80x128xf32, #tpu.memory_space<vmem>>) target(%dma_start3A_440 : memref<80x128xf32, #tpu.memory_space<hbm>>) target_semaphore(%arg28 : memref<!tpu.dma_semaphore, #tpu.memory_space<semaphore_mem>>)
    %mul3A_444 = arith.constant 640 : i32
    %mul3A_445 = arith.muli %arg1, %mul3A_444 : i32
    %add3A_446 = arith.constant 160 : i32
    %add3A_447 = arith.addi %mul3A_445, %add3A_446 : i32
    %dma_start3A_448 = arith.constant 0 : i32
    %dma_start3A_449 = arith.constant 0 : i32
    %dma_start3A_450 = tpu.memref_slice %arg17[%dma_start3A_448, %dma_start3A_449] : memref<80x128xf32, #tpu.memory_space<vmem>> -> memref<80x128xf32, #tpu.memory_space<vmem>>
    %dma_start3A_451 = arith.constant 0 : i32
    %dma_start3A_452 = tpu.memref_slice %arg19[%add3A_447, %dma_start3A_451] : memref<10240x128xf32, #tpu.memory_space<vmem_shared>> -> memref<80x128xf32, #tpu.memory_space<vmem_shared>>
    %dma_start3A_453 = arith.constant 0 : i32
    %dma_start3A_454 = arith.constant 0 : i32
    %dma_start3A_455 = tpu.memref_slice %arg17[%dma_start3A_453, %dma_start3A_454] : memref<80x128xf32, #tpu.memory_space<vmem>> -> memref<80x128xf32, #tpu.memory_space<vmem>>
    %dma_start3A_456 = arith.constant 0 : i32
    %dma_start3A_457 = tpu.memref_slice %arg19[%add3A_447, %dma_start3A_456] : memref<10240x128xf32, #tpu.memory_space<vmem_shared>> -> memref<80x128xf32, #tpu.memory_space<vmem_shared>>
    tpu.enqueue_dma source(%dma_start3A_457 : memref<80x128xf32, #tpu.memory_space<vmem_shared>>) target(%dma_start3A_455 : memref<80x128xf32, #tpu.memory_space<vmem>>) target_semaphore(%arg26 : memref<!tpu.dma_semaphore, #tpu.memory_space<semaphore_mem>>)
    %mul3A_458 = arith.constant 640 : i32
    %mul3A_459 = arith.muli %arg1, %mul3A_458 : i32
    %add3A_460 = arith.constant 80 : i32
    %add3A_461 = arith.addi %mul3A_459, %add3A_460 : i32
    %dma_wait3A_462 = arith.constant 0 : i32
    %dma_wait3A_463 = arith.constant 0 : i32
    %dma_wait3A_464 = tpu.memref_slice %arg16[%dma_wait3A_462, %dma_wait3A_463] : memref<80x128xf32, #tpu.memory_space<vmem>> -> memref<80x128xf32, #tpu.memory_space<vmem>>
    %dma_wait3A_465 = arith.constant 0 : i32
    %dma_wait3A_466 = tpu.memref_slice %arg19[%add3A_461, %dma_wait3A_465] : memref<10240x128xf32, #tpu.memory_space<vmem_shared>> -> memref<80x128xf32, #tpu.memory_space<vmem_shared>>
    %dma_wait3A_467 = arith.constant 0 : i32
    %dma_wait3A_468 = arith.constant 0 : i32
    %dma_wait3A_469 = tpu.memref_slice %arg16[%dma_wait3A_467, %dma_wait3A_468] : memref<80x128xf32, #tpu.memory_space<vmem>> -> memref<80x128xf32, #tpu.memory_space<vmem>>
    %dma_wait3A_470 = arith.constant 0 : i32
    %dma_wait3A_471 = tpu.memref_slice %arg19[%add3A_461, %dma_wait3A_470] : memref<10240x128xf32, #tpu.memory_space<vmem_shared>> -> memref<80x128xf32, #tpu.memory_space<vmem_shared>>
    tpu.wait_dma2 semaphore(%arg25 : memref<!tpu.dma_semaphore, #tpu.memory_space<semaphore_mem>>) src(%dma_wait3A_471 : memref<80x128xf32, #tpu.memory_space<vmem_shared>>) dst(%dma_wait3A_469 : memref<80x128xf32, #tpu.memory_space<vmem>>)
    %dma_start3A_472 = arith.constant 0 : i32
    %dma_start3A_473 = arith.constant 0 : i32
    %dma_start3A_474 = tpu.memref_slice %arg16[%dma_start3A_472, %dma_start3A_473] : memref<80x128xf32, #tpu.memory_space<vmem>> -> memref<80x128xf32, #tpu.memory_space<vmem>>
    %dma_start3A_475 = arith.constant 0 : i32
    %dma_start3A_476 = tpu.memref_slice %arg6[%arg0, %add3A_461, %dma_start3A_475] : memref<2x10240x128xf32, #tpu.memory_space<hbm>> -> memref<1x80x128xf32, #tpu.memory_space<hbm>>
    %dma_start3A_477 = tpu.memref_squeeze %dma_start3A_476 : memref<1x80x128xf32, #tpu.memory_space<hbm>> -> memref<80x128xf32, #tpu.memory_space<hbm>>
    %dma_start3A_478 = arith.constant 0 : i32
    %dma_start3A_479 = tpu.memref_slice %arg6[%arg0, %add3A_461, %dma_start3A_478] : memref<2x10240x128xf32, #tpu.memory_space<hbm>> -> memref<1x80x128xf32, #tpu.memory_space<hbm>>
    %dma_start3A_480 = tpu.memref_squeeze %dma_start3A_479 : memref<1x80x128xf32, #tpu.memory_space<hbm>> -> memref<80x128xf32, #tpu.memory_space<hbm>>
    %dma_start3A_481 = arith.constant 0 : i32
    %dma_start3A_482 = arith.constant 0 : i32
    %dma_start3A_483 = tpu.memref_slice %arg16[%dma_start3A_481, %dma_start3A_482] : memref<80x128xf32, #tpu.memory_space<vmem>> -> memref<80x128xf32, #tpu.memory_space<vmem>>
    tpu.enqueue_dma source(%dma_start3A_483 : memref<80x128xf32, #tpu.memory_space<vmem>>) target(%dma_start3A_480 : memref<80x128xf32, #tpu.memory_space<hbm>>) target_semaphore(%arg29 : memref<!tpu.dma_semaphore, #tpu.memory_space<semaphore_mem>>)
    %mul3A_484 = arith.constant 640 : i32
    %mul3A_485 = arith.muli %arg1, %mul3A_484 : i32
    %add3A_486 = arith.constant 240 : i32
    %add3A_487 = arith.addi %mul3A_485, %add3A_486 : i32
    %dma_start3A_488 = arith.constant 0 : i32
    %dma_start3A_489 = arith.constant 0 : i32
    %dma_start3A_490 = tpu.memref_slice %arg18[%dma_start3A_488, %dma_start3A_489] : memref<80x128xf32, #tpu.memory_space<vmem>> -> memref<80x128xf32, #tpu.memory_space<vmem>>
    %dma_start3A_491 = arith.constant 0 : i32
    %dma_start3A_492 = tpu.memref_slice %arg19[%add3A_487, %dma_start3A_491] : memref<10240x128xf32, #tpu.memory_space<vmem_shared>> -> memref<80x128xf32, #tpu.memory_space<vmem_shared>>
    %dma_start3A_493 = arith.constant 0 : i32
    %dma_start3A_494 = arith.constant 0 : i32
    %dma_start3A_495 = tpu.memref_slice %arg18[%dma_start3A_493, %dma_start3A_494] : memref<80x128xf32, #tpu.memory_space<vmem>> -> memref<80x128xf32, #tpu.memory_space<vmem>>
    %dma_start3A_496 = arith.constant 0 : i32
    %dma_start3A_497 = tpu.memref_slice %arg19[%add3A_487, %dma_start3A_496] : memref<10240x128xf32, #tpu.memory_space<vmem_shared>> -> memref<80x128xf32, #tpu.memory_space<vmem_shared>>
    tpu.enqueue_dma source(%dma_start3A_497 : memref<80x128xf32, #tpu.memory_space<vmem_shared>>) target(%dma_start3A_495 : memref<80x128xf32, #tpu.memory_space<vmem>>) target_semaphore(%arg27 : memref<!tpu.dma_semaphore, #tpu.memory_space<semaphore_mem>>)
    %mul3A_498 = arith.constant 640 : i32
    %mul3A_499 = arith.muli %arg1, %mul3A_498 : i32
    %add3A_500 = arith.constant 160 : i32
    %add3A_501 = arith.addi %mul3A_499, %add3A_500 : i32
    %dma_wait3A_502 = arith.constant 0 : i32
    %dma_wait3A_503 = arith.constant 0 : i32
    %dma_wait3A_504 = tpu.memref_slice %arg17[%dma_wait3A_502, %dma_wait3A_503] : memref<80x128xf32, #tpu.memory_space<vmem>> -> memref<80x128xf32, #tpu.memory_space<vmem>>
    %dma_wait3A_505 = arith.constant 0 : i32
    %dma_wait3A_506 = tpu.memref_slice %arg19[%add3A_501, %dma_wait3A_505] : memref<10240x128xf32, #tpu.memory_space<vmem_shared>> -> memref<80x128xf32, #tpu.memory_space<vmem_shared>>
    %dma_wait3A_507 = arith.constant 0 : i32
    %dma_wait3A_508 = arith.constant 0 : i32
    %dma_wait3A_509 = tpu.memref_slice %arg17[%dma_wait3A_507, %dma_wait3A_508] : memref<80x128xf32, #tpu.memory_space<vmem>> -> memref<80x128xf32, #tpu.memory_space<vmem>>
    %dma_wait3A_510 = arith.constant 0 : i32
    %dma_wait3A_511 = tpu.memref_slice %arg19[%add3A_501, %dma_wait3A_510] : memref<10240x128xf32, #tpu.memory_space<vmem_shared>> -> memref<80x128xf32, #tpu.memory_space<vmem_shared>>
    tpu.wait_dma2 semaphore(%arg26 : memref<!tpu.dma_semaphore, #tpu.memory_space<semaphore_mem>>) src(%dma_wait3A_511 : memref<80x128xf32, #tpu.memory_space<vmem_shared>>) dst(%dma_wait3A_509 : memref<80x128xf32, #tpu.memory_space<vmem>>)
    %dma_start3A_512 = arith.constant 0 : i32
    %dma_start3A_513 = arith.constant 0 : i32
    %dma_start3A_514 = tpu.memref_slice %arg17[%dma_start3A_512, %dma_start3A_513] : memref<80x128xf32, #tpu.memory_space<vmem>> -> memref<80x128xf32, #tpu.memory_space<vmem>>
    %dma_start3A_515 = arith.constant 0 : i32
    %dma_start3A_516 = tpu.memref_slice %arg6[%arg0, %add3A_501, %dma_start3A_515] : memref<2x10240x128xf32, #tpu.memory_space<hbm>> -> memref<1x80x128xf32, #tpu.memory_space<hbm>>
    %dma_start3A_517 = tpu.memref_squeeze %dma_start3A_516 : memref<1x80x128xf32, #tpu.memory_space<hbm>> -> memref<80x128xf32, #tpu.memory_space<hbm>>
    %dma_start3A_518 = arith.constant 0 : i32
    %dma_start3A_519 = tpu.memref_slice %arg6[%arg0, %add3A_501, %dma_start3A_518] : memref<2x10240x128xf32, #tpu.memory_space<hbm>> -> memref<1x80x128xf32, #tpu.memory_space<hbm>>
    %dma_start3A_520 = tpu.memref_squeeze %dma_start3A_519 : memref<1x80x128xf32, #tpu.memory_space<hbm>> -> memref<80x128xf32, #tpu.memory_space<hbm>>
    %dma_start3A_521 = arith.constant 0 : i32
    %dma_start3A_522 = arith.constant 0 : i32
    %dma_start3A_523 = tpu.memref_slice %arg17[%dma_start3A_521, %dma_start3A_522] : memref<80x128xf32, #tpu.memory_space<vmem>> -> memref<80x128xf32, #tpu.memory_space<vmem>>
    tpu.enqueue_dma source(%dma_start3A_523 : memref<80x128xf32, #tpu.memory_space<vmem>>) target(%dma_start3A_520 : memref<80x128xf32, #tpu.memory_space<hbm>>) target_semaphore(%arg30 : memref<!tpu.dma_semaphore, #tpu.memory_space<semaphore_mem>>)
    %mul3A_524 = arith.constant 640 : i32
    %mul3A_525 = arith.muli %arg1, %mul3A_524 : i32
    %add3A_526 = arith.constant 0 : i32
    %add3A_527 = arith.addi %mul3A_525, %add3A_526 : i32
    %dma_wait3A_528 = arith.constant 0 : i32
    %dma_wait3A_529 = arith.constant 0 : i32
    %dma_wait3A_530 = tpu.memref_slice %arg15[%dma_wait3A_528, %dma_wait3A_529] : memref<80x128xf32, #tpu.memory_space<vmem>> -> memref<80x128xf32, #tpu.memory_space<vmem>>
    %dma_wait3A_531 = arith.constant 0 : i32
    %dma_wait3A_532 = tpu.memref_slice %arg6[%arg0, %add3A_527, %dma_wait3A_531] : memref<2x10240x128xf32, #tpu.memory_space<hbm>> -> memref<1x80x128xf32, #tpu.memory_space<hbm>>
    %dma_wait3A_533 = tpu.memref_squeeze %dma_wait3A_532 : memref<1x80x128xf32, #tpu.memory_space<hbm>> -> memref<80x128xf32, #tpu.memory_space<hbm>>
    %dma_wait3A_534 = arith.constant 0 : i32
    %dma_wait3A_535 = tpu.memref_slice %arg6[%arg0, %add3A_527, %dma_wait3A_534] : memref<2x10240x128xf32, #tpu.memory_space<hbm>> -> memref<1x80x128xf32, #tpu.memory_space<hbm>>
    %dma_wait3A_536 = tpu.memref_squeeze %dma_wait3A_535 : memref<1x80x128xf32, #tpu.memory_space<hbm>> -> memref<80x128xf32, #tpu.memory_space<hbm>>
    %dma_wait3A_537 = arith.constant 0 : i32
    %dma_wait3A_538 = arith.constant 0 : i32
    %dma_wait3A_539 = tpu.memref_slice %arg15[%dma_wait3A_537, %dma_wait3A_538] : memref<80x128xf32, #tpu.memory_space<vmem>> -> memref<80x128xf32, #tpu.memory_space<vmem>>
    tpu.wait_dma2 semaphore(%arg28 : memref<!tpu.dma_semaphore, #tpu.memory_space<semaphore_mem>>) src(%dma_wait3A_539 : memref<80x128xf32, #tpu.memory_space<vmem>>) dst(%dma_wait3A_536 : memref<80x128xf32, #tpu.memory_space<hbm>>)
    %mul3A_540 = arith.constant 640 : i32
    %mul3A_541 = arith.muli %arg1, %mul3A_540 : i32
    %add3A_542 = arith.constant 320 : i32
    %add3A_543 = arith.addi %mul3A_541, %add3A_542 : i32
    %dma_start3A_544 = arith.constant 0 : i32
    %dma_start3A_545 = arith.constant 0 : i32
    %dma_start3A_546 = tpu.memref_slice %arg15[%dma_start3A_544, %dma_start3A_545] : memref<80x128xf32, #tpu.memory_space<vmem>> -> memref<80x128xf32, #tpu.memory_space<vmem>>
    %dma_start3A_547 = arith.constant 0 : i32
    %dma_start3A_548 = tpu.memref_slice %arg19[%add3A_543, %dma_start3A_547] : memref<10240x128xf32, #tpu.memory_space<vmem_shared>> -> memref<80x128xf32, #tpu.memory_space<vmem_shared>>
    %dma_start3A_549 = arith.constant 0 : i32
    %dma_start3A_550 = arith.constant 0 : i32
    %dma_start3A_551 = tpu.memref_slice %arg15[%dma_start3A_549, %dma_start3A_550] : memref<80x128xf32, #tpu.memory_space<vmem>> -> memref<80x128xf32, #tpu.memory_space<vmem>>
    %dma_start3A_552 = arith.constant 0 : i32
    %dma_start3A_553 = tpu.memref_slice %arg19[%add3A_543, %dma_start3A_552] : memref<10240x128xf32, #tpu.memory_space<vmem_shared>> -> memref<80x128xf32, #tpu.memory_space<vmem_shared>>
    tpu.enqueue_dma source(%dma_start3A_553 : memref<80x128xf32, #tpu.memory_space<vmem_shared>>) target(%dma_start3A_551 : memref<80x128xf32, #tpu.memory_space<vmem>>) target_semaphore(%arg24 : memref<!tpu.dma_semaphore, #tpu.memory_space<semaphore_mem>>)
    %mul3A_554 = arith.constant 640 : i32
    %mul3A_555 = arith.muli %arg1, %mul3A_554 : i32
    %add3A_556 = arith.constant 240 : i32
    %add3A_557 = arith.addi %mul3A_555, %add3A_556 : i32
    %dma_wait3A_558 = arith.constant 0 : i32
    %dma_wait3A_559 = arith.constant 0 : i32
    %dma_wait3A_560 = tpu.memref_slice %arg18[%dma_wait3A_558, %dma_wait3A_559] : memref<80x128xf32, #tpu.memory_space<vmem>> -> memref<80x128xf32, #tpu.memory_space<vmem>>
    %dma_wait3A_561 = arith.constant 0 : i32
    %dma_wait3A_562 = tpu.memref_slice %arg19[%add3A_557, %dma_wait3A_561] : memref<10240x128xf32, #tpu.memory_space<vmem_shared>> -> memref<80x128xf32, #tpu.memory_space<vmem_shared>>
    %dma_wait3A_563 = arith.constant 0 : i32
    %dma_wait3A_564 = arith.constant 0 : i32
    %dma_wait3A_565 = tpu.memref_slice %arg18[%dma_wait3A_563, %dma_wait3A_564] : memref<80x128xf32, #tpu.memory_space<vmem>> -> memref<80x128xf32, #tpu.memory_space<vmem>>
    %dma_wait3A_566 = arith.constant 0 : i32
    %dma_wait3A_567 = tpu.memref_slice %arg19[%add3A_557, %dma_wait3A_566] : memref<10240x128xf32, #tpu.memory_space<vmem_shared>> -> memref<80x128xf32, #tpu.memory_space<vmem_shared>>
    tpu.wait_dma2 semaphore(%arg27 : memref<!tpu.dma_semaphore, #tpu.memory_space<semaphore_mem>>) src(%dma_wait3A_567 : memref<80x128xf32, #tpu.memory_space<vmem_shared>>) dst(%dma_wait3A_565 : memref<80x128xf32, #tpu.memory_space<vmem>>)
    %dma_start3A_568 = arith.constant 0 : i32
    %dma_start3A_569 = arith.constant 0 : i32
    %dma_start3A_570 = tpu.memref_slice %arg18[%dma_start3A_568, %dma_start3A_569] : memref<80x128xf32, #tpu.memory_space<vmem>> -> memref<80x128xf32, #tpu.memory_space<vmem>>
    %dma_start3A_571 = arith.constant 0 : i32
    %dma_start3A_572 = tpu.memref_slice %arg6[%arg0, %add3A_557, %dma_start3A_571] : memref<2x10240x128xf32, #tpu.memory_space<hbm>> -> memref<1x80x128xf32, #tpu.memory_space<hbm>>
    %dma_start3A_573 = tpu.memref_squeeze %dma_start3A_572 : memref<1x80x128xf32, #tpu.memory_space<hbm>> -> memref<80x128xf32, #tpu.memory_space<hbm>>
    %dma_start3A_574 = arith.constant 0 : i32
    %dma_start3A_575 = tpu.memref_slice %arg6[%arg0, %add3A_557, %dma_start3A_574] : memref<2x10240x128xf32, #tpu.memory_space<hbm>> -> memref<1x80x128xf32, #tpu.memory_space<hbm>>
    %dma_start3A_576 = tpu.memref_squeeze %dma_start3A_575 : memref<1x80x128xf32, #tpu.memory_space<hbm>> -> memref<80x128xf32, #tpu.memory_space<hbm>>
    %dma_start3A_577 = arith.constant 0 : i32
    %dma_start3A_578 = arith.constant 0 : i32
    %dma_start3A_579 = tpu.memref_slice %arg18[%dma_start3A_577, %dma_start3A_578] : memref<80x128xf32, #tpu.memory_space<vmem>> -> memref<80x128xf32, #tpu.memory_space<vmem>>
    tpu.enqueue_dma source(%dma_start3A_579 : memref<80x128xf32, #tpu.memory_space<vmem>>) target(%dma_start3A_576 : memref<80x128xf32, #tpu.memory_space<hbm>>) target_semaphore(%arg31 : memref<!tpu.dma_semaphore, #tpu.memory_space<semaphore_mem>>)
    %mul3A_580 = arith.constant 640 : i32
    %mul3A_581 = arith.muli %arg1, %mul3A_580 : i32
    %add3A_582 = arith.constant 80 : i32
    %add3A_583 = arith.addi %mul3A_581, %add3A_582 : i32
    %dma_wait3A_584 = arith.constant 0 : i32
    %dma_wait3A_585 = arith.constant 0 : i32
    %dma_wait3A_586 = tpu.memref_slice %arg16[%dma_wait3A_584, %dma_wait3A_585] : memref<80x128xf32, #tpu.memory_space<vmem>> -> memref<80x128xf32, #tpu.memory_space<vmem>>
    %dma_wait3A_587 = arith.constant 0 : i32
    %dma_wait3A_588 = tpu.memref_slice %arg6[%arg0, %add3A_583, %dma_wait3A_587] : memref<2x10240x128xf32, #tpu.memory_space<hbm>> -> memref<1x80x128xf32, #tpu.memory_space<hbm>>
    %dma_wait3A_589 = tpu.memref_squeeze %dma_wait3A_588 : memref<1x80x128xf32, #tpu.memory_space<hbm>> -> memref<80x128xf32, #tpu.memory_space<hbm>>
    %dma_wait3A_590 = arith.constant 0 : i32
    %dma_wait3A_591 = tpu.memref_slice %arg6[%arg0, %add3A_583, %dma_wait3A_590] : memref<2x10240x128xf32, #tpu.memory_space<hbm>> -> memref<1x80x128xf32, #tpu.memory_space<hbm>>
    %dma_wait3A_592 = tpu.memref_squeeze %dma_wait3A_591 : memref<1x80x128xf32, #tpu.memory_space<hbm>> -> memref<80x128xf32, #tpu.memory_space<hbm>>
    %dma_wait3A_593 = arith.constant 0 : i32
    %dma_wait3A_594 = arith.constant 0 : i32
    %dma_wait3A_595 = tpu.memref_slice %arg16[%dma_wait3A_593, %dma_wait3A_594] : memref<80x128xf32, #tpu.memory_space<vmem>> -> memref<80x128xf32, #tpu.memory_space<vmem>>
    tpu.wait_dma2 semaphore(%arg29 : memref<!tpu.dma_semaphore, #tpu.memory_space<semaphore_mem>>) src(%dma_wait3A_595 : memref<80x128xf32, #tpu.memory_space<vmem>>) dst(%dma_wait3A_592 : memref<80x128xf32, #tpu.memory_space<hbm>>)
    %mul3A_596 = arith.constant 640 : i32
    %mul3A_597 = arith.muli %arg1, %mul3A_596 : i32
    %add3A_598 = arith.constant 400 : i32
    %add3A_599 = arith.addi %mul3A_597, %add3A_598 : i32
    %dma_start3A_600 = arith.constant 0 : i32
    %dma_start3A_601 = arith.constant 0 : i32
    %dma_start3A_602 = tpu.memref_slice %arg16[%dma_start3A_600, %dma_start3A_601] : memref<80x128xf32, #tpu.memory_space<vmem>> -> memref<80x128xf32, #tpu.memory_space<vmem>>
    %dma_start3A_603 = arith.constant 0 : i32
    %dma_start3A_604 = tpu.memref_slice %arg19[%add3A_599, %dma_start3A_603] : memref<10240x128xf32, #tpu.memory_space<vmem_shared>> -> memref<80x128xf32, #tpu.memory_space<vmem_shared>>
    %dma_start3A_605 = arith.constant 0 : i32
    %dma_start3A_606 = arith.constant 0 : i32
    %dma_start3A_607 = tpu.memref_slice %arg16[%dma_start3A_605, %dma_start3A_606] : memref<80x128xf32, #tpu.memory_space<vmem>> -> memref<80x128xf32, #tpu.memory_space<vmem>>
    %dma_start3A_608 = arith.constant 0 : i32
    %dma_start3A_609 = tpu.memref_slice %arg19[%add3A_599, %dma_start3A_608] : memref<10240x128xf32, #tpu.memory_space<vmem_shared>> -> memref<80x128xf32, #tpu.memory_space<vmem_shared>>
    tpu.enqueue_dma source(%dma_start3A_609 : memref<80x128xf32, #tpu.memory_space<vmem_shared>>) target(%dma_start3A_607 : memref<80x128xf32, #tpu.memory_space<vmem>>) target_semaphore(%arg25 : memref<!tpu.dma_semaphore, #tpu.memory_space<semaphore_mem>>)
    %mul3A_610 = arith.constant 640 : i32
    %mul3A_611 = arith.muli %arg1, %mul3A_610 : i32
    %add3A_612 = arith.constant 320 : i32
    %add3A_613 = arith.addi %mul3A_611, %add3A_612 : i32
    %dma_wait3A_614 = arith.constant 0 : i32
    %dma_wait3A_615 = arith.constant 0 : i32
    %dma_wait3A_616 = tpu.memref_slice %arg15[%dma_wait3A_614, %dma_wait3A_615] : memref<80x128xf32, #tpu.memory_space<vmem>> -> memref<80x128xf32, #tpu.memory_space<vmem>>
    %dma_wait3A_617 = arith.constant 0 : i32
    %dma_wait3A_618 = tpu.memref_slice %arg19[%add3A_613, %dma_wait3A_617] : memref<10240x128xf32, #tpu.memory_space<vmem_shared>> -> memref<80x128xf32, #tpu.memory_space<vmem_shared>>
    %dma_wait3A_619 = arith.constant 0 : i32
    %dma_wait3A_620 = arith.constant 0 : i32
    %dma_wait3A_621 = tpu.memref_slice %arg15[%dma_wait3A_619, %dma_wait3A_620] : memref<80x128xf32, #tpu.memory_space<vmem>> -> memref<80x128xf32, #tpu.memory_space<vmem>>
    %dma_wait3A_622 = arith.constant 0 : i32
    %dma_wait3A_623 = tpu.memref_slice %arg19[%add3A_613, %dma_wait3A_622] : memref<10240x128xf32, #tpu.memory_space<vmem_shared>> -> memref<80x128xf32, #tpu.memory_space<vmem_shared>>
    tpu.wait_dma2 semaphore(%arg24 : memref<!tpu.dma_semaphore, #tpu.memory_space<semaphore_mem>>) src(%dma_wait3A_623 : memref<80x128xf32, #tpu.memory_space<vmem_shared>>) dst(%dma_wait3A_621 : memref<80x128xf32, #tpu.memory_space<vmem>>)
    %dma_start3A_624 = arith.constant 0 : i32
    %dma_start3A_625 = arith.constant 0 : i32
    %dma_start3A_626 = tpu.memref_slice %arg15[%dma_start3A_624, %dma_start3A_625] : memref<80x128xf32, #tpu.memory_space<vmem>> -> memref<80x128xf32, #tpu.memory_space<vmem>>
    %dma_start3A_627 = arith.constant 0 : i32
    %dma_start3A_628 = tpu.memref_slice %arg6[%arg0, %add3A_613, %dma_start3A_627] : memref<2x10240x128xf32, #tpu.memory_space<hbm>> -> memref<1x80x128xf32, #tpu.memory_space<hbm>>
    %dma_start3A_629 = tpu.memref_squeeze %dma_start3A_628 : memref<1x80x128xf32, #tpu.memory_space<hbm>> -> memref<80x128xf32, #tpu.memory_space<hbm>>
    %dma_start3A_630 = arith.constant 0 : i32
    %dma_start3A_631 = tpu.memref_slice %arg6[%arg0, %add3A_613, %dma_start3A_630] : memref<2x10240x128xf32, #tpu.memory_space<hbm>> -> memref<1x80x128xf32, #tpu.memory_space<hbm>>
    %dma_start3A_632 = tpu.memref_squeeze %dma_start3A_631 : memref<1x80x128xf32, #tpu.memory_space<hbm>> -> memref<80x128xf32, #tpu.memory_space<hbm>>
    %dma_start3A_633 = arith.constant 0 : i32
    %dma_start3A_634 = arith.constant 0 : i32
    %dma_start3A_635 = tpu.memref_slice %arg15[%dma_start3A_633, %dma_start3A_634] : memref<80x128xf32, #tpu.memory_space<vmem>> -> memref<80x128xf32, #tpu.memory_space<vmem>>
    tpu.enqueue_dma source(%dma_start3A_635 : memref<80x128xf32, #tpu.memory_space<vmem>>) target(%dma_start3A_632 : memref<80x128xf32, #tpu.memory_space<hbm>>) target_semaphore(%arg28 : memref<!tpu.dma_semaphore, #tpu.memory_space<semaphore_mem>>)
    %mul3A_636 = arith.constant 640 : i32
    %mul3A_637 = arith.muli %arg1, %mul3A_636 : i32
    %add3A_638 = arith.constant 160 : i32
    %add3A_639 = arith.addi %mul3A_637, %add3A_638 : i32
    %dma_wait3A_640 = arith.constant 0 : i32
    %dma_wait3A_641 = arith.constant 0 : i32
    %dma_wait3A_642 = tpu.memref_slice %arg17[%dma_wait3A_640, %dma_wait3A_641] : memref<80x128xf32, #tpu.memory_space<vmem>> -> memref<80x128xf32, #tpu.memory_space<vmem>>
    %dma_wait3A_643 = arith.constant 0 : i32
    %dma_wait3A_644 = tpu.memref_slice %arg6[%arg0, %add3A_639, %dma_wait3A_643] : memref<2x10240x128xf32, #tpu.memory_space<hbm>> -> memref<1x80x128xf32, #tpu.memory_space<hbm>>
    %dma_wait3A_645 = tpu.memref_squeeze %dma_wait3A_644 : memref<1x80x128xf32, #tpu.memory_space<hbm>> -> memref<80x128xf32, #tpu.memory_space<hbm>>
    %dma_wait3A_646 = arith.constant 0 : i32
    %dma_wait3A_647 = tpu.memref_slice %arg6[%arg0, %add3A_639, %dma_wait3A_646] : memref<2x10240x128xf32, #tpu.memory_space<hbm>> -> memref<1x80x128xf32, #tpu.memory_space<hbm>>
    %dma_wait3A_648 = tpu.memref_squeeze %dma_wait3A_647 : memref<1x80x128xf32, #tpu.memory_space<hbm>> -> memref<80x128xf32, #tpu.memory_space<hbm>>
    %dma_wait3A_649 = arith.constant 0 : i32
    %dma_wait3A_650 = arith.constant 0 : i32
    %dma_wait3A_651 = tpu.memref_slice %arg17[%dma_wait3A_649, %dma_wait3A_650] : memref<80x128xf32, #tpu.memory_space<vmem>> -> memref<80x128xf32, #tpu.memory_space<vmem>>
    tpu.wait_dma2 semaphore(%arg30 : memref<!tpu.dma_semaphore, #tpu.memory_space<semaphore_mem>>) src(%dma_wait3A_651 : memref<80x128xf32, #tpu.memory_space<vmem>>) dst(%dma_wait3A_648 : memref<80x128xf32, #tpu.memory_space<hbm>>)
    %mul3A_652 = arith.constant 640 : i32
    %mul3A_653 = arith.muli %arg1, %mul3A_652 : i32
    %add3A_654 = arith.constant 480 : i32
    %add3A_655 = arith.addi %mul3A_653, %add3A_654 : i32
    %dma_start3A_656 = arith.constant 0 : i32
    %dma_start3A_657 = arith.constant 0 : i32
    %dma_start3A_658 = tpu.memref_slice %arg17[%dma_start3A_656, %dma_start3A_657] : memref<80x128xf32, #tpu.memory_space<vmem>> -> memref<80x128xf32, #tpu.memory_space<vmem>>
    %dma_start3A_659 = arith.constant 0 : i32
    %dma_start3A_660 = tpu.memref_slice %arg19[%add3A_655, %dma_start3A_659] : memref<10240x128xf32, #tpu.memory_space<vmem_shared>> -> memref<80x128xf32, #tpu.memory_space<vmem_shared>>
    %dma_start3A_661 = arith.constant 0 : i32
    %dma_start3A_662 = arith.constant 0 : i32
    %dma_start3A_663 = tpu.memref_slice %arg17[%dma_start3A_661, %dma_start3A_662] : memref<80x128xf32, #tpu.memory_space<vmem>> -> memref<80x128xf32, #tpu.memory_space<vmem>>
    %dma_start3A_664 = arith.constant 0 : i32
    %dma_start3A_665 = tpu.memref_slice %arg19[%add3A_655, %dma_start3A_664] : memref<10240x128xf32, #tpu.memory_space<vmem_shared>> -> memref<80x128xf32, #tpu.memory_space<vmem_shared>>
    tpu.enqueue_dma source(%dma_start3A_665 : memref<80x128xf32, #tpu.memory_space<vmem_shared>>) target(%dma_start3A_663 : memref<80x128xf32, #tpu.memory_space<vmem>>) target_semaphore(%arg26 : memref<!tpu.dma_semaphore, #tpu.memory_space<semaphore_mem>>)
    %mul3A_666 = arith.constant 640 : i32
    %mul3A_667 = arith.muli %arg1, %mul3A_666 : i32
    %add3A_668 = arith.constant 400 : i32
    %add3A_669 = arith.addi %mul3A_667, %add3A_668 : i32
    %dma_wait3A_670 = arith.constant 0 : i32
    %dma_wait3A_671 = arith.constant 0 : i32
    %dma_wait3A_672 = tpu.memref_slice %arg16[%dma_wait3A_670, %dma_wait3A_671] : memref<80x128xf32, #tpu.memory_space<vmem>> -> memref<80x128xf32, #tpu.memory_space<vmem>>
    %dma_wait3A_673 = arith.constant 0 : i32
    %dma_wait3A_674 = tpu.memref_slice %arg19[%add3A_669, %dma_wait3A_673] : memref<10240x128xf32, #tpu.memory_space<vmem_shared>> -> memref<80x128xf32, #tpu.memory_space<vmem_shared>>
    %dma_wait3A_675 = arith.constant 0 : i32
    %dma_wait3A_676 = arith.constant 0 : i32
    %dma_wait3A_677 = tpu.memref_slice %arg16[%dma_wait3A_675, %dma_wait3A_676] : memref<80x128xf32, #tpu.memory_space<vmem>> -> memref<80x128xf32, #tpu.memory_space<vmem>>
    %dma_wait3A_678 = arith.constant 0 : i32
    %dma_wait3A_679 = tpu.memref_slice %arg19[%add3A_669, %dma_wait3A_678] : memref<10240x128xf32, #tpu.memory_space<vmem_shared>> -> memref<80x128xf32, #tpu.memory_space<vmem_shared>>
    tpu.wait_dma2 semaphore(%arg25 : memref<!tpu.dma_semaphore, #tpu.memory_space<semaphore_mem>>) src(%dma_wait3A_679 : memref<80x128xf32, #tpu.memory_space<vmem_shared>>) dst(%dma_wait3A_677 : memref<80x128xf32, #tpu.memory_space<vmem>>)
    %dma_start3A_680 = arith.constant 0 : i32
    %dma_start3A_681 = arith.constant 0 : i32
    %dma_start3A_682 = tpu.memref_slice %arg16[%dma_start3A_680, %dma_start3A_681] : memref<80x128xf32, #tpu.memory_space<vmem>> -> memref<80x128xf32, #tpu.memory_space<vmem>>
    %dma_start3A_683 = arith.constant 0 : i32
    %dma_start3A_684 = tpu.memref_slice %arg6[%arg0, %add3A_669, %dma_start3A_683] : memref<2x10240x128xf32, #tpu.memory_space<hbm>> -> memref<1x80x128xf32, #tpu.memory_space<hbm>>
    %dma_start3A_685 = tpu.memref_squeeze %dma_start3A_684 : memref<1x80x128xf32, #tpu.memory_space<hbm>> -> memref<80x128xf32, #tpu.memory_space<hbm>>
    %dma_start3A_686 = arith.constant 0 : i32
    %dma_start3A_687 = tpu.memref_slice %arg6[%arg0, %add3A_669, %dma_start3A_686] : memref<2x10240x128xf32, #tpu.memory_space<hbm>> -> memref<1x80x128xf32, #tpu.memory_space<hbm>>
    %dma_start3A_688 = tpu.memref_squeeze %dma_start3A_687 : memref<1x80x128xf32, #tpu.memory_space<hbm>> -> memref<80x128xf32, #tpu.memory_space<hbm>>
    %dma_start3A_689 = arith.constant 0 : i32
    %dma_start3A_690 = arith.constant 0 : i32
    %dma_start3A_691 = tpu.memref_slice %arg16[%dma_start3A_689, %dma_start3A_690] : memref<80x128xf32, #tpu.memory_space<vmem>> -> memref<80x128xf32, #tpu.memory_space<vmem>>
    tpu.enqueue_dma source(%dma_start3A_691 : memref<80x128xf32, #tpu.memory_space<vmem>>) target(%dma_start3A_688 : memref<80x128xf32, #tpu.memory_space<hbm>>) target_semaphore(%arg29 : memref<!tpu.dma_semaphore, #tpu.memory_space<semaphore_mem>>)
    %mul3A_692 = arith.constant 640 : i32
    %mul3A_693 = arith.muli %arg1, %mul3A_692 : i32
    %add3A_694 = arith.constant 240 : i32
    %add3A_695 = arith.addi %mul3A_693, %add3A_694 : i32
    %dma_wait3A_696 = arith.constant 0 : i32
    %dma_wait3A_697 = arith.constant 0 : i32
    %dma_wait3A_698 = tpu.memref_slice %arg18[%dma_wait3A_696, %dma_wait3A_697] : memref<80x128xf32, #tpu.memory_space<vmem>> -> memref<80x128xf32, #tpu.memory_space<vmem>>
    %dma_wait3A_699 = arith.constant 0 : i32
    %dma_wait3A_700 = tpu.memref_slice %arg6[%arg0, %add3A_695, %dma_wait3A_699] : memref<2x10240x128xf32, #tpu.memory_space<hbm>> -> memref<1x80x128xf32, #tpu.memory_space<hbm>>
    %dma_wait3A_701 = tpu.memref_squeeze %dma_wait3A_700 : memref<1x80x128xf32, #tpu.memory_space<hbm>> -> memref<80x128xf32, #tpu.memory_space<hbm>>
    %dma_wait3A_702 = arith.constant 0 : i32
    %dma_wait3A_703 = tpu.memref_slice %arg6[%arg0, %add3A_695, %dma_wait3A_702] : memref<2x10240x128xf32, #tpu.memory_space<hbm>> -> memref<1x80x128xf32, #tpu.memory_space<hbm>>
    %dma_wait3A_704 = tpu.memref_squeeze %dma_wait3A_703 : memref<1x80x128xf32, #tpu.memory_space<hbm>> -> memref<80x128xf32, #tpu.memory_space<hbm>>
    %dma_wait3A_705 = arith.constant 0 : i32
    %dma_wait3A_706 = arith.constant 0 : i32
    %dma_wait3A_707 = tpu.memref_slice %arg18[%dma_wait3A_705, %dma_wait3A_706] : memref<80x128xf32, #tpu.memory_space<vmem>> -> memref<80x128xf32, #tpu.memory_space<vmem>>
    tpu.wait_dma2 semaphore(%arg31 : memref<!tpu.dma_semaphore, #tpu.memory_space<semaphore_mem>>) src(%dma_wait3A_707 : memref<80x128xf32, #tpu.memory_space<vmem>>) dst(%dma_wait3A_704 : memref<80x128xf32, #tpu.memory_space<hbm>>)
    %mul3A_708 = arith.constant 640 : i32
    %mul3A_709 = arith.muli %arg1, %mul3A_708 : i32
    %add3A_710 = arith.constant 560 : i32
    %add3A_711 = arith.addi %mul3A_709, %add3A_710 : i32
    %dma_start3A_712 = arith.constant 0 : i32
    %dma_start3A_713 = arith.constant 0 : i32
    %dma_start3A_714 = tpu.memref_slice %arg18[%dma_start3A_712, %dma_start3A_713] : memref<80x128xf32, #tpu.memory_space<vmem>> -> memref<80x128xf32, #tpu.memory_space<vmem>>
    %dma_start3A_715 = arith.constant 0 : i32
    %dma_start3A_716 = tpu.memref_slice %arg19[%add3A_711, %dma_start3A_715] : memref<10240x128xf32, #tpu.memory_space<vmem_shared>> -> memref<80x128xf32, #tpu.memory_space<vmem_shared>>
    %dma_start3A_717 = arith.constant 0 : i32
    %dma_start3A_718 = arith.constant 0 : i32
    %dma_start3A_719 = tpu.memref_slice %arg18[%dma_start3A_717, %dma_start3A_718] : memref<80x128xf32, #tpu.memory_space<vmem>> -> memref<80x128xf32, #tpu.memory_space<vmem>>
    %dma_start3A_720 = arith.constant 0 : i32
    %dma_start3A_721 = tpu.memref_slice %arg19[%add3A_711, %dma_start3A_720] : memref<10240x128xf32, #tpu.memory_space<vmem_shared>> -> memref<80x128xf32, #tpu.memory_space<vmem_shared>>
    tpu.enqueue_dma source(%dma_start3A_721 : memref<80x128xf32, #tpu.memory_space<vmem_shared>>) target(%dma_start3A_719 : memref<80x128xf32, #tpu.memory_space<vmem>>) target_semaphore(%arg27 : memref<!tpu.dma_semaphore, #tpu.memory_space<semaphore_mem>>)
    %mul3A_722 = arith.constant 640 : i32
    %mul3A_723 = arith.muli %arg1, %mul3A_722 : i32
    %add3A_724 = arith.constant 480 : i32
    %add3A_725 = arith.addi %mul3A_723, %add3A_724 : i32
    %dma_wait3A_726 = arith.constant 0 : i32
    %dma_wait3A_727 = arith.constant 0 : i32
    %dma_wait3A_728 = tpu.memref_slice %arg17[%dma_wait3A_726, %dma_wait3A_727] : memref<80x128xf32, #tpu.memory_space<vmem>> -> memref<80x128xf32, #tpu.memory_space<vmem>>
    %dma_wait3A_729 = arith.constant 0 : i32
    %dma_wait3A_730 = tpu.memref_slice %arg19[%add3A_725, %dma_wait3A_729] : memref<10240x128xf32, #tpu.memory_space<vmem_shared>> -> memref<80x128xf32, #tpu.memory_space<vmem_shared>>
    %dma_wait3A_731 = arith.constant 0 : i32
    %dma_wait3A_732 = arith.constant 0 : i32
    %dma_wait3A_733 = tpu.memref_slice %arg17[%dma_wait3A_731, %dma_wait3A_732] : memref<80x128xf32, #tpu.memory_space<vmem>> -> memref<80x128xf32, #tpu.memory_space<vmem>>
    %dma_wait3A_734 = arith.constant 0 : i32
    %dma_wait3A_735 = tpu.memref_slice %arg19[%add3A_725, %dma_wait3A_734] : memref<10240x128xf32, #tpu.memory_space<vmem_shared>> -> memref<80x128xf32, #tpu.memory_space<vmem_shared>>
    tpu.wait_dma2 semaphore(%arg26 : memref<!tpu.dma_semaphore, #tpu.memory_space<semaphore_mem>>) src(%dma_wait3A_735 : memref<80x128xf32, #tpu.memory_space<vmem_shared>>) dst(%dma_wait3A_733 : memref<80x128xf32, #tpu.memory_space<vmem>>)
    %dma_start3A_736 = arith.constant 0 : i32
    %dma_start3A_737 = arith.constant 0 : i32
    %dma_start3A_738 = tpu.memref_slice %arg17[%dma_start3A_736, %dma_start3A_737] : memref<80x128xf32, #tpu.memory_space<vmem>> -> memref<80x128xf32, #tpu.memory_space<vmem>>
    %dma_start3A_739 = arith.constant 0 : i32
    %dma_start3A_740 = tpu.memref_slice %arg6[%arg0, %add3A_725, %dma_start3A_739] : memref<2x10240x128xf32, #tpu.memory_space<hbm>> -> memref<1x80x128xf32, #tpu.memory_space<hbm>>
    %dma_start3A_741 = tpu.memref_squeeze %dma_start3A_740 : memref<1x80x128xf32, #tpu.memory_space<hbm>> -> memref<80x128xf32, #tpu.memory_space<hbm>>
    %dma_start3A_742 = arith.constant 0 : i32
    %dma_start3A_743 = tpu.memref_slice %arg6[%arg0, %add3A_725, %dma_start3A_742] : memref<2x10240x128xf32, #tpu.memory_space<hbm>> -> memref<1x80x128xf32, #tpu.memory_space<hbm>>
    %dma_start3A_744 = tpu.memref_squeeze %dma_start3A_743 : memref<1x80x128xf32, #tpu.memory_space<hbm>> -> memref<80x128xf32, #tpu.memory_space<hbm>>
    %dma_start3A_745 = arith.constant 0 : i32
    %dma_start3A_746 = arith.constant 0 : i32
    %dma_start3A_747 = tpu.memref_slice %arg17[%dma_start3A_745, %dma_start3A_746] : memref<80x128xf32, #tpu.memory_space<vmem>> -> memref<80x128xf32, #tpu.memory_space<vmem>>
    tpu.enqueue_dma source(%dma_start3A_747 : memref<80x128xf32, #tpu.memory_space<vmem>>) target(%dma_start3A_744 : memref<80x128xf32, #tpu.memory_space<hbm>>) target_semaphore(%arg30 : memref<!tpu.dma_semaphore, #tpu.memory_space<semaphore_mem>>)
    %mul3A_748 = arith.constant 640 : i32
    %mul3A_749 = arith.muli %arg1, %mul3A_748 : i32
    %add3A_750 = arith.constant 560 : i32
    %add3A_751 = arith.addi %mul3A_749, %add3A_750 : i32
    %dma_wait3A_752 = arith.constant 0 : i32
    %dma_wait3A_753 = arith.constant 0 : i32
    %dma_wait3A_754 = tpu.memref_slice %arg18[%dma_wait3A_752, %dma_wait3A_753] : memref<80x128xf32, #tpu.memory_space<vmem>> -> memref<80x128xf32, #tpu.memory_space<vmem>>
    %dma_wait3A_755 = arith.constant 0 : i32
    %dma_wait3A_756 = tpu.memref_slice %arg19[%add3A_751, %dma_wait3A_755] : memref<10240x128xf32, #tpu.memory_space<vmem_shared>> -> memref<80x128xf32, #tpu.memory_space<vmem_shared>>
    %dma_wait3A_757 = arith.constant 0 : i32
    %dma_wait3A_758 = arith.constant 0 : i32
    %dma_wait3A_759 = tpu.memref_slice %arg18[%dma_wait3A_757, %dma_wait3A_758] : memref<80x128xf32, #tpu.memory_space<vmem>> -> memref<80x128xf32, #tpu.memory_space<vmem>>
    %dma_wait3A_760 = arith.constant 0 : i32
    %dma_wait3A_761 = tpu.memref_slice %arg19[%add3A_751, %dma_wait3A_760] : memref<10240x128xf32, #tpu.memory_space<vmem_shared>> -> memref<80x128xf32, #tpu.memory_space<vmem_shared>>
    tpu.wait_dma2 semaphore(%arg27 : memref<!tpu.dma_semaphore, #tpu.memory_space<semaphore_mem>>) src(%dma_wait3A_761 : memref<80x128xf32, #tpu.memory_space<vmem_shared>>) dst(%dma_wait3A_759 : memref<80x128xf32, #tpu.memory_space<vmem>>)
    %dma_start3A_762 = arith.constant 0 : i32
    %dma_start3A_763 = arith.constant 0 : i32
    %dma_start3A_764 = tpu.memref_slice %arg18[%dma_start3A_762, %dma_start3A_763] : memref<80x128xf32, #tpu.memory_space<vmem>> -> memref<80x128xf32, #tpu.memory_space<vmem>>
    %dma_start3A_765 = arith.constant 0 : i32
    %dma_start3A_766 = tpu.memref_slice %arg6[%arg0, %add3A_751, %dma_start3A_765] : memref<2x10240x128xf32, #tpu.memory_space<hbm>> -> memref<1x80x128xf32, #tpu.memory_space<hbm>>
    %dma_start3A_767 = tpu.memref_squeeze %dma_start3A_766 : memref<1x80x128xf32, #tpu.memory_space<hbm>> -> memref<80x128xf32, #tpu.memory_space<hbm>>
    %dma_start3A_768 = arith.constant 0 : i32
    %dma_start3A_769 = tpu.memref_slice %arg6[%arg0, %add3A_751, %dma_start3A_768] : memref<2x10240x128xf32, #tpu.memory_space<hbm>> -> memref<1x80x128xf32, #tpu.memory_space<hbm>>
    %dma_start3A_770 = tpu.memref_squeeze %dma_start3A_769 : memref<1x80x128xf32, #tpu.memory_space<hbm>> -> memref<80x128xf32, #tpu.memory_space<hbm>>
    %dma_start3A_771 = arith.constant 0 : i32
    %dma_start3A_772 = arith.constant 0 : i32
    %dma_start3A_773 = tpu.memref_slice %arg18[%dma_start3A_771, %dma_start3A_772] : memref<80x128xf32, #tpu.memory_space<vmem>> -> memref<80x128xf32, #tpu.memory_space<vmem>>
    tpu.enqueue_dma source(%dma_start3A_773 : memref<80x128xf32, #tpu.memory_space<vmem>>) target(%dma_start3A_770 : memref<80x128xf32, #tpu.memory_space<hbm>>) target_semaphore(%arg31 : memref<!tpu.dma_semaphore, #tpu.memory_space<semaphore_mem>>)
    %mul3A_774 = arith.constant 640 : i32
    %mul3A_775 = arith.muli %arg1, %mul3A_774 : i32
    %add3A_776 = arith.constant 320 : i32
    %add3A_777 = arith.addi %mul3A_775, %add3A_776 : i32
    %dma_wait3A_778 = arith.constant 0 : i32
    %dma_wait3A_779 = arith.constant 0 : i32
    %dma_wait3A_780 = tpu.memref_slice %arg15[%dma_wait3A_778, %dma_wait3A_779] : memref<80x128xf32, #tpu.memory_space<vmem>> -> memref<80x128xf32, #tpu.memory_space<vmem>>
    %dma_wait3A_781 = arith.constant 0 : i32
    %dma_wait3A_782 = tpu.memref_slice %arg6[%arg0, %add3A_777, %dma_wait3A_781] : memref<2x10240x128xf32, #tpu.memory_space<hbm>> -> memref<1x80x128xf32, #tpu.memory_space<hbm>>
    %dma_wait3A_783 = tpu.memref_squeeze %dma_wait3A_782 : memref<1x80x128xf32, #tpu.memory_space<hbm>> -> memref<80x128xf32, #tpu.memory_space<hbm>>
    %dma_wait3A_784 = arith.constant 0 : i32
    %dma_wait3A_785 = tpu.memref_slice %arg6[%arg0, %add3A_777, %dma_wait3A_784] : memref<2x10240x128xf32, #tpu.memory_space<hbm>> -> memref<1x80x128xf32, #tpu.memory_space<hbm>>
    %dma_wait3A_786 = tpu.memref_squeeze %dma_wait3A_785 : memref<1x80x128xf32, #tpu.memory_space<hbm>> -> memref<80x128xf32, #tpu.memory_space<hbm>>
    %dma_wait3A_787 = arith.constant 0 : i32
    %dma_wait3A_788 = arith.constant 0 : i32
    %dma_wait3A_789 = tpu.memref_slice %arg15[%dma_wait3A_787, %dma_wait3A_788] : memref<80x128xf32, #tpu.memory_space<vmem>> -> memref<80x128xf32, #tpu.memory_space<vmem>>
    tpu.wait_dma2 semaphore(%arg28 : memref<!tpu.dma_semaphore, #tpu.memory_space<semaphore_mem>>) src(%dma_wait3A_789 : memref<80x128xf32, #tpu.memory_space<vmem>>) dst(%dma_wait3A_786 : memref<80x128xf32, #tpu.memory_space<hbm>>)
    %mul3A_790 = arith.constant 640 : i32
    %mul3A_791 = arith.muli %arg1, %mul3A_790 : i32
    %add3A_792 = arith.constant 400 : i32
    %add3A_793 = arith.addi %mul3A_791, %add3A_792 : i32
    %dma_wait3A_794 = arith.constant 0 : i32
    %dma_wait3A_795 = arith.constant 0 : i32
    %dma_wait3A_796 = tpu.memref_slice %arg16[%dma_wait3A_794, %dma_wait3A_795] : memref<80x128xf32, #tpu.memory_space<vmem>> -> memref<80x128xf32, #tpu.memory_space<vmem>>
    %dma_wait3A_797 = arith.constant 0 : i32
    %dma_wait3A_798 = tpu.memref_slice %arg6[%arg0, %add3A_793, %dma_wait3A_797] : memref<2x10240x128xf32, #tpu.memory_space<hbm>> -> memref<1x80x128xf32, #tpu.memory_space<hbm>>
    %dma_wait3A_799 = tpu.memref_squeeze %dma_wait3A_798 : memref<1x80x128xf32, #tpu.memory_space<hbm>> -> memref<80x128xf32, #tpu.memory_space<hbm>>
    %dma_wait3A_800 = arith.constant 0 : i32
    %dma_wait3A_801 = tpu.memref_slice %arg6[%arg0, %add3A_793, %dma_wait3A_800] : memref<2x10240x128xf32, #tpu.memory_space<hbm>> -> memref<1x80x128xf32, #tpu.memory_space<hbm>>
    %dma_wait3A_802 = tpu.memref_squeeze %dma_wait3A_801 : memref<1x80x128xf32, #tpu.memory_space<hbm>> -> memref<80x128xf32, #tpu.memory_space<hbm>>
    %dma_wait3A_803 = arith.constant 0 : i32
    %dma_wait3A_804 = arith.constant 0 : i32
    %dma_wait3A_805 = tpu.memref_slice %arg16[%dma_wait3A_803, %dma_wait3A_804] : memref<80x128xf32, #tpu.memory_space<vmem>> -> memref<80x128xf32, #tpu.memory_space<vmem>>
    tpu.wait_dma2 semaphore(%arg29 : memref<!tpu.dma_semaphore, #tpu.memory_space<semaphore_mem>>) src(%dma_wait3A_805 : memref<80x128xf32, #tpu.memory_space<vmem>>) dst(%dma_wait3A_802 : memref<80x128xf32, #tpu.memory_space<hbm>>)
    %mul3A_806 = arith.constant 640 : i32
    %mul3A_807 = arith.muli %arg1, %mul3A_806 : i32
    %add3A_808 = arith.constant 480 : i32
    %add3A_809 = arith.addi %mul3A_807, %add3A_808 : i32
    %dma_wait3A_810 = arith.constant 0 : i32
    %dma_wait3A_811 = arith.constant 0 : i32
    %dma_wait3A_812 = tpu.memref_slice %arg17[%dma_wait3A_810, %dma_wait3A_811] : memref<80x128xf32, #tpu.memory_space<vmem>> -> memref<80x128xf32, #tpu.memory_space<vmem>>
    %dma_wait3A_813 = arith.constant 0 : i32
    %dma_wait3A_814 = tpu.memref_slice %arg6[%arg0, %add3A_809, %dma_wait3A_813] : memref<2x10240x128xf32, #tpu.memory_space<hbm>> -> memref<1x80x128xf32, #tpu.memory_space<hbm>>
    %dma_wait3A_815 = tpu.memref_squeeze %dma_wait3A_814 : memref<1x80x128xf32, #tpu.memory_space<hbm>> -> memref<80x128xf32, #tpu.memory_space<hbm>>
    %dma_wait3A_816 = arith.constant 0 : i32
    %dma_wait3A_817 = tpu.memref_slice %arg6[%arg0, %add3A_809, %dma_wait3A_816] : memref<2x10240x128xf32, #tpu.memory_space<hbm>> -> memref<1x80x128xf32, #tpu.memory_space<hbm>>
    %dma_wait3A_818 = tpu.memref_squeeze %dma_wait3A_817 : memref<1x80x128xf32, #tpu.memory_space<hbm>> -> memref<80x128xf32, #tpu.memory_space<hbm>>
    %dma_wait3A_819 = arith.constant 0 : i32
    %dma_wait3A_820 = arith.constant 0 : i32
    %dma_wait3A_821 = tpu.memref_slice %arg17[%dma_wait3A_819, %dma_wait3A_820] : memref<80x128xf32, #tpu.memory_space<vmem>> -> memref<80x128xf32, #tpu.memory_space<vmem>>
    tpu.wait_dma2 semaphore(%arg30 : memref<!tpu.dma_semaphore, #tpu.memory_space<semaphore_mem>>) src(%dma_wait3A_821 : memref<80x128xf32, #tpu.memory_space<vmem>>) dst(%dma_wait3A_818 : memref<80x128xf32, #tpu.memory_space<hbm>>)
    %mul3A_822 = arith.constant 640 : i32
    %mul3A_823 = arith.muli %arg1, %mul3A_822 : i32
    %add3A_824 = arith.constant 560 : i32
    %add3A_825 = arith.addi %mul3A_823, %add3A_824 : i32
    %dma_wait3A_826 = arith.constant 0 : i32
    %dma_wait3A_827 = arith.constant 0 : i32
    %dma_wait3A_828 = tpu.memref_slice %arg18[%dma_wait3A_826, %dma_wait3A_827] : memref<80x128xf32, #tpu.memory_space<vmem>> -> memref<80x128xf32, #tpu.memory_space<vmem>>
    %dma_wait3A_829 = arith.constant 0 : i32
    %dma_wait3A_830 = tpu.memref_slice %arg6[%arg0, %add3A_825, %dma_wait3A_829] : memref<2x10240x128xf32, #tpu.memory_space<hbm>> -> memref<1x80x128xf32, #tpu.memory_space<hbm>>
    %dma_wait3A_831 = tpu.memref_squeeze %dma_wait3A_830 : memref<1x80x128xf32, #tpu.memory_space<hbm>> -> memref<80x128xf32, #tpu.memory_space<hbm>>
    %dma_wait3A_832 = arith.constant 0 : i32
    %dma_wait3A_833 = tpu.memref_slice %arg6[%arg0, %add3A_825, %dma_wait3A_832] : memref<2x10240x128xf32, #tpu.memory_space<hbm>> -> memref<1x80x128xf32, #tpu.memory_space<hbm>>
    %dma_wait3A_834 = tpu.memref_squeeze %dma_wait3A_833 : memref<1x80x128xf32, #tpu.memory_space<hbm>> -> memref<80x128xf32, #tpu.memory_space<hbm>>
    %dma_wait3A_835 = arith.constant 0 : i32
    %dma_wait3A_836 = arith.constant 0 : i32
    %dma_wait3A_837 = tpu.memref_slice %arg18[%dma_wait3A_835, %dma_wait3A_836] : memref<80x128xf32, #tpu.memory_space<vmem>> -> memref<80x128xf32, #tpu.memory_space<vmem>>
    tpu.wait_dma2 semaphore(%arg31 : memref<!tpu.dma_semaphore, #tpu.memory_space<semaphore_mem>>) src(%dma_wait3A_837 : memref<80x128xf32, #tpu.memory_space<vmem>>) dst(%dma_wait3A_834 : memref<80x128xf32, #tpu.memory_space<hbm>>)
    return
  }
}

#map = affine_map<(d0, d1) -> (0)>
#map1 = affine_map<(d0, d1) -> (0, 0)>
#map2 = affine_map<(d0, d1) -> (0, 0, 0)>
module attributes {stable_mosaic.version = 14 : i64} {
  func.func @_agg_kernel(%arg0: i32, %arg1: i32, %arg2: memref<320000xi32, #tpu.memory_space<hbm>>, %arg3: memref<320000xi32, #tpu.memory_space<hbm>>, %arg4: memref<10240x128xf32, #tpu.memory_space<hbm>>, %arg5: memref<80x128xf32, #tpu.memory_space<hbm>>, %arg6: memref<2x10240x128xf32, #tpu.memory_space<hbm>>, %arg7: memref<80xi32, #tpu.memory_space<vmem>>, %arg8: memref<80xi32, #tpu.memory_space<vmem>>, %arg9: memref<80xi32, #tpu.memory_space<vmem>>, %arg10: memref<80xi32, #tpu.memory_space<vmem>>, %arg11: memref<80xi32, #tpu.memory_space<vmem>>, %arg12: memref<80xi32, #tpu.memory_space<vmem>>, %arg13: memref<80xi32, #tpu.memory_space<vmem>>, %arg14: memref<80xi32, #tpu.memory_space<vmem>>, %arg15: memref<80x128xf32, #tpu.memory_space<vmem>>, %arg16: memref<80x128xf32, #tpu.memory_space<vmem>>, %arg17: memref<80x128xf32, #tpu.memory_space<vmem>>, %arg18: memref<80x128xf32, #tpu.memory_space<vmem>>, %arg19: memref<10240x128xf32, #tpu.memory_space<vmem_shared>>, %arg20: memref<!tpu.dma_semaphore, #tpu.memory_space<semaphore_mem>>, %arg21: memref<!tpu.dma_semaphore, #tpu.memory_space<semaphore_mem>>, %arg22: memref<!tpu.dma_semaphore, #tpu.memory_space<semaphore_mem>>, %arg23: memref<!tpu.dma_semaphore, #tpu.memory_space<semaphore_mem>>, %arg24: memref<!tpu.dma_semaphore, #tpu.memory_space<semaphore_mem>>, %arg25: memref<!tpu.dma_semaphore, #tpu.memory_space<semaphore_mem>>, %arg26: memref<!tpu.dma_semaphore, #tpu.memory_space<semaphore_mem>>, %arg27: memref<!tpu.dma_semaphore, #tpu.memory_space<semaphore_mem>>, %arg28: memref<!tpu.dma_semaphore, #tpu.memory_space<semaphore_mem>>, %arg29: memref<!tpu.dma_semaphore, #tpu.memory_space<semaphore_mem>>, %arg30: memref<!tpu.dma_semaphore, #tpu.memory_space<semaphore_mem>>, %arg31: memref<!tpu.dma_semaphore, #tpu.memory_space<semaphore_mem>>) attributes {dimension_semantics = [#tpu.dimension_semantics<core_parallel>, #tpu.dimension_semantics<subcore_parallel>], iteration_bounds = array<i64: 2, 16>, scalar_prefetch = 0 : i64, scratch_operands = 25 : i64, tpu.core_type = #tpu.core_type<sc_vector_subcore>, window_params = [{transform_indices = #map}, {transform_indices = #map}, {transform_indices = #map1}, {transform_indices = #map1}, {transform_indices = #map2}]} {
    %mul3A = arith.constant 16 : i32
    %mul3A_0 = arith.muli %arg0, %mul3A : i32
    %add3A = arith.addi %mul3A_0, %arg1 : i32
    %mul3A_1 = arith.constant 10000 : i32
    %mul3A_2 = arith.muli %add3A, %mul3A_1 : i32
    %add3A_3 = arith.constant 0 : i32
    %add3A_4 = arith.addi %mul3A_2, %add3A_3 : i32
    %multiple_of3A = tpu.assume_multiple %add3A_4, 8 : i32
    %dma_start3A = tpu.memref_slice %arg2[%multiple_of3A] : memref<320000xi32, #tpu.memory_space<hbm>> -> memref<80xi32, #tpu.memory_space<hbm>>
    %dma_start3A_5 = tpu.memref_slice %arg2[%multiple_of3A] : memref<320000xi32, #tpu.memory_space<hbm>> -> memref<80xi32, #tpu.memory_space<hbm>>
    tpu.enqueue_dma source(%dma_start3A_5 : memref<80xi32, #tpu.memory_space<hbm>>) target(%arg7 : memref<80xi32, #tpu.memory_space<vmem>>) target_semaphore(%arg20 : memref<!tpu.dma_semaphore, #tpu.memory_space<semaphore_mem>>)
    %add3A_6 = arith.constant 0 : i32
    %add3A_7 = arith.addi %mul3A_2, %add3A_6 : i32
    %multiple_of3A_8 = tpu.assume_multiple %add3A_7, 8 : i32
    %dma_start3A_9 = tpu.memref_slice %arg3[%multiple_of3A_8] : memref<320000xi32, #tpu.memory_space<hbm>> -> memref<80xi32, #tpu.memory_space<hbm>>
    %dma_start3A_10 = tpu.memref_slice %arg3[%multiple_of3A_8] : memref<320000xi32, #tpu.memory_space<hbm>> -> memref<80xi32, #tpu.memory_space<hbm>>
    tpu.enqueue_dma source(%dma_start3A_10 : memref<80xi32, #tpu.memory_space<hbm>>) target(%arg11 : memref<80xi32, #tpu.memory_space<vmem>>) target_semaphore(%arg20 : memref<!tpu.dma_semaphore, #tpu.memory_space<semaphore_mem>>)
    %add3A_11 = arith.constant 80 : i32
    %add3A_12 = arith.addi %mul3A_2, %add3A_11 : i32
    %multiple_of3A_13 = tpu.assume_multiple %add3A_12, 8 : i32
    %dma_start3A_14 = tpu.memref_slice %arg2[%multiple_of3A_13] : memref<320000xi32, #tpu.memory_space<hbm>> -> memref<80xi32, #tpu.memory_space<hbm>>
    %dma_start3A_15 = tpu.memref_slice %arg2[%multiple_of3A_13] : memref<320000xi32, #tpu.memory_space<hbm>> -> memref<80xi32, #tpu.memory_space<hbm>>
    tpu.enqueue_dma source(%dma_start3A_15 : memref<80xi32, #tpu.memory_space<hbm>>) target(%arg8 : memref<80xi32, #tpu.memory_space<vmem>>) target_semaphore(%arg21 : memref<!tpu.dma_semaphore, #tpu.memory_space<semaphore_mem>>)
    %add3A_16 = arith.constant 80 : i32
    %add3A_17 = arith.addi %mul3A_2, %add3A_16 : i32
    %multiple_of3A_18 = tpu.assume_multiple %add3A_17, 8 : i32
    %dma_start3A_19 = tpu.memref_slice %arg3[%multiple_of3A_18] : memref<320000xi32, #tpu.memory_space<hbm>> -> memref<80xi32, #tpu.memory_space<hbm>>
    %dma_start3A_20 = tpu.memref_slice %arg3[%multiple_of3A_18] : memref<320000xi32, #tpu.memory_space<hbm>> -> memref<80xi32, #tpu.memory_space<hbm>>
    tpu.enqueue_dma source(%dma_start3A_20 : memref<80xi32, #tpu.memory_space<hbm>>) target(%arg12 : memref<80xi32, #tpu.memory_space<vmem>>) target_semaphore(%arg21 : memref<!tpu.dma_semaphore, #tpu.memory_space<semaphore_mem>>)
    "tpu.region"() ({
      %run_scoped3A = tpu.sem_alloc : memref<!tpu.dma_semaphore, #tpu.memory_space<semaphore_mem>>
      tpu.enqueue_dma source(%arg5 : memref<80x128xf32, #tpu.memory_space<hbm>>) target(%arg18 : memref<80x128xf32, #tpu.memory_space<vmem>>) target_semaphore(%run_scoped3A : memref<!tpu.dma_semaphore, #tpu.memory_space<semaphore_mem>>)
      tpu.wait_dma2 semaphore(%run_scoped3A : memref<!tpu.dma_semaphore, #tpu.memory_space<semaphore_mem>>) src(%arg5 : memref<80x128xf32, #tpu.memory_space<hbm>>) dst(%arg18 : memref<80x128xf32, #tpu.memory_space<vmem>>)
      tpu.yield
    }) : () -> ()
    %mul3A_21 = arith.constant 640 : i32
    %mul3A_22 = arith.muli %arg1, %mul3A_21 : i32
    %add3A_23 = arith.constant 0 : i32
    %add3A_24 = arith.addi %mul3A_22, %add3A_23 : i32
    %dma_start3A_25 = arith.constant 0 : i32
    %dma_start3A_26 = arith.constant 0 : i32
    %dma_start3A_27 = tpu.memref_slice %arg18[%dma_start3A_25, %dma_start3A_26] : memref<80x128xf32, #tpu.memory_space<vmem>> -> memref<80x128xf32, #tpu.memory_space<vmem>>
    %dma_start3A_28 = arith.constant 0 : i32
    %dma_start3A_29 = tpu.memref_slice %arg19[%add3A_24, %dma_start3A_28] : memref<10240x128xf32, #tpu.memory_space<vmem_shared>> -> memref<80x128xf32, #tpu.memory_space<vmem_shared>>
    %dma_start3A_30 = arith.constant 0 : i32
    %dma_start3A_31 = tpu.memref_slice %arg19[%add3A_24, %dma_start3A_30] : memref<10240x128xf32, #tpu.memory_space<vmem_shared>> -> memref<80x128xf32, #tpu.memory_space<vmem_shared>>
    %dma_start3A_32 = arith.constant 0 : i32
    %dma_start3A_33 = arith.constant 0 : i32
    %dma_start3A_34 = tpu.memref_slice %arg18[%dma_start3A_32, %dma_start3A_33] : memref<80x128xf32, #tpu.memory_space<vmem>> -> memref<80x128xf32, #tpu.memory_space<vmem>>
    tpu.enqueue_dma source(%dma_start3A_34 : memref<80x128xf32, #tpu.memory_space<vmem>>) target(%dma_start3A_31 : memref<80x128xf32, #tpu.memory_space<vmem_shared>>) target_semaphore(%arg31 : memref<!tpu.dma_semaphore, #tpu.memory_space<semaphore_mem>>)
    %mul3A_35 = arith.constant 640 : i32
    %mul3A_36 = arith.muli %arg1, %mul3A_35 : i32
    %add3A_37 = arith.constant 80 : i32
    %add3A_38 = arith.addi %mul3A_36, %add3A_37 : i32
    %dma_start3A_39 = arith.constant 0 : i32
    %dma_start3A_40 = arith.constant 0 : i32
    %dma_start3A_41 = tpu.memref_slice %arg18[%dma_start3A_39, %dma_start3A_40] : memref<80x128xf32, #tpu.memory_space<vmem>> -> memref<80x128xf32, #tpu.memory_space<vmem>>
    %dma_start3A_42 = arith.constant 0 : i32
    %dma_start3A_43 = tpu.memref_slice %arg19[%add3A_38, %dma_start3A_42] : memref<10240x128xf32, #tpu.memory_space<vmem_shared>> -> memref<80x128xf32, #tpu.memory_space<vmem_shared>>
    %dma_start3A_44 = arith.constant 0 : i32
    %dma_start3A_45 = tpu.memref_slice %arg19[%add3A_38, %dma_start3A_44] : memref<10240x128xf32, #tpu.memory_space<vmem_shared>> -> memref<80x128xf32, #tpu.memory_space<vmem_shared>>
    %dma_start3A_46 = arith.constant 0 : i32
    %dma_start3A_47 = arith.constant 0 : i32
    %dma_start3A_48 = tpu.memref_slice %arg18[%dma_start3A_46, %dma_start3A_47] : memref<80x128xf32, #tpu.memory_space<vmem>> -> memref<80x128xf32, #tpu.memory_space<vmem>>
    tpu.enqueue_dma source(%dma_start3A_48 : memref<80x128xf32, #tpu.memory_space<vmem>>) target(%dma_start3A_45 : memref<80x128xf32, #tpu.memory_space<vmem_shared>>) target_semaphore(%arg31 : memref<!tpu.dma_semaphore, #tpu.memory_space<semaphore_mem>>)
    %mul3A_49 = arith.constant 640 : i32
    %mul3A_50 = arith.muli %arg1, %mul3A_49 : i32
    %add3A_51 = arith.constant 160 : i32
    %add3A_52 = arith.addi %mul3A_50, %add3A_51 : i32
    %dma_start3A_53 = arith.constant 0 : i32
    %dma_start3A_54 = arith.constant 0 : i32
    %dma_start3A_55 = tpu.memref_slice %arg18[%dma_start3A_53, %dma_start3A_54] : memref<80x128xf32, #tpu.memory_space<vmem>> -> memref<80x128xf32, #tpu.memory_space<vmem>>
    %dma_start3A_56 = arith.constant 0 : i32
    %dma_start3A_57 = tpu.memref_slice %arg19[%add3A_52, %dma_start3A_56] : memref<10240x128xf32, #tpu.memory_space<vmem_shared>> -> memref<80x128xf32, #tpu.memory_space<vmem_shared>>
    %dma_start3A_58 = arith.constant 0 : i32
    %dma_start3A_59 = tpu.memref_slice %arg19[%add3A_52, %dma_start3A_58] : memref<10240x128xf32, #tpu.memory_space<vmem_shared>> -> memref<80x128xf32, #tpu.memory_space<vmem_shared>>
    %dma_start3A_60 = arith.constant 0 : i32
    %dma_start3A_61 = arith.constant 0 : i32
    %dma_start3A_62 = tpu.memref_slice %arg18[%dma_start3A_60, %dma_start3A_61] : memref<80x128xf32, #tpu.memory_space<vmem>> -> memref<80x128xf32, #tpu.memory_space<vmem>>
    tpu.enqueue_dma source(%dma_start3A_62 : memref<80x128xf32, #tpu.memory_space<vmem>>) target(%dma_start3A_59 : memref<80x128xf32, #tpu.memory_space<vmem_shared>>) target_semaphore(%arg31 : memref<!tpu.dma_semaphore, #tpu.memory_space<semaphore_mem>>)
    %mul3A_63 = arith.constant 640 : i32
    %mul3A_64 = arith.muli %arg1, %mul3A_63 : i32
    %add3A_65 = arith.constant 240 : i32
    %add3A_66 = arith.addi %mul3A_64, %add3A_65 : i32
    %dma_start3A_67 = arith.constant 0 : i32
    %dma_start3A_68 = arith.constant 0 : i32
    %dma_start3A_69 = tpu.memref_slice %arg18[%dma_start3A_67, %dma_start3A_68] : memref<80x128xf32, #tpu.memory_space<vmem>> -> memref<80x128xf32, #tpu.memory_space<vmem>>
    %dma_start3A_70 = arith.constant 0 : i32
    %dma_start3A_71 = tpu.memref_slice %arg19[%add3A_66, %dma_start3A_70] : memref<10240x128xf32, #tpu.memory_space<vmem_shared>> -> memref<80x128xf32, #tpu.memory_space<vmem_shared>>
    %dma_start3A_72 = arith.constant 0 : i32
    %dma_start3A_73 = tpu.memref_slice %arg19[%add3A_66, %dma_start3A_72] : memref<10240x128xf32, #tpu.memory_space<vmem_shared>> -> memref<80x128xf32, #tpu.memory_space<vmem_shared>>
    %dma_start3A_74 = arith.constant 0 : i32
    %dma_start3A_75 = arith.constant 0 : i32
    %dma_start3A_76 = tpu.memref_slice %arg18[%dma_start3A_74, %dma_start3A_75] : memref<80x128xf32, #tpu.memory_space<vmem>> -> memref<80x128xf32, #tpu.memory_space<vmem>>
    tpu.enqueue_dma source(%dma_start3A_76 : memref<80x128xf32, #tpu.memory_space<vmem>>) target(%dma_start3A_73 : memref<80x128xf32, #tpu.memory_space<vmem_shared>>) target_semaphore(%arg31 : memref<!tpu.dma_semaphore, #tpu.memory_space<semaphore_mem>>)
    %mul3A_77 = arith.constant 640 : i32
    %mul3A_78 = arith.muli %arg1, %mul3A_77 : i32
    %add3A_79 = arith.constant 320 : i32
    %add3A_80 = arith.addi %mul3A_78, %add3A_79 : i32
    %dma_start3A_81 = arith.constant 0 : i32
    %dma_start3A_82 = arith.constant 0 : i32
    %dma_start3A_83 = tpu.memref_slice %arg18[%dma_start3A_81, %dma_start3A_82] : memref<80x128xf32, #tpu.memory_space<vmem>> -> memref<80x128xf32, #tpu.memory_space<vmem>>
    %dma_start3A_84 = arith.constant 0 : i32
    %dma_start3A_85 = tpu.memref_slice %arg19[%add3A_80, %dma_start3A_84] : memref<10240x128xf32, #tpu.memory_space<vmem_shared>> -> memref<80x128xf32, #tpu.memory_space<vmem_shared>>
    %dma_start3A_86 = arith.constant 0 : i32
    %dma_start3A_87 = tpu.memref_slice %arg19[%add3A_80, %dma_start3A_86] : memref<10240x128xf32, #tpu.memory_space<vmem_shared>> -> memref<80x128xf32, #tpu.memory_space<vmem_shared>>
    %dma_start3A_88 = arith.constant 0 : i32
    %dma_start3A_89 = arith.constant 0 : i32
    %dma_start3A_90 = tpu.memref_slice %arg18[%dma_start3A_88, %dma_start3A_89] : memref<80x128xf32, #tpu.memory_space<vmem>> -> memref<80x128xf32, #tpu.memory_space<vmem>>
    tpu.enqueue_dma source(%dma_start3A_90 : memref<80x128xf32, #tpu.memory_space<vmem>>) target(%dma_start3A_87 : memref<80x128xf32, #tpu.memory_space<vmem_shared>>) target_semaphore(%arg31 : memref<!tpu.dma_semaphore, #tpu.memory_space<semaphore_mem>>)
    %mul3A_91 = arith.constant 640 : i32
    %mul3A_92 = arith.muli %arg1, %mul3A_91 : i32
    %add3A_93 = arith.constant 400 : i32
    %add3A_94 = arith.addi %mul3A_92, %add3A_93 : i32
    %dma_start3A_95 = arith.constant 0 : i32
    %dma_start3A_96 = arith.constant 0 : i32
    %dma_start3A_97 = tpu.memref_slice %arg18[%dma_start3A_95, %dma_start3A_96] : memref<80x128xf32, #tpu.memory_space<vmem>> -> memref<80x128xf32, #tpu.memory_space<vmem>>
    %dma_start3A_98 = arith.constant 0 : i32
    %dma_start3A_99 = tpu.memref_slice %arg19[%add3A_94, %dma_start3A_98] : memref<10240x128xf32, #tpu.memory_space<vmem_shared>> -> memref<80x128xf32, #tpu.memory_space<vmem_shared>>
    %dma_start3A_100 = arith.constant 0 : i32
    %dma_start3A_101 = tpu.memref_slice %arg19[%add3A_94, %dma_start3A_100] : memref<10240x128xf32, #tpu.memory_space<vmem_shared>> -> memref<80x128xf32, #tpu.memory_space<vmem_shared>>
    %dma_start3A_102 = arith.constant 0 : i32
    %dma_start3A_103 = arith.constant 0 : i32
    %dma_start3A_104 = tpu.memref_slice %arg18[%dma_start3A_102, %dma_start3A_103] : memref<80x128xf32, #tpu.memory_space<vmem>> -> memref<80x128xf32, #tpu.memory_space<vmem>>
    tpu.enqueue_dma source(%dma_start3A_104 : memref<80x128xf32, #tpu.memory_space<vmem>>) target(%dma_start3A_101 : memref<80x128xf32, #tpu.memory_space<vmem_shared>>) target_semaphore(%arg31 : memref<!tpu.dma_semaphore, #tpu.memory_space<semaphore_mem>>)
    %mul3A_105 = arith.constant 640 : i32
    %mul3A_106 = arith.muli %arg1, %mul3A_105 : i32
    %add3A_107 = arith.constant 480 : i32
    %add3A_108 = arith.addi %mul3A_106, %add3A_107 : i32
    %dma_start3A_109 = arith.constant 0 : i32
    %dma_start3A_110 = arith.constant 0 : i32
    %dma_start3A_111 = tpu.memref_slice %arg18[%dma_start3A_109, %dma_start3A_110] : memref<80x128xf32, #tpu.memory_space<vmem>> -> memref<80x128xf32, #tpu.memory_space<vmem>>
    %dma_start3A_112 = arith.constant 0 : i32
    %dma_start3A_113 = tpu.memref_slice %arg19[%add3A_108, %dma_start3A_112] : memref<10240x128xf32, #tpu.memory_space<vmem_shared>> -> memref<80x128xf32, #tpu.memory_space<vmem_shared>>
    %dma_start3A_114 = arith.constant 0 : i32
    %dma_start3A_115 = tpu.memref_slice %arg19[%add3A_108, %dma_start3A_114] : memref<10240x128xf32, #tpu.memory_space<vmem_shared>> -> memref<80x128xf32, #tpu.memory_space<vmem_shared>>
    %dma_start3A_116 = arith.constant 0 : i32
    %dma_start3A_117 = arith.constant 0 : i32
    %dma_start3A_118 = tpu.memref_slice %arg18[%dma_start3A_116, %dma_start3A_117] : memref<80x128xf32, #tpu.memory_space<vmem>> -> memref<80x128xf32, #tpu.memory_space<vmem>>
    tpu.enqueue_dma source(%dma_start3A_118 : memref<80x128xf32, #tpu.memory_space<vmem>>) target(%dma_start3A_115 : memref<80x128xf32, #tpu.memory_space<vmem_shared>>) target_semaphore(%arg31 : memref<!tpu.dma_semaphore, #tpu.memory_space<semaphore_mem>>)
    %mul3A_119 = arith.constant 640 : i32
    %mul3A_120 = arith.muli %arg1, %mul3A_119 : i32
    %add3A_121 = arith.constant 560 : i32
    %add3A_122 = arith.addi %mul3A_120, %add3A_121 : i32
    %dma_start3A_123 = arith.constant 0 : i32
    %dma_start3A_124 = arith.constant 0 : i32
    %dma_start3A_125 = tpu.memref_slice %arg18[%dma_start3A_123, %dma_start3A_124] : memref<80x128xf32, #tpu.memory_space<vmem>> -> memref<80x128xf32, #tpu.memory_space<vmem>>
    %dma_start3A_126 = arith.constant 0 : i32
    %dma_start3A_127 = tpu.memref_slice %arg19[%add3A_122, %dma_start3A_126] : memref<10240x128xf32, #tpu.memory_space<vmem_shared>> -> memref<80x128xf32, #tpu.memory_space<vmem_shared>>
    %dma_start3A_128 = arith.constant 0 : i32
    %dma_start3A_129 = tpu.memref_slice %arg19[%add3A_122, %dma_start3A_128] : memref<10240x128xf32, #tpu.memory_space<vmem_shared>> -> memref<80x128xf32, #tpu.memory_space<vmem_shared>>
    %dma_start3A_130 = arith.constant 0 : i32
    %dma_start3A_131 = arith.constant 0 : i32
    %dma_start3A_132 = tpu.memref_slice %arg18[%dma_start3A_130, %dma_start3A_131] : memref<80x128xf32, #tpu.memory_space<vmem>> -> memref<80x128xf32, #tpu.memory_space<vmem>>
    tpu.enqueue_dma source(%dma_start3A_132 : memref<80x128xf32, #tpu.memory_space<vmem>>) target(%dma_start3A_129 : memref<80x128xf32, #tpu.memory_space<vmem_shared>>) target_semaphore(%arg31 : memref<!tpu.dma_semaphore, #tpu.memory_space<semaphore_mem>>)
    %add3A_133 = arith.constant 0 : i32
    %add3A_134 = arith.addi %mul3A_2, %add3A_133 : i32
    %multiple_of3A_135 = tpu.assume_multiple %add3A_134, 8 : i32
    %dma_wait3A = tpu.memref_slice %arg2[%multiple_of3A_135] : memref<320000xi32, #tpu.memory_space<hbm>> -> memref<80xi32, #tpu.memory_space<hbm>>
    %dma_wait3A_136 = tpu.memref_slice %arg2[%multiple_of3A_135] : memref<320000xi32, #tpu.memory_space<hbm>> -> memref<80xi32, #tpu.memory_space<hbm>>
    tpu.wait_dma2 semaphore(%arg20 : memref<!tpu.dma_semaphore, #tpu.memory_space<semaphore_mem>>) src(%dma_wait3A_136 : memref<80xi32, #tpu.memory_space<hbm>>) dst(%arg7 : memref<80xi32, #tpu.memory_space<vmem>>)
    %add3A_137 = arith.constant 0 : i32
    %add3A_138 = arith.addi %mul3A_2, %add3A_137 : i32
    %multiple_of3A_139 = tpu.assume_multiple %add3A_138, 8 : i32
    %dma_wait3A_140 = tpu.memref_slice %arg3[%multiple_of3A_139] : memref<320000xi32, #tpu.memory_space<hbm>> -> memref<80xi32, #tpu.memory_space<hbm>>
    %dma_wait3A_141 = tpu.memref_slice %arg3[%multiple_of3A_139] : memref<320000xi32, #tpu.memory_space<hbm>> -> memref<80xi32, #tpu.memory_space<hbm>>
    tpu.wait_dma2 semaphore(%arg20 : memref<!tpu.dma_semaphore, #tpu.memory_space<semaphore_mem>>) src(%dma_wait3A_141 : memref<80xi32, #tpu.memory_space<hbm>>) dst(%arg11 : memref<80xi32, #tpu.memory_space<vmem>>)
    %dma_start3A_142 = arith.constant 0 : i32
    %dma_start3A_143 = arith.constant 0 : i32
    %dma_start3A_144 = tpu.memref_slice %arg4[%dma_start3A_142, %dma_start3A_143] : memref<10240x128xf32, #tpu.memory_space<hbm>> -> memref<10240x128xf32, #tpu.memory_space<hbm>>
    tpu.enqueue_indirect_dma source(%dma_start3A_144 : memref<10240x128xf32, #tpu.memory_space<hbm>>) target(%arg15 : memref<80x128xf32, #tpu.memory_space<vmem>>) offsets(%arg7 : memref<80xi32, #tpu.memory_space<vmem>>) semaphore(%arg24 : memref<!tpu.dma_semaphore, #tpu.memory_space<semaphore_mem>>)
    %mul3A_145 = arith.constant 640 : i32
    %mul3A_146 = arith.muli %arg1, %mul3A_145 : i32
    %add3A_147 = arith.constant 0 : i32
    %add3A_148 = arith.addi %mul3A_146, %add3A_147 : i32
    %dma_wait3A_149 = arith.constant 0 : i32
    %dma_wait3A_150 = arith.constant 0 : i32
    %dma_wait3A_151 = tpu.memref_slice %arg18[%dma_wait3A_149, %dma_wait3A_150] : memref<80x128xf32, #tpu.memory_space<vmem>> -> memref<80x128xf32, #tpu.memory_space<vmem>>
    %dma_wait3A_152 = arith.constant 0 : i32
    %dma_wait3A_153 = tpu.memref_slice %arg19[%add3A_148, %dma_wait3A_152] : memref<10240x128xf32, #tpu.memory_space<vmem_shared>> -> memref<80x128xf32, #tpu.memory_space<vmem_shared>>
    %dma_wait3A_154 = arith.constant 0 : i32
    %dma_wait3A_155 = tpu.memref_slice %arg19[%add3A_148, %dma_wait3A_154] : memref<10240x128xf32, #tpu.memory_space<vmem_shared>> -> memref<80x128xf32, #tpu.memory_space<vmem_shared>>
    %dma_wait3A_156 = arith.constant 0 : i32
    %dma_wait3A_157 = arith.constant 0 : i32
    %dma_wait3A_158 = tpu.memref_slice %arg18[%dma_wait3A_156, %dma_wait3A_157] : memref<80x128xf32, #tpu.memory_space<vmem>> -> memref<80x128xf32, #tpu.memory_space<vmem>>
    tpu.wait_dma2 semaphore(%arg31 : memref<!tpu.dma_semaphore, #tpu.memory_space<semaphore_mem>>) src(%dma_wait3A_158 : memref<80x128xf32, #tpu.memory_space<vmem>>) dst(%dma_wait3A_155 : memref<80x128xf32, #tpu.memory_space<vmem_shared>>)
    %mul3A_159 = arith.constant 640 : i32
    %mul3A_160 = arith.muli %arg1, %mul3A_159 : i32
    %add3A_161 = arith.constant 80 : i32
    %add3A_162 = arith.addi %mul3A_160, %add3A_161 : i32
    %dma_wait3A_163 = arith.constant 0 : i32
    %dma_wait3A_164 = arith.constant 0 : i32
    %dma_wait3A_165 = tpu.memref_slice %arg18[%dma_wait3A_163, %dma_wait3A_164] : memref<80x128xf32, #tpu.memory_space<vmem>> -> memref<80x128xf32, #tpu.memory_space<vmem>>
    %dma_wait3A_166 = arith.constant 0 : i32
    %dma_wait3A_167 = tpu.memref_slice %arg19[%add3A_162, %dma_wait3A_166] : memref<10240x128xf32, #tpu.memory_space<vmem_shared>> -> memref<80x128xf32, #tpu.memory_space<vmem_shared>>
    %dma_wait3A_168 = arith.constant 0 : i32
    %dma_wait3A_169 = tpu.memref_slice %arg19[%add3A_162, %dma_wait3A_168] : memref<10240x128xf32, #tpu.memory_space<vmem_shared>> -> memref<80x128xf32, #tpu.memory_space<vmem_shared>>
    %dma_wait3A_170 = arith.constant 0 : i32
    %dma_wait3A_171 = arith.constant 0 : i32
    %dma_wait3A_172 = tpu.memref_slice %arg18[%dma_wait3A_170, %dma_wait3A_171] : memref<80x128xf32, #tpu.memory_space<vmem>> -> memref<80x128xf32, #tpu.memory_space<vmem>>
    tpu.wait_dma2 semaphore(%arg31 : memref<!tpu.dma_semaphore, #tpu.memory_space<semaphore_mem>>) src(%dma_wait3A_172 : memref<80x128xf32, #tpu.memory_space<vmem>>) dst(%dma_wait3A_169 : memref<80x128xf32, #tpu.memory_space<vmem_shared>>)
    %mul3A_173 = arith.constant 640 : i32
    %mul3A_174 = arith.muli %arg1, %mul3A_173 : i32
    %add3A_175 = arith.constant 160 : i32
    %add3A_176 = arith.addi %mul3A_174, %add3A_175 : i32
    %dma_wait3A_177 = arith.constant 0 : i32
    %dma_wait3A_178 = arith.constant 0 : i32
    %dma_wait3A_179 = tpu.memref_slice %arg18[%dma_wait3A_177, %dma_wait3A_178] : memref<80x128xf32, #tpu.memory_space<vmem>> -> memref<80x128xf32, #tpu.memory_space<vmem>>
    %dma_wait3A_180 = arith.constant 0 : i32
    %dma_wait3A_181 = tpu.memref_slice %arg19[%add3A_176, %dma_wait3A_180] : memref<10240x128xf32, #tpu.memory_space<vmem_shared>> -> memref<80x128xf32, #tpu.memory_space<vmem_shared>>
    %dma_wait3A_182 = arith.constant 0 : i32
    %dma_wait3A_183 = tpu.memref_slice %arg19[%add3A_176, %dma_wait3A_182] : memref<10240x128xf32, #tpu.memory_space<vmem_shared>> -> memref<80x128xf32, #tpu.memory_space<vmem_shared>>
    %dma_wait3A_184 = arith.constant 0 : i32
    %dma_wait3A_185 = arith.constant 0 : i32
    %dma_wait3A_186 = tpu.memref_slice %arg18[%dma_wait3A_184, %dma_wait3A_185] : memref<80x128xf32, #tpu.memory_space<vmem>> -> memref<80x128xf32, #tpu.memory_space<vmem>>
    tpu.wait_dma2 semaphore(%arg31 : memref<!tpu.dma_semaphore, #tpu.memory_space<semaphore_mem>>) src(%dma_wait3A_186 : memref<80x128xf32, #tpu.memory_space<vmem>>) dst(%dma_wait3A_183 : memref<80x128xf32, #tpu.memory_space<vmem_shared>>)
    %mul3A_187 = arith.constant 640 : i32
    %mul3A_188 = arith.muli %arg1, %mul3A_187 : i32
    %add3A_189 = arith.constant 240 : i32
    %add3A_190 = arith.addi %mul3A_188, %add3A_189 : i32
    %dma_wait3A_191 = arith.constant 0 : i32
    %dma_wait3A_192 = arith.constant 0 : i32
    %dma_wait3A_193 = tpu.memref_slice %arg18[%dma_wait3A_191, %dma_wait3A_192] : memref<80x128xf32, #tpu.memory_space<vmem>> -> memref<80x128xf32, #tpu.memory_space<vmem>>
    %dma_wait3A_194 = arith.constant 0 : i32
    %dma_wait3A_195 = tpu.memref_slice %arg19[%add3A_190, %dma_wait3A_194] : memref<10240x128xf32, #tpu.memory_space<vmem_shared>> -> memref<80x128xf32, #tpu.memory_space<vmem_shared>>
    %dma_wait3A_196 = arith.constant 0 : i32
    %dma_wait3A_197 = tpu.memref_slice %arg19[%add3A_190, %dma_wait3A_196] : memref<10240x128xf32, #tpu.memory_space<vmem_shared>> -> memref<80x128xf32, #tpu.memory_space<vmem_shared>>
    %dma_wait3A_198 = arith.constant 0 : i32
    %dma_wait3A_199 = arith.constant 0 : i32
    %dma_wait3A_200 = tpu.memref_slice %arg18[%dma_wait3A_198, %dma_wait3A_199] : memref<80x128xf32, #tpu.memory_space<vmem>> -> memref<80x128xf32, #tpu.memory_space<vmem>>
    tpu.wait_dma2 semaphore(%arg31 : memref<!tpu.dma_semaphore, #tpu.memory_space<semaphore_mem>>) src(%dma_wait3A_200 : memref<80x128xf32, #tpu.memory_space<vmem>>) dst(%dma_wait3A_197 : memref<80x128xf32, #tpu.memory_space<vmem_shared>>)
    %mul3A_201 = arith.constant 640 : i32
    %mul3A_202 = arith.muli %arg1, %mul3A_201 : i32
    %add3A_203 = arith.constant 320 : i32
    %add3A_204 = arith.addi %mul3A_202, %add3A_203 : i32
    %dma_wait3A_205 = arith.constant 0 : i32
    %dma_wait3A_206 = arith.constant 0 : i32
    %dma_wait3A_207 = tpu.memref_slice %arg18[%dma_wait3A_205, %dma_wait3A_206] : memref<80x128xf32, #tpu.memory_space<vmem>> -> memref<80x128xf32, #tpu.memory_space<vmem>>
    %dma_wait3A_208 = arith.constant 0 : i32
    %dma_wait3A_209 = tpu.memref_slice %arg19[%add3A_204, %dma_wait3A_208] : memref<10240x128xf32, #tpu.memory_space<vmem_shared>> -> memref<80x128xf32, #tpu.memory_space<vmem_shared>>
    %dma_wait3A_210 = arith.constant 0 : i32
    %dma_wait3A_211 = tpu.memref_slice %arg19[%add3A_204, %dma_wait3A_210] : memref<10240x128xf32, #tpu.memory_space<vmem_shared>> -> memref<80x128xf32, #tpu.memory_space<vmem_shared>>
    %dma_wait3A_212 = arith.constant 0 : i32
    %dma_wait3A_213 = arith.constant 0 : i32
    %dma_wait3A_214 = tpu.memref_slice %arg18[%dma_wait3A_212, %dma_wait3A_213] : memref<80x128xf32, #tpu.memory_space<vmem>> -> memref<80x128xf32, #tpu.memory_space<vmem>>
    tpu.wait_dma2 semaphore(%arg31 : memref<!tpu.dma_semaphore, #tpu.memory_space<semaphore_mem>>) src(%dma_wait3A_214 : memref<80x128xf32, #tpu.memory_space<vmem>>) dst(%dma_wait3A_211 : memref<80x128xf32, #tpu.memory_space<vmem_shared>>)
    %mul3A_215 = arith.constant 640 : i32
    %mul3A_216 = arith.muli %arg1, %mul3A_215 : i32
    %add3A_217 = arith.constant 400 : i32
    %add3A_218 = arith.addi %mul3A_216, %add3A_217 : i32
    %dma_wait3A_219 = arith.constant 0 : i32
    %dma_wait3A_220 = arith.constant 0 : i32
    %dma_wait3A_221 = tpu.memref_slice %arg18[%dma_wait3A_219, %dma_wait3A_220] : memref<80x128xf32, #tpu.memory_space<vmem>> -> memref<80x128xf32, #tpu.memory_space<vmem>>
    %dma_wait3A_222 = arith.constant 0 : i32
    %dma_wait3A_223 = tpu.memref_slice %arg19[%add3A_218, %dma_wait3A_222] : memref<10240x128xf32, #tpu.memory_space<vmem_shared>> -> memref<80x128xf32, #tpu.memory_space<vmem_shared>>
    %dma_wait3A_224 = arith.constant 0 : i32
    %dma_wait3A_225 = tpu.memref_slice %arg19[%add3A_218, %dma_wait3A_224] : memref<10240x128xf32, #tpu.memory_space<vmem_shared>> -> memref<80x128xf32, #tpu.memory_space<vmem_shared>>
    %dma_wait3A_226 = arith.constant 0 : i32
    %dma_wait3A_227 = arith.constant 0 : i32
    %dma_wait3A_228 = tpu.memref_slice %arg18[%dma_wait3A_226, %dma_wait3A_227] : memref<80x128xf32, #tpu.memory_space<vmem>> -> memref<80x128xf32, #tpu.memory_space<vmem>>
    tpu.wait_dma2 semaphore(%arg31 : memref<!tpu.dma_semaphore, #tpu.memory_space<semaphore_mem>>) src(%dma_wait3A_228 : memref<80x128xf32, #tpu.memory_space<vmem>>) dst(%dma_wait3A_225 : memref<80x128xf32, #tpu.memory_space<vmem_shared>>)
    %mul3A_229 = arith.constant 640 : i32
    %mul3A_230 = arith.muli %arg1, %mul3A_229 : i32
    %add3A_231 = arith.constant 480 : i32
    %add3A_232 = arith.addi %mul3A_230, %add3A_231 : i32
    %dma_wait3A_233 = arith.constant 0 : i32
    %dma_wait3A_234 = arith.constant 0 : i32
    %dma_wait3A_235 = tpu.memref_slice %arg18[%dma_wait3A_233, %dma_wait3A_234] : memref<80x128xf32, #tpu.memory_space<vmem>> -> memref<80x128xf32, #tpu.memory_space<vmem>>
    %dma_wait3A_236 = arith.constant 0 : i32
    %dma_wait3A_237 = tpu.memref_slice %arg19[%add3A_232, %dma_wait3A_236] : memref<10240x128xf32, #tpu.memory_space<vmem_shared>> -> memref<80x128xf32, #tpu.memory_space<vmem_shared>>
    %dma_wait3A_238 = arith.constant 0 : i32
    %dma_wait3A_239 = tpu.memref_slice %arg19[%add3A_232, %dma_wait3A_238] : memref<10240x128xf32, #tpu.memory_space<vmem_shared>> -> memref<80x128xf32, #tpu.memory_space<vmem_shared>>
    %dma_wait3A_240 = arith.constant 0 : i32
    %dma_wait3A_241 = arith.constant 0 : i32
    %dma_wait3A_242 = tpu.memref_slice %arg18[%dma_wait3A_240, %dma_wait3A_241] : memref<80x128xf32, #tpu.memory_space<vmem>> -> memref<80x128xf32, #tpu.memory_space<vmem>>
    tpu.wait_dma2 semaphore(%arg31 : memref<!tpu.dma_semaphore, #tpu.memory_space<semaphore_mem>>) src(%dma_wait3A_242 : memref<80x128xf32, #tpu.memory_space<vmem>>) dst(%dma_wait3A_239 : memref<80x128xf32, #tpu.memory_space<vmem_shared>>)
    %mul3A_243 = arith.constant 640 : i32
    %mul3A_244 = arith.muli %arg1, %mul3A_243 : i32
    %add3A_245 = arith.constant 560 : i32
    %add3A_246 = arith.addi %mul3A_244, %add3A_245 : i32
    %dma_wait3A_247 = arith.constant 0 : i32
    %dma_wait3A_248 = arith.constant 0 : i32
    %dma_wait3A_249 = tpu.memref_slice %arg18[%dma_wait3A_247, %dma_wait3A_248] : memref<80x128xf32, #tpu.memory_space<vmem>> -> memref<80x128xf32, #tpu.memory_space<vmem>>
    %dma_wait3A_250 = arith.constant 0 : i32
    %dma_wait3A_251 = tpu.memref_slice %arg19[%add3A_246, %dma_wait3A_250] : memref<10240x128xf32, #tpu.memory_space<vmem_shared>> -> memref<80x128xf32, #tpu.memory_space<vmem_shared>>
    %dma_wait3A_252 = arith.constant 0 : i32
    %dma_wait3A_253 = tpu.memref_slice %arg19[%add3A_246, %dma_wait3A_252] : memref<10240x128xf32, #tpu.memory_space<vmem_shared>> -> memref<80x128xf32, #tpu.memory_space<vmem_shared>>
    %dma_wait3A_254 = arith.constant 0 : i32
    %dma_wait3A_255 = arith.constant 0 : i32
    %dma_wait3A_256 = tpu.memref_slice %arg18[%dma_wait3A_254, %dma_wait3A_255] : memref<80x128xf32, #tpu.memory_space<vmem>> -> memref<80x128xf32, #tpu.memory_space<vmem>>
    tpu.wait_dma2 semaphore(%arg31 : memref<!tpu.dma_semaphore, #tpu.memory_space<semaphore_mem>>) src(%dma_wait3A_256 : memref<80x128xf32, #tpu.memory_space<vmem>>) dst(%dma_wait3A_253 : memref<80x128xf32, #tpu.memory_space<vmem_shared>>)
    %barrier3A = arith.constant 0 : index
    tpu.barrier barrier_id(%barrier3A)
    %add3A_257 = arith.constant 160 : i32
    %add3A_258 = arith.addi %mul3A_2, %add3A_257 : i32
    %multiple_of3A_259 = tpu.assume_multiple %add3A_258, 8 : i32
    %dma_start3A_260 = tpu.memref_slice %arg2[%multiple_of3A_259] : memref<320000xi32, #tpu.memory_space<hbm>> -> memref<80xi32, #tpu.memory_space<hbm>>
    %dma_start3A_261 = tpu.memref_slice %arg2[%multiple_of3A_259] : memref<320000xi32, #tpu.memory_space<hbm>> -> memref<80xi32, #tpu.memory_space<hbm>>
    tpu.enqueue_dma source(%dma_start3A_261 : memref<80xi32, #tpu.memory_space<hbm>>) target(%arg9 : memref<80xi32, #tpu.memory_space<vmem>>) target_semaphore(%arg22 : memref<!tpu.dma_semaphore, #tpu.memory_space<semaphore_mem>>)
    %add3A_262 = arith.constant 160 : i32
    %add3A_263 = arith.addi %mul3A_2, %add3A_262 : i32
    %multiple_of3A_264 = tpu.assume_multiple %add3A_263, 8 : i32
    %dma_start3A_265 = tpu.memref_slice %arg3[%multiple_of3A_264] : memref<320000xi32, #tpu.memory_space<hbm>> -> memref<80xi32, #tpu.memory_space<hbm>>
    %dma_start3A_266 = tpu.memref_slice %arg3[%multiple_of3A_264] : memref<320000xi32, #tpu.memory_space<hbm>> -> memref<80xi32, #tpu.memory_space<hbm>>
    tpu.enqueue_dma source(%dma_start3A_266 : memref<80xi32, #tpu.memory_space<hbm>>) target(%arg13 : memref<80xi32, #tpu.memory_space<vmem>>) target_semaphore(%arg22 : memref<!tpu.dma_semaphore, #tpu.memory_space<semaphore_mem>>)
    %add3A_267 = arith.constant 80 : i32
    %add3A_268 = arith.addi %mul3A_2, %add3A_267 : i32
    %multiple_of3A_269 = tpu.assume_multiple %add3A_268, 8 : i32
    %dma_wait3A_270 = tpu.memref_slice %arg2[%multiple_of3A_269] : memref<320000xi32, #tpu.memory_space<hbm>> -> memref<80xi32, #tpu.memory_space<hbm>>
    %dma_wait3A_271 = tpu.memref_slice %arg2[%multiple_of3A_269] : memref<320000xi32, #tpu.memory_space<hbm>> -> memref<80xi32, #tpu.memory_space<hbm>>
    tpu.wait_dma2 semaphore(%arg21 : memref<!tpu.dma_semaphore, #tpu.memory_space<semaphore_mem>>) src(%dma_wait3A_271 : memref<80xi32, #tpu.memory_space<hbm>>) dst(%arg8 : memref<80xi32, #tpu.memory_space<vmem>>)
    %add3A_272 = arith.constant 80 : i32
    %add3A_273 = arith.addi %mul3A_2, %add3A_272 : i32
    %multiple_of3A_274 = tpu.assume_multiple %add3A_273, 8 : i32
    %dma_wait3A_275 = tpu.memref_slice %arg3[%multiple_of3A_274] : memref<320000xi32, #tpu.memory_space<hbm>> -> memref<80xi32, #tpu.memory_space<hbm>>
    %dma_wait3A_276 = tpu.memref_slice %arg3[%multiple_of3A_274] : memref<320000xi32, #tpu.memory_space<hbm>> -> memref<80xi32, #tpu.memory_space<hbm>>
    tpu.wait_dma2 semaphore(%arg21 : memref<!tpu.dma_semaphore, #tpu.memory_space<semaphore_mem>>) src(%dma_wait3A_276 : memref<80xi32, #tpu.memory_space<hbm>>) dst(%arg12 : memref<80xi32, #tpu.memory_space<vmem>>)
    %dma_start3A_277 = arith.constant 0 : i32
    %dma_start3A_278 = arith.constant 0 : i32
    %dma_start3A_279 = tpu.memref_slice %arg4[%dma_start3A_277, %dma_start3A_278] : memref<10240x128xf32, #tpu.memory_space<hbm>> -> memref<10240x128xf32, #tpu.memory_space<hbm>>
    tpu.enqueue_indirect_dma source(%dma_start3A_279 : memref<10240x128xf32, #tpu.memory_space<hbm>>) target(%arg16 : memref<80x128xf32, #tpu.memory_space<vmem>>) offsets(%arg8 : memref<80xi32, #tpu.memory_space<vmem>>) semaphore(%arg25 : memref<!tpu.dma_semaphore, #tpu.memory_space<semaphore_mem>>)
    %dma_wait3A_280 = arith.constant 0 : i32
    %dma_wait3A_281 = arith.constant 0 : i32
    %dma_wait3A_282 = tpu.memref_slice %arg4[%dma_wait3A_280, %dma_wait3A_281] : memref<10240x128xf32, #tpu.memory_space<hbm>> -> memref<10240x128xf32, #tpu.memory_space<hbm>>
    tpu.wait_indirect_dma semaphore(%arg24 : memref<!tpu.dma_semaphore, #tpu.memory_space<semaphore_mem>>) src(%dma_wait3A_282 : memref<10240x128xf32, #tpu.memory_space<hbm>>) dst(%arg15 : memref<80x128xf32, #tpu.memory_space<vmem>>)
    %dma_start3A_283 = arith.constant 0 : i32
    %dma_start3A_284 = arith.constant 0 : i32
    %dma_start3A_285 = tpu.memref_slice %arg19[%dma_start3A_283, %dma_start3A_284] : memref<10240x128xf32, #tpu.memory_space<vmem_shared>> -> memref<10240x128xf32, #tpu.memory_space<vmem_shared>>
    tpu.enqueue_indirect_dma source(%arg15 : memref<80x128xf32, #tpu.memory_space<vmem>>) target(%dma_start3A_285 : memref<10240x128xf32, #tpu.memory_space<vmem_shared>>) offsets(%arg11 : memref<80xi32, #tpu.memory_space<vmem>>) semaphore(%arg28 : memref<!tpu.dma_semaphore, #tpu.memory_space<semaphore_mem>>) {add = true}
    %add3A_286 = arith.constant 240 : i32
    %add3A_287 = arith.addi %mul3A_2, %add3A_286 : i32
    %multiple_of3A_288 = tpu.assume_multiple %add3A_287, 8 : i32
    %dma_start3A_289 = tpu.memref_slice %arg2[%multiple_of3A_288] : memref<320000xi32, #tpu.memory_space<hbm>> -> memref<80xi32, #tpu.memory_space<hbm>>
    %dma_start3A_290 = tpu.memref_slice %arg2[%multiple_of3A_288] : memref<320000xi32, #tpu.memory_space<hbm>> -> memref<80xi32, #tpu.memory_space<hbm>>
    tpu.enqueue_dma source(%dma_start3A_290 : memref<80xi32, #tpu.memory_space<hbm>>) target(%arg10 : memref<80xi32, #tpu.memory_space<vmem>>) target_semaphore(%arg23 : memref<!tpu.dma_semaphore, #tpu.memory_space<semaphore_mem>>)
    %add3A_291 = arith.constant 240 : i32
    %add3A_292 = arith.addi %mul3A_2, %add3A_291 : i32
    %multiple_of3A_293 = tpu.assume_multiple %add3A_292, 8 : i32
    %dma_start3A_294 = tpu.memref_slice %arg3[%multiple_of3A_293] : memref<320000xi32, #tpu.memory_space<hbm>> -> memref<80xi32, #tpu.memory_space<hbm>>
    %dma_start3A_295 = tpu.memref_slice %arg3[%multiple_of3A_293] : memref<320000xi32, #tpu.memory_space<hbm>> -> memref<80xi32, #tpu.memory_space<hbm>>
    tpu.enqueue_dma source(%dma_start3A_295 : memref<80xi32, #tpu.memory_space<hbm>>) target(%arg14 : memref<80xi32, #tpu.memory_space<vmem>>) target_semaphore(%arg23 : memref<!tpu.dma_semaphore, #tpu.memory_space<semaphore_mem>>)
    %add3A_296 = arith.constant 160 : i32
    %add3A_297 = arith.addi %mul3A_2, %add3A_296 : i32
    %multiple_of3A_298 = tpu.assume_multiple %add3A_297, 8 : i32
    %dma_wait3A_299 = tpu.memref_slice %arg2[%multiple_of3A_298] : memref<320000xi32, #tpu.memory_space<hbm>> -> memref<80xi32, #tpu.memory_space<hbm>>
    %dma_wait3A_300 = tpu.memref_slice %arg2[%multiple_of3A_298] : memref<320000xi32, #tpu.memory_space<hbm>> -> memref<80xi32, #tpu.memory_space<hbm>>
    tpu.wait_dma2 semaphore(%arg22 : memref<!tpu.dma_semaphore, #tpu.memory_space<semaphore_mem>>) src(%dma_wait3A_300 : memref<80xi32, #tpu.memory_space<hbm>>) dst(%arg9 : memref<80xi32, #tpu.memory_space<vmem>>)
    %add3A_301 = arith.constant 160 : i32
    %add3A_302 = arith.addi %mul3A_2, %add3A_301 : i32
    %multiple_of3A_303 = tpu.assume_multiple %add3A_302, 8 : i32
    %dma_wait3A_304 = tpu.memref_slice %arg3[%multiple_of3A_303] : memref<320000xi32, #tpu.memory_space<hbm>> -> memref<80xi32, #tpu.memory_space<hbm>>
    %dma_wait3A_305 = tpu.memref_slice %arg3[%multiple_of3A_303] : memref<320000xi32, #tpu.memory_space<hbm>> -> memref<80xi32, #tpu.memory_space<hbm>>
    tpu.wait_dma2 semaphore(%arg22 : memref<!tpu.dma_semaphore, #tpu.memory_space<semaphore_mem>>) src(%dma_wait3A_305 : memref<80xi32, #tpu.memory_space<hbm>>) dst(%arg13 : memref<80xi32, #tpu.memory_space<vmem>>)
    %dma_start3A_306 = arith.constant 0 : i32
    %dma_start3A_307 = arith.constant 0 : i32
    %dma_start3A_308 = tpu.memref_slice %arg4[%dma_start3A_306, %dma_start3A_307] : memref<10240x128xf32, #tpu.memory_space<hbm>> -> memref<10240x128xf32, #tpu.memory_space<hbm>>
    tpu.enqueue_indirect_dma source(%dma_start3A_308 : memref<10240x128xf32, #tpu.memory_space<hbm>>) target(%arg17 : memref<80x128xf32, #tpu.memory_space<vmem>>) offsets(%arg9 : memref<80xi32, #tpu.memory_space<vmem>>) semaphore(%arg26 : memref<!tpu.dma_semaphore, #tpu.memory_space<semaphore_mem>>)
    %dma_wait3A_309 = arith.constant 0 : i32
    %dma_wait3A_310 = arith.constant 0 : i32
    %dma_wait3A_311 = tpu.memref_slice %arg4[%dma_wait3A_309, %dma_wait3A_310] : memref<10240x128xf32, #tpu.memory_space<hbm>> -> memref<10240x128xf32, #tpu.memory_space<hbm>>
    tpu.wait_indirect_dma semaphore(%arg25 : memref<!tpu.dma_semaphore, #tpu.memory_space<semaphore_mem>>) src(%dma_wait3A_311 : memref<10240x128xf32, #tpu.memory_space<hbm>>) dst(%arg16 : memref<80x128xf32, #tpu.memory_space<vmem>>)
    %dma_start3A_312 = arith.constant 0 : i32
    %dma_start3A_313 = arith.constant 0 : i32
    %dma_start3A_314 = tpu.memref_slice %arg19[%dma_start3A_312, %dma_start3A_313] : memref<10240x128xf32, #tpu.memory_space<vmem_shared>> -> memref<10240x128xf32, #tpu.memory_space<vmem_shared>>
    tpu.enqueue_indirect_dma source(%arg16 : memref<80x128xf32, #tpu.memory_space<vmem>>) target(%dma_start3A_314 : memref<10240x128xf32, #tpu.memory_space<vmem_shared>>) offsets(%arg12 : memref<80xi32, #tpu.memory_space<vmem>>) semaphore(%arg29 : memref<!tpu.dma_semaphore, #tpu.memory_space<semaphore_mem>>) {add = true}
    %scan3A = arith.constant 0 : i32
    %scan3A_315 = arith.constant 0 : i32
    %scan3A_316 = arith.constant 30 : i32
    %scan3A_317 = arith.addi %scan3A_315, %scan3A_316 : i32
    %scan3A_318 = arith.constant 1 : i32
    scf.for %scan3A_838 = %scan3A_315 to %scan3A_317 step %scan3A_318  : i32 {
      %mul3A_839 = arith.constant 4 : i32
      %mul3A_840 = arith.muli %mul3A_839, %scan3A_838 : i32
      %add3A_841 = arith.constant 2 : i32
      %add3A_842 = arith.addi %mul3A_840, %add3A_841 : i32
      %add3A_843 = arith.constant 0 : i32
      %add3A_844 = arith.addi %add3A_842, %add3A_843 : i32
      %dma_wait3A_845 = arith.constant 0 : i32
      %dma_wait3A_846 = arith.constant 0 : i32
      %dma_wait3A_847 = tpu.memref_slice %arg19[%dma_wait3A_845, %dma_wait3A_846] : memref<10240x128xf32, #tpu.memory_space<vmem_shared>> -> memref<10240x128xf32, #tpu.memory_space<vmem_shared>>
      tpu.wait_indirect_dma semaphore(%arg28 : memref<!tpu.dma_semaphore, #tpu.memory_space<semaphore_mem>>) src(%arg15 : memref<80x128xf32, #tpu.memory_space<vmem>>) dst(%dma_wait3A_847 : memref<10240x128xf32, #tpu.memory_space<vmem_shared>>)
      %add3A_848 = arith.constant 2 : i32
      %add3A_849 = arith.addi %add3A_844, %add3A_848 : i32
      %mul3A_850 = arith.constant 80 : i32
      %mul3A_851 = arith.muli %add3A_849, %mul3A_850 : i32
      %add3A_852 = arith.addi %mul3A_2, %mul3A_851 : i32
      %multiple_of3A_853 = tpu.assume_multiple %add3A_852, 8 : i32
      %dma_start3A_854 = tpu.memref_slice %arg2[%multiple_of3A_853] : memref<320000xi32, #tpu.memory_space<hbm>> -> memref<80xi32, #tpu.memory_space<hbm>>
      %dma_start3A_855 = tpu.memref_slice %arg2[%multiple_of3A_853] : memref<320000xi32, #tpu.memory_space<hbm>> -> memref<80xi32, #tpu.memory_space<hbm>>
      tpu.enqueue_dma source(%dma_start3A_855 : memref<80xi32, #tpu.memory_space<hbm>>) target(%arg7 : memref<80xi32, #tpu.memory_space<vmem>>) target_semaphore(%arg20 : memref<!tpu.dma_semaphore, #tpu.memory_space<semaphore_mem>>)
      %mul3A_856 = arith.constant 80 : i32
      %mul3A_857 = arith.muli %add3A_849, %mul3A_856 : i32
      %add3A_858 = arith.addi %mul3A_2, %mul3A_857 : i32
      %multiple_of3A_859 = tpu.assume_multiple %add3A_858, 8 : i32
      %dma_start3A_860 = tpu.memref_slice %arg3[%multiple_of3A_859] : memref<320000xi32, #tpu.memory_space<hbm>> -> memref<80xi32, #tpu.memory_space<hbm>>
      %dma_start3A_861 = tpu.memref_slice %arg3[%multiple_of3A_859] : memref<320000xi32, #tpu.memory_space<hbm>> -> memref<80xi32, #tpu.memory_space<hbm>>
      tpu.enqueue_dma source(%dma_start3A_861 : memref<80xi32, #tpu.memory_space<hbm>>) target(%arg11 : memref<80xi32, #tpu.memory_space<vmem>>) target_semaphore(%arg20 : memref<!tpu.dma_semaphore, #tpu.memory_space<semaphore_mem>>)
      %add3A_862 = arith.constant 1 : i32
      %add3A_863 = arith.addi %add3A_844, %add3A_862 : i32
      %mul3A_864 = arith.constant 80 : i32
      %mul3A_865 = arith.muli %add3A_863, %mul3A_864 : i32
      %add3A_866 = arith.addi %mul3A_2, %mul3A_865 : i32
      %multiple_of3A_867 = tpu.assume_multiple %add3A_866, 8 : i32
      %dma_wait3A_868 = tpu.memref_slice %arg2[%multiple_of3A_867] : memref<320000xi32, #tpu.memory_space<hbm>> -> memref<80xi32, #tpu.memory_space<hbm>>
      %dma_wait3A_869 = tpu.memref_slice %arg2[%multiple_of3A_867] : memref<320000xi32, #tpu.memory_space<hbm>> -> memref<80xi32, #tpu.memory_space<hbm>>
      tpu.wait_dma2 semaphore(%arg23 : memref<!tpu.dma_semaphore, #tpu.memory_space<semaphore_mem>>) src(%dma_wait3A_869 : memref<80xi32, #tpu.memory_space<hbm>>) dst(%arg10 : memref<80xi32, #tpu.memory_space<vmem>>)
      %mul3A_870 = arith.constant 80 : i32
      %mul3A_871 = arith.muli %add3A_863, %mul3A_870 : i32
      %add3A_872 = arith.addi %mul3A_2, %mul3A_871 : i32
      %multiple_of3A_873 = tpu.assume_multiple %add3A_872, 8 : i32
      %dma_wait3A_874 = tpu.memref_slice %arg3[%multiple_of3A_873] : memref<320000xi32, #tpu.memory_space<hbm>> -> memref<80xi32, #tpu.memory_space<hbm>>
      %dma_wait3A_875 = tpu.memref_slice %arg3[%multiple_of3A_873] : memref<320000xi32, #tpu.memory_space<hbm>> -> memref<80xi32, #tpu.memory_space<hbm>>
      tpu.wait_dma2 semaphore(%arg23 : memref<!tpu.dma_semaphore, #tpu.memory_space<semaphore_mem>>) src(%dma_wait3A_875 : memref<80xi32, #tpu.memory_space<hbm>>) dst(%arg14 : memref<80xi32, #tpu.memory_space<vmem>>)
      %dma_start3A_876 = arith.constant 0 : i32
      %dma_start3A_877 = arith.constant 0 : i32
      %dma_start3A_878 = tpu.memref_slice %arg4[%dma_start3A_876, %dma_start3A_877] : memref<10240x128xf32, #tpu.memory_space<hbm>> -> memref<10240x128xf32, #tpu.memory_space<hbm>>
      tpu.enqueue_indirect_dma source(%dma_start3A_878 : memref<10240x128xf32, #tpu.memory_space<hbm>>) target(%arg18 : memref<80x128xf32, #tpu.memory_space<vmem>>) offsets(%arg10 : memref<80xi32, #tpu.memory_space<vmem>>) semaphore(%arg27 : memref<!tpu.dma_semaphore, #tpu.memory_space<semaphore_mem>>)
      %dma_wait3A_879 = arith.constant 0 : i32
      %dma_wait3A_880 = arith.constant 0 : i32
      %dma_wait3A_881 = tpu.memref_slice %arg4[%dma_wait3A_879, %dma_wait3A_880] : memref<10240x128xf32, #tpu.memory_space<hbm>> -> memref<10240x128xf32, #tpu.memory_space<hbm>>
      tpu.wait_indirect_dma semaphore(%arg26 : memref<!tpu.dma_semaphore, #tpu.memory_space<semaphore_mem>>) src(%dma_wait3A_881 : memref<10240x128xf32, #tpu.memory_space<hbm>>) dst(%arg17 : memref<80x128xf32, #tpu.memory_space<vmem>>)
      %dma_start3A_882 = arith.constant 0 : i32
      %dma_start3A_883 = arith.constant 0 : i32
      %dma_start3A_884 = tpu.memref_slice %arg19[%dma_start3A_882, %dma_start3A_883] : memref<10240x128xf32, #tpu.memory_space<vmem_shared>> -> memref<10240x128xf32, #tpu.memory_space<vmem_shared>>
      tpu.enqueue_indirect_dma source(%arg17 : memref<80x128xf32, #tpu.memory_space<vmem>>) target(%dma_start3A_884 : memref<10240x128xf32, #tpu.memory_space<vmem_shared>>) offsets(%arg13 : memref<80xi32, #tpu.memory_space<vmem>>) semaphore(%arg30 : memref<!tpu.dma_semaphore, #tpu.memory_space<semaphore_mem>>) {add = true}
      %mul3A_885 = arith.constant 4 : i32
      %mul3A_886 = arith.muli %mul3A_885, %scan3A_838 : i32
      %add3A_887 = arith.constant 2 : i32
      %add3A_888 = arith.addi %mul3A_886, %add3A_887 : i32
      %add3A_889 = arith.constant 1 : i32
      %add3A_890 = arith.addi %add3A_888, %add3A_889 : i32
      %dma_wait3A_891 = arith.constant 0 : i32
      %dma_wait3A_892 = arith.constant 0 : i32
      %dma_wait3A_893 = tpu.memref_slice %arg19[%dma_wait3A_891, %dma_wait3A_892] : memref<10240x128xf32, #tpu.memory_space<vmem_shared>> -> memref<10240x128xf32, #tpu.memory_space<vmem_shared>>
      tpu.wait_indirect_dma semaphore(%arg29 : memref<!tpu.dma_semaphore, #tpu.memory_space<semaphore_mem>>) src(%arg16 : memref<80x128xf32, #tpu.memory_space<vmem>>) dst(%dma_wait3A_893 : memref<10240x128xf32, #tpu.memory_space<vmem_shared>>)
      %add3A_894 = arith.constant 2 : i32
      %add3A_895 = arith.addi %add3A_890, %add3A_894 : i32
      %mul3A_896 = arith.constant 80 : i32
      %mul3A_897 = arith.muli %add3A_895, %mul3A_896 : i32
      %add3A_898 = arith.addi %mul3A_2, %mul3A_897 : i32
      %multiple_of3A_899 = tpu.assume_multiple %add3A_898, 8 : i32
      %dma_start3A_900 = tpu.memref_slice %arg2[%multiple_of3A_899] : memref<320000xi32, #tpu.memory_space<hbm>> -> memref<80xi32, #tpu.memory_space<hbm>>
      %dma_start3A_901 = tpu.memref_slice %arg2[%multiple_of3A_899] : memref<320000xi32, #tpu.memory_space<hbm>> -> memref<80xi32, #tpu.memory_space<hbm>>
      tpu.enqueue_dma source(%dma_start3A_901 : memref<80xi32, #tpu.memory_space<hbm>>) target(%arg8 : memref<80xi32, #tpu.memory_space<vmem>>) target_semaphore(%arg21 : memref<!tpu.dma_semaphore, #tpu.memory_space<semaphore_mem>>)
      %mul3A_902 = arith.constant 80 : i32
      %mul3A_903 = arith.muli %add3A_895, %mul3A_902 : i32
      %add3A_904 = arith.addi %mul3A_2, %mul3A_903 : i32
      %multiple_of3A_905 = tpu.assume_multiple %add3A_904, 8 : i32
      %dma_start3A_906 = tpu.memref_slice %arg3[%multiple_of3A_905] : memref<320000xi32, #tpu.memory_space<hbm>> -> memref<80xi32, #tpu.memory_space<hbm>>
      %dma_start3A_907 = tpu.memref_slice %arg3[%multiple_of3A_905] : memref<320000xi32, #tpu.memory_space<hbm>> -> memref<80xi32, #tpu.memory_space<hbm>>
      tpu.enqueue_dma source(%dma_start3A_907 : memref<80xi32, #tpu.memory_space<hbm>>) target(%arg12 : memref<80xi32, #tpu.memory_space<vmem>>) target_semaphore(%arg21 : memref<!tpu.dma_semaphore, #tpu.memory_space<semaphore_mem>>)
      %add3A_908 = arith.constant 1 : i32
      %add3A_909 = arith.addi %add3A_890, %add3A_908 : i32
      %mul3A_910 = arith.constant 80 : i32
      %mul3A_911 = arith.muli %add3A_909, %mul3A_910 : i32
      %add3A_912 = arith.addi %mul3A_2, %mul3A_911 : i32
      %multiple_of3A_913 = tpu.assume_multiple %add3A_912, 8 : i32
      %dma_wait3A_914 = tpu.memref_slice %arg2[%multiple_of3A_913] : memref<320000xi32, #tpu.memory_space<hbm>> -> memref<80xi32, #tpu.memory_space<hbm>>
      %dma_wait3A_915 = tpu.memref_slice %arg2[%multiple_of3A_913] : memref<320000xi32, #tpu.memory_space<hbm>> -> memref<80xi32, #tpu.memory_space<hbm>>
      tpu.wait_dma2 semaphore(%arg20 : memref<!tpu.dma_semaphore, #tpu.memory_space<semaphore_mem>>) src(%dma_wait3A_915 : memref<80xi32, #tpu.memory_space<hbm>>) dst(%arg7 : memref<80xi32, #tpu.memory_space<vmem>>)
      %mul3A_916 = arith.constant 80 : i32
      %mul3A_917 = arith.muli %add3A_909, %mul3A_916 : i32
      %add3A_918 = arith.addi %mul3A_2, %mul3A_917 : i32
      %multiple_of3A_919 = tpu.assume_multiple %add3A_918, 8 : i32
      %dma_wait3A_920 = tpu.memref_slice %arg3[%multiple_of3A_919] : memref<320000xi32, #tpu.memory_space<hbm>> -> memref<80xi32, #tpu.memory_space<hbm>>
      %dma_wait3A_921 = tpu.memref_slice %arg3[%multiple_of3A_919] : memref<320000xi32, #tpu.memory_space<hbm>> -> memref<80xi32, #tpu.memory_space<hbm>>
      tpu.wait_dma2 semaphore(%arg20 : memref<!tpu.dma_semaphore, #tpu.memory_space<semaphore_mem>>) src(%dma_wait3A_921 : memref<80xi32, #tpu.memory_space<hbm>>) dst(%arg11 : memref<80xi32, #tpu.memory_space<vmem>>)
      %dma_start3A_922 = arith.constant 0 : i32
      %dma_start3A_923 = arith.constant 0 : i32
      %dma_start3A_924 = tpu.memref_slice %arg4[%dma_start3A_922, %dma_start3A_923] : memref<10240x128xf32, #tpu.memory_space<hbm>> -> memref<10240x128xf32, #tpu.memory_space<hbm>>
      tpu.enqueue_indirect_dma source(%dma_start3A_924 : memref<10240x128xf32, #tpu.memory_space<hbm>>) target(%arg15 : memref<80x128xf32, #tpu.memory_space<vmem>>) offsets(%arg7 : memref<80xi32, #tpu.memory_space<vmem>>) semaphore(%arg24 : memref<!tpu.dma_semaphore, #tpu.memory_space<semaphore_mem>>)
      %dma_wait3A_925 = arith.constant 0 : i32
      %dma_wait3A_926 = arith.constant 0 : i32
      %dma_wait3A_927 = tpu.memref_slice %arg4[%dma_wait3A_925, %dma_wait3A_926] : memref<10240x128xf32, #tpu.memory_space<hbm>> -> memref<10240x128xf32, #tpu.memory_space<hbm>>
      tpu.wait_indirect_dma semaphore(%arg27 : memref<!tpu.dma_semaphore, #tpu.memory_space<semaphore_mem>>) src(%dma_wait3A_927 : memref<10240x128xf32, #tpu.memory_space<hbm>>) dst(%arg18 : memref<80x128xf32, #tpu.memory_space<vmem>>)
      %dma_start3A_928 = arith.constant 0 : i32
      %dma_start3A_929 = arith.constant 0 : i32
      %dma_start3A_930 = tpu.memref_slice %arg19[%dma_start3A_928, %dma_start3A_929] : memref<10240x128xf32, #tpu.memory_space<vmem_shared>> -> memref<10240x128xf32, #tpu.memory_space<vmem_shared>>
      tpu.enqueue_indirect_dma source(%arg18 : memref<80x128xf32, #tpu.memory_space<vmem>>) target(%dma_start3A_930 : memref<10240x128xf32, #tpu.memory_space<vmem_shared>>) offsets(%arg14 : memref<80xi32, #tpu.memory_space<vmem>>) semaphore(%arg31 : memref<!tpu.dma_semaphore, #tpu.memory_space<semaphore_mem>>) {add = true}
      %mul3A_931 = arith.constant 4 : i32
      %mul3A_932 = arith.muli %mul3A_931, %scan3A_838 : i32
      %add3A_933 = arith.constant 2 : i32
      %add3A_934 = arith.addi %mul3A_932, %add3A_933 : i32
      %add3A_935 = arith.constant 2 : i32
      %add3A_936 = arith.addi %add3A_934, %add3A_935 : i32
      %dma_wait3A_937 = arith.constant 0 : i32
      %dma_wait3A_938 = arith.constant 0 : i32
      %dma_wait3A_939 = tpu.memref_slice %arg19[%dma_wait3A_937, %dma_wait3A_938] : memref<10240x128xf32, #tpu.memory_space<vmem_shared>> -> memref<10240x128xf32, #tpu.memory_space<vmem_shared>>
      tpu.wait_indirect_dma semaphore(%arg30 : memref<!tpu.dma_semaphore, #tpu.memory_space<semaphore_mem>>) src(%arg17 : memref<80x128xf32, #tpu.memory_space<vmem>>) dst(%dma_wait3A_939 : memref<10240x128xf32, #tpu.memory_space<vmem_shared>>)
      %add3A_940 = arith.constant 2 : i32
      %add3A_941 = arith.addi %add3A_936, %add3A_940 : i32
      %mul3A_942 = arith.constant 80 : i32
      %mul3A_943 = arith.muli %add3A_941, %mul3A_942 : i32
      %add3A_944 = arith.addi %mul3A_2, %mul3A_943 : i32
      %multiple_of3A_945 = tpu.assume_multiple %add3A_944, 8 : i32
      %dma_start3A_946 = tpu.memref_slice %arg2[%multiple_of3A_945] : memref<320000xi32, #tpu.memory_space<hbm>> -> memref<80xi32, #tpu.memory_space<hbm>>
      %dma_start3A_947 = tpu.memref_slice %arg2[%multiple_of3A_945] : memref<320000xi32, #tpu.memory_space<hbm>> -> memref<80xi32, #tpu.memory_space<hbm>>
      tpu.enqueue_dma source(%dma_start3A_947 : memref<80xi32, #tpu.memory_space<hbm>>) target(%arg9 : memref<80xi32, #tpu.memory_space<vmem>>) target_semaphore(%arg22 : memref<!tpu.dma_semaphore, #tpu.memory_space<semaphore_mem>>)
      %mul3A_948 = arith.constant 80 : i32
      %mul3A_949 = arith.muli %add3A_941, %mul3A_948 : i32
      %add3A_950 = arith.addi %mul3A_2, %mul3A_949 : i32
      %multiple_of3A_951 = tpu.assume_multiple %add3A_950, 8 : i32
      %dma_start3A_952 = tpu.memref_slice %arg3[%multiple_of3A_951] : memref<320000xi32, #tpu.memory_space<hbm>> -> memref<80xi32, #tpu.memory_space<hbm>>
      %dma_start3A_953 = tpu.memref_slice %arg3[%multiple_of3A_951] : memref<320000xi32, #tpu.memory_space<hbm>> -> memref<80xi32, #tpu.memory_space<hbm>>
      tpu.enqueue_dma source(%dma_start3A_953 : memref<80xi32, #tpu.memory_space<hbm>>) target(%arg13 : memref<80xi32, #tpu.memory_space<vmem>>) target_semaphore(%arg22 : memref<!tpu.dma_semaphore, #tpu.memory_space<semaphore_mem>>)
      %add3A_954 = arith.constant 1 : i32
      %add3A_955 = arith.addi %add3A_936, %add3A_954 : i32
      %mul3A_956 = arith.constant 80 : i32
      %mul3A_957 = arith.muli %add3A_955, %mul3A_956 : i32
      %add3A_958 = arith.addi %mul3A_2, %mul3A_957 : i32
      %multiple_of3A_959 = tpu.assume_multiple %add3A_958, 8 : i32
      %dma_wait3A_960 = tpu.memref_slice %arg2[%multiple_of3A_959] : memref<320000xi32, #tpu.memory_space<hbm>> -> memref<80xi32, #tpu.memory_space<hbm>>
      %dma_wait3A_961 = tpu.memref_slice %arg2[%multiple_of3A_959] : memref<320000xi32, #tpu.memory_space<hbm>> -> memref<80xi32, #tpu.memory_space<hbm>>
      tpu.wait_dma2 semaphore(%arg21 : memref<!tpu.dma_semaphore, #tpu.memory_space<semaphore_mem>>) src(%dma_wait3A_961 : memref<80xi32, #tpu.memory_space<hbm>>) dst(%arg8 : memref<80xi32, #tpu.memory_space<vmem>>)
      %mul3A_962 = arith.constant 80 : i32
      %mul3A_963 = arith.muli %add3A_955, %mul3A_962 : i32
      %add3A_964 = arith.addi %mul3A_2, %mul3A_963 : i32
      %multiple_of3A_965 = tpu.assume_multiple %add3A_964, 8 : i32
      %dma_wait3A_966 = tpu.memref_slice %arg3[%multiple_of3A_965] : memref<320000xi32, #tpu.memory_space<hbm>> -> memref<80xi32, #tpu.memory_space<hbm>>
      %dma_wait3A_967 = tpu.memref_slice %arg3[%multiple_of3A_965] : memref<320000xi32, #tpu.memory_space<hbm>> -> memref<80xi32, #tpu.memory_space<hbm>>
      tpu.wait_dma2 semaphore(%arg21 : memref<!tpu.dma_semaphore, #tpu.memory_space<semaphore_mem>>) src(%dma_wait3A_967 : memref<80xi32, #tpu.memory_space<hbm>>) dst(%arg12 : memref<80xi32, #tpu.memory_space<vmem>>)
      %dma_start3A_968 = arith.constant 0 : i32
      %dma_start3A_969 = arith.constant 0 : i32
      %dma_start3A_970 = tpu.memref_slice %arg4[%dma_start3A_968, %dma_start3A_969] : memref<10240x128xf32, #tpu.memory_space<hbm>> -> memref<10240x128xf32, #tpu.memory_space<hbm>>
      tpu.enqueue_indirect_dma source(%dma_start3A_970 : memref<10240x128xf32, #tpu.memory_space<hbm>>) target(%arg16 : memref<80x128xf32, #tpu.memory_space<vmem>>) offsets(%arg8 : memref<80xi32, #tpu.memory_space<vmem>>) semaphore(%arg25 : memref<!tpu.dma_semaphore, #tpu.memory_space<semaphore_mem>>)
      %dma_wait3A_971 = arith.constant 0 : i32
      %dma_wait3A_972 = arith.constant 0 : i32
      %dma_wait3A_973 = tpu.memref_slice %arg4[%dma_wait3A_971, %dma_wait3A_972] : memref<10240x128xf32, #tpu.memory_space<hbm>> -> memref<10240x128xf32, #tpu.memory_space<hbm>>
      tpu.wait_indirect_dma semaphore(%arg24 : memref<!tpu.dma_semaphore, #tpu.memory_space<semaphore_mem>>) src(%dma_wait3A_973 : memref<10240x128xf32, #tpu.memory_space<hbm>>) dst(%arg15 : memref<80x128xf32, #tpu.memory_space<vmem>>)
      %dma_start3A_974 = arith.constant 0 : i32
      %dma_start3A_975 = arith.constant 0 : i32
      %dma_start3A_976 = tpu.memref_slice %arg19[%dma_start3A_974, %dma_start3A_975] : memref<10240x128xf32, #tpu.memory_space<vmem_shared>> -> memref<10240x128xf32, #tpu.memory_space<vmem_shared>>
      tpu.enqueue_indirect_dma source(%arg15 : memref<80x128xf32, #tpu.memory_space<vmem>>) target(%dma_start3A_976 : memref<10240x128xf32, #tpu.memory_space<vmem_shared>>) offsets(%arg11 : memref<80xi32, #tpu.memory_space<vmem>>) semaphore(%arg28 : memref<!tpu.dma_semaphore, #tpu.memory_space<semaphore_mem>>) {add = true}
      %mul3A_977 = arith.constant 4 : i32
      %mul3A_978 = arith.muli %mul3A_977, %scan3A_838 : i32
      %add3A_979 = arith.constant 2 : i32
      %add3A_980 = arith.addi %mul3A_978, %add3A_979 : i32
      %add3A_981 = arith.constant 3 : i32
      %add3A_982 = arith.addi %add3A_980, %add3A_981 : i32
      %dma_wait3A_983 = arith.constant 0 : i32
      %dma_wait3A_984 = arith.constant 0 : i32
      %dma_wait3A_985 = tpu.memref_slice %arg19[%dma_wait3A_983, %dma_wait3A_984] : memref<10240x128xf32, #tpu.memory_space<vmem_shared>> -> memref<10240x128xf32, #tpu.memory_space<vmem_shared>>
      tpu.wait_indirect_dma semaphore(%arg31 : memref<!tpu.dma_semaphore, #tpu.memory_space<semaphore_mem>>) src(%arg18 : memref<80x128xf32, #tpu.memory_space<vmem>>) dst(%dma_wait3A_985 : memref<10240x128xf32, #tpu.memory_space<vmem_shared>>)
      %add3A_986 = arith.constant 2 : i32
      %add3A_987 = arith.addi %add3A_982, %add3A_986 : i32
      %mul3A_988 = arith.constant 80 : i32
      %mul3A_989 = arith.muli %add3A_987, %mul3A_988 : i32
      %add3A_990 = arith.addi %mul3A_2, %mul3A_989 : i32
      %multiple_of3A_991 = tpu.assume_multiple %add3A_990, 8 : i32
      %dma_start3A_992 = tpu.memref_slice %arg2[%multiple_of3A_991] : memref<320000xi32, #tpu.memory_space<hbm>> -> memref<80xi32, #tpu.memory_space<hbm>>
      %dma_start3A_993 = tpu.memref_slice %arg2[%multiple_of3A_991] : memref<320000xi32, #tpu.memory_space<hbm>> -> memref<80xi32, #tpu.memory_space<hbm>>
      tpu.enqueue_dma source(%dma_start3A_993 : memref<80xi32, #tpu.memory_space<hbm>>) target(%arg10 : memref<80xi32, #tpu.memory_space<vmem>>) target_semaphore(%arg23 : memref<!tpu.dma_semaphore, #tpu.memory_space<semaphore_mem>>)
      %mul3A_994 = arith.constant 80 : i32
      %mul3A_995 = arith.muli %add3A_987, %mul3A_994 : i32
      %add3A_996 = arith.addi %mul3A_2, %mul3A_995 : i32
      %multiple_of3A_997 = tpu.assume_multiple %add3A_996, 8 : i32
      %dma_start3A_998 = tpu.memref_slice %arg3[%multiple_of3A_997] : memref<320000xi32, #tpu.memory_space<hbm>> -> memref<80xi32, #tpu.memory_space<hbm>>
      %dma_start3A_999 = tpu.memref_slice %arg3[%multiple_of3A_997] : memref<320000xi32, #tpu.memory_space<hbm>> -> memref<80xi32, #tpu.memory_space<hbm>>
      tpu.enqueue_dma source(%dma_start3A_999 : memref<80xi32, #tpu.memory_space<hbm>>) target(%arg14 : memref<80xi32, #tpu.memory_space<vmem>>) target_semaphore(%arg23 : memref<!tpu.dma_semaphore, #tpu.memory_space<semaphore_mem>>)
      %add3A_1000 = arith.constant 1 : i32
      %add3A_1001 = arith.addi %add3A_982, %add3A_1000 : i32
      %mul3A_1002 = arith.constant 80 : i32
      %mul3A_1003 = arith.muli %add3A_1001, %mul3A_1002 : i32
      %add3A_1004 = arith.addi %mul3A_2, %mul3A_1003 : i32
      %multiple_of3A_1005 = tpu.assume_multiple %add3A_1004, 8 : i32
      %dma_wait3A_1006 = tpu.memref_slice %arg2[%multiple_of3A_1005] : memref<320000xi32, #tpu.memory_space<hbm>> -> memref<80xi32, #tpu.memory_space<hbm>>
      %dma_wait3A_1007 = tpu.memref_slice %arg2[%multiple_of3A_1005] : memref<320000xi32, #tpu.memory_space<hbm>> -> memref<80xi32, #tpu.memory_space<hbm>>
      tpu.wait_dma2 semaphore(%arg22 : memref<!tpu.dma_semaphore, #tpu.memory_space<semaphore_mem>>) src(%dma_wait3A_1007 : memref<80xi32, #tpu.memory_space<hbm>>) dst(%arg9 : memref<80xi32, #tpu.memory_space<vmem>>)
      %mul3A_1008 = arith.constant 80 : i32
      %mul3A_1009 = arith.muli %add3A_1001, %mul3A_1008 : i32
      %add3A_1010 = arith.addi %mul3A_2, %mul3A_1009 : i32
      %multiple_of3A_1011 = tpu.assume_multiple %add3A_1010, 8 : i32
      %dma_wait3A_1012 = tpu.memref_slice %arg3[%multiple_of3A_1011] : memref<320000xi32, #tpu.memory_space<hbm>> -> memref<80xi32, #tpu.memory_space<hbm>>
      %dma_wait3A_1013 = tpu.memref_slice %arg3[%multiple_of3A_1011] : memref<320000xi32, #tpu.memory_space<hbm>> -> memref<80xi32, #tpu.memory_space<hbm>>
      tpu.wait_dma2 semaphore(%arg22 : memref<!tpu.dma_semaphore, #tpu.memory_space<semaphore_mem>>) src(%dma_wait3A_1013 : memref<80xi32, #tpu.memory_space<hbm>>) dst(%arg13 : memref<80xi32, #tpu.memory_space<vmem>>)
      %dma_start3A_1014 = arith.constant 0 : i32
      %dma_start3A_1015 = arith.constant 0 : i32
      %dma_start3A_1016 = tpu.memref_slice %arg4[%dma_start3A_1014, %dma_start3A_1015] : memref<10240x128xf32, #tpu.memory_space<hbm>> -> memref<10240x128xf32, #tpu.memory_space<hbm>>
      tpu.enqueue_indirect_dma source(%dma_start3A_1016 : memref<10240x128xf32, #tpu.memory_space<hbm>>) target(%arg17 : memref<80x128xf32, #tpu.memory_space<vmem>>) offsets(%arg9 : memref<80xi32, #tpu.memory_space<vmem>>) semaphore(%arg26 : memref<!tpu.dma_semaphore, #tpu.memory_space<semaphore_mem>>)
      %dma_wait3A_1017 = arith.constant 0 : i32
      %dma_wait3A_1018 = arith.constant 0 : i32
      %dma_wait3A_1019 = tpu.memref_slice %arg4[%dma_wait3A_1017, %dma_wait3A_1018] : memref<10240x128xf32, #tpu.memory_space<hbm>> -> memref<10240x128xf32, #tpu.memory_space<hbm>>
      tpu.wait_indirect_dma semaphore(%arg25 : memref<!tpu.dma_semaphore, #tpu.memory_space<semaphore_mem>>) src(%dma_wait3A_1019 : memref<10240x128xf32, #tpu.memory_space<hbm>>) dst(%arg16 : memref<80x128xf32, #tpu.memory_space<vmem>>)
      %dma_start3A_1020 = arith.constant 0 : i32
      %dma_start3A_1021 = arith.constant 0 : i32
      %dma_start3A_1022 = tpu.memref_slice %arg19[%dma_start3A_1020, %dma_start3A_1021] : memref<10240x128xf32, #tpu.memory_space<vmem_shared>> -> memref<10240x128xf32, #tpu.memory_space<vmem_shared>>
      tpu.enqueue_indirect_dma source(%arg16 : memref<80x128xf32, #tpu.memory_space<vmem>>) target(%dma_start3A_1022 : memref<10240x128xf32, #tpu.memory_space<vmem_shared>>) offsets(%arg12 : memref<80xi32, #tpu.memory_space<vmem>>) semaphore(%arg29 : memref<!tpu.dma_semaphore, #tpu.memory_space<semaphore_mem>>) {add = true}
    }
    %scan3A_319 = arith.constant 30 : i32
    %dma_wait3A_320 = arith.constant 0 : i32
    %dma_wait3A_321 = arith.constant 0 : i32
    %dma_wait3A_322 = tpu.memref_slice %arg19[%dma_wait3A_320, %dma_wait3A_321] : memref<10240x128xf32, #tpu.memory_space<vmem_shared>> -> memref<10240x128xf32, #tpu.memory_space<vmem_shared>>
    tpu.wait_indirect_dma semaphore(%arg28 : memref<!tpu.dma_semaphore, #tpu.memory_space<semaphore_mem>>) src(%arg15 : memref<80x128xf32, #tpu.memory_space<vmem>>) dst(%dma_wait3A_322 : memref<10240x128xf32, #tpu.memory_space<vmem_shared>>)
    %add3A_323 = arith.constant 9920 : i32
    %add3A_324 = arith.addi %mul3A_2, %add3A_323 : i32
    %multiple_of3A_325 = tpu.assume_multiple %add3A_324, 8 : i32
    %dma_start3A_326 = tpu.memref_slice %arg2[%multiple_of3A_325] : memref<320000xi32, #tpu.memory_space<hbm>> -> memref<80xi32, #tpu.memory_space<hbm>>
    %dma_start3A_327 = tpu.memref_slice %arg2[%multiple_of3A_325] : memref<320000xi32, #tpu.memory_space<hbm>> -> memref<80xi32, #tpu.memory_space<hbm>>
    tpu.enqueue_dma source(%dma_start3A_327 : memref<80xi32, #tpu.memory_space<hbm>>) target(%arg7 : memref<80xi32, #tpu.memory_space<vmem>>) target_semaphore(%arg20 : memref<!tpu.dma_semaphore, #tpu.memory_space<semaphore_mem>>)
    %add3A_328 = arith.constant 9920 : i32
    %add3A_329 = arith.addi %mul3A_2, %add3A_328 : i32
    %multiple_of3A_330 = tpu.assume_multiple %add3A_329, 8 : i32
    %dma_start3A_331 = tpu.memref_slice %arg3[%multiple_of3A_330] : memref<320000xi32, #tpu.memory_space<hbm>> -> memref<80xi32, #tpu.memory_space<hbm>>
    %dma_start3A_332 = tpu.memref_slice %arg3[%multiple_of3A_330] : memref<320000xi32, #tpu.memory_space<hbm>> -> memref<80xi32, #tpu.memory_space<hbm>>
    tpu.enqueue_dma source(%dma_start3A_332 : memref<80xi32, #tpu.memory_space<hbm>>) target(%arg11 : memref<80xi32, #tpu.memory_space<vmem>>) target_semaphore(%arg20 : memref<!tpu.dma_semaphore, #tpu.memory_space<semaphore_mem>>)
    %add3A_333 = arith.constant 9840 : i32
    %add3A_334 = arith.addi %mul3A_2, %add3A_333 : i32
    %multiple_of3A_335 = tpu.assume_multiple %add3A_334, 8 : i32
    %dma_wait3A_336 = tpu.memref_slice %arg2[%multiple_of3A_335] : memref<320000xi32, #tpu.memory_space<hbm>> -> memref<80xi32, #tpu.memory_space<hbm>>
    %dma_wait3A_337 = tpu.memref_slice %arg2[%multiple_of3A_335] : memref<320000xi32, #tpu.memory_space<hbm>> -> memref<80xi32, #tpu.memory_space<hbm>>
    tpu.wait_dma2 semaphore(%arg23 : memref<!tpu.dma_semaphore, #tpu.memory_space<semaphore_mem>>) src(%dma_wait3A_337 : memref<80xi32, #tpu.memory_space<hbm>>) dst(%arg10 : memref<80xi32, #tpu.memory_space<vmem>>)
    %add3A_338 = arith.constant 9840 : i32
    %add3A_339 = arith.addi %mul3A_2, %add3A_338 : i32
    %multiple_of3A_340 = tpu.assume_multiple %add3A_339, 8 : i32
    %dma_wait3A_341 = tpu.memref_slice %arg3[%multiple_of3A_340] : memref<320000xi32, #tpu.memory_space<hbm>> -> memref<80xi32, #tpu.memory_space<hbm>>
    %dma_wait3A_342 = tpu.memref_slice %arg3[%multiple_of3A_340] : memref<320000xi32, #tpu.memory_space<hbm>> -> memref<80xi32, #tpu.memory_space<hbm>>
    tpu.wait_dma2 semaphore(%arg23 : memref<!tpu.dma_semaphore, #tpu.memory_space<semaphore_mem>>) src(%dma_wait3A_342 : memref<80xi32, #tpu.memory_space<hbm>>) dst(%arg14 : memref<80xi32, #tpu.memory_space<vmem>>)
    %dma_start3A_343 = arith.constant 0 : i32
    %dma_start3A_344 = arith.constant 0 : i32
    %dma_start3A_345 = tpu.memref_slice %arg4[%dma_start3A_343, %dma_start3A_344] : memref<10240x128xf32, #tpu.memory_space<hbm>> -> memref<10240x128xf32, #tpu.memory_space<hbm>>
    tpu.enqueue_indirect_dma source(%dma_start3A_345 : memref<10240x128xf32, #tpu.memory_space<hbm>>) target(%arg18 : memref<80x128xf32, #tpu.memory_space<vmem>>) offsets(%arg10 : memref<80xi32, #tpu.memory_space<vmem>>) semaphore(%arg27 : memref<!tpu.dma_semaphore, #tpu.memory_space<semaphore_mem>>)
    %dma_wait3A_346 = arith.constant 0 : i32
    %dma_wait3A_347 = arith.constant 0 : i32
    %dma_wait3A_348 = tpu.memref_slice %arg4[%dma_wait3A_346, %dma_wait3A_347] : memref<10240x128xf32, #tpu.memory_space<hbm>> -> memref<10240x128xf32, #tpu.memory_space<hbm>>
    tpu.wait_indirect_dma semaphore(%arg26 : memref<!tpu.dma_semaphore, #tpu.memory_space<semaphore_mem>>) src(%dma_wait3A_348 : memref<10240x128xf32, #tpu.memory_space<hbm>>) dst(%arg17 : memref<80x128xf32, #tpu.memory_space<vmem>>)
    %dma_start3A_349 = arith.constant 0 : i32
    %dma_start3A_350 = arith.constant 0 : i32
    %dma_start3A_351 = tpu.memref_slice %arg19[%dma_start3A_349, %dma_start3A_350] : memref<10240x128xf32, #tpu.memory_space<vmem_shared>> -> memref<10240x128xf32, #tpu.memory_space<vmem_shared>>
    tpu.enqueue_indirect_dma source(%arg17 : memref<80x128xf32, #tpu.memory_space<vmem>>) target(%dma_start3A_351 : memref<10240x128xf32, #tpu.memory_space<vmem_shared>>) offsets(%arg13 : memref<80xi32, #tpu.memory_space<vmem>>) semaphore(%arg30 : memref<!tpu.dma_semaphore, #tpu.memory_space<semaphore_mem>>) {add = true}
    %add3A_352 = arith.constant 9920 : i32
    %add3A_353 = arith.addi %mul3A_2, %add3A_352 : i32
    %multiple_of3A_354 = tpu.assume_multiple %add3A_353, 8 : i32
    %dma_wait3A_355 = tpu.memref_slice %arg2[%multiple_of3A_354] : memref<320000xi32, #tpu.memory_space<hbm>> -> memref<80xi32, #tpu.memory_space<hbm>>
    %dma_wait3A_356 = tpu.memref_slice %arg2[%multiple_of3A_354] : memref<320000xi32, #tpu.memory_space<hbm>> -> memref<80xi32, #tpu.memory_space<hbm>>
    tpu.wait_dma2 semaphore(%arg20 : memref<!tpu.dma_semaphore, #tpu.memory_space<semaphore_mem>>) src(%dma_wait3A_356 : memref<80xi32, #tpu.memory_space<hbm>>) dst(%arg7 : memref<80xi32, #tpu.memory_space<vmem>>)
    %add3A_357 = arith.constant 9920 : i32
    %add3A_358 = arith.addi %mul3A_2, %add3A_357 : i32
    %multiple_of3A_359 = tpu.assume_multiple %add3A_358, 8 : i32
    %dma_wait3A_360 = tpu.memref_slice %arg3[%multiple_of3A_359] : memref<320000xi32, #tpu.memory_space<hbm>> -> memref<80xi32, #tpu.memory_space<hbm>>
    %dma_wait3A_361 = tpu.memref_slice %arg3[%multiple_of3A_359] : memref<320000xi32, #tpu.memory_space<hbm>> -> memref<80xi32, #tpu.memory_space<hbm>>
    tpu.wait_dma2 semaphore(%arg20 : memref<!tpu.dma_semaphore, #tpu.memory_space<semaphore_mem>>) src(%dma_wait3A_361 : memref<80xi32, #tpu.memory_space<hbm>>) dst(%arg11 : memref<80xi32, #tpu.memory_space<vmem>>)
    %dma_start3A_362 = arith.constant 0 : i32
    %dma_start3A_363 = arith.constant 0 : i32
    %dma_start3A_364 = tpu.memref_slice %arg4[%dma_start3A_362, %dma_start3A_363] : memref<10240x128xf32, #tpu.memory_space<hbm>> -> memref<10240x128xf32, #tpu.memory_space<hbm>>
    tpu.enqueue_indirect_dma source(%dma_start3A_364 : memref<10240x128xf32, #tpu.memory_space<hbm>>) target(%arg15 : memref<80x128xf32, #tpu.memory_space<vmem>>) offsets(%arg7 : memref<80xi32, #tpu.memory_space<vmem>>) semaphore(%arg24 : memref<!tpu.dma_semaphore, #tpu.memory_space<semaphore_mem>>)
    %dma_wait3A_365 = arith.constant 0 : i32
    %dma_wait3A_366 = arith.constant 0 : i32
    %dma_wait3A_367 = tpu.memref_slice %arg4[%dma_wait3A_365, %dma_wait3A_366] : memref<10240x128xf32, #tpu.memory_space<hbm>> -> memref<10240x128xf32, #tpu.memory_space<hbm>>
    tpu.wait_indirect_dma semaphore(%arg27 : memref<!tpu.dma_semaphore, #tpu.memory_space<semaphore_mem>>) src(%dma_wait3A_367 : memref<10240x128xf32, #tpu.memory_space<hbm>>) dst(%arg18 : memref<80x128xf32, #tpu.memory_space<vmem>>)
    %dma_start3A_368 = arith.constant 0 : i32
    %dma_start3A_369 = arith.constant 0 : i32
    %dma_start3A_370 = tpu.memref_slice %arg19[%dma_start3A_368, %dma_start3A_369] : memref<10240x128xf32, #tpu.memory_space<vmem_shared>> -> memref<10240x128xf32, #tpu.memory_space<vmem_shared>>
    tpu.enqueue_indirect_dma source(%arg18 : memref<80x128xf32, #tpu.memory_space<vmem>>) target(%dma_start3A_370 : memref<10240x128xf32, #tpu.memory_space<vmem_shared>>) offsets(%arg14 : memref<80xi32, #tpu.memory_space<vmem>>) semaphore(%arg31 : memref<!tpu.dma_semaphore, #tpu.memory_space<semaphore_mem>>) {add = true}
    %dma_wait3A_371 = arith.constant 0 : i32
    %dma_wait3A_372 = arith.constant 0 : i32
    %dma_wait3A_373 = tpu.memref_slice %arg4[%dma_wait3A_371, %dma_wait3A_372] : memref<10240x128xf32, #tpu.memory_space<hbm>> -> memref<10240x128xf32, #tpu.memory_space<hbm>>
    tpu.wait_indirect_dma semaphore(%arg24 : memref<!tpu.dma_semaphore, #tpu.memory_space<semaphore_mem>>) src(%dma_wait3A_373 : memref<10240x128xf32, #tpu.memory_space<hbm>>) dst(%arg15 : memref<80x128xf32, #tpu.memory_space<vmem>>)
    %dma_start3A_374 = arith.constant 0 : i32
    %dma_start3A_375 = arith.constant 0 : i32
    %dma_start3A_376 = tpu.memref_slice %arg19[%dma_start3A_374, %dma_start3A_375] : memref<10240x128xf32, #tpu.memory_space<vmem_shared>> -> memref<10240x128xf32, #tpu.memory_space<vmem_shared>>
    tpu.enqueue_indirect_dma source(%arg15 : memref<80x128xf32, #tpu.memory_space<vmem>>) target(%dma_start3A_376 : memref<10240x128xf32, #tpu.memory_space<vmem_shared>>) offsets(%arg11 : memref<80xi32, #tpu.memory_space<vmem>>) semaphore(%arg28 : memref<!tpu.dma_semaphore, #tpu.memory_space<semaphore_mem>>) {add = true}
    %dma_wait3A_377 = arith.constant 0 : i32
    %dma_wait3A_378 = arith.constant 0 : i32
    %dma_wait3A_379 = tpu.memref_slice %arg19[%dma_wait3A_377, %dma_wait3A_378] : memref<10240x128xf32, #tpu.memory_space<vmem_shared>> -> memref<10240x128xf32, #tpu.memory_space<vmem_shared>>
    tpu.wait_indirect_dma semaphore(%arg29 : memref<!tpu.dma_semaphore, #tpu.memory_space<semaphore_mem>>) src(%arg16 : memref<80x128xf32, #tpu.memory_space<vmem>>) dst(%dma_wait3A_379 : memref<10240x128xf32, #tpu.memory_space<vmem_shared>>)
    %dma_wait3A_380 = arith.constant 0 : i32
    %dma_wait3A_381 = arith.constant 0 : i32
    %dma_wait3A_382 = tpu.memref_slice %arg19[%dma_wait3A_380, %dma_wait3A_381] : memref<10240x128xf32, #tpu.memory_space<vmem_shared>> -> memref<10240x128xf32, #tpu.memory_space<vmem_shared>>
    tpu.wait_indirect_dma semaphore(%arg30 : memref<!tpu.dma_semaphore, #tpu.memory_space<semaphore_mem>>) src(%arg17 : memref<80x128xf32, #tpu.memory_space<vmem>>) dst(%dma_wait3A_382 : memref<10240x128xf32, #tpu.memory_space<vmem_shared>>)
    %dma_wait3A_383 = arith.constant 0 : i32
    %dma_wait3A_384 = arith.constant 0 : i32
    %dma_wait3A_385 = tpu.memref_slice %arg19[%dma_wait3A_383, %dma_wait3A_384] : memref<10240x128xf32, #tpu.memory_space<vmem_shared>> -> memref<10240x128xf32, #tpu.memory_space<vmem_shared>>
    tpu.wait_indirect_dma semaphore(%arg31 : memref<!tpu.dma_semaphore, #tpu.memory_space<semaphore_mem>>) src(%arg18 : memref<80x128xf32, #tpu.memory_space<vmem>>) dst(%dma_wait3A_385 : memref<10240x128xf32, #tpu.memory_space<vmem_shared>>)
    %dma_wait3A_386 = arith.constant 0 : i32
    %dma_wait3A_387 = arith.constant 0 : i32
    %dma_wait3A_388 = tpu.memref_slice %arg19[%dma_wait3A_386, %dma_wait3A_387] : memref<10240x128xf32, #tpu.memory_space<vmem_shared>> -> memref<10240x128xf32, #tpu.memory_space<vmem_shared>>
    tpu.wait_indirect_dma semaphore(%arg28 : memref<!tpu.dma_semaphore, #tpu.memory_space<semaphore_mem>>) src(%arg15 : memref<80x128xf32, #tpu.memory_space<vmem>>) dst(%dma_wait3A_388 : memref<10240x128xf32, #tpu.memory_space<vmem_shared>>)
    %barrier3A_389 = arith.constant 0 : index
    tpu.barrier barrier_id(%barrier3A_389)
    %mul3A_390 = arith.constant 640 : i32
    %mul3A_391 = arith.muli %arg1, %mul3A_390 : i32
    %add3A_392 = arith.constant 0 : i32
    %add3A_393 = arith.addi %mul3A_391, %add3A_392 : i32
    %dma_start3A_394 = arith.constant 0 : i32
    %dma_start3A_395 = arith.constant 0 : i32
    %dma_start3A_396 = tpu.memref_slice %arg15[%dma_start3A_394, %dma_start3A_395] : memref<80x128xf32, #tpu.memory_space<vmem>> -> memref<80x128xf32, #tpu.memory_space<vmem>>
    %dma_start3A_397 = arith.constant 0 : i32
    %dma_start3A_398 = tpu.memref_slice %arg19[%add3A_393, %dma_start3A_397] : memref<10240x128xf32, #tpu.memory_space<vmem_shared>> -> memref<80x128xf32, #tpu.memory_space<vmem_shared>>
    %dma_start3A_399 = arith.constant 0 : i32
    %dma_start3A_400 = arith.constant 0 : i32
    %dma_start3A_401 = tpu.memref_slice %arg15[%dma_start3A_399, %dma_start3A_400] : memref<80x128xf32, #tpu.memory_space<vmem>> -> memref<80x128xf32, #tpu.memory_space<vmem>>
    %dma_start3A_402 = arith.constant 0 : i32
    %dma_start3A_403 = tpu.memref_slice %arg19[%add3A_393, %dma_start3A_402] : memref<10240x128xf32, #tpu.memory_space<vmem_shared>> -> memref<80x128xf32, #tpu.memory_space<vmem_shared>>
    tpu.enqueue_dma source(%dma_start3A_403 : memref<80x128xf32, #tpu.memory_space<vmem_shared>>) target(%dma_start3A_401 : memref<80x128xf32, #tpu.memory_space<vmem>>) target_semaphore(%arg24 : memref<!tpu.dma_semaphore, #tpu.memory_space<semaphore_mem>>)
    %mul3A_404 = arith.constant 640 : i32
    %mul3A_405 = arith.muli %arg1, %mul3A_404 : i32
    %add3A_406 = arith.constant 80 : i32
    %add3A_407 = arith.addi %mul3A_405, %add3A_406 : i32
    %dma_start3A_408 = arith.constant 0 : i32
    %dma_start3A_409 = arith.constant 0 : i32
    %dma_start3A_410 = tpu.memref_slice %arg16[%dma_start3A_408, %dma_start3A_409] : memref<80x128xf32, #tpu.memory_space<vmem>> -> memref<80x128xf32, #tpu.memory_space<vmem>>
    %dma_start3A_411 = arith.constant 0 : i32
    %dma_start3A_412 = tpu.memref_slice %arg19[%add3A_407, %dma_start3A_411] : memref<10240x128xf32, #tpu.memory_space<vmem_shared>> -> memref<80x128xf32, #tpu.memory_space<vmem_shared>>
    %dma_start3A_413 = arith.constant 0 : i32
    %dma_start3A_414 = arith.constant 0 : i32
    %dma_start3A_415 = tpu.memref_slice %arg16[%dma_start3A_413, %dma_start3A_414] : memref<80x128xf32, #tpu.memory_space<vmem>> -> memref<80x128xf32, #tpu.memory_space<vmem>>
    %dma_start3A_416 = arith.constant 0 : i32
    %dma_start3A_417 = tpu.memref_slice %arg19[%add3A_407, %dma_start3A_416] : memref<10240x128xf32, #tpu.memory_space<vmem_shared>> -> memref<80x128xf32, #tpu.memory_space<vmem_shared>>
    tpu.enqueue_dma source(%dma_start3A_417 : memref<80x128xf32, #tpu.memory_space<vmem_shared>>) target(%dma_start3A_415 : memref<80x128xf32, #tpu.memory_space<vmem>>) target_semaphore(%arg25 : memref<!tpu.dma_semaphore, #tpu.memory_space<semaphore_mem>>)
    %mul3A_418 = arith.constant 640 : i32
    %mul3A_419 = arith.muli %arg1, %mul3A_418 : i32
    %add3A_420 = arith.constant 0 : i32
    %add3A_421 = arith.addi %mul3A_419, %add3A_420 : i32
    %dma_wait3A_422 = arith.constant 0 : i32
    %dma_wait3A_423 = arith.constant 0 : i32
    %dma_wait3A_424 = tpu.memref_slice %arg15[%dma_wait3A_422, %dma_wait3A_423] : memref<80x128xf32, #tpu.memory_space<vmem>> -> memref<80x128xf32, #tpu.memory_space<vmem>>
    %dma_wait3A_425 = arith.constant 0 : i32
    %dma_wait3A_426 = tpu.memref_slice %arg19[%add3A_421, %dma_wait3A_425] : memref<10240x128xf32, #tpu.memory_space<vmem_shared>> -> memref<80x128xf32, #tpu.memory_space<vmem_shared>>
    %dma_wait3A_427 = arith.constant 0 : i32
    %dma_wait3A_428 = arith.constant 0 : i32
    %dma_wait3A_429 = tpu.memref_slice %arg15[%dma_wait3A_427, %dma_wait3A_428] : memref<80x128xf32, #tpu.memory_space<vmem>> -> memref<80x128xf32, #tpu.memory_space<vmem>>
    %dma_wait3A_430 = arith.constant 0 : i32
    %dma_wait3A_431 = tpu.memref_slice %arg19[%add3A_421, %dma_wait3A_430] : memref<10240x128xf32, #tpu.memory_space<vmem_shared>> -> memref<80x128xf32, #tpu.memory_space<vmem_shared>>
    tpu.wait_dma2 semaphore(%arg24 : memref<!tpu.dma_semaphore, #tpu.memory_space<semaphore_mem>>) src(%dma_wait3A_431 : memref<80x128xf32, #tpu.memory_space<vmem_shared>>) dst(%dma_wait3A_429 : memref<80x128xf32, #tpu.memory_space<vmem>>)
    %dma_start3A_432 = arith.constant 0 : i32
    %dma_start3A_433 = arith.constant 0 : i32
    %dma_start3A_434 = tpu.memref_slice %arg15[%dma_start3A_432, %dma_start3A_433] : memref<80x128xf32, #tpu.memory_space<vmem>> -> memref<80x128xf32, #tpu.memory_space<vmem>>
    %dma_start3A_435 = arith.constant 0 : i32
    %dma_start3A_436 = tpu.memref_slice %arg6[%arg0, %add3A_421, %dma_start3A_435] : memref<2x10240x128xf32, #tpu.memory_space<hbm>> -> memref<1x80x128xf32, #tpu.memory_space<hbm>>
    %dma_start3A_437 = tpu.memref_squeeze %dma_start3A_436 : memref<1x80x128xf32, #tpu.memory_space<hbm>> -> memref<80x128xf32, #tpu.memory_space<hbm>>
    %dma_start3A_438 = arith.constant 0 : i32
    %dma_start3A_439 = tpu.memref_slice %arg6[%arg0, %add3A_421, %dma_start3A_438] : memref<2x10240x128xf32, #tpu.memory_space<hbm>> -> memref<1x80x128xf32, #tpu.memory_space<hbm>>
    %dma_start3A_440 = tpu.memref_squeeze %dma_start3A_439 : memref<1x80x128xf32, #tpu.memory_space<hbm>> -> memref<80x128xf32, #tpu.memory_space<hbm>>
    %dma_start3A_441 = arith.constant 0 : i32
    %dma_start3A_442 = arith.constant 0 : i32
    %dma_start3A_443 = tpu.memref_slice %arg15[%dma_start3A_441, %dma_start3A_442] : memref<80x128xf32, #tpu.memory_space<vmem>> -> memref<80x128xf32, #tpu.memory_space<vmem>>
    tpu.enqueue_dma source(%dma_start3A_443 : memref<80x128xf32, #tpu.memory_space<vmem>>) target(%dma_start3A_440 : memref<80x128xf32, #tpu.memory_space<hbm>>) target_semaphore(%arg28 : memref<!tpu.dma_semaphore, #tpu.memory_space<semaphore_mem>>)
    %mul3A_444 = arith.constant 640 : i32
    %mul3A_445 = arith.muli %arg1, %mul3A_444 : i32
    %add3A_446 = arith.constant 160 : i32
    %add3A_447 = arith.addi %mul3A_445, %add3A_446 : i32
    %dma_start3A_448 = arith.constant 0 : i32
    %dma_start3A_449 = arith.constant 0 : i32
    %dma_start3A_450 = tpu.memref_slice %arg17[%dma_start3A_448, %dma_start3A_449] : memref<80x128xf32, #tpu.memory_space<vmem>> -> memref<80x128xf32, #tpu.memory_space<vmem>>
    %dma_start3A_451 = arith.constant 0 : i32
    %dma_start3A_452 = tpu.memref_slice %arg19[%add3A_447, %dma_start3A_451] : memref<10240x128xf32, #tpu.memory_space<vmem_shared>> -> memref<80x128xf32, #tpu.memory_space<vmem_shared>>
    %dma_start3A_453 = arith.constant 0 : i32
    %dma_start3A_454 = arith.constant 0 : i32
    %dma_start3A_455 = tpu.memref_slice %arg17[%dma_start3A_453, %dma_start3A_454] : memref<80x128xf32, #tpu.memory_space<vmem>> -> memref<80x128xf32, #tpu.memory_space<vmem>>
    %dma_start3A_456 = arith.constant 0 : i32
    %dma_start3A_457 = tpu.memref_slice %arg19[%add3A_447, %dma_start3A_456] : memref<10240x128xf32, #tpu.memory_space<vmem_shared>> -> memref<80x128xf32, #tpu.memory_space<vmem_shared>>
    tpu.enqueue_dma source(%dma_start3A_457 : memref<80x128xf32, #tpu.memory_space<vmem_shared>>) target(%dma_start3A_455 : memref<80x128xf32, #tpu.memory_space<vmem>>) target_semaphore(%arg26 : memref<!tpu.dma_semaphore, #tpu.memory_space<semaphore_mem>>)
    %mul3A_458 = arith.constant 640 : i32
    %mul3A_459 = arith.muli %arg1, %mul3A_458 : i32
    %add3A_460 = arith.constant 80 : i32
    %add3A_461 = arith.addi %mul3A_459, %add3A_460 : i32
    %dma_wait3A_462 = arith.constant 0 : i32
    %dma_wait3A_463 = arith.constant 0 : i32
    %dma_wait3A_464 = tpu.memref_slice %arg16[%dma_wait3A_462, %dma_wait3A_463] : memref<80x128xf32, #tpu.memory_space<vmem>> -> memref<80x128xf32, #tpu.memory_space<vmem>>
    %dma_wait3A_465 = arith.constant 0 : i32
    %dma_wait3A_466 = tpu.memref_slice %arg19[%add3A_461, %dma_wait3A_465] : memref<10240x128xf32, #tpu.memory_space<vmem_shared>> -> memref<80x128xf32, #tpu.memory_space<vmem_shared>>
    %dma_wait3A_467 = arith.constant 0 : i32
    %dma_wait3A_468 = arith.constant 0 : i32
    %dma_wait3A_469 = tpu.memref_slice %arg16[%dma_wait3A_467, %dma_wait3A_468] : memref<80x128xf32, #tpu.memory_space<vmem>> -> memref<80x128xf32, #tpu.memory_space<vmem>>
    %dma_wait3A_470 = arith.constant 0 : i32
    %dma_wait3A_471 = tpu.memref_slice %arg19[%add3A_461, %dma_wait3A_470] : memref<10240x128xf32, #tpu.memory_space<vmem_shared>> -> memref<80x128xf32, #tpu.memory_space<vmem_shared>>
    tpu.wait_dma2 semaphore(%arg25 : memref<!tpu.dma_semaphore, #tpu.memory_space<semaphore_mem>>) src(%dma_wait3A_471 : memref<80x128xf32, #tpu.memory_space<vmem_shared>>) dst(%dma_wait3A_469 : memref<80x128xf32, #tpu.memory_space<vmem>>)
    %dma_start3A_472 = arith.constant 0 : i32
    %dma_start3A_473 = arith.constant 0 : i32
    %dma_start3A_474 = tpu.memref_slice %arg16[%dma_start3A_472, %dma_start3A_473] : memref<80x128xf32, #tpu.memory_space<vmem>> -> memref<80x128xf32, #tpu.memory_space<vmem>>
    %dma_start3A_475 = arith.constant 0 : i32
    %dma_start3A_476 = tpu.memref_slice %arg6[%arg0, %add3A_461, %dma_start3A_475] : memref<2x10240x128xf32, #tpu.memory_space<hbm>> -> memref<1x80x128xf32, #tpu.memory_space<hbm>>
    %dma_start3A_477 = tpu.memref_squeeze %dma_start3A_476 : memref<1x80x128xf32, #tpu.memory_space<hbm>> -> memref<80x128xf32, #tpu.memory_space<hbm>>
    %dma_start3A_478 = arith.constant 0 : i32
    %dma_start3A_479 = tpu.memref_slice %arg6[%arg0, %add3A_461, %dma_start3A_478] : memref<2x10240x128xf32, #tpu.memory_space<hbm>> -> memref<1x80x128xf32, #tpu.memory_space<hbm>>
    %dma_start3A_480 = tpu.memref_squeeze %dma_start3A_479 : memref<1x80x128xf32, #tpu.memory_space<hbm>> -> memref<80x128xf32, #tpu.memory_space<hbm>>
    %dma_start3A_481 = arith.constant 0 : i32
    %dma_start3A_482 = arith.constant 0 : i32
    %dma_start3A_483 = tpu.memref_slice %arg16[%dma_start3A_481, %dma_start3A_482] : memref<80x128xf32, #tpu.memory_space<vmem>> -> memref<80x128xf32, #tpu.memory_space<vmem>>
    tpu.enqueue_dma source(%dma_start3A_483 : memref<80x128xf32, #tpu.memory_space<vmem>>) target(%dma_start3A_480 : memref<80x128xf32, #tpu.memory_space<hbm>>) target_semaphore(%arg29 : memref<!tpu.dma_semaphore, #tpu.memory_space<semaphore_mem>>)
    %mul3A_484 = arith.constant 640 : i32
    %mul3A_485 = arith.muli %arg1, %mul3A_484 : i32
    %add3A_486 = arith.constant 240 : i32
    %add3A_487 = arith.addi %mul3A_485, %add3A_486 : i32
    %dma_start3A_488 = arith.constant 0 : i32
    %dma_start3A_489 = arith.constant 0 : i32
    %dma_start3A_490 = tpu.memref_slice %arg18[%dma_start3A_488, %dma_start3A_489] : memref<80x128xf32, #tpu.memory_space<vmem>> -> memref<80x128xf32, #tpu.memory_space<vmem>>
    %dma_start3A_491 = arith.constant 0 : i32
    %dma_start3A_492 = tpu.memref_slice %arg19[%add3A_487, %dma_start3A_491] : memref<10240x128xf32, #tpu.memory_space<vmem_shared>> -> memref<80x128xf32, #tpu.memory_space<vmem_shared>>
    %dma_start3A_493 = arith.constant 0 : i32
    %dma_start3A_494 = arith.constant 0 : i32
    %dma_start3A_495 = tpu.memref_slice %arg18[%dma_start3A_493, %dma_start3A_494] : memref<80x128xf32, #tpu.memory_space<vmem>> -> memref<80x128xf32, #tpu.memory_space<vmem>>
    %dma_start3A_496 = arith.constant 0 : i32
    %dma_start3A_497 = tpu.memref_slice %arg19[%add3A_487, %dma_start3A_496] : memref<10240x128xf32, #tpu.memory_space<vmem_shared>> -> memref<80x128xf32, #tpu.memory_space<vmem_shared>>
    tpu.enqueue_dma source(%dma_start3A_497 : memref<80x128xf32, #tpu.memory_space<vmem_shared>>) target(%dma_start3A_495 : memref<80x128xf32, #tpu.memory_space<vmem>>) target_semaphore(%arg27 : memref<!tpu.dma_semaphore, #tpu.memory_space<semaphore_mem>>)
    %mul3A_498 = arith.constant 640 : i32
    %mul3A_499 = arith.muli %arg1, %mul3A_498 : i32
    %add3A_500 = arith.constant 160 : i32
    %add3A_501 = arith.addi %mul3A_499, %add3A_500 : i32
    %dma_wait3A_502 = arith.constant 0 : i32
    %dma_wait3A_503 = arith.constant 0 : i32
    %dma_wait3A_504 = tpu.memref_slice %arg17[%dma_wait3A_502, %dma_wait3A_503] : memref<80x128xf32, #tpu.memory_space<vmem>> -> memref<80x128xf32, #tpu.memory_space<vmem>>
    %dma_wait3A_505 = arith.constant 0 : i32
    %dma_wait3A_506 = tpu.memref_slice %arg19[%add3A_501, %dma_wait3A_505] : memref<10240x128xf32, #tpu.memory_space<vmem_shared>> -> memref<80x128xf32, #tpu.memory_space<vmem_shared>>
    %dma_wait3A_507 = arith.constant 0 : i32
    %dma_wait3A_508 = arith.constant 0 : i32
    %dma_wait3A_509 = tpu.memref_slice %arg17[%dma_wait3A_507, %dma_wait3A_508] : memref<80x128xf32, #tpu.memory_space<vmem>> -> memref<80x128xf32, #tpu.memory_space<vmem>>
    %dma_wait3A_510 = arith.constant 0 : i32
    %dma_wait3A_511 = tpu.memref_slice %arg19[%add3A_501, %dma_wait3A_510] : memref<10240x128xf32, #tpu.memory_space<vmem_shared>> -> memref<80x128xf32, #tpu.memory_space<vmem_shared>>
    tpu.wait_dma2 semaphore(%arg26 : memref<!tpu.dma_semaphore, #tpu.memory_space<semaphore_mem>>) src(%dma_wait3A_511 : memref<80x128xf32, #tpu.memory_space<vmem_shared>>) dst(%dma_wait3A_509 : memref<80x128xf32, #tpu.memory_space<vmem>>)
    %dma_start3A_512 = arith.constant 0 : i32
    %dma_start3A_513 = arith.constant 0 : i32
    %dma_start3A_514 = tpu.memref_slice %arg17[%dma_start3A_512, %dma_start3A_513] : memref<80x128xf32, #tpu.memory_space<vmem>> -> memref<80x128xf32, #tpu.memory_space<vmem>>
    %dma_start3A_515 = arith.constant 0 : i32
    %dma_start3A_516 = tpu.memref_slice %arg6[%arg0, %add3A_501, %dma_start3A_515] : memref<2x10240x128xf32, #tpu.memory_space<hbm>> -> memref<1x80x128xf32, #tpu.memory_space<hbm>>
    %dma_start3A_517 = tpu.memref_squeeze %dma_start3A_516 : memref<1x80x128xf32, #tpu.memory_space<hbm>> -> memref<80x128xf32, #tpu.memory_space<hbm>>
    %dma_start3A_518 = arith.constant 0 : i32
    %dma_start3A_519 = tpu.memref_slice %arg6[%arg0, %add3A_501, %dma_start3A_518] : memref<2x10240x128xf32, #tpu.memory_space<hbm>> -> memref<1x80x128xf32, #tpu.memory_space<hbm>>
    %dma_start3A_520 = tpu.memref_squeeze %dma_start3A_519 : memref<1x80x128xf32, #tpu.memory_space<hbm>> -> memref<80x128xf32, #tpu.memory_space<hbm>>
    %dma_start3A_521 = arith.constant 0 : i32
    %dma_start3A_522 = arith.constant 0 : i32
    %dma_start3A_523 = tpu.memref_slice %arg17[%dma_start3A_521, %dma_start3A_522] : memref<80x128xf32, #tpu.memory_space<vmem>> -> memref<80x128xf32, #tpu.memory_space<vmem>>
    tpu.enqueue_dma source(%dma_start3A_523 : memref<80x128xf32, #tpu.memory_space<vmem>>) target(%dma_start3A_520 : memref<80x128xf32, #tpu.memory_space<hbm>>) target_semaphore(%arg30 : memref<!tpu.dma_semaphore, #tpu.memory_space<semaphore_mem>>)
    %mul3A_524 = arith.constant 640 : i32
    %mul3A_525 = arith.muli %arg1, %mul3A_524 : i32
    %add3A_526 = arith.constant 0 : i32
    %add3A_527 = arith.addi %mul3A_525, %add3A_526 : i32
    %dma_wait3A_528 = arith.constant 0 : i32
    %dma_wait3A_529 = arith.constant 0 : i32
    %dma_wait3A_530 = tpu.memref_slice %arg15[%dma_wait3A_528, %dma_wait3A_529] : memref<80x128xf32, #tpu.memory_space<vmem>> -> memref<80x128xf32, #tpu.memory_space<vmem>>
    %dma_wait3A_531 = arith.constant 0 : i32
    %dma_wait3A_532 = tpu.memref_slice %arg6[%arg0, %add3A_527, %dma_wait3A_531] : memref<2x10240x128xf32, #tpu.memory_space<hbm>> -> memref<1x80x128xf32, #tpu.memory_space<hbm>>
    %dma_wait3A_533 = tpu.memref_squeeze %dma_wait3A_532 : memref<1x80x128xf32, #tpu.memory_space<hbm>> -> memref<80x128xf32, #tpu.memory_space<hbm>>
    %dma_wait3A_534 = arith.constant 0 : i32
    %dma_wait3A_535 = tpu.memref_slice %arg6[%arg0, %add3A_527, %dma_wait3A_534] : memref<2x10240x128xf32, #tpu.memory_space<hbm>> -> memref<1x80x128xf32, #tpu.memory_space<hbm>>
    %dma_wait3A_536 = tpu.memref_squeeze %dma_wait3A_535 : memref<1x80x128xf32, #tpu.memory_space<hbm>> -> memref<80x128xf32, #tpu.memory_space<hbm>>
    %dma_wait3A_537 = arith.constant 0 : i32
    %dma_wait3A_538 = arith.constant 0 : i32
    %dma_wait3A_539 = tpu.memref_slice %arg15[%dma_wait3A_537, %dma_wait3A_538] : memref<80x128xf32, #tpu.memory_space<vmem>> -> memref<80x128xf32, #tpu.memory_space<vmem>>
    tpu.wait_dma2 semaphore(%arg28 : memref<!tpu.dma_semaphore, #tpu.memory_space<semaphore_mem>>) src(%dma_wait3A_539 : memref<80x128xf32, #tpu.memory_space<vmem>>) dst(%dma_wait3A_536 : memref<80x128xf32, #tpu.memory_space<hbm>>)
    %mul3A_540 = arith.constant 640 : i32
    %mul3A_541 = arith.muli %arg1, %mul3A_540 : i32
    %add3A_542 = arith.constant 320 : i32
    %add3A_543 = arith.addi %mul3A_541, %add3A_542 : i32
    %dma_start3A_544 = arith.constant 0 : i32
    %dma_start3A_545 = arith.constant 0 : i32
    %dma_start3A_546 = tpu.memref_slice %arg15[%dma_start3A_544, %dma_start3A_545] : memref<80x128xf32, #tpu.memory_space<vmem>> -> memref<80x128xf32, #tpu.memory_space<vmem>>
    %dma_start3A_547 = arith.constant 0 : i32
    %dma_start3A_548 = tpu.memref_slice %arg19[%add3A_543, %dma_start3A_547] : memref<10240x128xf32, #tpu.memory_space<vmem_shared>> -> memref<80x128xf32, #tpu.memory_space<vmem_shared>>
    %dma_start3A_549 = arith.constant 0 : i32
    %dma_start3A_550 = arith.constant 0 : i32
    %dma_start3A_551 = tpu.memref_slice %arg15[%dma_start3A_549, %dma_start3A_550] : memref<80x128xf32, #tpu.memory_space<vmem>> -> memref<80x128xf32, #tpu.memory_space<vmem>>
    %dma_start3A_552 = arith.constant 0 : i32
    %dma_start3A_553 = tpu.memref_slice %arg19[%add3A_543, %dma_start3A_552] : memref<10240x128xf32, #tpu.memory_space<vmem_shared>> -> memref<80x128xf32, #tpu.memory_space<vmem_shared>>
    tpu.enqueue_dma source(%dma_start3A_553 : memref<80x128xf32, #tpu.memory_space<vmem_shared>>) target(%dma_start3A_551 : memref<80x128xf32, #tpu.memory_space<vmem>>) target_semaphore(%arg24 : memref<!tpu.dma_semaphore, #tpu.memory_space<semaphore_mem>>)
    %mul3A_554 = arith.constant 640 : i32
    %mul3A_555 = arith.muli %arg1, %mul3A_554 : i32
    %add3A_556 = arith.constant 240 : i32
    %add3A_557 = arith.addi %mul3A_555, %add3A_556 : i32
    %dma_wait3A_558 = arith.constant 0 : i32
    %dma_wait3A_559 = arith.constant 0 : i32
    %dma_wait3A_560 = tpu.memref_slice %arg18[%dma_wait3A_558, %dma_wait3A_559] : memref<80x128xf32, #tpu.memory_space<vmem>> -> memref<80x128xf32, #tpu.memory_space<vmem>>
    %dma_wait3A_561 = arith.constant 0 : i32
    %dma_wait3A_562 = tpu.memref_slice %arg19[%add3A_557, %dma_wait3A_561] : memref<10240x128xf32, #tpu.memory_space<vmem_shared>> -> memref<80x128xf32, #tpu.memory_space<vmem_shared>>
    %dma_wait3A_563 = arith.constant 0 : i32
    %dma_wait3A_564 = arith.constant 0 : i32
    %dma_wait3A_565 = tpu.memref_slice %arg18[%dma_wait3A_563, %dma_wait3A_564] : memref<80x128xf32, #tpu.memory_space<vmem>> -> memref<80x128xf32, #tpu.memory_space<vmem>>
    %dma_wait3A_566 = arith.constant 0 : i32
    %dma_wait3A_567 = tpu.memref_slice %arg19[%add3A_557, %dma_wait3A_566] : memref<10240x128xf32, #tpu.memory_space<vmem_shared>> -> memref<80x128xf32, #tpu.memory_space<vmem_shared>>
    tpu.wait_dma2 semaphore(%arg27 : memref<!tpu.dma_semaphore, #tpu.memory_space<semaphore_mem>>) src(%dma_wait3A_567 : memref<80x128xf32, #tpu.memory_space<vmem_shared>>) dst(%dma_wait3A_565 : memref<80x128xf32, #tpu.memory_space<vmem>>)
    %dma_start3A_568 = arith.constant 0 : i32
    %dma_start3A_569 = arith.constant 0 : i32
    %dma_start3A_570 = tpu.memref_slice %arg18[%dma_start3A_568, %dma_start3A_569] : memref<80x128xf32, #tpu.memory_space<vmem>> -> memref<80x128xf32, #tpu.memory_space<vmem>>
    %dma_start3A_571 = arith.constant 0 : i32
    %dma_start3A_572 = tpu.memref_slice %arg6[%arg0, %add3A_557, %dma_start3A_571] : memref<2x10240x128xf32, #tpu.memory_space<hbm>> -> memref<1x80x128xf32, #tpu.memory_space<hbm>>
    %dma_start3A_573 = tpu.memref_squeeze %dma_start3A_572 : memref<1x80x128xf32, #tpu.memory_space<hbm>> -> memref<80x128xf32, #tpu.memory_space<hbm>>
    %dma_start3A_574 = arith.constant 0 : i32
    %dma_start3A_575 = tpu.memref_slice %arg6[%arg0, %add3A_557, %dma_start3A_574] : memref<2x10240x128xf32, #tpu.memory_space<hbm>> -> memref<1x80x128xf32, #tpu.memory_space<hbm>>
    %dma_start3A_576 = tpu.memref_squeeze %dma_start3A_575 : memref<1x80x128xf32, #tpu.memory_space<hbm>> -> memref<80x128xf32, #tpu.memory_space<hbm>>
    %dma_start3A_577 = arith.constant 0 : i32
    %dma_start3A_578 = arith.constant 0 : i32
    %dma_start3A_579 = tpu.memref_slice %arg18[%dma_start3A_577, %dma_start3A_578] : memref<80x128xf32, #tpu.memory_space<vmem>> -> memref<80x128xf32, #tpu.memory_space<vmem>>
    tpu.enqueue_dma source(%dma_start3A_579 : memref<80x128xf32, #tpu.memory_space<vmem>>) target(%dma_start3A_576 : memref<80x128xf32, #tpu.memory_space<hbm>>) target_semaphore(%arg31 : memref<!tpu.dma_semaphore, #tpu.memory_space<semaphore_mem>>)
    %mul3A_580 = arith.constant 640 : i32
    %mul3A_581 = arith.muli %arg1, %mul3A_580 : i32
    %add3A_582 = arith.constant 80 : i32
    %add3A_583 = arith.addi %mul3A_581, %add3A_582 : i32
    %dma_wait3A_584 = arith.constant 0 : i32
    %dma_wait3A_585 = arith.constant 0 : i32
    %dma_wait3A_586 = tpu.memref_slice %arg16[%dma_wait3A_584, %dma_wait3A_585] : memref<80x128xf32, #tpu.memory_space<vmem>> -> memref<80x128xf32, #tpu.memory_space<vmem>>
    %dma_wait3A_587 = arith.constant 0 : i32
    %dma_wait3A_588 = tpu.memref_slice %arg6[%arg0, %add3A_583, %dma_wait3A_587] : memref<2x10240x128xf32, #tpu.memory_space<hbm>> -> memref<1x80x128xf32, #tpu.memory_space<hbm>>
    %dma_wait3A_589 = tpu.memref_squeeze %dma_wait3A_588 : memref<1x80x128xf32, #tpu.memory_space<hbm>> -> memref<80x128xf32, #tpu.memory_space<hbm>>
    %dma_wait3A_590 = arith.constant 0 : i32
    %dma_wait3A_591 = tpu.memref_slice %arg6[%arg0, %add3A_583, %dma_wait3A_590] : memref<2x10240x128xf32, #tpu.memory_space<hbm>> -> memref<1x80x128xf32, #tpu.memory_space<hbm>>
    %dma_wait3A_592 = tpu.memref_squeeze %dma_wait3A_591 : memref<1x80x128xf32, #tpu.memory_space<hbm>> -> memref<80x128xf32, #tpu.memory_space<hbm>>
    %dma_wait3A_593 = arith.constant 0 : i32
    %dma_wait3A_594 = arith.constant 0 : i32
    %dma_wait3A_595 = tpu.memref_slice %arg16[%dma_wait3A_593, %dma_wait3A_594] : memref<80x128xf32, #tpu.memory_space<vmem>> -> memref<80x128xf32, #tpu.memory_space<vmem>>
    tpu.wait_dma2 semaphore(%arg29 : memref<!tpu.dma_semaphore, #tpu.memory_space<semaphore_mem>>) src(%dma_wait3A_595 : memref<80x128xf32, #tpu.memory_space<vmem>>) dst(%dma_wait3A_592 : memref<80x128xf32, #tpu.memory_space<hbm>>)
    %mul3A_596 = arith.constant 640 : i32
    %mul3A_597 = arith.muli %arg1, %mul3A_596 : i32
    %add3A_598 = arith.constant 400 : i32
    %add3A_599 = arith.addi %mul3A_597, %add3A_598 : i32
    %dma_start3A_600 = arith.constant 0 : i32
    %dma_start3A_601 = arith.constant 0 : i32
    %dma_start3A_602 = tpu.memref_slice %arg16[%dma_start3A_600, %dma_start3A_601] : memref<80x128xf32, #tpu.memory_space<vmem>> -> memref<80x128xf32, #tpu.memory_space<vmem>>
    %dma_start3A_603 = arith.constant 0 : i32
    %dma_start3A_604 = tpu.memref_slice %arg19[%add3A_599, %dma_start3A_603] : memref<10240x128xf32, #tpu.memory_space<vmem_shared>> -> memref<80x128xf32, #tpu.memory_space<vmem_shared>>
    %dma_start3A_605 = arith.constant 0 : i32
    %dma_start3A_606 = arith.constant 0 : i32
    %dma_start3A_607 = tpu.memref_slice %arg16[%dma_start3A_605, %dma_start3A_606] : memref<80x128xf32, #tpu.memory_space<vmem>> -> memref<80x128xf32, #tpu.memory_space<vmem>>
    %dma_start3A_608 = arith.constant 0 : i32
    %dma_start3A_609 = tpu.memref_slice %arg19[%add3A_599, %dma_start3A_608] : memref<10240x128xf32, #tpu.memory_space<vmem_shared>> -> memref<80x128xf32, #tpu.memory_space<vmem_shared>>
    tpu.enqueue_dma source(%dma_start3A_609 : memref<80x128xf32, #tpu.memory_space<vmem_shared>>) target(%dma_start3A_607 : memref<80x128xf32, #tpu.memory_space<vmem>>) target_semaphore(%arg25 : memref<!tpu.dma_semaphore, #tpu.memory_space<semaphore_mem>>)
    %mul3A_610 = arith.constant 640 : i32
    %mul3A_611 = arith.muli %arg1, %mul3A_610 : i32
    %add3A_612 = arith.constant 320 : i32
    %add3A_613 = arith.addi %mul3A_611, %add3A_612 : i32
    %dma_wait3A_614 = arith.constant 0 : i32
    %dma_wait3A_615 = arith.constant 0 : i32
    %dma_wait3A_616 = tpu.memref_slice %arg15[%dma_wait3A_614, %dma_wait3A_615] : memref<80x128xf32, #tpu.memory_space<vmem>> -> memref<80x128xf32, #tpu.memory_space<vmem>>
    %dma_wait3A_617 = arith.constant 0 : i32
    %dma_wait3A_618 = tpu.memref_slice %arg19[%add3A_613, %dma_wait3A_617] : memref<10240x128xf32, #tpu.memory_space<vmem_shared>> -> memref<80x128xf32, #tpu.memory_space<vmem_shared>>
    %dma_wait3A_619 = arith.constant 0 : i32
    %dma_wait3A_620 = arith.constant 0 : i32
    %dma_wait3A_621 = tpu.memref_slice %arg15[%dma_wait3A_619, %dma_wait3A_620] : memref<80x128xf32, #tpu.memory_space<vmem>> -> memref<80x128xf32, #tpu.memory_space<vmem>>
    %dma_wait3A_622 = arith.constant 0 : i32
    %dma_wait3A_623 = tpu.memref_slice %arg19[%add3A_613, %dma_wait3A_622] : memref<10240x128xf32, #tpu.memory_space<vmem_shared>> -> memref<80x128xf32, #tpu.memory_space<vmem_shared>>
    tpu.wait_dma2 semaphore(%arg24 : memref<!tpu.dma_semaphore, #tpu.memory_space<semaphore_mem>>) src(%dma_wait3A_623 : memref<80x128xf32, #tpu.memory_space<vmem_shared>>) dst(%dma_wait3A_621 : memref<80x128xf32, #tpu.memory_space<vmem>>)
    %dma_start3A_624 = arith.constant 0 : i32
    %dma_start3A_625 = arith.constant 0 : i32
    %dma_start3A_626 = tpu.memref_slice %arg15[%dma_start3A_624, %dma_start3A_625] : memref<80x128xf32, #tpu.memory_space<vmem>> -> memref<80x128xf32, #tpu.memory_space<vmem>>
    %dma_start3A_627 = arith.constant 0 : i32
    %dma_start3A_628 = tpu.memref_slice %arg6[%arg0, %add3A_613, %dma_start3A_627] : memref<2x10240x128xf32, #tpu.memory_space<hbm>> -> memref<1x80x128xf32, #tpu.memory_space<hbm>>
    %dma_start3A_629 = tpu.memref_squeeze %dma_start3A_628 : memref<1x80x128xf32, #tpu.memory_space<hbm>> -> memref<80x128xf32, #tpu.memory_space<hbm>>
    %dma_start3A_630 = arith.constant 0 : i32
    %dma_start3A_631 = tpu.memref_slice %arg6[%arg0, %add3A_613, %dma_start3A_630] : memref<2x10240x128xf32, #tpu.memory_space<hbm>> -> memref<1x80x128xf32, #tpu.memory_space<hbm>>
    %dma_start3A_632 = tpu.memref_squeeze %dma_start3A_631 : memref<1x80x128xf32, #tpu.memory_space<hbm>> -> memref<80x128xf32, #tpu.memory_space<hbm>>
    %dma_start3A_633 = arith.constant 0 : i32
    %dma_start3A_634 = arith.constant 0 : i32
    %dma_start3A_635 = tpu.memref_slice %arg15[%dma_start3A_633, %dma_start3A_634] : memref<80x128xf32, #tpu.memory_space<vmem>> -> memref<80x128xf32, #tpu.memory_space<vmem>>
    tpu.enqueue_dma source(%dma_start3A_635 : memref<80x128xf32, #tpu.memory_space<vmem>>) target(%dma_start3A_632 : memref<80x128xf32, #tpu.memory_space<hbm>>) target_semaphore(%arg28 : memref<!tpu.dma_semaphore, #tpu.memory_space<semaphore_mem>>)
    %mul3A_636 = arith.constant 640 : i32
    %mul3A_637 = arith.muli %arg1, %mul3A_636 : i32
    %add3A_638 = arith.constant 160 : i32
    %add3A_639 = arith.addi %mul3A_637, %add3A_638 : i32
    %dma_wait3A_640 = arith.constant 0 : i32
    %dma_wait3A_641 = arith.constant 0 : i32
    %dma_wait3A_642 = tpu.memref_slice %arg17[%dma_wait3A_640, %dma_wait3A_641] : memref<80x128xf32, #tpu.memory_space<vmem>> -> memref<80x128xf32, #tpu.memory_space<vmem>>
    %dma_wait3A_643 = arith.constant 0 : i32
    %dma_wait3A_644 = tpu.memref_slice %arg6[%arg0, %add3A_639, %dma_wait3A_643] : memref<2x10240x128xf32, #tpu.memory_space<hbm>> -> memref<1x80x128xf32, #tpu.memory_space<hbm>>
    %dma_wait3A_645 = tpu.memref_squeeze %dma_wait3A_644 : memref<1x80x128xf32, #tpu.memory_space<hbm>> -> memref<80x128xf32, #tpu.memory_space<hbm>>
    %dma_wait3A_646 = arith.constant 0 : i32
    %dma_wait3A_647 = tpu.memref_slice %arg6[%arg0, %add3A_639, %dma_wait3A_646] : memref<2x10240x128xf32, #tpu.memory_space<hbm>> -> memref<1x80x128xf32, #tpu.memory_space<hbm>>
    %dma_wait3A_648 = tpu.memref_squeeze %dma_wait3A_647 : memref<1x80x128xf32, #tpu.memory_space<hbm>> -> memref<80x128xf32, #tpu.memory_space<hbm>>
    %dma_wait3A_649 = arith.constant 0 : i32
    %dma_wait3A_650 = arith.constant 0 : i32
    %dma_wait3A_651 = tpu.memref_slice %arg17[%dma_wait3A_649, %dma_wait3A_650] : memref<80x128xf32, #tpu.memory_space<vmem>> -> memref<80x128xf32, #tpu.memory_space<vmem>>
    tpu.wait_dma2 semaphore(%arg30 : memref<!tpu.dma_semaphore, #tpu.memory_space<semaphore_mem>>) src(%dma_wait3A_651 : memref<80x128xf32, #tpu.memory_space<vmem>>) dst(%dma_wait3A_648 : memref<80x128xf32, #tpu.memory_space<hbm>>)
    %mul3A_652 = arith.constant 640 : i32
    %mul3A_653 = arith.muli %arg1, %mul3A_652 : i32
    %add3A_654 = arith.constant 480 : i32
    %add3A_655 = arith.addi %mul3A_653, %add3A_654 : i32
    %dma_start3A_656 = arith.constant 0 : i32
    %dma_start3A_657 = arith.constant 0 : i32
    %dma_start3A_658 = tpu.memref_slice %arg17[%dma_start3A_656, %dma_start3A_657] : memref<80x128xf32, #tpu.memory_space<vmem>> -> memref<80x128xf32, #tpu.memory_space<vmem>>
    %dma_start3A_659 = arith.constant 0 : i32
    %dma_start3A_660 = tpu.memref_slice %arg19[%add3A_655, %dma_start3A_659] : memref<10240x128xf32, #tpu.memory_space<vmem_shared>> -> memref<80x128xf32, #tpu.memory_space<vmem_shared>>
    %dma_start3A_661 = arith.constant 0 : i32
    %dma_start3A_662 = arith.constant 0 : i32
    %dma_start3A_663 = tpu.memref_slice %arg17[%dma_start3A_661, %dma_start3A_662] : memref<80x128xf32, #tpu.memory_space<vmem>> -> memref<80x128xf32, #tpu.memory_space<vmem>>
    %dma_start3A_664 = arith.constant 0 : i32
    %dma_start3A_665 = tpu.memref_slice %arg19[%add3A_655, %dma_start3A_664] : memref<10240x128xf32, #tpu.memory_space<vmem_shared>> -> memref<80x128xf32, #tpu.memory_space<vmem_shared>>
    tpu.enqueue_dma source(%dma_start3A_665 : memref<80x128xf32, #tpu.memory_space<vmem_shared>>) target(%dma_start3A_663 : memref<80x128xf32, #tpu.memory_space<vmem>>) target_semaphore(%arg26 : memref<!tpu.dma_semaphore, #tpu.memory_space<semaphore_mem>>)
    %mul3A_666 = arith.constant 640 : i32
    %mul3A_667 = arith.muli %arg1, %mul3A_666 : i32
    %add3A_668 = arith.constant 400 : i32
    %add3A_669 = arith.addi %mul3A_667, %add3A_668 : i32
    %dma_wait3A_670 = arith.constant 0 : i32
    %dma_wait3A_671 = arith.constant 0 : i32
    %dma_wait3A_672 = tpu.memref_slice %arg16[%dma_wait3A_670, %dma_wait3A_671] : memref<80x128xf32, #tpu.memory_space<vmem>> -> memref<80x128xf32, #tpu.memory_space<vmem>>
    %dma_wait3A_673 = arith.constant 0 : i32
    %dma_wait3A_674 = tpu.memref_slice %arg19[%add3A_669, %dma_wait3A_673] : memref<10240x128xf32, #tpu.memory_space<vmem_shared>> -> memref<80x128xf32, #tpu.memory_space<vmem_shared>>
    %dma_wait3A_675 = arith.constant 0 : i32
    %dma_wait3A_676 = arith.constant 0 : i32
    %dma_wait3A_677 = tpu.memref_slice %arg16[%dma_wait3A_675, %dma_wait3A_676] : memref<80x128xf32, #tpu.memory_space<vmem>> -> memref<80x128xf32, #tpu.memory_space<vmem>>
    %dma_wait3A_678 = arith.constant 0 : i32
    %dma_wait3A_679 = tpu.memref_slice %arg19[%add3A_669, %dma_wait3A_678] : memref<10240x128xf32, #tpu.memory_space<vmem_shared>> -> memref<80x128xf32, #tpu.memory_space<vmem_shared>>
    tpu.wait_dma2 semaphore(%arg25 : memref<!tpu.dma_semaphore, #tpu.memory_space<semaphore_mem>>) src(%dma_wait3A_679 : memref<80x128xf32, #tpu.memory_space<vmem_shared>>) dst(%dma_wait3A_677 : memref<80x128xf32, #tpu.memory_space<vmem>>)
    %dma_start3A_680 = arith.constant 0 : i32
    %dma_start3A_681 = arith.constant 0 : i32
    %dma_start3A_682 = tpu.memref_slice %arg16[%dma_start3A_680, %dma_start3A_681] : memref<80x128xf32, #tpu.memory_space<vmem>> -> memref<80x128xf32, #tpu.memory_space<vmem>>
    %dma_start3A_683 = arith.constant 0 : i32
    %dma_start3A_684 = tpu.memref_slice %arg6[%arg0, %add3A_669, %dma_start3A_683] : memref<2x10240x128xf32, #tpu.memory_space<hbm>> -> memref<1x80x128xf32, #tpu.memory_space<hbm>>
    %dma_start3A_685 = tpu.memref_squeeze %dma_start3A_684 : memref<1x80x128xf32, #tpu.memory_space<hbm>> -> memref<80x128xf32, #tpu.memory_space<hbm>>
    %dma_start3A_686 = arith.constant 0 : i32
    %dma_start3A_687 = tpu.memref_slice %arg6[%arg0, %add3A_669, %dma_start3A_686] : memref<2x10240x128xf32, #tpu.memory_space<hbm>> -> memref<1x80x128xf32, #tpu.memory_space<hbm>>
    %dma_start3A_688 = tpu.memref_squeeze %dma_start3A_687 : memref<1x80x128xf32, #tpu.memory_space<hbm>> -> memref<80x128xf32, #tpu.memory_space<hbm>>
    %dma_start3A_689 = arith.constant 0 : i32
    %dma_start3A_690 = arith.constant 0 : i32
    %dma_start3A_691 = tpu.memref_slice %arg16[%dma_start3A_689, %dma_start3A_690] : memref<80x128xf32, #tpu.memory_space<vmem>> -> memref<80x128xf32, #tpu.memory_space<vmem>>
    tpu.enqueue_dma source(%dma_start3A_691 : memref<80x128xf32, #tpu.memory_space<vmem>>) target(%dma_start3A_688 : memref<80x128xf32, #tpu.memory_space<hbm>>) target_semaphore(%arg29 : memref<!tpu.dma_semaphore, #tpu.memory_space<semaphore_mem>>)
    %mul3A_692 = arith.constant 640 : i32
    %mul3A_693 = arith.muli %arg1, %mul3A_692 : i32
    %add3A_694 = arith.constant 240 : i32
    %add3A_695 = arith.addi %mul3A_693, %add3A_694 : i32
    %dma_wait3A_696 = arith.constant 0 : i32
    %dma_wait3A_697 = arith.constant 0 : i32
    %dma_wait3A_698 = tpu.memref_slice %arg18[%dma_wait3A_696, %dma_wait3A_697] : memref<80x128xf32, #tpu.memory_space<vmem>> -> memref<80x128xf32, #tpu.memory_space<vmem>>
    %dma_wait3A_699 = arith.constant 0 : i32
    %dma_wait3A_700 = tpu.memref_slice %arg6[%arg0, %add3A_695, %dma_wait3A_699] : memref<2x10240x128xf32, #tpu.memory_space<hbm>> -> memref<1x80x128xf32, #tpu.memory_space<hbm>>
    %dma_wait3A_701 = tpu.memref_squeeze %dma_wait3A_700 : memref<1x80x128xf32, #tpu.memory_space<hbm>> -> memref<80x128xf32, #tpu.memory_space<hbm>>
    %dma_wait3A_702 = arith.constant 0 : i32
    %dma_wait3A_703 = tpu.memref_slice %arg6[%arg0, %add3A_695, %dma_wait3A_702] : memref<2x10240x128xf32, #tpu.memory_space<hbm>> -> memref<1x80x128xf32, #tpu.memory_space<hbm>>
    %dma_wait3A_704 = tpu.memref_squeeze %dma_wait3A_703 : memref<1x80x128xf32, #tpu.memory_space<hbm>> -> memref<80x128xf32, #tpu.memory_space<hbm>>
    %dma_wait3A_705 = arith.constant 0 : i32
    %dma_wait3A_706 = arith.constant 0 : i32
    %dma_wait3A_707 = tpu.memref_slice %arg18[%dma_wait3A_705, %dma_wait3A_706] : memref<80x128xf32, #tpu.memory_space<vmem>> -> memref<80x128xf32, #tpu.memory_space<vmem>>
    tpu.wait_dma2 semaphore(%arg31 : memref<!tpu.dma_semaphore, #tpu.memory_space<semaphore_mem>>) src(%dma_wait3A_707 : memref<80x128xf32, #tpu.memory_space<vmem>>) dst(%dma_wait3A_704 : memref<80x128xf32, #tpu.memory_space<hbm>>)
    %mul3A_708 = arith.constant 640 : i32
    %mul3A_709 = arith.muli %arg1, %mul3A_708 : i32
    %add3A_710 = arith.constant 560 : i32
    %add3A_711 = arith.addi %mul3A_709, %add3A_710 : i32
    %dma_start3A_712 = arith.constant 0 : i32
    %dma_start3A_713 = arith.constant 0 : i32
    %dma_start3A_714 = tpu.memref_slice %arg18[%dma_start3A_712, %dma_start3A_713] : memref<80x128xf32, #tpu.memory_space<vmem>> -> memref<80x128xf32, #tpu.memory_space<vmem>>
    %dma_start3A_715 = arith.constant 0 : i32
    %dma_start3A_716 = tpu.memref_slice %arg19[%add3A_711, %dma_start3A_715] : memref<10240x128xf32, #tpu.memory_space<vmem_shared>> -> memref<80x128xf32, #tpu.memory_space<vmem_shared>>
    %dma_start3A_717 = arith.constant 0 : i32
    %dma_start3A_718 = arith.constant 0 : i32
    %dma_start3A_719 = tpu.memref_slice %arg18[%dma_start3A_717, %dma_start3A_718] : memref<80x128xf32, #tpu.memory_space<vmem>> -> memref<80x128xf32, #tpu.memory_space<vmem>>
    %dma_start3A_720 = arith.constant 0 : i32
    %dma_start3A_721 = tpu.memref_slice %arg19[%add3A_711, %dma_start3A_720] : memref<10240x128xf32, #tpu.memory_space<vmem_shared>> -> memref<80x128xf32, #tpu.memory_space<vmem_shared>>
    tpu.enqueue_dma source(%dma_start3A_721 : memref<80x128xf32, #tpu.memory_space<vmem_shared>>) target(%dma_start3A_719 : memref<80x128xf32, #tpu.memory_space<vmem>>) target_semaphore(%arg27 : memref<!tpu.dma_semaphore, #tpu.memory_space<semaphore_mem>>)
    %mul3A_722 = arith.constant 640 : i32
    %mul3A_723 = arith.muli %arg1, %mul3A_722 : i32
    %add3A_724 = arith.constant 480 : i32
    %add3A_725 = arith.addi %mul3A_723, %add3A_724 : i32
    %dma_wait3A_726 = arith.constant 0 : i32
    %dma_wait3A_727 = arith.constant 0 : i32
    %dma_wait3A_728 = tpu.memref_slice %arg17[%dma_wait3A_726, %dma_wait3A_727] : memref<80x128xf32, #tpu.memory_space<vmem>> -> memref<80x128xf32, #tpu.memory_space<vmem>>
    %dma_wait3A_729 = arith.constant 0 : i32
    %dma_wait3A_730 = tpu.memref_slice %arg19[%add3A_725, %dma_wait3A_729] : memref<10240x128xf32, #tpu.memory_space<vmem_shared>> -> memref<80x128xf32, #tpu.memory_space<vmem_shared>>
    %dma_wait3A_731 = arith.constant 0 : i32
    %dma_wait3A_732 = arith.constant 0 : i32
    %dma_wait3A_733 = tpu.memref_slice %arg17[%dma_wait3A_731, %dma_wait3A_732] : memref<80x128xf32, #tpu.memory_space<vmem>> -> memref<80x128xf32, #tpu.memory_space<vmem>>
    %dma_wait3A_734 = arith.constant 0 : i32
    %dma_wait3A_735 = tpu.memref_slice %arg19[%add3A_725, %dma_wait3A_734] : memref<10240x128xf32, #tpu.memory_space<vmem_shared>> -> memref<80x128xf32, #tpu.memory_space<vmem_shared>>
    tpu.wait_dma2 semaphore(%arg26 : memref<!tpu.dma_semaphore, #tpu.memory_space<semaphore_mem>>) src(%dma_wait3A_735 : memref<80x128xf32, #tpu.memory_space<vmem_shared>>) dst(%dma_wait3A_733 : memref<80x128xf32, #tpu.memory_space<vmem>>)
    %dma_start3A_736 = arith.constant 0 : i32
    %dma_start3A_737 = arith.constant 0 : i32
    %dma_start3A_738 = tpu.memref_slice %arg17[%dma_start3A_736, %dma_start3A_737] : memref<80x128xf32, #tpu.memory_space<vmem>> -> memref<80x128xf32, #tpu.memory_space<vmem>>
    %dma_start3A_739 = arith.constant 0 : i32
    %dma_start3A_740 = tpu.memref_slice %arg6[%arg0, %add3A_725, %dma_start3A_739] : memref<2x10240x128xf32, #tpu.memory_space<hbm>> -> memref<1x80x128xf32, #tpu.memory_space<hbm>>
    %dma_start3A_741 = tpu.memref_squeeze %dma_start3A_740 : memref<1x80x128xf32, #tpu.memory_space<hbm>> -> memref<80x128xf32, #tpu.memory_space<hbm>>
    %dma_start3A_742 = arith.constant 0 : i32
    %dma_start3A_743 = tpu.memref_slice %arg6[%arg0, %add3A_725, %dma_start3A_742] : memref<2x10240x128xf32, #tpu.memory_space<hbm>> -> memref<1x80x128xf32, #tpu.memory_space<hbm>>
    %dma_start3A_744 = tpu.memref_squeeze %dma_start3A_743 : memref<1x80x128xf32, #tpu.memory_space<hbm>> -> memref<80x128xf32, #tpu.memory_space<hbm>>
    %dma_start3A_745 = arith.constant 0 : i32
    %dma_start3A_746 = arith.constant 0 : i32
    %dma_start3A_747 = tpu.memref_slice %arg17[%dma_start3A_745, %dma_start3A_746] : memref<80x128xf32, #tpu.memory_space<vmem>> -> memref<80x128xf32, #tpu.memory_space<vmem>>
    tpu.enqueue_dma source(%dma_start3A_747 : memref<80x128xf32, #tpu.memory_space<vmem>>) target(%dma_start3A_744 : memref<80x128xf32, #tpu.memory_space<hbm>>) target_semaphore(%arg30 : memref<!tpu.dma_semaphore, #tpu.memory_space<semaphore_mem>>)
    %mul3A_748 = arith.constant 640 : i32
    %mul3A_749 = arith.muli %arg1, %mul3A_748 : i32
    %add3A_750 = arith.constant 560 : i32
    %add3A_751 = arith.addi %mul3A_749, %add3A_750 : i32
    %dma_wait3A_752 = arith.constant 0 : i32
    %dma_wait3A_753 = arith.constant 0 : i32
    %dma_wait3A_754 = tpu.memref_slice %arg18[%dma_wait3A_752, %dma_wait3A_753] : memref<80x128xf32, #tpu.memory_space<vmem>> -> memref<80x128xf32, #tpu.memory_space<vmem>>
    %dma_wait3A_755 = arith.constant 0 : i32
    %dma_wait3A_756 = tpu.memref_slice %arg19[%add3A_751, %dma_wait3A_755] : memref<10240x128xf32, #tpu.memory_space<vmem_shared>> -> memref<80x128xf32, #tpu.memory_space<vmem_shared>>
    %dma_wait3A_757 = arith.constant 0 : i32
    %dma_wait3A_758 = arith.constant 0 : i32
    %dma_wait3A_759 = tpu.memref_slice %arg18[%dma_wait3A_757, %dma_wait3A_758] : memref<80x128xf32, #tpu.memory_space<vmem>> -> memref<80x128xf32, #tpu.memory_space<vmem>>
    %dma_wait3A_760 = arith.constant 0 : i32
    %dma_wait3A_761 = tpu.memref_slice %arg19[%add3A_751, %dma_wait3A_760] : memref<10240x128xf32, #tpu.memory_space<vmem_shared>> -> memref<80x128xf32, #tpu.memory_space<vmem_shared>>
    tpu.wait_dma2 semaphore(%arg27 : memref<!tpu.dma_semaphore, #tpu.memory_space<semaphore_mem>>) src(%dma_wait3A_761 : memref<80x128xf32, #tpu.memory_space<vmem_shared>>) dst(%dma_wait3A_759 : memref<80x128xf32, #tpu.memory_space<vmem>>)
    %dma_start3A_762 = arith.constant 0 : i32
    %dma_start3A_763 = arith.constant 0 : i32
    %dma_start3A_764 = tpu.memref_slice %arg18[%dma_start3A_762, %dma_start3A_763] : memref<80x128xf32, #tpu.memory_space<vmem>> -> memref<80x128xf32, #tpu.memory_space<vmem>>
    %dma_start3A_765 = arith.constant 0 : i32
    %dma_start3A_766 = tpu.memref_slice %arg6[%arg0, %add3A_751, %dma_start3A_765] : memref<2x10240x128xf32, #tpu.memory_space<hbm>> -> memref<1x80x128xf32, #tpu.memory_space<hbm>>
    %dma_start3A_767 = tpu.memref_squeeze %dma_start3A_766 : memref<1x80x128xf32, #tpu.memory_space<hbm>> -> memref<80x128xf32, #tpu.memory_space<hbm>>
    %dma_start3A_768 = arith.constant 0 : i32
    %dma_start3A_769 = tpu.memref_slice %arg6[%arg0, %add3A_751, %dma_start3A_768] : memref<2x10240x128xf32, #tpu.memory_space<hbm>> -> memref<1x80x128xf32, #tpu.memory_space<hbm>>
    %dma_start3A_770 = tpu.memref_squeeze %dma_start3A_769 : memref<1x80x128xf32, #tpu.memory_space<hbm>> -> memref<80x128xf32, #tpu.memory_space<hbm>>
    %dma_start3A_771 = arith.constant 0 : i32
    %dma_start3A_772 = arith.constant 0 : i32
    %dma_start3A_773 = tpu.memref_slice %arg18[%dma_start3A_771, %dma_start3A_772] : memref<80x128xf32, #tpu.memory_space<vmem>> -> memref<80x128xf32, #tpu.memory_space<vmem>>
    tpu.enqueue_dma source(%dma_start3A_773 : memref<80x128xf32, #tpu.memory_space<vmem>>) target(%dma_start3A_770 : memref<80x128xf32, #tpu.memory_space<hbm>>) target_semaphore(%arg31 : memref<!tpu.dma_semaphore, #tpu.memory_space<semaphore_mem>>)
    %mul3A_774 = arith.constant 640 : i32
    %mul3A_775 = arith.muli %arg1, %mul3A_774 : i32
    %add3A_776 = arith.constant 320 : i32
    %add3A_777 = arith.addi %mul3A_775, %add3A_776 : i32
    %dma_wait3A_778 = arith.constant 0 : i32
    %dma_wait3A_779 = arith.constant 0 : i32
    %dma_wait3A_780 = tpu.memref_slice %arg15[%dma_wait3A_778, %dma_wait3A_779] : memref<80x128xf32, #tpu.memory_space<vmem>> -> memref<80x128xf32, #tpu.memory_space<vmem>>
    %dma_wait3A_781 = arith.constant 0 : i32
    %dma_wait3A_782 = tpu.memref_slice %arg6[%arg0, %add3A_777, %dma_wait3A_781] : memref<2x10240x128xf32, #tpu.memory_space<hbm>> -> memref<1x80x128xf32, #tpu.memory_space<hbm>>
    %dma_wait3A_783 = tpu.memref_squeeze %dma_wait3A_782 : memref<1x80x128xf32, #tpu.memory_space<hbm>> -> memref<80x128xf32, #tpu.memory_space<hbm>>
    %dma_wait3A_784 = arith.constant 0 : i32
    %dma_wait3A_785 = tpu.memref_slice %arg6[%arg0, %add3A_777, %dma_wait3A_784] : memref<2x10240x128xf32, #tpu.memory_space<hbm>> -> memref<1x80x128xf32, #tpu.memory_space<hbm>>
    %dma_wait3A_786 = tpu.memref_squeeze %dma_wait3A_785 : memref<1x80x128xf32, #tpu.memory_space<hbm>> -> memref<80x128xf32, #tpu.memory_space<hbm>>
    %dma_wait3A_787 = arith.constant 0 : i32
    %dma_wait3A_788 = arith.constant 0 : i32
    %dma_wait3A_789 = tpu.memref_slice %arg15[%dma_wait3A_787, %dma_wait3A_788] : memref<80x128xf32, #tpu.memory_space<vmem>> -> memref<80x128xf32, #tpu.memory_space<vmem>>
    tpu.wait_dma2 semaphore(%arg28 : memref<!tpu.dma_semaphore, #tpu.memory_space<semaphore_mem>>) src(%dma_wait3A_789 : memref<80x128xf32, #tpu.memory_space<vmem>>) dst(%dma_wait3A_786 : memref<80x128xf32, #tpu.memory_space<hbm>>)
    %mul3A_790 = arith.constant 640 : i32
    %mul3A_791 = arith.muli %arg1, %mul3A_790 : i32
    %add3A_792 = arith.constant 400 : i32
    %add3A_793 = arith.addi %mul3A_791, %add3A_792 : i32
    %dma_wait3A_794 = arith.constant 0 : i32
    %dma_wait3A_795 = arith.constant 0 : i32
    %dma_wait3A_796 = tpu.memref_slice %arg16[%dma_wait3A_794, %dma_wait3A_795] : memref<80x128xf32, #tpu.memory_space<vmem>> -> memref<80x128xf32, #tpu.memory_space<vmem>>
    %dma_wait3A_797 = arith.constant 0 : i32
    %dma_wait3A_798 = tpu.memref_slice %arg6[%arg0, %add3A_793, %dma_wait3A_797] : memref<2x10240x128xf32, #tpu.memory_space<hbm>> -> memref<1x80x128xf32, #tpu.memory_space<hbm>>
    %dma_wait3A_799 = tpu.memref_squeeze %dma_wait3A_798 : memref<1x80x128xf32, #tpu.memory_space<hbm>> -> memref<80x128xf32, #tpu.memory_space<hbm>>
    %dma_wait3A_800 = arith.constant 0 : i32
    %dma_wait3A_801 = tpu.memref_slice %arg6[%arg0, %add3A_793, %dma_wait3A_800] : memref<2x10240x128xf32, #tpu.memory_space<hbm>> -> memref<1x80x128xf32, #tpu.memory_space<hbm>>
    %dma_wait3A_802 = tpu.memref_squeeze %dma_wait3A_801 : memref<1x80x128xf32, #tpu.memory_space<hbm>> -> memref<80x128xf32, #tpu.memory_space<hbm>>
    %dma_wait3A_803 = arith.constant 0 : i32
    %dma_wait3A_804 = arith.constant 0 : i32
    %dma_wait3A_805 = tpu.memref_slice %arg16[%dma_wait3A_803, %dma_wait3A_804] : memref<80x128xf32, #tpu.memory_space<vmem>> -> memref<80x128xf32, #tpu.memory_space<vmem>>
    tpu.wait_dma2 semaphore(%arg29 : memref<!tpu.dma_semaphore, #tpu.memory_space<semaphore_mem>>) src(%dma_wait3A_805 : memref<80x128xf32, #tpu.memory_space<vmem>>) dst(%dma_wait3A_802 : memref<80x128xf32, #tpu.memory_space<hbm>>)
    %mul3A_806 = arith.constant 640 : i32
    %mul3A_807 = arith.muli %arg1, %mul3A_806 : i32
    %add3A_808 = arith.constant 480 : i32
    %add3A_809 = arith.addi %mul3A_807, %add3A_808 : i32
    %dma_wait3A_810 = arith.constant 0 : i32
    %dma_wait3A_811 = arith.constant 0 : i32
    %dma_wait3A_812 = tpu.memref_slice %arg17[%dma_wait3A_810, %dma_wait3A_811] : memref<80x128xf32, #tpu.memory_space<vmem>> -> memref<80x128xf32, #tpu.memory_space<vmem>>
    %dma_wait3A_813 = arith.constant 0 : i32
    %dma_wait3A_814 = tpu.memref_slice %arg6[%arg0, %add3A_809, %dma_wait3A_813] : memref<2x10240x128xf32, #tpu.memory_space<hbm>> -> memref<1x80x128xf32, #tpu.memory_space<hbm>>
    %dma_wait3A_815 = tpu.memref_squeeze %dma_wait3A_814 : memref<1x80x128xf32, #tpu.memory_space<hbm>> -> memref<80x128xf32, #tpu.memory_space<hbm>>
    %dma_wait3A_816 = arith.constant 0 : i32
    %dma_wait3A_817 = tpu.memref_slice %arg6[%arg0, %add3A_809, %dma_wait3A_816] : memref<2x10240x128xf32, #tpu.memory_space<hbm>> -> memref<1x80x128xf32, #tpu.memory_space<hbm>>
    %dma_wait3A_818 = tpu.memref_squeeze %dma_wait3A_817 : memref<1x80x128xf32, #tpu.memory_space<hbm>> -> memref<80x128xf32, #tpu.memory_space<hbm>>
    %dma_wait3A_819 = arith.constant 0 : i32
    %dma_wait3A_820 = arith.constant 0 : i32
    %dma_wait3A_821 = tpu.memref_slice %arg17[%dma_wait3A_819, %dma_wait3A_820] : memref<80x128xf32, #tpu.memory_space<vmem>> -> memref<80x128xf32, #tpu.memory_space<vmem>>
    tpu.wait_dma2 semaphore(%arg30 : memref<!tpu.dma_semaphore, #tpu.memory_space<semaphore_mem>>) src(%dma_wait3A_821 : memref<80x128xf32, #tpu.memory_space<vmem>>) dst(%dma_wait3A_818 : memref<80x128xf32, #tpu.memory_space<hbm>>)
    %mul3A_822 = arith.constant 640 : i32
    %mul3A_823 = arith.muli %arg1, %mul3A_822 : i32
    %add3A_824 = arith.constant 560 : i32
    %add3A_825 = arith.addi %mul3A_823, %add3A_824 : i32
    %dma_wait3A_826 = arith.constant 0 : i32
    %dma_wait3A_827 = arith.constant 0 : i32
    %dma_wait3A_828 = tpu.memref_slice %arg18[%dma_wait3A_826, %dma_wait3A_827] : memref<80x128xf32, #tpu.memory_space<vmem>> -> memref<80x128xf32, #tpu.memory_space<vmem>>
    %dma_wait3A_829 = arith.constant 0 : i32
    %dma_wait3A_830 = tpu.memref_slice %arg6[%arg0, %add3A_825, %dma_wait3A_829] : memref<2x10240x128xf32, #tpu.memory_space<hbm>> -> memref<1x80x128xf32, #tpu.memory_space<hbm>>
    %dma_wait3A_831 = tpu.memref_squeeze %dma_wait3A_830 : memref<1x80x128xf32, #tpu.memory_space<hbm>> -> memref<80x128xf32, #tpu.memory_space<hbm>>
    %dma_wait3A_832 = arith.constant 0 : i32
    %dma_wait3A_833 = tpu.memref_slice %arg6[%arg0, %add3A_825, %dma_wait3A_832] : memref<2x10240x128xf32, #tpu.memory_space<hbm>> -> memref<1x80x128xf32, #tpu.memory_space<hbm>>
    %dma_wait3A_834 = tpu.memref_squeeze %dma_wait3A_833 : memref<1x80x128xf32, #tpu.memory_space<hbm>> -> memref<80x128xf32, #tpu.memory_space<hbm>>
    %dma_wait3A_835 = arith.constant 0 : i32
    %dma_wait3A_836 = arith.constant 0 : i32
    %dma_wait3A_837 = tpu.memref_slice %arg18[%dma_wait3A_835, %dma_wait3A_836] : memref<80x128xf32, #tpu.memory_space<vmem>> -> memref<80x128xf32, #tpu.memory_space<vmem>>
    tpu.wait_dma2 semaphore(%arg31 : memref<!tpu.dma_semaphore, #tpu.memory_space<semaphore_mem>>) src(%dma_wait3A_837 : memref<80x128xf32, #tpu.memory_space<vmem>>) dst(%dma_wait3A_834 : memref<80x128xf32, #tpu.memory_space<hbm>>)
    return
  }
}

module attributes {stable_mosaic.version = 14 : i64} {
  func.func @_xs_body(%arg0: i32, %arg1: memref<1024x2xf32, #tpu.memory_space<vmem>>, %arg2: memref<1024x128xf32, #tpu.memory_space<vmem>>, %arg3: memref<1024x128xf32, #tpu.memory_space<vmem>>) attributes {dimension_semantics = [#tpu.dimension_semantics<arbitrary>], iteration_bounds = array<i64: 10>, scalar_prefetch = 0 : i64, scratch_operands = 0 : i64, tpu.core_type = #tpu.core_type<tc>, window_params = [{transform_indices = @transform_0, window_bounds = array<i64: 1024, 2>}, {transform_indices = @transform_1, window_bounds = array<i64: 1024, 128>}, {transform_indices = @transform_2, window_bounds = array<i64: 1024, 128>}]} {
    %get3A = arith.constant 0 : index
    %get3A_0 = arith.constant 0 : index
    %get3A_1 = vector.load %arg1[%get3A, %get3A_0] : memref<1024x2xf32, #tpu.memory_space<vmem>>, vector<1024x2xf32>
    %slice3A = vector.extract_strided_slice %get3A_1 {offsets = [0, 0], sizes = [1024, 1], strides = [1, 1]} : vector<1024x2xf32> to vector<1024x1xf32>
    %add3A = arith.constant 1.000000e+00 : f32
    %add3A_2 = vector.broadcast %add3A : f32 to vector<1024x1xf32>
    %add3A_3 = arith.addf %add3A_2, %slice3A : vector<1024x1xf32>
    %slice3A_4 = vector.extract_strided_slice %get3A_1 {offsets = [0, 1], sizes = [1024, 1], strides = [1, 1]} : vector<1024x2xf32> to vector<1024x1xf32>
    %add3A_5 = arith.addf %add3A_3, %slice3A_4 : vector<1024x1xf32>
    %rsqrt3A = math.rsqrt %add3A_5 : vector<1024x1xf32>
    %get3A_6 = arith.constant 0 : index
    %get3A_7 = arith.constant 0 : index
    %get3A_8 = vector.load %arg2[%get3A_6, %get3A_7] : memref<1024x128xf32, #tpu.memory_space<vmem>>, vector<1024x128xf32>
    %mul3A = vector.broadcast %rsqrt3A : vector<1024x1xf32> to vector<1024x128xf32>
    %mul3A_9 = arith.mulf %get3A_8, %mul3A : vector<1024x128xf32>
    %swap3A = arith.constant 0 : index
    %swap3A_10 = arith.constant 0 : index
    %swap3A_11 = vector.load %arg3[%swap3A, %swap3A_10] : memref<1024x128xf32, #tpu.memory_space<vmem>>, vector<1024x128xf32>
    tpu.vector_store %arg3[%swap3A, %swap3A_10], %mul3A_9 {strides = array<i32>} : memref<1024x128xf32, #tpu.memory_space<vmem>>, vector<1024x128xf32>,
    return
  }
  func.func @transform_0(%arg0: i32) -> (i32, i32) {
    %c0_i32 = arith.constant 0 : i32
    %c0_i32_0 = arith.constant 0 : i32
    return %arg0, %c0_i32 : i32, i32
  }
  func.func @transform_1(%arg0: i32) -> (i32, i32) {
    %c0_i32 = arith.constant 0 : i32
    %c0_i32_0 = arith.constant 0 : i32
    return %arg0, %c0_i32 : i32, i32
  }
  func.func @transform_2(%arg0: i32) -> (i32, i32) {
    %c0_i32 = arith.constant 0 : i32
    %c0_i32_0 = arith.constant 0 : i32
    return %arg0, %c0_i32 : i32, i32
  }
}

module attributes {stable_mosaic.version = 14 : i64} {
  func.func @_mid_body(%arg0: i32, %arg1: memref<1024x2xf32, #tpu.memory_space<vmem>>, %arg2: memref<1024x128xf32, #tpu.memory_space<vmem>>, %arg3: memref<2x1024x128xf32, #tpu.memory_space<vmem>>, %arg4: memref<128x256xf32, #tpu.memory_space<vmem>>, %arg5: memref<1x256xf32, #tpu.memory_space<vmem>>, %arg6: memref<256x128xf32, #tpu.memory_space<vmem>>, %arg7: memref<1024x128xf32, #tpu.memory_space<vmem>>, %arg8: memref<1024x128xf32, #tpu.memory_space<vmem>>) attributes {dimension_semantics = [#tpu.dimension_semantics<arbitrary>], iteration_bounds = array<i64: 10>, scalar_prefetch = 0 : i64, scratch_operands = 0 : i64, tpu.core_type = #tpu.core_type<tc>, window_params = [{transform_indices = @transform_0, window_bounds = array<i64: 1024, 2>}, {transform_indices = @transform_1, window_bounds = array<i64: 1024, 128>}, {transform_indices = @transform_2, window_bounds = array<i64: 2, 1024, 128>}, {pipeline_mode = #tpu.pipeline_mode<synchronous>, transform_indices = @transform_3, window_bounds = array<i64: 128, 256>}, {pipeline_mode = #tpu.pipeline_mode<synchronous>, transform_indices = @transform_4, window_bounds = array<i64: 1, 256>}, {pipeline_mode = #tpu.pipeline_mode<synchronous>, transform_indices = @transform_5, window_bounds = array<i64: 256, 128>}, {transform_indices = @transform_6, window_bounds = array<i64: 1024, 128>}, {transform_indices = @transform_7, window_bounds = array<i64: 1024, 128>}]} {
    %get3A = arith.constant 0 : index
    %get3A_0 = arith.constant 0 : index
    %get3A_1 = vector.load %arg1[%get3A, %get3A_0] : memref<1024x2xf32, #tpu.memory_space<vmem>>, vector<1024x2xf32>
    %slice3A = vector.extract_strided_slice %get3A_1 {offsets = [0, 0], sizes = [1024, 1], strides = [1, 1]} : vector<1024x2xf32> to vector<1024x1xf32>
    %add3A = arith.constant 1.000000e+00 : f32
    %add3A_2 = vector.broadcast %add3A : f32 to vector<1024x1xf32>
    %add3A_3 = arith.addf %add3A_2, %slice3A : vector<1024x1xf32>
    %slice3A_4 = vector.extract_strided_slice %get3A_1 {offsets = [0, 1], sizes = [1024, 1], strides = [1, 1]} : vector<1024x2xf32> to vector<1024x1xf32>
    %add3A_5 = arith.addf %add3A_3, %slice3A_4 : vector<1024x1xf32>
    %rsqrt3A = math.rsqrt %add3A_5 : vector<1024x1xf32>
    %get3A_6 = arith.constant 0 : index
    %get3A_7 = arith.constant 0 : index
    %get3A_8 = arith.constant 0 : index
    %get3A_9 = vector.load %arg3[%get3A_6, %get3A_7, %get3A_8] : memref<2x1024x128xf32, #tpu.memory_space<vmem>>, vector<1x1024x128xf32>
    %get3A_10 = vector.shape_cast %get3A_9 : vector<1x1024x128xf32> to vector<1024x128xf32>
    %get3A_11 = arith.constant 1 : index
    %get3A_12 = arith.constant 0 : index
    %get3A_13 = arith.constant 0 : index
    %get3A_14 = vector.load %arg3[%get3A_11, %get3A_12, %get3A_13] : memref<2x1024x128xf32, #tpu.memory_space<vmem>>, vector<1x1024x128xf32>
    %get3A_15 = vector.shape_cast %get3A_14 : vector<1x1024x128xf32> to vector<1024x128xf32>
    %add3A_16 = arith.addf %get3A_10, %get3A_15 : vector<1024x128xf32>
    %mul3A = vector.broadcast %rsqrt3A : vector<1024x1xf32> to vector<1024x128xf32>
    %mul3A_17 = arith.mulf %mul3A, %add3A_16 : vector<1024x128xf32>
    %mul3A_18 = arith.mulf %rsqrt3A, %rsqrt3A : vector<1024x1xf32>
    %get3A_19 = arith.constant 0 : index
    %get3A_20 = arith.constant 0 : index
    %get3A_21 = vector.load %arg2[%get3A_19, %get3A_20] : memref<1024x128xf32, #tpu.memory_space<vmem>>, vector<1024x128xf32>
    %mul3A_22 = vector.broadcast %mul3A_18 : vector<1024x1xf32> to vector<1024x128xf32>
    %mul3A_23 = arith.mulf %mul3A_22, %get3A_21 : vector<1024x128xf32>
    %add3A_24 = arith.addf %mul3A_17, %mul3A_23 : vector<1024x128xf32>
    %get3A_25 = arith.constant 0 : index
    %get3A_26 = arith.constant 0 : index
    %get3A_27 = vector.load %arg4[%get3A_25, %get3A_26] : memref<128x256xf32, #tpu.memory_space<vmem>>, vector<128x256xf32>
    %dot_general3A = arith.constant dense<0.000000e+00> : vector<1024x256xf32>
    %dot_general3A_28 = tpu.matmul %add3A_24, %get3A_27, %dot_general3A {dimension_numbers = #tpu.dot_dimension_numbers<[1], [0], [0], [1], [0, 0, 1, 1], [], []>, transpose_lhs_hint = false} : vector<1024x128xf32>, vector<128x256xf32>, vector<1024x256xf32> -> vector<1024x256xf32>
    %get3A_29 = arith.constant 0 : index
    %get3A_30 = arith.constant 0 : index
    %get3A_31 = vector.load %arg5[%get3A_29, %get3A_30] : memref<1x256xf32, #tpu.memory_space<vmem>>, vector<1x256xf32>
    %add3A_32 = vector.broadcast %get3A_31 : vector<1x256xf32> to vector<1024x256xf32>
    %add3A_33 = arith.addf %dot_general3A_28, %add3A_32 : vector<1024x256xf32>
    %max3A = arith.constant 0.000000e+00 : f32
    %max3A_34 = vector.broadcast %max3A : f32 to vector<1024x256xf32>
    %max3A_35 = arith.maximumf %add3A_33, %max3A_34 : vector<1024x256xf32>
    %get3A_36 = arith.constant 0 : index
    %get3A_37 = arith.constant 0 : index
    %get3A_38 = vector.load %arg6[%get3A_36, %get3A_37] : memref<256x128xf32, #tpu.memory_space<vmem>>, vector<256x128xf32>
    %dot_general3A_39 = arith.constant dense<0.000000e+00> : vector<1024x128xf32>
    %dot_general3A_40 = tpu.matmul %max3A_35, %get3A_38, %dot_general3A_39 {dimension_numbers = #tpu.dot_dimension_numbers<[1], [0], [0], [1], [0, 0, 1, 1], [], []>, transpose_lhs_hint = false} : vector<1024x256xf32>, vector<256x128xf32>, vector<1024x128xf32> -> vector<1024x128xf32>
    %swap3A = arith.constant 0 : index
    %swap3A_41 = arith.constant 0 : index
    %swap3A_42 = vector.load %arg7[%swap3A, %swap3A_41] : memref<1024x128xf32, #tpu.memory_space<vmem>>, vector<1024x128xf32>
    tpu.vector_store %arg7[%swap3A, %swap3A_41], %dot_general3A_40 {strides = array<i32>} : memref<1024x128xf32, #tpu.memory_space<vmem>>, vector<1024x128xf32>,
    %mul3A_43 = vector.broadcast %rsqrt3A : vector<1024x1xf32> to vector<1024x128xf32>
    %mul3A_44 = arith.mulf %dot_general3A_40, %mul3A_43 : vector<1024x128xf32>
    %swap3A_45 = arith.constant 0 : index
    %swap3A_46 = arith.constant 0 : index
    %swap3A_47 = vector.load %arg8[%swap3A_45, %swap3A_46] : memref<1024x128xf32, #tpu.memory_space<vmem>>, vector<1024x128xf32>
    tpu.vector_store %arg8[%swap3A_45, %swap3A_46], %mul3A_44 {strides = array<i32>} : memref<1024x128xf32, #tpu.memory_space<vmem>>, vector<1024x128xf32>,
    return
  }
  func.func @transform_0(%arg0: i32) -> (i32, i32) {
    %c0_i32 = arith.constant 0 : i32
    %c0_i32_0 = arith.constant 0 : i32
    return %arg0, %c0_i32 : i32, i32
  }
  func.func @transform_1(%arg0: i32) -> (i32, i32) {
    %c0_i32 = arith.constant 0 : i32
    %c0_i32_0 = arith.constant 0 : i32
    return %arg0, %c0_i32 : i32, i32
  }
  func.func @transform_2(%arg0: i32) -> (i32, i32, i32) {
    %c0_i32 = arith.constant 0 : i32
    %c0_i32_0 = arith.constant 0 : i32
    %c0_i32_1 = arith.constant 0 : i32
    return %c0_i32, %arg0, %c0_i32_0 : i32, i32, i32
  }
  func.func @transform_3(%arg0: i32) -> (i32, i32) {
    %c0_i32 = arith.constant 0 : i32
    %c0_i32_0 = arith.constant 0 : i32
    %c0_i32_1 = arith.constant 0 : i32
    return %c0_i32, %c0_i32_0 : i32, i32
  }
  func.func @transform_4(%arg0: i32) -> (i32, i32) {
    %c0_i32 = arith.constant 0 : i32
    %c0_i32_0 = arith.constant 0 : i32
    %c0_i32_1 = arith.constant 0 : i32
    return %c0_i32, %c0_i32_0 : i32, i32
  }
  func.func @transform_5(%arg0: i32) -> (i32, i32) {
    %c0_i32 = arith.constant 0 : i32
    %c0_i32_0 = arith.constant 0 : i32
    %c0_i32_1 = arith.constant 0 : i32
    return %c0_i32, %c0_i32_0 : i32, i32
  }
  func.func @transform_6(%arg0: i32) -> (i32, i32) {
    %c0_i32 = arith.constant 0 : i32
    %c0_i32_0 = arith.constant 0 : i32
    return %arg0, %c0_i32 : i32, i32
  }
  func.func @transform_7(%arg0: i32) -> (i32, i32) {
    %c0_i32 = arith.constant 0 : i32
    %c0_i32_0 = arith.constant 0 : i32
    return %arg0, %c0_i32 : i32, i32
  }
}

module attributes {stable_mosaic.version = 14 : i64} {
  func.func @_out_body(%arg0: i32, %arg1: memref<1024x2xf32, #tpu.memory_space<vmem>>, %arg2: memref<1024x128xf32, #tpu.memory_space<vmem>>, %arg3: memref<2x1024x128xf32, #tpu.memory_space<vmem>>, %arg4: memref<1x128xf32, #tpu.memory_space<vmem>>, %arg5: memref<128x128xf32, #tpu.memory_space<vmem>>, %arg6: memref<1x128xf32, #tpu.memory_space<vmem>>, %arg7: memref<1024x128xf32, #tpu.memory_space<vmem>>) attributes {dimension_semantics = [#tpu.dimension_semantics<arbitrary>], iteration_bounds = array<i64: 10>, scalar_prefetch = 0 : i64, scratch_operands = 0 : i64, tpu.core_type = #tpu.core_type<tc>, window_params = [{transform_indices = @transform_0, window_bounds = array<i64: 1024, 2>}, {transform_indices = @transform_1, window_bounds = array<i64: 1024, 128>}, {transform_indices = @transform_2, window_bounds = array<i64: 2, 1024, 128>}, {pipeline_mode = #tpu.pipeline_mode<synchronous>, transform_indices = @transform_3, window_bounds = array<i64: 1, 128>}, {pipeline_mode = #tpu.pipeline_mode<synchronous>, transform_indices = @transform_4, window_bounds = array<i64: 128, 128>}, {pipeline_mode = #tpu.pipeline_mode<synchronous>, transform_indices = @transform_5, window_bounds = array<i64: 1, 128>}, {transform_indices = @transform_6, window_bounds = array<i64: 1024, 128>}]} {
    %get3A = arith.constant 0 : index
    %get3A_0 = arith.constant 0 : index
    %get3A_1 = vector.load %arg1[%get3A, %get3A_0] : memref<1024x2xf32, #tpu.memory_space<vmem>>, vector<1024x2xf32>
    %slice3A = vector.extract_strided_slice %get3A_1 {offsets = [0, 0], sizes = [1024, 1], strides = [1, 1]} : vector<1024x2xf32> to vector<1024x1xf32>
    %add3A = arith.constant 1.000000e+00 : f32
    %add3A_2 = vector.broadcast %add3A : f32 to vector<1024x1xf32>
    %add3A_3 = arith.addf %add3A_2, %slice3A : vector<1024x1xf32>
    %slice3A_4 = vector.extract_strided_slice %get3A_1 {offsets = [0, 1], sizes = [1024, 1], strides = [1, 1]} : vector<1024x2xf32> to vector<1024x1xf32>
    %add3A_5 = arith.addf %add3A_3, %slice3A_4 : vector<1024x1xf32>
    %rsqrt3A = math.rsqrt %add3A_5 : vector<1024x1xf32>
    %get3A_6 = arith.constant 0 : index
    %get3A_7 = arith.constant 0 : index
    %get3A_8 = arith.constant 0 : index
    %get3A_9 = vector.load %arg3[%get3A_6, %get3A_7, %get3A_8] : memref<2x1024x128xf32, #tpu.memory_space<vmem>>, vector<1x1024x128xf32>
    %get3A_10 = vector.shape_cast %get3A_9 : vector<1x1024x128xf32> to vector<1024x128xf32>
    %get3A_11 = arith.constant 1 : index
    %get3A_12 = arith.constant 0 : index
    %get3A_13 = arith.constant 0 : index
    %get3A_14 = vector.load %arg3[%get3A_11, %get3A_12, %get3A_13] : memref<2x1024x128xf32, #tpu.memory_space<vmem>>, vector<1x1024x128xf32>
    %get3A_15 = vector.shape_cast %get3A_14 : vector<1x1024x128xf32> to vector<1024x128xf32>
    %add3A_16 = arith.addf %get3A_10, %get3A_15 : vector<1024x128xf32>
    %mul3A = vector.broadcast %rsqrt3A : vector<1024x1xf32> to vector<1024x128xf32>
    %mul3A_17 = arith.mulf %mul3A, %add3A_16 : vector<1024x128xf32>
    %mul3A_18 = arith.mulf %rsqrt3A, %rsqrt3A : vector<1024x1xf32>
    %get3A_19 = arith.constant 0 : index
    %get3A_20 = arith.constant 0 : index
    %get3A_21 = vector.load %arg2[%get3A_19, %get3A_20] : memref<1024x128xf32, #tpu.memory_space<vmem>>, vector<1024x128xf32>
    %mul3A_22 = vector.broadcast %mul3A_18 : vector<1024x1xf32> to vector<1024x128xf32>
    %mul3A_23 = arith.mulf %mul3A_22, %get3A_21 : vector<1024x128xf32>
    %add3A_24 = arith.addf %mul3A_17, %mul3A_23 : vector<1024x128xf32>
    %get3A_25 = arith.constant 0 : index
    %get3A_26 = arith.constant 0 : index
    %get3A_27 = vector.load %arg4[%get3A_25, %get3A_26] : memref<1x128xf32, #tpu.memory_space<vmem>>, vector<1x128xf32>
    %add3A_28 = vector.broadcast %get3A_27 : vector<1x128xf32> to vector<1024x128xf32>
    %add3A_29 = arith.addf %add3A_24, %add3A_28 : vector<1024x128xf32>
    %max3A = arith.constant 0.000000e+00 : f32
    %max3A_30 = vector.broadcast %max3A : f32 to vector<1024x128xf32>
    %max3A_31 = arith.maximumf %add3A_29, %max3A_30 : vector<1024x128xf32>
    %get3A_32 = arith.constant 0 : index
    %get3A_33 = arith.constant 0 : index
    %get3A_34 = vector.load %arg5[%get3A_32, %get3A_33] : memref<128x128xf32, #tpu.memory_space<vmem>>, vector<128x128xf32>
    %dot_general3A = arith.constant dense<0.000000e+00> : vector<1024x128xf32>
    %dot_general3A_35 = tpu.matmul %max3A_31, %get3A_34, %dot_general3A {dimension_numbers = #tpu.dot_dimension_numbers<[1], [0], [0], [1], [0, 0, 1, 1], [], []>, transpose_lhs_hint = false} : vector<1024x128xf32>, vector<128x128xf32>, vector<1024x128xf32> -> vector<1024x128xf32>
    %get3A_36 = arith.constant 0 : index
    %get3A_37 = arith.constant 0 : index
    %get3A_38 = vector.load %arg6[%get3A_36, %get3A_37] : memref<1x128xf32, #tpu.memory_space<vmem>>, vector<1x128xf32>
    %add3A_39 = vector.broadcast %get3A_38 : vector<1x128xf32> to vector<1024x128xf32>
    %add3A_40 = arith.addf %dot_general3A_35, %add3A_39 : vector<1024x128xf32>
    %swap3A = arith.constant 0 : index
    %swap3A_41 = arith.constant 0 : index
    %swap3A_42 = vector.load %arg7[%swap3A, %swap3A_41] : memref<1024x128xf32, #tpu.memory_space<vmem>>, vector<1024x128xf32>
    tpu.vector_store %arg7[%swap3A, %swap3A_41], %add3A_40 {strides = array<i32>} : memref<1024x128xf32, #tpu.memory_space<vmem>>, vector<1024x128xf32>,
    return
  }
  func.func @transform_0(%arg0: i32) -> (i32, i32) {
    %c0_i32 = arith.constant 0 : i32
    %c0_i32_0 = arith.constant 0 : i32
    return %arg0, %c0_i32 : i32, i32
  }
  func.func @transform_1(%arg0: i32) -> (i32, i32) {
    %c0_i32 = arith.constant 0 : i32
    %c0_i32_0 = arith.constant 0 : i32
    return %arg0, %c0_i32 : i32, i32
  }
  func.func @transform_2(%arg0: i32) -> (i32, i32, i32) {
    %c0_i32 = arith.constant 0 : i32
    %c0_i32_0 = arith.constant 0 : i32
    %c0_i32_1 = arith.constant 0 : i32
    return %c0_i32, %arg0, %c0_i32_0 : i32, i32, i32
  }
  func.func @transform_3(%arg0: i32) -> (i32, i32) {
    %c0_i32 = arith.constant 0 : i32
    %c0_i32_0 = arith.constant 0 : i32
    %c0_i32_1 = arith.constant 0 : i32
    return %c0_i32, %c0_i32_0 : i32, i32
  }
  func.func @transform_4(%arg0: i32) -> (i32, i32) {
    %c0_i32 = arith.constant 0 : i32
    %c0_i32_0 = arith.constant 0 : i32
    %c0_i32_1 = arith.constant 0 : i32
    return %c0_i32, %c0_i32_0 : i32, i32
  }
  func.func @transform_5(%arg0: i32) -> (i32, i32) {
    %c0_i32 = arith.constant 0 : i32
    %c0_i32_0 = arith.constant 0 : i32
    %c0_i32_1 = arith.constant 0 : i32
    return %c0_i32, %c0_i32_0 : i32, i32
  }
  func.func @transform_6(%arg0: i32) -> (i32, i32) {
    %c0_i32 = arith.constant 0 : i32
    %c0_i32_0 = arith.constant 0 : i32
    return %arg0, %c0_i32 : i32, i32
  }
}

</mosaic_0001>

<sc_bundles>
// kernel: kernel.11.cloned.1.call-start
scs
__scs_entry_jumppad:
0x0: {  	(pc) =	sbr.rel $0x88, $3  }
0x1: {  	(tag) =	ssettag $0x0;
	lr =	simm.s32 $0x1  }
0x2: {  	[smem:$0x3F99] =	sst lr;
	_ =	strace $0xD0000000  }
0x3: {  	_ = 	snop  }
0x4: {  	_ = 	snop  }
0x5: {  	_ = 	snop  }
0x6: {  	_ = 	snop  }
0x7: {  	_ = 	snop  }
__scs_overlays_trampoline_lowered:
0x8: {  	[smem:$0x3FA8] =	sst s0  }
0x9: {  	[smem:$0x3FA9] =	sst s1  }
0xa: {  	[smem:$0x3FAA] =	sst s2  }
0xb: {  	[smem:$0x3FAB] =	sst s3  }
0xc: {  	[smem:$0x3FAC] =	sst s4  }
0xd: {  	[smem:$0x3FAD] =	sst s5  }
0xe: {  	[smem:$0x3FAE] =	sst s6  }
0xf: {  	[smem:$0x3FAF] =	sst s7  }
0x10: {  	[smem:$0x3FB0] =	sst s8  }
0x11: {  	[smem:$0x3FB1] =	sst s9;
	s0 =	simm.s32 @!p0 $0x0  }
0x12: {  	s1 =	sld [smem:$0x3F97];
	s0 =	simm.s32 @p0 $0x1  }
0x13: {  	[smem:$0x3FB2] =	sst s0;
	s0 =	simm.s32 @!p1 $0x0  }
0x14: {  	s2 =	sld [smem:$0x3F96];
	s0 =	simm.s32 @p1 $0x1  }
0x15: {  	[smem:$0x3FB3] =	sst s0;
	s0 =	simm.s32 @!p2 $0x0  }
0x16: {  	s3 =	sld [smem:$0x3FDB];
	s0 =	simm.s32 @p2 $0x1  }
0x17: {  	s4 =	simm.s32 $0x1BF5;
	[smem:$0x3FB5] =	sst s0  }
0x18: {  	s0 =	sld [smem:$0x3F98];
	_ =	swait.ge [sflag:s4], $0x0  }
0x19: {  	s7 =	sld [smem:$0x3F99]  }
0x1a: {  	s8 =	sadd.s32 $0xFFFFE003, lr  }
0x1b: {  	s9 =	sadd.s32 $0xFFFFFEF7, lr;
	s5 =	simm.s32 $0xFFFFFFFF;
	p2 =	slt.u32 s8, $0xFFFFF086  }
0x1c: {  	p1 =	slt.u32 s9, $0xF7A;
	s5 =	simm.s32 @!p2 $0x0  }
0x1d: {  	s5 =	simm.s32 @p1 $0x1;
	p0 =	seq.s32 s7, s2  }
0x1e: {  	s7 =	smul.u32 @!p0 $0xF7A, s2;
	p2 =	seq.s32 @!p0 s5, $0x0  }
0x1f: {  	s9 =	smul.u32 $0xF7A, s1;
	s8 =	simm.s32 @!p0 $0x1BF5;
	p2 =	por !p2, p0  }
0x20: {  	[sflag:s8] =	ssyncset.s32 @!p0 $0xFFFFF086;
	s6 =	sadd.s32 @!p0 s3, s7;
	s7 =	simm.s32 @!p0 $0x108  }
0x21: {  	s3 =	sadd.s32 s3, s9;
	s6 =	sadd.s32 @!p0 $0x88, s6;
	s7 =	simm.s32 @p2 $0x1082  }
0x22: {  	[simem:s7], [sflag:s8] =	dma.local @!p0 [hbm:s6], $0xF7A  }
0x23: {  	s9 =	sor.u32 $0xD0000000, s2;
	s6 =	simm.s32 $0x108;
	_ =	swait.ge @!p0 [sflag:s8], $0x0  }
0x24: {  	s3 =	sadd.s32 $0x88, s3;
	s6 =	simm.s32 @!p1 $0x1082;
	[sflag:s4] =	ssyncset.s32 $0xFFFFF086  }
0x25: {  	[simem:s6], [sflag:s4] =	dma.local [hbm:s3], $0xF7A  }
0x26: {  	[smem:$0x3F99] =	sst s1;
	(tag) =	ssettag s2;
	_ =	strace s9  }
0x27: {  	s1 =	sld [smem:$0x3FA9]  }
0x28: {  	s2 =	sld [smem:$0x3FAA]  }
0x29: {  	s4 =	sld [smem:$0x3FAC]  }
0x2a: {  	p0 =	seq.s32 s5, $0x0;
	s5 =	sld [smem:$0x3FAD]  }
0x2b: {  	s6 =	sld [smem:$0x3FAE]  }
0x2c: {  	s7 =	sld [smem:$0x3FAF]  }
0x2d: {  	s3 =	simm.s32 $0x108;
	s8 =	sld [smem:$0x3FB0]  }
0x2e: {  	s3 =	simm.s32 @!p0 $0x1082;
	s9 =	sld [smem:$0x3FB1]  }
0x2f: {  	lr =	sadd.s32 s0, s3;
	s0 =	sld [smem:$0x3FA8]  }
0x30: {  	s3 =	sld [smem:$0x3FAB]  }
0x31: {  	[smem:$0x3FB4] =	sst s10  }
0x32: {  	s10 =	sld [smem:$0x3FB2];
	_ =	sdelay $0x3  }
0x33: {  	p0 =	seq.s32 s10, $0x1;
	s10 =	sld [smem:$0x3FB4];
	_ =	sdelay $0x3  }
0x34: {  	[smem:$0x3FB4] =	sst s10  }
0x35: {  	s10 =	sld [smem:$0x3FB3];
	_ =	sdelay $0x3  }
0x36: {  	p1 =	seq.s32 s10, $0x1;
	s10 =	sld [smem:$0x3FB4];
	_ =	sdelay $0x3  }
0x37: {  	[smem:$0x3FB4] =	sst s10  }
0x38: {  	s10 =	sld [smem:$0x3FB5]  }
0x39: {  	_ = 	snop;
	(pc) =	sbr.ind lr, $3  }
0x3a: {  	_ = 	snop  }
0x3b: {  	_ = 	snop  }
0x3c: {  	p2 =	seq.s32 s10, $0x1;
	s10 =	sld [smem:$0x3FB4]  }
0x3d: {  	_ =	shalt  }
0x3e: {  	_ =	shalt  }
0x3f: {  	_ =	shalt  }
0x40: {  	_ =	shalt  }
0x41: {  	_ =	shalt  }
0x42: {  	_ =	shalt  }
0x43: {  	_ =	shalt  }
0x44: {  	_ =	shalt  }
0x45: {  	_ =	shalt  }
0x46: {  	_ =	shalt  }
0x47: {  	_ =	shalt  }
0x48: {  	_ =	shalt  }
0x49: {  	_ =	shalt  }
0x4a: {  	_ =	shalt  }
0x4b: {  	_ =	shalt  }
0x4c: {  	_ =	shalt  }
0x4d: {  	_ =	shalt  }
0x4e: {  	_ =	shalt  }
0x4f: {  	_ =	shalt  }
0x50: {  	_ =	shalt  }
0x51: {  	_ =	shalt  }
0x52: {  	_ =	shalt  }
0x53: {  	_ =	shalt  }
0x54: {  	_ =	shalt  }
0x55: {  	_ =	shalt  }
0x56: {  	_ =	shalt  }
0x57: {  	_ =	shalt  }
0x58: {  	_ =	shalt  }
0x59: {  	_ =	shalt  }
0x5a: {  	_ =	shalt  }
0x5b: {  	_ =	shalt  }
0x5c: {  	_ =	shalt  }
0x5d: {  	_ =	shalt  }
0x5e: {  	_ =	shalt  }
0x5f: {  	_ =	shalt  }
0x60: {  	_ =	shalt  }
0x61: {  	_ =	shalt  }
0x62: {  	_ =	shalt  }
0x63: {  	_ =	shalt  }
0x64: {  	_ =	shalt  }
0x65: {  	_ =	shalt  }
0x66: {  	_ =	shalt  }
0x67: {  	_ =	shalt  }
0x68: {  	_ =	shalt  }
0x69: {  	_ =	shalt  }
0x6a: {  	_ =	shalt  }
0x6b: {  	_ =	shalt  }
0x6c: {  	_ =	shalt  }
0x6d: {  	_ =	shalt  }
0x6e: {  	_ =	shalt  }
0x6f: {  	_ =	shalt  }
0x70: {  	_ =	shalt  }
0x71: {  	_ =	shalt  }
0x72: {  	_ =	shalt  }
0x73: {  	_ =	shalt  }
0x74: {  	_ =	shalt  }
0x75: {  	_ =	shalt  }
0x76: {  	_ =	shalt  }
0x77: {  	_ =	shalt  }
0x78: {  	_ =	shalt  }
0x79: {  	_ =	shalt  }
0x7a: {  	_ =	shalt  }
0x7b: {  	_ =	shalt  }
0x7c: {  	_ =	shalt  }
0x7d: {  	_ =	shalt  }
0x7e: {  	_ =	shalt  }
0x7f: {  	_ =	shalt  }
0x80: {  	_ =	shalt  }
0x81: {  	_ =	shalt  }
0x82: {  	_ =	shalt  }
0x83: {  	_ =	shalt  }
0x84: {  	_ =	shalt  }
0x85: {  	_ =	shalt  }
0x86: {  	_ =	shalt  }
0x87: {  	_ =	shalt  }
.Lfunc_end0:
.L_simem_size_0:
called_computation.1_lowered:
.L_overlay_start_0:
0x88: {  	s2 =	sld [smem:$0x3FD9]  }
0x89: {  	s3 =	sld [smem:$0x3FFE];
	_ =	sdelay $0x1  }
0x8a: {  	s1 =	srdreg.scid  }
0x8b: {  	s0 =	sand.u32 $0x1, s1  }
0x8c: {  	s17 =	sshll.u32 s0, $0xA;
	s2 =	sadd.s32 s3, s2  }
0x8d: {  	s2 =	sadd.s32 s2, s17  }
0x8e: {  	[smem:$0x3FC0] =	sst s2  }
0x8f: {  	_ = 	snop  }
0x90: {  	s2 =	sld [smem:$0x3FD0];
	(tm) =	ssettm $0x1  }
0x91: {  	s18 =	sld [smem:$0x3FFB];
	_ =	sdelay $0x3  }
0x92: {  	_ =	strace s18  }
0x93: {  	s3 =	sld [smem:$0x3FFC];
	_ =	sdelay $0x3  }
0x94: {  	_ =	strace s3  }
0x95: {  	s3 =	sld [smem:$0x3FFD];
	_ =	sdelay $0x3  }
0x96: {  	_ =	strace s3  }
0x97: {  	_ =	strace $0x8FFFFFFF  }
0x98: {  	s19 =	sld [smem:$0x3FDB];
	_ =	sdelay $0x1  }
0x99: {  	s4 =	simm.s32 $_scs_section_size  }
0x9a: {  	s5 =	simm.s32 $_size__tile_overlayer_lowered;
	s6 =	simm.s32 $_tile_overlayer_lowered  }
0x9b: {  	s22 =	simm.s32 $0x1BFF;
	s21 =	sshll.u32 s6, $0x1;
	s3 =	sadd.s32 s4, s19  }
0x9c: {  	s7 =	simm.s32 $0x0;
	s20 =	sshll.u32 s5, $0x1;
	s5 =	sadd.s32 s21, s3  }
0x9d: {  	[timem:s7], [sflag:s22] =	dma.local [hbm:s5], s20  }
0x9e: {  	_ =	swait.ge [sflag:s22], s20  }
0x9f: {  	s4 =	ssub.s32 $0x0, s20;
	[sflag:s22] =	ssyncset.done $0x0  }
0xa0: {  	[sflag:s22] =	ssyncadd.s32 s4;
	_ =	sdelay $0x1  }
0xa1: {  	s23 =	simm.s32 $0x1B8B  }
0xa2: {  	_ =	swait.ge [sflag:s23], $0x1  }
0xa3: {  	[sflag:s23] =	ssyncset.done $0x0  }
0xa4: {  	s25 =	simm.s32 $0x1B8E;
	s24 =	sld [smem:$0x3FFE];
	[sflag:s23] =	ssyncadd.s32 $0xFFFFFFFF  }
0xa5: {  	s26 =	simm.s32 $execute0_lowered;
	[smem:$0x3FD2] =	sst s25  }
0xa6: {  	s5 =	sshll.u32 s26, $0x1;
	_ =	strace $0x80000049;
	[dreg:$0x1] =	wrdreg $0xFFFFFFFF  }
0xa7: {  	s28 =	simm.s32 $_size_execute0_lowered;
	s3 =	sadd.s32 s3, s5;
	[dreg:$0x0] =	wrdreg $0x0  }
0xa8: {  	s5 =	sshll.u32 s28, $0x1;
	[dreg:$0x2] =	wrdreg s3  }
0xa9: {  	[dreg:$0x3] =	wrdreg s5  }
0xaa: {  	[dreg:$0x4] =	wrdreg $0xC0  }
0xab: {  	_ =	task [dreg:s7], $0x5FFFF  }
0xac: {  	[dreg:$0x1] =	wrdreg $0xFFFFFFFF  }
0xad: {  	[dreg:$0x0] =	wrdreg $0x60  }
0xae: {  	[dreg:$0x2] =	wrdreg s24  }
0xaf: {  	[dreg:$0x3] =	wrdreg s2  }
0xb0: {  	[dreg:$0x4] =	wrdreg $0xA4000  }
0xb1: {  	[dreg:$0x5] =	wrdreg $0x9  }
0xb2: {  	_ =	task.clear_ibuf [dreg:s7], $0x6FFFF;
	_ =	strace $0x90000049  }
0xb3: {  	s29 =	simm.s32 $0x9;
	_ =	strace $0x8000004B  }
0xb4: {  	_ =	swait.ge [sflag:s29], $0x1  }
0xb5: {  	[sflag:s29] =	ssyncadd.s32 $0xFFFFFFFF  }
0xb6: {  	_ =	strace $0x9000004B  }
0xb7: {  	_ =	sfence  }
0xb8: {  	s30 =	sld [smem:$0x0];
	_ =	sdelay $0x2  }
0xb9: {  	s31 =	sshll.u32 s1, $0xD;
	s1 =	sshrl.u32 s1, $0x2  }
0xba: {  	s3 =	sand.u32 $0x4000, s31;
	s1 =	sadd.s32 s1, s30  }
0xbb: {  	s0 =	sor.u32 s3, s0;
	s1 =	sshll.u32 s1, $0x11  }
0xbc: {  	s0 =	sor.u32 s1, s0  }
0xbd: {  	s0 =	sadd.s32 $0x8F2B, s0  }
0xbe: {  	[sflag:s0] =	ssyncadd.remote.s32 $0x1  }
0xbf: {  	_ =	sfence.sel $0xFFFF  }
0xc0: {  	[dreg:$0x0] =	wrdreg $0xFFFFFFFF;
	(pc) =	sbr.abs _section_cstart, $3  }
0xc1: {  	[dreg:$0x1] =	wrdreg $0xFFFFFFFF  }
0xc2: {  	_ =	task.clear_ibuf [dreg:s7], $0x2FFFF;
	_ =	strace $0x9FFFFFFF  }
0xc3: {  	(tm) =	ssettm $0x7FFFFFFF  }
tec
execute0_lowered:
.L_overlay_start_1:
0x0: {  	(tag) =	ssettag $0x1  }
0x1: {  	s1 =	rddreg [dreg:$0x0]  }
0x2: {  	s2 =	rddreg [dreg:$0x2]  }
0x3: {  	s0 =	srdreg.scid;
	s4 =	simm.s32 $0x0;
	s6 =	stileid.u32  }
0x4: {  	s5 =	sand.u32 $0x1, s0;
	[smem:$0x7FF] =	sst s4;
	s20 =	sadd.s32 $0x1800, s1  }
0x5: {  	s26 =	sadd.s32 $0xB600, s1;
	s8 =	sadd.s32 $0x3D400, s1;
	s9 =	smul.u32 $0x14000, s6  }
0x6: {  	s14 =	smul.u32 $0x2710, s6;
	s0 =	sshll.u32 s5, $0x4;
	s3 =	ssub.s32 $0x2, s5  }
0x7: {  	_ =	strace $0x8000004A;
	s0 =	sor.u32 s6, s0;
	s23 =	sshrl.u32 s3, $0x1  }
0x8: {  	s10 =	sor.u32 $0x2800, s9;
	s11 =	sadd.s32 $0x5000, s9;
	s7 =	smul.u32 $0x2710, s0  }
0x9: {  	s12 =	sadd.s32 $0x7800, s9;
	s13 =	sadd.s32 $0xA000, s9;
	s16 =	sadd.s32 $0xC800, s9  }
0xa: {  	s0 =	ssub.s32 s3, s23;
	s3 =	sshrl.u32 s7, $0x3;
	s7 =	smul.u32 $0x140000, s5  }
0xb: {  	s17 =	sadd.s32 $0xF000, s9;
	s0 =	smax.u32 s0, $0x1;
	s5 =	smul.u32 $0x27100, s5  }
0xc: {  	s18 =	sadd.s32 $0x11800, s9;
	[smem:$0x7FC] =	sst s0;
	s9 =	sadd.s32 s9, s7  }
0xd: {  	s15 =	sadd.s32 s7, s10;
	s5 =	sadd.s32 s14, s5;
	s21 =	sadd.s32 s7, s11  }
0xe: {  	s9 =	sshrl.u32 s9, $0x3;
	s24 =	sshrl.u32 s15, $0x3;
	s25 =	sadd.s32 $0x230, s5  }
0xf: {  	s19 =	sadd.s32 $0x1E0, s5;
	s9 =	sadd.s32 s8, s9;
	s28 =	sadd.s32 s8, s24  }
0x10: {  	s14 =	sshrl.u32 s25, $0x3;
	s22 =	sshrl.u32 s19, $0x3;
	s24 =	sadd.s32 $0x190, s5  }
0x11: {  	s25 =	sadd.s32 s7, s12;
	s19 =	sadd.s32 s7, s13;
	[dreg:$0xa] =	wrdreg s9  }
0x12: {  	[dreg:$0xb] =	wrdreg s28;
	s15 =	sadd.s32 s14, s26;
	s9 =	sadd.s32 s14, s20  }
0x13: {  	s14 =	sshrl.u32 s21, $0x3;
	s23 =	sadd.s32 s22, s26;
	[dreg:$0x4] =	wrdreg s15  }
0x14: {  	s21 =	sadd.s32 s7, s16;
	[dreg:$0x5] =	wrdreg s9;
	s14 =	sadd.s32 s8, s14  }
0x15: {  	[dreg:$0x6] =	wrdreg s23;
	s15 =	sadd.s32 s22, s20;
	s9 =	sshrl.u32 s24, $0x3  }
0x16: {  	s22 =	sadd.s32 s7, s17;
	s23 =	sshrl.u32 s21, $0x3;
	[dreg:$0xc] =	wrdreg s14  }
0x17: {  	s7 =	sadd.s32 s7, s18;
	[dreg:$0x7] =	wrdreg s15;
	s28 =	sadd.s32 s9, s26  }
0x18: {  	s14 =	sshrl.u32 s25, $0x3;
	s9 =	sadd.s32 s9, s20;
	[dreg:$0x8] =	wrdreg s28  }
0x19: {  	s24 =	sshrl.u32 s22, $0x3;
	s14 =	sadd.s32 s8, s14;
	[dreg:$0x9] =	wrdreg s9  }
0x1a: {  	s7 =	sshrl.u32 s7, $0x3;
	s25 =	sadd.s32 s8, s24;
	[dreg:$0xd] =	wrdreg s14  }
0x1b: {  	s28 =	smul.u32 $0x50000, s6;
	s15 =	sadd.s32 s8, s7;
	[dreg:$0x10] =	wrdreg s25  }
0x1c: {  	s24 =	sadd.s32 s10, s2;
	s6 =	sadd.s32 s16, s2;
	[dreg:$0x11] =	wrdreg s15  }
0x1d: {  	s10 =	sadd.s32 s18, s2;
	s14 =	sshrl.u32 s19, $0x3;
	[dreg:$0x19] =	wrdreg s6  }
0x1e: {  	s19 =	sadd.s32 $0xA, s3;
	s25 =	sadd.s32 s13, s2;
	[dreg:$0x1b] =	wrdreg s10  }
0x1f: {  	s15 =	sadd.s32 $0x15400, s1;
	s14 =	sadd.s32 s8, s14;
	[dreg:$0x18] =	wrdreg s25  }
0x20: {  	s13 =	sadd.s32 $0x14, s3;
	s22 =	sadd.s32 s20, s19;
	[dreg:$0xe] =	wrdreg s14  }
0x21: {  	s21 =	sshrl.u32 s28, $0x2;
	s1 =	sadd.s32 s26, s13;
	[dreg:$0x12] =	wrdreg s22  }
0x22: {  	s28 =	sadd.s32 s11, s2;
	s11 =	sadd.s32 s12, s2;
	[dreg:$0x1d] =	wrdreg s1  }
0x23: {  	s31 =	simm.s32 $0x100;
	s14 =	sadd.s32 s8, s23;
	[dreg:$0x17] =	wrdreg s11  }
0x24: {  	s16 =	sadd.s32 $0x1E, s3;
	s23 =	sadd.s32 s26, s19;
	[dreg:$0xf] =	wrdreg s14  }
0x25: {  	s30 =	simm.s32 $0x2;
	s19 =	sadd.s32 s20, s16;
	[dreg:$0x13] =	wrdreg s23  }
0x26: {  	s29 =	sadd.s32 s21, s2;
	s21 =	sadd.s32 s26, s16;
	[dreg:$0x1e] =	wrdreg s19  }
0x27: {  	s0 =	simm.s32 $0x0;
	s22 =	sadd.s32 s20, s3;
	[dreg:$0x1f] =	wrdreg s21  }
0x28: {  	s18 =	smov.u32 s28;
	s28 =	sadd.s32 $0x140, s5;
	[smem:$0x7F8] =	sst s22  }
0x29: {  	s9 =	smov.u32 s20;
	s7 =	simm.s32 $0x3;
	[smem:$0x7FD] =	sst s28  }
0x2a: {  	s8 =	sadd.s32 s17, s2;
	s17 =	smov.u32 s24;
	[dreg:$0x14] =	wrdreg s29  }
0x2b: {  	s12 =	simm.s32 $0x80;
	s24 =	sadd.s32 $0x4D8, s3;
	[dreg:$0x15] =	wrdreg s17  }
0x2c: {  	s16 =	simm.s32 $0x50;
	s14 =	sadd.s32 s20, s13;
	[dreg:$0x16] =	wrdreg s18  }
0x2d: {  	s23 =	sadd.s32 s26, s3;
	s3 =	sadd.s32 s20, s24;
	[dreg:$0x1a] =	wrdreg s8  }
0x2e: {  	s1 =	sadd.s32 s26, s24;
	s19 =	simm.s32 $0x9;
	[dreg:$0x1c] =	wrdreg s14  }
0x2f: {  	s20 =	simm.s32 $0x4;
	s21 =	simm.s32 $0x7;
	[smem:$0x7F9] =	sst s23  }
0x30: {  	s22 =	simm.s32 $0xA;
	s24 =	simm.s32 $0xB;
	[smem:$0x7FA] =	sst s3  }
0x31: {  	[smem:$0x7FB] =	sst s1;
	s14 =	simm.s32 $0x1;
	s23 =	simm.s32 $0x8  }
.LBB2_1:
0x32: {  	s5 =	sld [smem:$0x7F8];
	_ =	sdelay $0x1  }
0x33: {  	s3 =	sld [smem:$0x7F9]  }
0x34: {  	[tilespmem:s4], [sflag:$0x1] =	stream.linear.gather [hbm4b:s5+s4], $0x50, $0x38;
	[tilespmem:$0x1E400] =	vst v63  }
0x35: {  	[smem:$0x7F7] =	sst s0;
	s13 =	simm.s32 $0x200  }
0x36: {  	[tilespmem:s13], [sflag:$0x1] =	stream.linear.gather [hbm4b:s3+s4], $0x50, $0x38;
	[tilespmem:$0x1E400] =	vst v63  }
0x37: {  	s28 =	rddreg [dreg:$0x12]  }
0x38: {  	[tilespmem:s12], [sflag:$0x2] =	stream.linear.gather [hbm4b:s28+s4], $0x50, $0x38;
	[tilespmem:$0x1E400] =	vst v63  }
0x39: {  	s0 =	rddreg [dreg:$0x13];
	s1 =	simm.s32 $0x280  }
0x3a: {  	[tilespmem:s1], [sflag:$0x2] =	stream.linear.gather [hbm4b:s0+s4], $0x50, $0x38;
	[tilespmem:$0x1E400] =	vst v63  }
0x3b: {  	s3 =	rddreg [dreg:$0x1];
	s13 =	simm.s32 $0xD;
	s28 =	simm.s32 $0x7C00  }
0x3c: {  	[tilespmem:s28], [sflag:$0xD] =	stream.linear.gather [hbm4b:s3+s4], $0x2800, $0x38;
	[tilespmem:$0x1E400] =	vst v63  }
0x3d: {  	_ =	swait.ge [sflag:s13], $0x2800  }
0x3e: {  	[sflag:s13] =	ssyncset.done $0x0  }
0x3f: {  	[sflag:s13] =	ssyncadd.s32 $0xFFFFD800  }
0x40: {  	[spmem:s29] =	stream.linear.scatter [tilespmem:s28], [sflag:$0xC], $0x2800, $0x38;
	[tilespmem:$0x1E400] =	vst v63  }
0x41: {  	_ = 	snop  }
0x42: {  	[spmem:s17] =	stream.linear.scatter [tilespmem:s28], [sflag:$0xC], $0x2800, $0x38;
	[tilespmem:$0x1E400] =	vst v63  }
0x43: {  	_ = 	snop  }
0x44: {  	[spmem:s18] =	stream.linear.scatter [tilespmem:s28], [sflag:$0xC], $0x2800, $0x38;
	[tilespmem:$0x1E400] =	vst v63  }
0x45: {  	_ = 	snop  }
0x46: {  	[spmem:s11] =	stream.linear.scatter [tilespmem:s28], [sflag:$0xC], $0x2800, $0x38;
	[tilespmem:$0x1E400] =	vst v63  }
0x47: {  	_ = 	snop  }
0x48: {  	[spmem:s25] =	stream.linear.scatter [tilespmem:s28], [sflag:$0xC], $0x2800, $0x38;
	[tilespmem:$0x1E400] =	vst v63  }
0x49: {  	_ = 	snop  }
0x4a: {  	[spmem:s6] =	stream.linear.scatter [tilespmem:s28], [sflag:$0xC], $0x2800, $0x38;
	[tilespmem:$0x1E400] =	vst v63  }
0x4b: {  	_ = 	snop  }
0x4c: {  	[spmem:s8] =	stream.linear.scatter [tilespmem:s28], [sflag:$0xC], $0x2800, $0x38;
	[tilespmem:$0x1E400] =	vst v63  }
0x4d: {  	_ = 	snop  }
0x4e: {  	[spmem:s10] =	stream.linear.scatter [tilespmem:s28], [sflag:$0xC], $0x2800, $0x38;
	[tilespmem:$0x1E400] =	vst v63  }
0x4f: {  	_ =	swait.ge [sflag:s14], $0x50  }
0x50: {  	[sflag:s14] =	ssyncset.done $0x0  }
0x51: {  	[sflag:s14] =	ssyncadd.s32 $0xFFFFFFB0  }
0x52: {  	_ =	swait.ge [sflag:s14], $0x50  }
0x53: {  	[sflag:s14] =	ssyncset.done $0x0  }
0x54: {  	s13 =	simm.s32 $0xC;
	s25 =	simm.s32 $0x400;
	[sflag:s14] =	ssyncadd.s32 $0xFFFFFFB0  }
0x55: {  	[tilespmem:s25], [sflag:$0x5] =	stream.indirect.gather [hbm4b:s15+s16], $0x80, s4, s16, $0xb8;
	[tilespmem:$0x1E400] =	vst v63  }
0x56: {  	_ =	swait.ge [sflag:s13], $0x2800  }
0x57: {  	[sflag:s13] =	ssyncset.done $0x0  }
0x58: {  	[sflag:s13] =	ssyncadd.s32 $0xFFFFD800  }
0x59: {  	_ =	swait.ge [sflag:s13], $0x2800  }
0x5a: {  	[sflag:s13] =	ssyncset.done $0x0  }
0x5b: {  	[sflag:s13] =	ssyncadd.s32 $0xFFFFD800  }
0x5c: {  	_ =	swait.ge [sflag:s13], $0x2800  }
0x5d: {  	[sflag:s13] =	ssyncset.done $0x0  }
0x5e: {  	[sflag:s13] =	ssyncadd.s32 $0xFFFFD800  }
0x5f: {  	_ =	swait.ge [sflag:s13], $0x2800  }
0x60: {  	[sflag:s13] =	ssyncset.done $0x0  }
0x61: {  	[sflag:s13] =	ssyncadd.s32 $0xFFFFD800  }
0x62: {  	_ =	swait.ge [sflag:s13], $0x2800  }
0x63: {  	[sflag:s13] =	ssyncset.done $0x0  }
0x64: {  	[sflag:s13] =	ssyncadd.s32 $0xFFFFD800  }
0x65: {  	_ =	swait.ge [sflag:s13], $0x2800  }
0x66: {  	[sflag:s13] =	ssyncset.done $0x0  }
0x67: {  	[sflag:s13] =	ssyncadd.s32 $0xFFFFD800  }
0x68: {  	_ =	swait.ge [sflag:s13], $0x2800  }
0x69: {  	[sflag:s13] =	ssyncset.done $0x0  }
0x6a: {  	[sflag:s13] =	ssyncadd.s32 $0xFFFFD800  }
0x6b: {  	_ =	swait.ge [sflag:s13], $0x2800  }
0x6c: {  	[sflag:s13] =	ssyncset.done $0x0  }
0x6d: {  	[sflag:s13] =	ssyncadd.s32 $0xFFFFD800  }
0x6e: {  	[bflag:$0x0] =	sbarrier.arrive $0xFFFF  }
0x6f: {  	s29 =	rddreg [dreg:$0x1c]  }
0x70: {  	[tilespmem:s31], [sflag:$0x3] =	stream.linear.gather [hbm4b:s29+s4], $0x50, $0x38;
	[tilespmem:$0x1E400] =	vst v63  }
0x71: {  	s3 =	simm.s32 $0x300;
	s0 =	rddreg [dreg:$0x1d]  }
0x72: {  	[tilespmem:s3], [sflag:$0x3] =	stream.linear.gather [hbm4b:s0+s4], $0x50, $0x38;
	[tilespmem:$0x1E400] =	vst v63  }
0x73: {  	_ =	swait.ge [sflag:s30], $0x50  }
0x74: {  	[sflag:s30] =	ssyncset.done $0x0  }
0x75: {  	[sflag:s30] =	ssyncadd.s32 $0xFFFFFFB0  }
0x76: {  	_ =	swait.ge [sflag:s30], $0x50  }
0x77: {  	[sflag:s30] =	ssyncset.done $0x0  }
0x78: {  	s10 =	simm.s32 $0x2C00;
	s0 =	simm.s32 $0x5;
	[sflag:s30] =	ssyncadd.s32 $0xFFFFFFB0  }
0x79: {  	[tilespmem:s10], [sflag:$0x6] =	stream.indirect.gather [hbm4b:s15+s16], $0x80, s12, s16, $0xb8;
	[tilespmem:$0x1E400] =	vst v63  }
0x7a: {  	_ =	swait.ge [sflag:s0], $0x2800  }
0x7b: {  	[sflag:s0] =	ssyncset.done $0x0  }
0x7c: {  	s1 =	simm.s32 $0x400;
	s29 =	simm.s32 $0x200;
	[sflag:s0] =	ssyncadd.s32 $0xFFFFD800  }
0x7d: {  	[spmem:s2] =	stream.indirect.scatter.add.f32 [tilespmem:s1], [sflag:$0x9], $0x80, s29, s16, $0xb8;
	[tilespmem:$0x1E400] =	vst v63  }
0x7e: {  	s17 =	simm.s32 $0x180;
	s1 =	rddreg [dreg:$0x1e]  }
0x7f: {  	[tilespmem:s17], [sflag:$0x4] =	stream.linear.gather [hbm4b:s1+s4], $0x50, $0x38;
	[tilespmem:$0x1E400] =	vst v63  }
0x80: {  	s25 =	simm.s32 $0x380;
	s6 =	rddreg [dreg:$0x1f]  }
0x81: {  	[tilespmem:s25], [sflag:$0x4] =	stream.linear.gather [hbm4b:s6+s4], $0x50, $0x38;
	[tilespmem:$0x1E400] =	vst v63  }
0x82: {  	_ =	swait.ge [sflag:s7], $0x50  }
0x83: {  	[sflag:s7] =	ssyncset.done $0x0  }
0x84: {  	[sflag:s7] =	ssyncadd.s32 $0xFFFFFFB0  }
0x85: {  	_ =	swait.ge [sflag:s7], $0x50  }
0x86: {  	s18 =	simm.s32 $0x5400;
	[sflag:s7] =	ssyncset.done $0x0  }
0x87: {  	s11 =	smov.u32 s26;
	s26 =	simm.s32 $0x6;
	[sflag:s7] =	ssyncadd.s32 $0xFFFFFFB0  }
0x88: {  	[tilespmem:s18], [sflag:$0x7] =	stream.indirect.gather [hbm4b:s15+s16], $0x80, s31, s16, $0xb8;
	[tilespmem:$0x1E400] =	vst v63  }
0x89: {  	_ =	swait.ge [sflag:s26], $0x2800  }
0x8a: {  	[sflag:s26] =	ssyncset.done $0x0  }
0x8b: {  	s1 =	simm.s32 $0x280;
	[sflag:s26] =	ssyncadd.s32 $0xFFFFD800  }
0x8c: {  	[spmem:s2] =	stream.indirect.scatter.add.f32 [tilespmem:s10], [sflag:$0xA], $0x80, s1, s16, $0xb8;
	[tilespmem:$0x1E400] =	vst v63  }
0x8d: {  	_ =	swait.ge [sflag:s19], $0x2800  }
0x8e: {  	s6 =	sld [smem:$0x7FD];
	_ =	sdelay $0x2  }
0x8f: {  	[sflag:s19] =	ssyncset.done $0x0;
	s5 =	sshrl.u32 s6, $0x3  }
0x90: {  	[sflag:s19] =	ssyncadd.s32 $0xFFFFD800;
	s8 =	sadd.s32 s9, s5  }
0x91: {  	[tilespmem:s4], [sflag:$0x1] =	stream.linear.gather [hbm4b:s8+s4], $0x50, $0x38;
	[tilespmem:$0x1E400] =	vst v63  }
0x92: {  	s5 =	sadd.s32 s11, s5  }
0x93: {  	[tilespmem:s29], [sflag:$0x1] =	stream.linear.gather [hbm4b:s5+s4], $0x50, $0x38;
	[tilespmem:$0x1E400] =	vst v63  }
0x94: {  	_ =	swait.ge [sflag:s20], $0x50  }
0x95: {  	[sflag:s20] =	ssyncset.done $0x0  }
0x96: {  	[sflag:s20] =	ssyncadd.s32 $0xFFFFFFB0  }
0x97: {  	_ =	swait.ge [sflag:s20], $0x50  }
0x98: {  	[sflag:s20] =	ssyncset.done $0x0  }
0x99: {  	[sflag:s20] =	ssyncadd.s32 $0xFFFFFFB0  }
0x9a: {  	[tilespmem:s28], [sflag:$0x8] =	stream.indirect.gather [hbm4b:s15+s16], $0x80, s17, s16, $0xb8;
	[tilespmem:$0x1E400] =	vst v63  }
0x9b: {  	_ =	swait.ge [sflag:s21], $0x2800  }
0x9c: {  	[sflag:s21] =	ssyncset.done $0x0  }
0x9d: {  	[sflag:s21] =	ssyncadd.s32 $0xFFFFD800  }
0x9e: {  	[spmem:s2] =	stream.indirect.scatter.add.f32 [tilespmem:s18], [sflag:$0xB], $0x80, s3, s16, $0xb8;
	[tilespmem:$0x1E400] =	vst v63  }
0x9f: {  	_ =	swait.ge [sflag:s22], $0x2800  }
0xa0: {  	s5 =	rddreg [dreg:$0x9];
	[sflag:s22] =	ssyncset.done $0x0  }
0xa1: {  	s8 =	rddreg [dreg:$0x8];
	[sflag:s22] =	ssyncadd.s32 $0xFFFFD800;
	s5 =	sadd.s32 $0x0, s5  }
0xa2: {  	[tilespmem:s12], [sflag:$0x2] =	stream.linear.gather [hbm4b:s5+s4], $0x50, $0x38;
	[tilespmem:$0x1E400] =	vst v63  }
0xa3: {  	s8 =	sadd.s32 $0x0, s8  }
0xa4: {  	[tilespmem:s1], [sflag:$0x2] =	stream.linear.gather [hbm4b:s8+s4], $0x50, $0x38;
	[tilespmem:$0x1E400] =	vst v63  }
0xa5: {  	_ =	swait.ge [sflag:s14], $0x50  }
0xa6: {  	[sflag:s14] =	ssyncset.done $0x0  }
0xa7: {  	[sflag:s14] =	ssyncadd.s32 $0xFFFFFFB0  }
0xa8: {  	_ =	swait.ge [sflag:s14], $0x50  }
0xa9: {  	[sflag:s14] =	ssyncset.done $0x0  }
0xaa: {  	s5 =	simm.s32 $0x400;
	[sflag:s14] =	ssyncadd.s32 $0xFFFFFFB0  }
0xab: {  	[tilespmem:s5], [sflag:$0x5] =	stream.indirect.gather [hbm4b:s15+s16], $0x80, s4, s16, $0xb8;
	[tilespmem:$0x1E400] =	vst v63  }
0xac: {  	_ =	swait.ge [sflag:s23], $0x2800  }
0xad: {  	[sflag:s23] =	ssyncset.done $0x0  }
0xae: {  	[sflag:s23] =	ssyncadd.s32 $0xFFFFD800  }
0xaf: {  	[spmem:s2] =	stream.indirect.scatter.add.f32 [tilespmem:s28], [sflag:$0xC], $0x80, s25, s16, $0xb8;
	[tilespmem:$0x1E400] =	vst v63  }
0xb0: {  	_ =	swait.ge [sflag:s24], $0x2800  }
0xb1: {  	s8 =	rddreg [dreg:$0x7];
	[sflag:s24] =	ssyncset.done $0x0  }
0xb2: {  	s28 =	rddreg [dreg:$0x6];
	[sflag:s24] =	ssyncadd.s32 $0xFFFFD800;
	s5 =	sadd.s32 $0x0, s8  }
0xb3: {  	[tilespmem:s31], [sflag:$0x3] =	stream.linear.gather [hbm4b:s5+s4], $0x50, $0x38;
	[tilespmem:$0x1E400] =	vst v63  }
0xb4: {  	s8 =	sadd.s32 $0x0, s28  }
0xb5: {  	[tilespmem:s3], [sflag:$0x3] =	stream.linear.gather [hbm4b:s8+s4], $0x50, $0x38;
	[tilespmem:$0x1E400] =	vst v63  }
0xb6: {  	_ =	swait.ge [sflag:s30], $0x50  }
0xb7: {  	[sflag:s30] =	ssyncset.done $0x0  }
0xb8: {  	[sflag:s30] =	ssyncadd.s32 $0xFFFFFFB0  }
0xb9: {  	_ =	swait.ge [sflag:s30], $0x50  }
0xba: {  	[sflag:s30] =	ssyncset.done $0x0  }
0xbb: {  	[sflag:s30] =	ssyncadd.s32 $0xFFFFFFB0  }
0xbc: {  	[tilespmem:s10], [sflag:$0x6] =	stream.indirect.gather [hbm4b:s15+s16], $0x80, s12, s16, $0xb8;
	[tilespmem:$0x1E400] =	vst v63  }
0xbd: {  	_ =	swait.ge [sflag:s0], $0x2800  }
0xbe: {  	[sflag:s0] =	ssyncset.done $0x0  }
0xbf: {  	s29 =	simm.s32 $0x200;
	s1 =	simm.s32 $0x400;
	[sflag:s0] =	ssyncadd.s32 $0xFFFFD800  }
0xc0: {  	[spmem:s2] =	stream.indirect.scatter.add.f32 [tilespmem:s1], [sflag:$0x9], $0x80, s29, s16, $0xb8;
	[tilespmem:$0x1E400] =	vst v63  }
0xc1: {  	_ =	swait.ge [sflag:s13], $0x2800  }
0xc2: {  	s12 =	rddreg [dreg:$0x5];
	[sflag:s13] =	ssyncset.done $0x0  }
0xc3: {  	s28 =	rddreg [dreg:$0x4];
	[sflag:s13] =	ssyncadd.s32 $0xFFFFD800;
	s5 =	sadd.s32 $0x0, s12  }
0xc4: {  	[tilespmem:s17], [sflag:$0x4] =	stream.linear.gather [hbm4b:s5+s4], $0x50, $0x38;
	[tilespmem:$0x1E400] =	vst v63  }
0xc5: {  	s29 =	sadd.s32 $0x0, s28  }
0xc6: {  	[tilespmem:s25], [sflag:$0x4] =	stream.linear.gather [hbm4b:s29+s4], $0x50, $0x38;
	[tilespmem:$0x1E400] =	vst v63  }
0xc7: {  	_ =	swait.ge [sflag:s7], $0x50  }
0xc8: {  	[sflag:s7] =	ssyncset.done $0x0  }
0xc9: {  	[sflag:s7] =	ssyncadd.s32 $0xFFFFFFB0  }
0xca: {  	_ =	swait.ge [sflag:s7], $0x50  }
0xcb: {  	[sflag:s7] =	ssyncset.done $0x0  }
0xcc: {  	[sflag:s7] =	ssyncadd.s32 $0xFFFFFFB0  }
0xcd: {  	[tilespmem:s18], [sflag:$0x7] =	stream.indirect.gather [hbm4b:s15+s16], $0x80, s31, s16, $0xb8;
	[tilespmem:$0x1E400] =	vst v63  }
0xce: {  	_ =	swait.ge [sflag:s26], $0x2800  }
0xcf: {  	s8 =	simm.s32 $0x28;
	[sflag:s26] =	ssyncset.done $0x0  }
0xd0: {  	s17 =	simm.s32 $0x80;
	s25 =	sadd.s32 $0x140, s6;
	[sflag:s26] =	ssyncadd.s32 $0xFFFFD800  }
.LBB2_2:
0xd1: {  	s29 =	simm.s32 $0x280;
	s13 =	simm.s32 $0x2C00  }
0xd2: {  	[spmem:s2] =	stream.indirect.scatter.add.f32 [tilespmem:s13], [sflag:$0xA], $0x80, s29, s16, $0xb8;
	[tilespmem:$0x1E400] =	vst v63  }
0xd3: {  	_ =	swait.ge [sflag:s19], $0x2800  }
0xd4: {  	s6 =	sshrl.u32 s25, $0x3;
	[sflag:s19] =	ssyncset.done $0x0  }
0xd5: {  	s3 =	sadd.s32 s9, s6;
	[sflag:s19] =	ssyncadd.s32 $0xFFFFD800  }
0xd6: {  	[tilespmem:s4], [sflag:$0x1] =	stream.linear.gather [hbm4b:s3+s4], $0x50, $0x38;
	[tilespmem:$0x1E400] =	vst v63  }
0xd7: {  	s12 =	simm.s32 $0x200;
	s6 =	sadd.s32 s11, s6  }
0xd8: {  	[tilespmem:s12], [sflag:$0x1] =	stream.linear.gather [hbm4b:s6+s4], $0x50, $0x38;
	[tilespmem:$0x1E400] =	vst v63  }
0xd9: {  	_ =	swait.ge [sflag:s20], $0x50  }
0xda: {  	[sflag:s20] =	ssyncset.done $0x0  }
0xdb: {  	[sflag:s20] =	ssyncadd.s32 $0xFFFFFFB0  }
0xdc: {  	_ =	swait.ge [sflag:s20], $0x50  }
0xdd: {  	[sflag:s20] =	ssyncset.done $0x0  }
0xde: {  	s31 =	simm.s32 $0x7C00;
	s26 =	simm.s32 $0x180;
	[sflag:s20] =	ssyncadd.s32 $0xFFFFFFB0  }
0xdf: {  	[tilespmem:s31], [sflag:$0x8] =	stream.indirect.gather [hbm4b:s15+s16], $0x80, s26, s16, $0xb8;
	[tilespmem:$0x1E400] =	vst v63  }
0xe0: {  	_ =	swait.ge [sflag:s21], $0x2800  }
0xe1: {  	[sflag:s21] =	ssyncset.done $0x0  }
0xe2: {  	s1 =	simm.s32 $0x300;
	s18 =	simm.s32 $0x5400;
	[sflag:s21] =	ssyncadd.s32 $0xFFFFD800  }
0xe3: {  	[spmem:s2] =	stream.indirect.scatter.add.f32 [tilespmem:s18], [sflag:$0xB], $0x80, s1, s16, $0xb8;
	[tilespmem:$0x1E400] =	vst v63  }
0xe4: {  	s5 =	smov.u32 s8;
	_ =	swait.ge [sflag:s22], $0x2800  }
0xe5: {  	s10 =	smov.u32 s9;
	s9 =	rddreg [dreg:$0x9];
	[sflag:s22] =	ssyncset.done $0x0  }
0xe6: {  	s0 =	rddreg [dreg:$0x8];
	[sflag:s22] =	ssyncadd.s32 $0xFFFFD800;
	s6 =	sadd.s32 s5, s9  }
0xe7: {  	[tilespmem:s17], [sflag:$0x2] =	stream.linear.gather [hbm4b:s6+s4], $0x50, $0x38;
	[tilespmem:$0x1E400] =	vst v63  }
0xe8: {  	s3 =	sadd.s32 s5, s0  }
0xe9: {  	[tilespmem:s29], [sflag:$0x2] =	stream.linear.gather [hbm4b:s3+s4], $0x50, $0x38;
	[tilespmem:$0x1E400] =	vst v63  }
0xea: {  	_ =	swait.ge [sflag:s14], $0x50  }
0xeb: {  	[sflag:s14] =	ssyncset.done $0x0  }
0xec: {  	[sflag:s14] =	ssyncadd.s32 $0xFFFFFFB0  }
0xed: {  	_ =	swait.ge [sflag:s14], $0x50  }
0xee: {  	[sflag:s14] =	ssyncset.done $0x0  }
0xef: {  	s29 =	simm.s32 $0x400;
	[sflag:s14] =	ssyncadd.s32 $0xFFFFFFB0  }
0xf0: {  	[tilespmem:s29], [sflag:$0x5] =	stream.indirect.gather [hbm4b:s15+s16], $0x80, s4, s16, $0xb8;
	[tilespmem:$0x1E400] =	vst v63  }
0xf1: {  	_ =	swait.ge [sflag:s23], $0x2800  }
0xf2: {  	[sflag:s23] =	ssyncset.done $0x0  }
0xf3: {  	s0 =	simm.s32 $0x380;
	[sflag:s23] =	ssyncadd.s32 $0xFFFFD800  }
0xf4: {  	[spmem:s2] =	stream.indirect.scatter.add.f32 [tilespmem:s31], [sflag:$0xC], $0x80, s0, s16, $0xb8;
	[tilespmem:$0x1E400] =	vst v63  }
0xf5: {  	_ =	swait.ge [sflag:s24], $0x2800  }
0xf6: {  	s31 =	simm.s32 $0x100;
	s9 =	rddreg [dreg:$0x7];
	[sflag:s24] =	ssyncset.done $0x0  }
0xf7: {  	s3 =	rddreg [dreg:$0x6];
	[sflag:s24] =	ssyncadd.s32 $0xFFFFD800;
	s6 =	sadd.s32 s5, s9  }
0xf8: {  	[tilespmem:s31], [sflag:$0x3] =	stream.linear.gather [hbm4b:s6+s4], $0x50, $0x38;
	[tilespmem:$0x1E400] =	vst v63  }
0xf9: {  	s9 =	sadd.s32 s5, s3  }
0xfa: {  	[tilespmem:s1], [sflag:$0x3] =	stream.linear.gather [hbm4b:s9+s4], $0x50, $0x38;
	[tilespmem:$0x1E400] =	vst v63  }
0xfb: {  	_ =	swait.ge [sflag:s30], $0x50  }
0xfc: {  	[sflag:s30] =	ssyncset.done $0x0  }
0xfd: {  	[sflag:s30] =	ssyncadd.s32 $0xFFFFFFB0  }
0xfe: {  	_ =	swait.ge [sflag:s30], $0x50  }
0xff: {  	[sflag:s30] =	ssyncset.done $0x0  }
0x100: {  	[sflag:s30] =	ssyncadd.s32 $0xFFFFFFB0  }
0x101: {  	[tilespmem:s13], [sflag:$0x6] =	stream.indirect.gather [hbm4b:s15+s16], $0x80, s17, s16, $0xb8;
	[tilespmem:$0x1E400] =	vst v63  }
0x102: {  	s13 =	simm.s32 $0x5  }
0x103: {  	_ =	swait.ge [sflag:s13], $0x2800  }
0x104: {  	[sflag:s13] =	ssyncset.done $0x0  }
0x105: {  	s6 =	simm.s32 $0xC;
	[sflag:s13] =	ssyncadd.s32 $0xFFFFD800  }
0x106: {  	[spmem:s2] =	stream.indirect.scatter.add.f32 [tilespmem:s29], [sflag:$0x9], $0x80, s12, s16, $0xb8;
	[tilespmem:$0x1E400] =	vst v63  }
0x107: {  	_ =	swait.ge [sflag:s6], $0x2800  }
0x108: {  	s9 =	rddreg [dreg:$0x5];
	[sflag:s6] =	ssyncset.done $0x0  }
0x109: {  	s12 =	rddreg [dreg:$0x4];
	[sflag:s6] =	ssyncadd.s32 $0xFFFFD800;
	s6 =	sadd.s32 s5, s9  }
0x10a: {  	[tilespmem:s26], [sflag:$0x4] =	stream.linear.gather [hbm4b:s6+s4], $0x50, $0x38;
	[tilespmem:$0x1E400] =	vst v63  }
0x10b: {  	s5 =	sadd.s32 s5, s12  }
0x10c: {  	[tilespmem:s0], [sflag:$0x4] =	stream.linear.gather [hbm4b:s5+s4], $0x50, $0x38;
	[tilespmem:$0x1E400] =	vst v63  }
0x10d: {  	_ =	swait.ge [sflag:s7], $0x50  }
0x10e: {  	[sflag:s7] =	ssyncset.done $0x0  }
0x10f: {  	[sflag:s7] =	ssyncadd.s32 $0xFFFFFFB0  }
0x110: {  	_ =	swait.ge [sflag:s7], $0x50  }
0x111: {  	p0 =	sne.s32 s8, $0x488;
	s8 =	sadd.s32 $0x28, s8;
	[sflag:s7] =	ssyncset.done $0x0  }
.Ltmp0:
0x112: {  	s29 =	simm.s32 $0x6;
	[sflag:s7] =	ssyncadd.s32 $0xFFFFFFB0;
	(pc) =	sbr.rel @p0 .LBB2_2-.Ltmp0, $4  }
0x113: {  	[tilespmem:s18], [sflag:$0x7] =	stream.indirect.gather [hbm4b:s15+s16], $0x80, s31, s16, $0xb8;
	[tilespmem:$0x1E400] =	vst v63  }
0x114: {  	s28 =	simm.s32 $0x280;
	s25 =	sadd.s32 $0x140, s25;
	_ =	swait.ge [sflag:s29], $0x2800  }
0x115: {  	s3 =	simm.s32 $0x300;
	s13 =	simm.s32 $0x180;
	[sflag:s29] =	ssyncset.done $0x0  }
0x116: {  	s9 =	smov.u32 s10;
	s10 =	simm.s32 $0x380;
	[sflag:s29] =	ssyncadd.s32 $0xFFFFD800  }
0x117: {  	s1 =	simm.s32 $0x2C00  }
0x118: {  	[spmem:s2] =	stream.indirect.scatter.add.f32 [tilespmem:s1], [sflag:$0xA], $0x80, s28, s16, $0xb8;
	[tilespmem:$0x1E400] =	vst v63  }
0x119: {  	_ =	swait.ge [sflag:s19], $0x2800  }
0x11a: {  	s5 =	sld [smem:$0x7FA]  }
0x11b: {  	[sflag:s19] =	ssyncset.done $0x0  }
0x11c: {  	s26 =	sld [smem:$0x7FB];
	[sflag:s19] =	ssyncadd.s32 $0xFFFFD800  }
0x11d: {  	[tilespmem:s4], [sflag:$0x1] =	stream.linear.gather [hbm4b:s5+s4], $0x50, $0x38;
	[tilespmem:$0x1E400] =	vst v63  }
0x11e: {  	s6 =	simm.s32 $0x200  }
0x11f: {  	[tilespmem:s6], [sflag:$0x1] =	stream.linear.gather [hbm4b:s26+s4], $0x50, $0x38;
	[tilespmem:$0x1E400] =	vst v63  }
0x120: {  	_ =	swait.ge [sflag:s20], $0x50  }
0x121: {  	[sflag:s20] =	ssyncset.done $0x0  }
0x122: {  	[sflag:s20] =	ssyncadd.s32 $0xFFFFFFB0  }
0x123: {  	_ =	swait.ge [sflag:s20], $0x50  }
0x124: {  	[sflag:s20] =	ssyncset.done $0x0  }
0x125: {  	s12 =	simm.s32 $0x7C00;
	[sflag:s20] =	ssyncadd.s32 $0xFFFFFFB0  }
0x126: {  	[tilespmem:s12], [sflag:$0x8] =	stream.indirect.gather [hbm4b:s15+s16], $0x80, s13, s16, $0xb8;
	[tilespmem:$0x1E400] =	vst v63  }
0x127: {  	_ =	swait.ge [sflag:s21], $0x2800  }
0x128: {  	[sflag:s21] =	ssyncset.done $0x0  }
0x129: {  	s13 =	simm.s32 $0x5400;
	[sflag:s21] =	ssyncadd.s32 $0xFFFFD800  }
0x12a: {  	[spmem:s2] =	stream.indirect.scatter.add.f32 [tilespmem:s13], [sflag:$0xB], $0x80, s3, s16, $0xb8;
	[tilespmem:$0x1E400] =	vst v63  }
0x12b: {  	_ =	swait.ge [sflag:s14], $0x50  }
0x12c: {  	[sflag:s14] =	ssyncset.done $0x0  }
0x12d: {  	[sflag:s14] =	ssyncadd.s32 $0xFFFFFFB0  }
0x12e: {  	_ =	swait.ge [sflag:s14], $0x50  }
0x12f: {  	[sflag:s14] =	ssyncset.done $0x0  }
0x130: {  	s8 =	simm.s32 $0x400;
	[sflag:s14] =	ssyncadd.s32 $0xFFFFFFB0  }
0x131: {  	[tilespmem:s8], [sflag:$0x5] =	stream.indirect.gather [hbm4b:s15+s16], $0x80, s4, s16, $0xb8;
	[tilespmem:$0x1E400] =	vst v63  }
0x132: {  	_ =	swait.ge [sflag:s23], $0x2800  }
0x133: {  	[sflag:s23] =	ssyncset.done $0x0  }
0x134: {  	s0 =	simm.s32 $0x5;
	[sflag:s23] =	ssyncadd.s32 $0xFFFFD800  }
0x135: {  	[spmem:s2] =	stream.indirect.scatter.add.f32 [tilespmem:s12], [sflag:$0xC], $0x80, s10, s16, $0xb8;
	[tilespmem:$0x1E400] =	vst v63  }
0x136: {  	_ =	swait.ge [sflag:s0], $0x2800  }
0x137: {  	[sflag:s0] =	ssyncset.done $0x0  }
0x138: {  	[sflag:s0] =	ssyncadd.s32 $0xFFFFD800  }
0x139: {  	[spmem:s2] =	stream.indirect.scatter.add.f32 [tilespmem:s8], [sflag:$0x9], $0x80, s6, s16, $0xb8;
	[tilespmem:$0x1E400] =	vst v63  }
0x13a: {  	_ =	swait.ge [sflag:s22], $0x2800  }
0x13b: {  	[sflag:s22] =	ssyncset.done $0x0  }
0x13c: {  	[sflag:s22] =	ssyncadd.s32 $0xFFFFD800  }
0x13d: {  	_ =	swait.ge [sflag:s24], $0x2800  }
0x13e: {  	[sflag:s24] =	ssyncset.done $0x0  }
0x13f: {  	s3 =	simm.s32 $0xC;
	[sflag:s24] =	ssyncadd.s32 $0xFFFFD800  }
0x140: {  	_ =	swait.ge [sflag:s3], $0x2800  }
0x141: {  	[sflag:s3] =	ssyncset.done $0x0  }
0x142: {  	[sflag:s3] =	ssyncadd.s32 $0xFFFFD800  }
0x143: {  	_ =	swait.ge [sflag:s19], $0x2800  }
0x144: {  	[sflag:s19] =	ssyncset.done $0x0  }
0x145: {  	[sflag:s19] =	ssyncadd.s32 $0xFFFFD800  }
0x146: {  	[bflag:$0x0] =	sbarrier.arrive $0xFFFF  }
0x147: {  	s29 =	rddreg [dreg:$0x14]  }
0x148: {  	[tilespmem:s8], [sflag:$0x5] =	stream.linear.gather [spmem:s29], $0x2800, $0x38;
	[tilespmem:$0x1E400] =	vst v63  }
0x149: {  	s17 =	rddreg [dreg:$0x15]  }
0x14a: {  	[tilespmem:s1], [sflag:$0x6] =	stream.linear.gather [spmem:s17], $0x2800, $0x38;
	[tilespmem:$0x1E400] =	vst v63  }
0x14b: {  	_ =	swait.ge [sflag:s0], $0x2800  }
0x14c: {  	[sflag:s0] =	ssyncset.done $0x0  }
0x14d: {  	s28 =	rddreg [dreg:$0xa];
	[sflag:s0] =	ssyncadd.s32 $0xFFFFD800  }
0x14e: {  	[hbm4b:s28+s4] =	stream.linear.scatter [tilespmem:s8], [sflag:$0x9], $0x2800, $0x38;
	[tilespmem:$0x1E400] =	vst v63  }
0x14f: {  	s10 =	simm.s32 $0x6;
	s18 =	rddreg [dreg:$0x16]  }
0x150: {  	[tilespmem:s13], [sflag:$0x7] =	stream.linear.gather [spmem:s18], $0x2800, $0x38;
	[tilespmem:$0x1E400] =	vst v63  }
0x151: {  	_ =	swait.ge [sflag:s10], $0x2800  }
0x152: {  	[sflag:s10] =	ssyncset.done $0x0  }
0x153: {  	s6 =	rddreg [dreg:$0xb];
	[sflag:s10] =	ssyncadd.s32 $0xFFFFD800  }
0x154: {  	[hbm4b:s6+s4] =	stream.linear.scatter [tilespmem:s1], [sflag:$0xA], $0x2800, $0x38;
	[tilespmem:$0x1E400] =	vst v63  }
0x155: {  	s28 =	rddreg [dreg:$0x17]  }
0x156: {  	[tilespmem:s12], [sflag:$0x8] =	stream.linear.gather [spmem:s28], $0x2800, $0x38;
	[tilespmem:$0x1E400] =	vst v63  }
0x157: {  	_ =	swait.ge [sflag:s21], $0x2800  }
0x158: {  	[sflag:s21] =	ssyncset.done $0x0  }
0x159: {  	s25 =	rddreg [dreg:$0xc];
	[sflag:s21] =	ssyncadd.s32 $0xFFFFD800  }
0x15a: {  	[hbm4b:s25+s4] =	stream.linear.scatter [tilespmem:s13], [sflag:$0xB], $0x2800, $0x38;
	[tilespmem:$0x1E400] =	vst v63  }
0x15b: {  	_ =	swait.ge [sflag:s19], $0x2800  }
0x15c: {  	[sflag:s19] =	ssyncset.done $0x0  }
0x15d: {  	s25 =	rddreg [dreg:$0x18];
	[sflag:s19] =	ssyncadd.s32 $0xFFFFD800  }
0x15e: {  	[tilespmem:s8], [sflag:$0x5] =	stream.linear.gather [spmem:s25], $0x2800, $0x38;
	[tilespmem:$0x1E400] =	vst v63  }
0x15f: {  	_ =	swait.ge [sflag:s23], $0x2800  }
0x160: {  	[sflag:s23] =	ssyncset.done $0x0  }
0x161: {  	s26 =	rddreg [dreg:$0xd];
	[sflag:s23] =	ssyncadd.s32 $0xFFFFD800  }
0x162: {  	[hbm4b:s26+s4] =	stream.linear.scatter [tilespmem:s12], [sflag:$0xC], $0x2800, $0x38;
	[tilespmem:$0x1E400] =	vst v63  }
0x163: {  	_ =	swait.ge [sflag:s22], $0x2800  }
0x164: {  	[sflag:s22] =	ssyncset.done $0x0  }
0x165: {  	s6 =	rddreg [dreg:$0x19];
	[sflag:s22] =	ssyncadd.s32 $0xFFFFD800  }
0x166: {  	[tilespmem:s1], [sflag:$0x6] =	stream.linear.gather [spmem:s6], $0x2800, $0x38;
	[tilespmem:$0x1E400] =	vst v63  }
0x167: {  	_ =	swait.ge [sflag:s0], $0x2800  }
0x168: {  	[sflag:s0] =	ssyncset.done $0x0  }
0x169: {  	[sflag:s0] =	ssyncadd.s32 $0xFFFFD800;
	s0 =	rddreg [dreg:$0xe]  }
0x16a: {  	[hbm4b:s0+s4] =	stream.linear.scatter [tilespmem:s8], [sflag:$0x9], $0x2800, $0x38;
	[tilespmem:$0x1E400] =	vst v63  }
0x16b: {  	_ =	swait.ge [sflag:s24], $0x2800  }
0x16c: {  	[sflag:s24] =	ssyncset.done $0x0  }
0x16d: {  	s8 =	rddreg [dreg:$0x1a];
	[sflag:s24] =	ssyncadd.s32 $0xFFFFD800  }
0x16e: {  	[tilespmem:s13], [sflag:$0x7] =	stream.linear.gather [spmem:s8], $0x2800, $0x38;
	[tilespmem:$0x1E400] =	vst v63  }
0x16f: {  	_ =	swait.ge [sflag:s10], $0x2800  }
0x170: {  	[sflag:s10] =	ssyncset.done $0x0  }
0x171: {  	s26 =	rddreg [dreg:$0xf];
	[sflag:s10] =	ssyncadd.s32 $0xFFFFD800  }
0x172: {  	[hbm4b:s26+s4] =	stream.linear.scatter [tilespmem:s1], [sflag:$0xA], $0x2800, $0x38;
	[tilespmem:$0x1E400] =	vst v63  }
0x173: {  	_ =	swait.ge [sflag:s3], $0x2800  }
0x174: {  	[sflag:s3] =	ssyncset.done $0x0  }
0x175: {  	s10 =	rddreg [dreg:$0x1b];
	[sflag:s3] =	ssyncadd.s32 $0xFFFFD800  }
0x176: {  	[tilespmem:s12], [sflag:$0x8] =	stream.linear.gather [spmem:s10], $0x2800, $0x38;
	[tilespmem:$0x1E400] =	vst v63  }
0x177: {  	_ =	swait.ge [sflag:s21], $0x2800  }
0x178: {  	[sflag:s21] =	ssyncset.done $0x0  }
0x179: {  	s0 =	rddreg [dreg:$0x10];
	[sflag:s21] =	ssyncadd.s32 $0xFFFFD800  }
0x17a: {  	[hbm4b:s0+s4] =	stream.linear.scatter [tilespmem:s13], [sflag:$0xB], $0x2800, $0x38;
	[tilespmem:$0x1E400] =	vst v63  }
0x17b: {  	_ =	swait.ge [sflag:s23], $0x2800  }
0x17c: {  	[sflag:s23] =	ssyncset.done $0x0  }
0x17d: {  	s1 =	rddreg [dreg:$0x11];
	[sflag:s23] =	ssyncadd.s32 $0xFFFFD800  }
0x17e: {  	[hbm4b:s1+s4] =	stream.linear.scatter [tilespmem:s12], [sflag:$0xC], $0x2800, $0x38;
	[tilespmem:$0x1E400] =	vst v63  }
0x17f: {  	_ =	swait.ge [sflag:s19], $0x2800  }
0x180: {  	[sflag:s19] =	ssyncset.done $0x0  }
0x181: {  	[sflag:s19] =	ssyncadd.s32 $0xFFFFD800  }
0x182: {  	_ =	swait.ge [sflag:s22], $0x2800  }
0x183: {  	[sflag:s22] =	ssyncset.done $0x0  }
0x184: {  	[sflag:s22] =	ssyncadd.s32 $0xFFFFD800  }
0x185: {  	_ =	swait.ge [sflag:s24], $0x2800  }
0x186: {  	[sflag:s24] =	ssyncset.done $0x0  }
0x187: {  	[sflag:s24] =	ssyncadd.s32 $0xFFFFD800  }
0x188: {  	_ =	swait.ge [sflag:s3], $0x2800  }
0x189: {  	s13 =	sld [smem:$0x7F7]  }
0x18a: {  	s26 =	sld [smem:$0x7FC];
	_ =	sdelay $0x1  }
0x18b: {  	s0 =	sadd.s32 $0x1, s13  }
0x18c: {  	p0 =	sne.s32 s0, s26  }
.Ltmp1:
0x18d: {  	_ = 	snop;
	(pc) =	sbr.rel @p0 .LBB2_1-.Ltmp1, $3  }
0x18e: {  	_ =	sdelay $0x1  }
0x18f: {  	s12 =	simm.s32 $0x80;
	[sflag:s3] =	ssyncset.done $0x0  }
0x190: {  	[sflag:s3] =	ssyncadd.s32 $0xFFFFD800;
	s26 =	smov.u32 s11;
	s11 =	smov.u32 s28  }
0x191: {  	_ =	sfence.sel $0x180000  }
0x192: {  	[bflag:$0x0] =	sbarrier.arrive $0xFFFF  }
0x193: {  	_ =	strace $0x9000004A  }
0x194: {  	s0 =	stileid.u32;
	[bflag:$0x2] =	sbarrier.arrive $0xFFFF  }
0x195: {  	p0 =	sne.s32 s0, $0x0;
	s0 =	rddreg [dreg:$0x3]  }
0x196: {  	s0 =	sadd.s32 @!p0 $0x100000, s0  }
0x197: {  	[sflag:s0] =	ssyncadd.tile.s32 @!p0 $0x1;
	_ =	shalt  }
.Lfunc_end2:
_tile_overlayer_lowered:
.L_overlay_start_2:
0x198: {  	(tag) =	ssettag $0x2  }
0x199: {  	s0 =	rddreg [dreg:$0x0];
	s2 =	stileid.u32  }
0x19a: {  	s1 =	rddreg [dreg:$0x1];
	p0 =	sne.s32 s2, $0x0  }
0x19b: {  	s3 =	rddreg [dreg:$0x2];
	[bflag:$0x3] =	sbarrier.arrive $0xFFFF;
	s2 =	simm.s32 @!p0 $0x1C0D  }
0x19c: {  	[timem:s3], [sflag:s2] =	dma.local @!p0 [hbm:s0], s1  }
0x19d: {  	s0 =	simm.s32 @!p0 $0xD  }
0x19e: {  	_ =	swait.ge @!p0 [sflag:s0], s1  }
0x19f: {  	s1 =	ssub.s32 @!p0 $0x0, s1;
	[sflag:s0] =	ssyncset.done @!p0 $0x0  }
0x1a0: {  	[sflag:s0] =	ssyncadd.s32 @!p0 s1  }
0x1a1: {  	[bflag:$0x3] =	sbarrier.arrive $0xFFFF  }
0x1a2: {  	_ =	shalt  }

// kernel: kernel.14.cloned.1.call-start
scs
__scs_entry_jumppad:
0x0: {  	(pc) =	sbr.rel $0x88, $3  }
0x1: {  	(tag) =	ssettag $0x0;
	lr =	simm.s32 $0x1  }
0x2: {  	[smem:$0x3F99] =	sst lr;
	_ =	strace $0xD0000000  }
0x3: {  	_ = 	snop  }
0x4: {  	_ = 	snop  }
0x5: {  	_ = 	snop  }
0x6: {  	_ = 	snop  }
0x7: {  	_ = 	snop  }
__scs_overlays_trampoline_lowered:
0x8: {  	[smem:$0x3FA8] =	sst s0  }
0x9: {  	[smem:$0x3FA9] =	sst s1  }
0xa: {  	[smem:$0x3FAA] =	sst s2  }
0xb: {  	[smem:$0x3FAB] =	sst s3  }
0xc: {  	[smem:$0x3FAC] =	sst s4  }
0xd: {  	[smem:$0x3FAD] =	sst s5  }
0xe: {  	[smem:$0x3FAE] =	sst s6  }
0xf: {  	[smem:$0x3FAF] =	sst s7  }
0x10: {  	[smem:$0x3FB0] =	sst s8  }
0x11: {  	[smem:$0x3FB1] =	sst s9;
	s0 =	simm.s32 @!p0 $0x0  }
0x12: {  	s1 =	sld [smem:$0x3F97];
	s0 =	simm.s32 @p0 $0x1  }
0x13: {  	[smem:$0x3FB2] =	sst s0;
	s0 =	simm.s32 @!p1 $0x0  }
0x14: {  	s2 =	sld [smem:$0x3F96];
	s0 =	simm.s32 @p1 $0x1  }
0x15: {  	[smem:$0x3FB3] =	sst s0;
	s0 =	simm.s32 @!p2 $0x0  }
0x16: {  	s3 =	sld [smem:$0x3FDB];
	s0 =	simm.s32 @p2 $0x1  }
0x17: {  	s4 =	simm.s32 $0x1BF5;
	[smem:$0x3FB5] =	sst s0  }
0x18: {  	s0 =	sld [smem:$0x3F98];
	_ =	swait.ge [sflag:s4], $0x0  }
0x19: {  	s7 =	sld [smem:$0x3F99]  }
0x1a: {  	s8 =	sadd.s32 $0xFFFFE003, lr  }
0x1b: {  	s9 =	sadd.s32 $0xFFFFFEF7, lr;
	s5 =	simm.s32 $0xFFFFFFFF;
	p2 =	slt.u32 s8, $0xFFFFF086  }
0x1c: {  	p1 =	slt.u32 s9, $0xF7A;
	s5 =	simm.s32 @!p2 $0x0  }
0x1d: {  	s5 =	simm.s32 @p1 $0x1;
	p0 =	seq.s32 s7, s2  }
0x1e: {  	s7 =	smul.u32 @!p0 $0xF7A, s2;
	p2 =	seq.s32 @!p0 s5, $0x0  }
0x1f: {  	s9 =	smul.u32 $0xF7A, s1;
	s8 =	simm.s32 @!p0 $0x1BF5;
	p2 =	por !p2, p0  }
0x20: {  	[sflag:s8] =	ssyncset.s32 @!p0 $0xFFFFF086;
	s6 =	sadd.s32 @!p0 s3, s7;
	s7 =	simm.s32 @!p0 $0x108  }
0x21: {  	s3 =	sadd.s32 s3, s9;
	s6 =	sadd.s32 @!p0 $0x88, s6;
	s7 =	simm.s32 @p2 $0x1082  }
0x22: {  	[simem:s7], [sflag:s8] =	dma.local @!p0 [hbm:s6], $0xF7A  }
0x23: {  	s9 =	sor.u32 $0xD0000000, s2;
	s6 =	simm.s32 $0x108;
	_ =	swait.ge @!p0 [sflag:s8], $0x0  }
0x24: {  	s3 =	sadd.s32 $0x88, s3;
	s6 =	simm.s32 @!p1 $0x1082;
	[sflag:s4] =	ssyncset.s32 $0xFFFFF086  }
0x25: {  	[simem:s6], [sflag:s4] =	dma.local [hbm:s3], $0xF7A  }
0x26: {  	[smem:$0x3F99] =	sst s1;
	(tag) =	ssettag s2;
	_ =	strace s9  }
0x27: {  	s1 =	sld [smem:$0x3FA9]  }
0x28: {  	s2 =	sld [smem:$0x3FAA]  }
0x29: {  	s4 =	sld [smem:$0x3FAC]  }
0x2a: {  	p0 =	seq.s32 s5, $0x0;
	s5 =	sld [smem:$0x3FAD]  }
0x2b: {  	s6 =	sld [smem:$0x3FAE]  }
0x2c: {  	s7 =	sld [smem:$0x3FAF]  }
0x2d: {  	s3 =	simm.s32 $0x108;
	s8 =	sld [smem:$0x3FB0]  }
0x2e: {  	s3 =	simm.s32 @!p0 $0x1082;
	s9 =	sld [smem:$0x3FB1]  }
0x2f: {  	lr =	sadd.s32 s0, s3;
	s0 =	sld [smem:$0x3FA8]  }
0x30: {  	s3 =	sld [smem:$0x3FAB]  }
0x31: {  	[smem:$0x3FB4] =	sst s10  }
0x32: {  	s10 =	sld [smem:$0x3FB2];
	_ =	sdelay $0x3  }
0x33: {  	p0 =	seq.s32 s10, $0x1;
	s10 =	sld [smem:$0x3FB4];
	_ =	sdelay $0x3  }
0x34: {  	[smem:$0x3FB4] =	sst s10  }
0x35: {  	s10 =	sld [smem:$0x3FB3];
	_ =	sdelay $0x3  }
0x36: {  	p1 =	seq.s32 s10, $0x1;
	s10 =	sld [smem:$0x3FB4];
	_ =	sdelay $0x3  }
0x37: {  	[smem:$0x3FB4] =	sst s10  }
0x38: {  	s10 =	sld [smem:$0x3FB5]  }
0x39: {  	_ = 	snop;
	(pc) =	sbr.ind lr, $3  }
0x3a: {  	_ = 	snop  }
0x3b: {  	_ = 	snop  }
0x3c: {  	p2 =	seq.s32 s10, $0x1;
	s10 =	sld [smem:$0x3FB4]  }
0x3d: {  	_ =	shalt  }
0x3e: {  	_ =	shalt  }
0x3f: {  	_ =	shalt  }
0x40: {  	_ =	shalt  }
0x41: {  	_ =	shalt  }
0x42: {  	_ =	shalt  }
0x43: {  	_ =	shalt  }
0x44: {  	_ =	shalt  }
0x45: {  	_ =	shalt  }
0x46: {  	_ =	shalt  }
0x47: {  	_ =	shalt  }
0x48: {  	_ =	shalt  }
0x49: {  	_ =	shalt  }
0x4a: {  	_ =	shalt  }
0x4b: {  	_ =	shalt  }
0x4c: {  	_ =	shalt  }
0x4d: {  	_ =	shalt  }
0x4e: {  	_ =	shalt  }
0x4f: {  	_ =	shalt  }
0x50: {  	_ =	shalt  }
0x51: {  	_ =	shalt  }
0x52: {  	_ =	shalt  }
0x53: {  	_ =	shalt  }
0x54: {  	_ =	shalt  }
0x55: {  	_ =	shalt  }
0x56: {  	_ =	shalt  }
0x57: {  	_ =	shalt  }
0x58: {  	_ =	shalt  }
0x59: {  	_ =	shalt  }
0x5a: {  	_ =	shalt  }
0x5b: {  	_ =	shalt  }
0x5c: {  	_ =	shalt  }
0x5d: {  	_ =	shalt  }
0x5e: {  	_ =	shalt  }
0x5f: {  	_ =	shalt  }
0x60: {  	_ =	shalt  }
0x61: {  	_ =	shalt  }
0x62: {  	_ =	shalt  }
0x63: {  	_ =	shalt  }
0x64: {  	_ =	shalt  }
0x65: {  	_ =	shalt  }
0x66: {  	_ =	shalt  }
0x67: {  	_ =	shalt  }
0x68: {  	_ =	shalt  }
0x69: {  	_ =	shalt  }
0x6a: {  	_ =	shalt  }
0x6b: {  	_ =	shalt  }
0x6c: {  	_ =	shalt  }
0x6d: {  	_ =	shalt  }
0x6e: {  	_ =	shalt  }
0x6f: {  	_ =	shalt  }
0x70: {  	_ =	shalt  }
0x71: {  	_ =	shalt  }
0x72: {  	_ =	shalt  }
0x73: {  	_ =	shalt  }
0x74: {  	_ =	shalt  }
0x75: {  	_ =	shalt  }
0x76: {  	_ =	shalt  }
0x77: {  	_ =	shalt  }
0x78: {  	_ =	shalt  }
0x79: {  	_ =	shalt  }
0x7a: {  	_ =	shalt  }
0x7b: {  	_ =	shalt  }
0x7c: {  	_ =	shalt  }
0x7d: {  	_ =	shalt  }
0x7e: {  	_ =	shalt  }
0x7f: {  	_ =	shalt  }
0x80: {  	_ =	shalt  }
0x81: {  	_ =	shalt  }
0x82: {  	_ =	shalt  }
0x83: {  	_ =	shalt  }
0x84: {  	_ =	shalt  }
0x85: {  	_ =	shalt  }
0x86: {  	_ =	shalt  }
0x87: {  	_ =	shalt  }
.Lfunc_end0:
.L_simem_size_0:
called_computation.2_lowered:
.L_overlay_start_0:
0x88: {  	s2 =	sld [smem:$0x3FD9]  }
0x89: {  	s3 =	sld [smem:$0x3FFE];
	_ =	sdelay $0x1  }
0x8a: {  	s1 =	srdreg.scid  }
0x8b: {  	s0 =	sand.u32 $0x1, s1  }
0x8c: {  	s17 =	sshll.u32 s0, $0xA;
	s2 =	sadd.s32 s3, s2  }
0x8d: {  	s2 =	sadd.s32 s2, s17  }
0x8e: {  	[smem:$0x3FC0] =	sst s2  }
0x8f: {  	_ = 	snop  }
0x90: {  	s2 =	sld [smem:$0x3FD0];
	(tm) =	ssettm $0x1  }
0x91: {  	s18 =	sld [smem:$0x3FFB];
	_ =	sdelay $0x3  }
0x92: {  	_ =	strace s18  }
0x93: {  	s3 =	sld [smem:$0x3FFC];
	_ =	sdelay $0x3  }
0x94: {  	_ =	strace s3  }
0x95: {  	s3 =	sld [smem:$0x3FFD];
	_ =	sdelay $0x3  }
0x96: {  	_ =	strace s3  }
0x97: {  	_ =	strace $0x8FFFFFFF  }
0x98: {  	s19 =	sld [smem:$0x3FDB];
	_ =	sdelay $0x1  }
0x99: {  	s4 =	simm.s32 $_scs_section_size  }
0x9a: {  	s5 =	simm.s32 $_size__tile_overlayer_lowered;
	s6 =	simm.s32 $_tile_overlayer_lowered  }
0x9b: {  	s22 =	simm.s32 $0x1BFF;
	s21 =	sshll.u32 s6, $0x1;
	s3 =	sadd.s32 s4, s19  }
0x9c: {  	s7 =	simm.s32 $0x0;
	s20 =	sshll.u32 s5, $0x1;
	s5 =	sadd.s32 s21, s3  }
0x9d: {  	[timem:s7], [sflag:s22] =	dma.local [hbm:s5], s20  }
0x9e: {  	_ =	swait.ge [sflag:s22], s20  }
0x9f: {  	s4 =	ssub.s32 $0x0, s20;
	[sflag:s22] =	ssyncset.done $0x0  }
0xa0: {  	[sflag:s22] =	ssyncadd.s32 s4;
	_ =	sdelay $0x1  }
0xa1: {  	s23 =	simm.s32 $0x1B8B  }
0xa2: {  	_ =	swait.ge [sflag:s23], $0x1  }
0xa3: {  	[sflag:s23] =	ssyncset.done $0x0  }
0xa4: {  	s25 =	simm.s32 $0x1B8E;
	s24 =	sld [smem:$0x3FFE];
	[sflag:s23] =	ssyncadd.s32 $0xFFFFFFFF  }
0xa5: {  	s26 =	simm.s32 $execute0_lowered;
	[smem:$0x3FD2] =	sst s25  }
0xa6: {  	s5 =	sshll.u32 s26, $0x1;
	_ =	strace $0x8000004C;
	[dreg:$0x1] =	wrdreg $0xFFFFFFFF  }
0xa7: {  	s28 =	simm.s32 $_size_execute0_lowered;
	s3 =	sadd.s32 s3, s5;
	[dreg:$0x0] =	wrdreg $0x0  }
0xa8: {  	s5 =	sshll.u32 s28, $0x1;
	[dreg:$0x2] =	wrdreg s3  }
0xa9: {  	[dreg:$0x3] =	wrdreg s5  }
0xaa: {  	[dreg:$0x4] =	wrdreg $0xC0  }
0xab: {  	_ =	task [dreg:s7], $0x5FFFF  }
0xac: {  	[dreg:$0x1] =	wrdreg $0xFFFFFFFF  }
0xad: {  	[dreg:$0x0] =	wrdreg $0x60  }
0xae: {  	[dreg:$0x2] =	wrdreg s24  }
0xaf: {  	[dreg:$0x3] =	wrdreg s2  }
0xb0: {  	[dreg:$0x4] =	wrdreg $0xA4000  }
0xb1: {  	[dreg:$0x5] =	wrdreg $0x9  }
0xb2: {  	_ =	task.clear_ibuf [dreg:s7], $0x6FFFF;
	_ =	strace $0x9000004C  }
0xb3: {  	s29 =	simm.s32 $0x9;
	_ =	strace $0x8000004E  }
0xb4: {  	_ =	swait.ge [sflag:s29], $0x1  }
0xb5: {  	[sflag:s29] =	ssyncadd.s32 $0xFFFFFFFF  }
0xb6: {  	_ =	strace $0x9000004E  }
0xb7: {  	_ =	sfence  }
0xb8: {  	s30 =	sld [smem:$0x0];
	_ =	sdelay $0x2  }
0xb9: {  	s31 =	sshll.u32 s1, $0xD;
	s1 =	sshrl.u32 s1, $0x2  }
0xba: {  	s3 =	sand.u32 $0x4000, s31;
	s1 =	sadd.s32 s1, s30  }
0xbb: {  	s0 =	sor.u32 s3, s0;
	s1 =	sshll.u32 s1, $0x11  }
0xbc: {  	s0 =	sor.u32 s1, s0  }
0xbd: {  	s0 =	sadd.s32 $0x8F2B, s0  }
0xbe: {  	[sflag:s0] =	ssyncadd.remote.s32 $0x1  }
0xbf: {  	_ =	sfence.sel $0xFFFF  }
0xc0: {  	[dreg:$0x0] =	wrdreg $0xFFFFFFFF;
	(pc) =	sbr.abs _section_cstart, $3  }
0xc1: {  	[dreg:$0x1] =	wrdreg $0xFFFFFFFF  }
0xc2: {  	_ =	task.clear_ibuf [dreg:s7], $0x2FFFF;
	_ =	strace $0x9FFFFFFF  }
0xc3: {  	(tm) =	ssettm $0x7FFFFFFF  }
tec
execute0_lowered:
.L_overlay_start_1:
0x0: {  	(tag) =	ssettag $0x1  }
0x1: {  	s1 =	rddreg [dreg:$0x0]  }
0x2: {  	s2 =	rddreg [dreg:$0x2]  }
0x3: {  	s0 =	srdreg.scid;
	s4 =	simm.s32 $0x0;
	s6 =	stileid.u32  }
0x4: {  	s5 =	sand.u32 $0x1, s0;
	[smem:$0x7FF] =	sst s4;
	s20 =	sadd.s32 $0x1800, s1  }
0x5: {  	s26 =	sadd.s32 $0xB600, s1;
	s8 =	sadd.s32 $0x3D400, s1;
	s9 =	smul.u32 $0x14000, s6  }
0x6: {  	s14 =	smul.u32 $0x2710, s6;
	s0 =	sshll.u32 s5, $0x4;
	s3 =	ssub.s32 $0x2, s5  }
0x7: {  	_ =	strace $0x8000004D;
	s0 =	sor.u32 s6, s0;
	s23 =	sshrl.u32 s3, $0x1  }
0x8: {  	s10 =	sor.u32 $0x2800, s9;
	s11 =	sadd.s32 $0x5000, s9;
	s7 =	smul.u32 $0x2710, s0  }
0x9: {  	s12 =	sadd.s32 $0x7800, s9;
	s13 =	sadd.s32 $0xA000, s9;
	s16 =	sadd.s32 $0xC800, s9  }
0xa: {  	s0 =	ssub.s32 s3, s23;
	s3 =	sshrl.u32 s7, $0x3;
	s7 =	smul.u32 $0x140000, s5  }
0xb: {  	s17 =	sadd.s32 $0xF000, s9;
	s0 =	smax.u32 s0, $0x1;
	s5 =	smul.u32 $0x27100, s5  }
0xc: {  	s18 =	sadd.s32 $0x11800, s9;
	[smem:$0x7FC] =	sst s0;
	s9 =	sadd.s32 s9, s7  }
0xd: {  	s15 =	sadd.s32 s7, s10;
	s5 =	sadd.s32 s14, s5;
	s21 =	sadd.s32 s7, s11  }
0xe: {  	s9 =	sshrl.u32 s9, $0x3;
	s24 =	sshrl.u32 s15, $0x3;
	s25 =	sadd.s32 $0x230, s5  }
0xf: {  	s19 =	sadd.s32 $0x1E0, s5;
	s9 =	sadd.s32 s8, s9;
	s28 =	sadd.s32 s8, s24  }
0x10: {  	s14 =	sshrl.u32 s25, $0x3;
	s22 =	sshrl.u32 s19, $0x3;
	s24 =	sadd.s32 $0x190, s5  }
0x11: {  	s25 =	sadd.s32 s7, s12;
	s19 =	sadd.s32 s7, s13;
	[dreg:$0xa] =	wrdreg s9  }
0x12: {  	[dreg:$0xb] =	wrdreg s28;
	s15 =	sadd.s32 s14, s26;
	s9 =	sadd.s32 s14, s20  }
0x13: {  	s14 =	sshrl.u32 s21, $0x3;
	s23 =	sadd.s32 s22, s26;
	[dreg:$0x4] =	wrdreg s15  }
0x14: {  	s21 =	sadd.s32 s7, s16;
	[dreg:$0x5] =	wrdreg s9;
	s14 =	sadd.s32 s8, s14  }
0x15: {  	[dreg:$0x6] =	wrdreg s23;
	s15 =	sadd.s32 s22, s20;
	s9 =	sshrl.u32 s24, $0x3  }
0x16: {  	s22 =	sadd.s32 s7, s17;
	s23 =	sshrl.u32 s21, $0x3;
	[dreg:$0xc] =	wrdreg s14  }
0x17: {  	s7 =	sadd.s32 s7, s18;
	[dreg:$0x7] =	wrdreg s15;
	s28 =	sadd.s32 s9, s26  }
0x18: {  	s14 =	sshrl.u32 s25, $0x3;
	s9 =	sadd.s32 s9, s20;
	[dreg:$0x8] =	wrdreg s28  }
0x19: {  	s24 =	sshrl.u32 s22, $0x3;
	s14 =	sadd.s32 s8, s14;
	[dreg:$0x9] =	wrdreg s9  }
0x1a: {  	s7 =	sshrl.u32 s7, $0x3;
	s25 =	sadd.s32 s8, s24;
	[dreg:$0xd] =	wrdreg s14  }
0x1b: {  	s28 =	smul.u32 $0x50000, s6;
	s15 =	sadd.s32 s8, s7;
	[dreg:$0x10] =	wrdreg s25  }
0x1c: {  	s24 =	sadd.s32 s10, s2;
	s6 =	sadd.s32 s16, s2;
	[dreg:$0x11] =	wrdreg s15  }
0x1d: {  	s10 =	sadd.s32 s18, s2;
	s14 =	sshrl.u32 s19, $0x3;
	[dreg:$0x19] =	wrdreg s6  }
0x1e: {  	s19 =	sadd.s32 $0xA, s3;
	s25 =	sadd.s32 s13, s2;
	[dreg:$0x1b] =	wrdreg s10  }
0x1f: {  	s15 =	sadd.s32 $0x15400, s1;
	s14 =	sadd.s32 s8, s14;
	[dreg:$0x18] =	wrdreg s25  }
0x20: {  	s13 =	sadd.s32 $0x14, s3;
	s22 =	sadd.s32 s20, s19;
	[dreg:$0xe] =	wrdreg s14  }
0x21: {  	s21 =	sshrl.u32 s28, $0x2;
	s1 =	sadd.s32 s26, s13;
	[dreg:$0x12] =	wrdreg s22  }
0x22: {  	s28 =	sadd.s32 s11, s2;
	s11 =	sadd.s32 s12, s2;
	[dreg:$0x1d] =	wrdreg s1  }
0x23: {  	s31 =	simm.s32 $0x100;
	s14 =	sadd.s32 s8, s23;
	[dreg:$0x17] =	wrdreg s11  }
0x24: {  	s16 =	sadd.s32 $0x1E, s3;
	s23 =	sadd.s32 s26, s19;
	[dreg:$0xf] =	wrdreg s14  }
0x25: {  	s30 =	simm.s32 $0x2;
	s19 =	sadd.s32 s20, s16;
	[dreg:$0x13] =	wrdreg s23  }
0x26: {  	s29 =	sadd.s32 s21, s2;
	s21 =	sadd.s32 s26, s16;
	[dreg:$0x1e] =	wrdreg s19  }
0x27: {  	s0 =	simm.s32 $0x0;
	s22 =	sadd.s32 s20, s3;
	[dreg:$0x1f] =	wrdreg s21  }
0x28: {  	s18 =	smov.u32 s28;
	s28 =	sadd.s32 $0x140, s5;
	[smem:$0x7F8] =	sst s22  }
0x29: {  	s9 =	smov.u32 s20;
	s7 =	simm.s32 $0x3;
	[smem:$0x7FD] =	sst s28  }
0x2a: {  	s8 =	sadd.s32 s17, s2;
	s17 =	smov.u32 s24;
	[dreg:$0x14] =	wrdreg s29  }
0x2b: {  	s12 =	simm.s32 $0x80;
	s24 =	sadd.s32 $0x4D8, s3;
	[dreg:$0x15] =	wrdreg s17  }
0x2c: {  	s16 =	simm.s32 $0x50;
	s14 =	sadd.s32 s20, s13;
	[dreg:$0x16] =	wrdreg s18  }
0x2d: {  	s23 =	sadd.s32 s26, s3;
	s3 =	sadd.s32 s20, s24;
	[dreg:$0x1a] =	wrdreg s8  }
0x2e: {  	s1 =	sadd.s32 s26, s24;
	s19 =	simm.s32 $0x9;
	[dreg:$0x1c] =	wrdreg s14  }
0x2f: {  	s20 =	simm.s32 $0x4;
	s21 =	simm.s32 $0x7;
	[smem:$0x7F9] =	sst s23  }
0x30: {  	s22 =	simm.s32 $0xA;
	s24 =	simm.s32 $0xB;
	[smem:$0x7FA] =	sst s3  }
0x31: {  	[smem:$0x7FB] =	sst s1;
	s14 =	simm.s32 $0x1;
	s23 =	simm.s32 $0x8  }
.LBB2_1:
0x32: {  	s5 =	sld [smem:$0x7F8];
	_ =	sdelay $0x1  }
0x33: {  	s3 =	sld [smem:$0x7F9]  }
0x34: {  	[tilespmem:s4], [sflag:$0x1] =	stream.linear.gather [hbm4b:s5+s4], $0x50, $0x38;
	[tilespmem:$0x1E400] =	vst v63  }
0x35: {  	[smem:$0x7F7] =	sst s0;
	s13 =	simm.s32 $0x200  }
0x36: {  	[tilespmem:s13], [sflag:$0x1] =	stream.linear.gather [hbm4b:s3+s4], $0x50, $0x38;
	[tilespmem:$0x1E400] =	vst v63  }
0x37: {  	s28 =	rddreg [dreg:$0x12]  }
0x38: {  	[tilespmem:s12], [sflag:$0x2] =	stream.linear.gather [hbm4b:s28+s4], $0x50, $0x38;
	[tilespmem:$0x1E400] =	vst v63  }
0x39: {  	s0 =	rddreg [dreg:$0x13];
	s1 =	simm.s32 $0x280  }
0x3a: {  	[tilespmem:s1], [sflag:$0x2] =	stream.linear.gather [hbm4b:s0+s4], $0x50, $0x38;
	[tilespmem:$0x1E400] =	vst v63  }
0x3b: {  	s3 =	rddreg [dreg:$0x1];
	s13 =	simm.s32 $0xD;
	s28 =	simm.s32 $0x7C00  }
0x3c: {  	[tilespmem:s28], [sflag:$0xD] =	stream.linear.gather [hbm4b:s3+s4], $0x2800, $0x38;
	[tilespmem:$0x1E400] =	vst v63  }
0x3d: {  	_ =	swait.ge [sflag:s13], $0x2800  }
0x3e: {  	[sflag:s13] =	ssyncset.done $0x0  }
0x3f: {  	[sflag:s13] =	ssyncadd.s32 $0xFFFFD800  }
0x40: {  	[spmem:s29] =	stream.linear.scatter [tilespmem:s28], [sflag:$0xC], $0x2800, $0x38;
	[tilespmem:$0x1E400] =	vst v63  }
0x41: {  	_ = 	snop  }
0x42: {  	[spmem:s17] =	stream.linear.scatter [tilespmem:s28], [sflag:$0xC], $0x2800, $0x38;
	[tilespmem:$0x1E400] =	vst v63  }
0x43: {  	_ = 	snop  }
0x44: {  	[spmem:s18] =	stream.linear.scatter [tilespmem:s28], [sflag:$0xC], $0x2800, $0x38;
	[tilespmem:$0x1E400] =	vst v63  }
0x45: {  	_ = 	snop  }
0x46: {  	[spmem:s11] =	stream.linear.scatter [tilespmem:s28], [sflag:$0xC], $0x2800, $0x38;
	[tilespmem:$0x1E400] =	vst v63  }
0x47: {  	_ = 	snop  }
0x48: {  	[spmem:s25] =	stream.linear.scatter [tilespmem:s28], [sflag:$0xC], $0x2800, $0x38;
	[tilespmem:$0x1E400] =	vst v63  }
0x49: {  	_ = 	snop  }
0x4a: {  	[spmem:s6] =	stream.linear.scatter [tilespmem:s28], [sflag:$0xC], $0x2800, $0x38;
	[tilespmem:$0x1E400] =	vst v63  }
0x4b: {  	_ = 	snop  }
0x4c: {  	[spmem:s8] =	stream.linear.scatter [tilespmem:s28], [sflag:$0xC], $0x2800, $0x38;
	[tilespmem:$0x1E400] =	vst v63  }
0x4d: {  	_ = 	snop  }
0x4e: {  	[spmem:s10] =	stream.linear.scatter [tilespmem:s28], [sflag:$0xC], $0x2800, $0x38;
	[tilespmem:$0x1E400] =	vst v63  }
0x4f: {  	_ =	swait.ge [sflag:s14], $0x50  }
0x50: {  	[sflag:s14] =	ssyncset.done $0x0  }
0x51: {  	[sflag:s14] =	ssyncadd.s32 $0xFFFFFFB0  }
0x52: {  	_ =	swait.ge [sflag:s14], $0x50  }
0x53: {  	[sflag:s14] =	ssyncset.done $0x0  }
0x54: {  	s13 =	simm.s32 $0xC;
	s25 =	simm.s32 $0x400;
	[sflag:s14] =	ssyncadd.s32 $0xFFFFFFB0  }
0x55: {  	[tilespmem:s25], [sflag:$0x5] =	stream.indirect.gather [hbm4b:s15+s16], $0x80, s4, s16, $0xb8;
	[tilespmem:$0x1E400] =	vst v63  }
0x56: {  	_ =	swait.ge [sflag:s13], $0x2800  }
0x57: {  	[sflag:s13] =	ssyncset.done $0x0  }
0x58: {  	[sflag:s13] =	ssyncadd.s32 $0xFFFFD800  }
0x59: {  	_ =	swait.ge [sflag:s13], $0x2800  }
0x5a: {  	[sflag:s13] =	ssyncset.done $0x0  }
0x5b: {  	[sflag:s13] =	ssyncadd.s32 $0xFFFFD800  }
0x5c: {  	_ =	swait.ge [sflag:s13], $0x2800  }
0x5d: {  	[sflag:s13] =	ssyncset.done $0x0  }
0x5e: {  	[sflag:s13] =	ssyncadd.s32 $0xFFFFD800  }
0x5f: {  	_ =	swait.ge [sflag:s13], $0x2800  }
0x60: {  	[sflag:s13] =	ssyncset.done $0x0  }
0x61: {  	[sflag:s13] =	ssyncadd.s32 $0xFFFFD800  }
0x62: {  	_ =	swait.ge [sflag:s13], $0x2800  }
0x63: {  	[sflag:s13] =	ssyncset.done $0x0  }
0x64: {  	[sflag:s13] =	ssyncadd.s32 $0xFFFFD800  }
0x65: {  	_ =	swait.ge [sflag:s13], $0x2800  }
0x66: {  	[sflag:s13] =	ssyncset.done $0x0  }
0x67: {  	[sflag:s13] =	ssyncadd.s32 $0xFFFFD800  }
0x68: {  	_ =	swait.ge [sflag:s13], $0x2800  }
0x69: {  	[sflag:s13] =	ssyncset.done $0x0  }
0x6a: {  	[sflag:s13] =	ssyncadd.s32 $0xFFFFD800  }
0x6b: {  	_ =	swait.ge [sflag:s13], $0x2800  }
0x6c: {  	[sflag:s13] =	ssyncset.done $0x0  }
0x6d: {  	[sflag:s13] =	ssyncadd.s32 $0xFFFFD800  }
0x6e: {  	[bflag:$0x0] =	sbarrier.arrive $0xFFFF  }
0x6f: {  	s29 =	rddreg [dreg:$0x1c]  }
0x70: {  	[tilespmem:s31], [sflag:$0x3] =	stream.linear.gather [hbm4b:s29+s4], $0x50, $0x38;
	[tilespmem:$0x1E400] =	vst v63  }
0x71: {  	s3 =	simm.s32 $0x300;
	s0 =	rddreg [dreg:$0x1d]  }
0x72: {  	[tilespmem:s3], [sflag:$0x3] =	stream.linear.gather [hbm4b:s0+s4], $0x50, $0x38;
	[tilespmem:$0x1E400] =	vst v63  }
0x73: {  	_ =	swait.ge [sflag:s30], $0x50  }
0x74: {  	[sflag:s30] =	ssyncset.done $0x0  }
0x75: {  	[sflag:s30] =	ssyncadd.s32 $0xFFFFFFB0  }
0x76: {  	_ =	swait.ge [sflag:s30], $0x50  }
0x77: {  	[sflag:s30] =	ssyncset.done $0x0  }
0x78: {  	s10 =	simm.s32 $0x2C00;
	s0 =	simm.s32 $0x5;
	[sflag:s30] =	ssyncadd.s32 $0xFFFFFFB0  }
0x79: {  	[tilespmem:s10], [sflag:$0x6] =	stream.indirect.gather [hbm4b:s15+s16], $0x80, s12, s16, $0xb8;
	[tilespmem:$0x1E400] =	vst v63  }
0x7a: {  	_ =	swait.ge [sflag:s0], $0x2800  }
0x7b: {  	[sflag:s0] =	ssyncset.done $0x0  }
0x7c: {  	s1 =	simm.s32 $0x400;
	s29 =	simm.s32 $0x200;
	[sflag:s0] =	ssyncadd.s32 $0xFFFFD800  }
0x7d: {  	[spmem:s2] =	stream.indirect.scatter.add.f32 [tilespmem:s1], [sflag:$0x9], $0x80, s29, s16, $0xb8;
	[tilespmem:$0x1E400] =	vst v63  }
0x7e: {  	s17 =	simm.s32 $0x180;
	s1 =	rddreg [dreg:$0x1e]  }
0x7f: {  	[tilespmem:s17], [sflag:$0x4] =	stream.linear.gather [hbm4b:s1+s4], $0x50, $0x38;
	[tilespmem:$0x1E400] =	vst v63  }
0x80: {  	s25 =	simm.s32 $0x380;
	s6 =	rddreg [dreg:$0x1f]  }
0x81: {  	[tilespmem:s25], [sflag:$0x4] =	stream.linear.gather [hbm4b:s6+s4], $0x50, $0x38;
	[tilespmem:$0x1E400] =	vst v63  }
0x82: {  	_ =	swait.ge [sflag:s7], $0x50  }
0x83: {  	[sflag:s7] =	ssyncset.done $0x0  }
0x84: {  	[sflag:s7] =	ssyncadd.s32 $0xFFFFFFB0  }
0x85: {  	_ =	swait.ge [sflag:s7], $0x50  }
0x86: {  	s18 =	simm.s32 $0x5400;
	[sflag:s7] =	ssyncset.done $0x0  }
0x87: {  	s11 =	smov.u32 s26;
	s26 =	simm.s32 $0x6;
	[sflag:s7] =	ssyncadd.s32 $0xFFFFFFB0  }
0x88: {  	[tilespmem:s18], [sflag:$0x7] =	stream.indirect.gather [hbm4b:s15+s16], $0x80, s31, s16, $0xb8;
	[tilespmem:$0x1E400] =	vst v63  }
0x89: {  	_ =	swait.ge [sflag:s26], $0x2800  }
0x8a: {  	[sflag:s26] =	ssyncset.done $0x0  }
0x8b: {  	s1 =	simm.s32 $0x280;
	[sflag:s26] =	ssyncadd.s32 $0xFFFFD800  }
0x8c: {  	[spmem:s2] =	stream.indirect.scatter.add.f32 [tilespmem:s10], [sflag:$0xA], $0x80, s1, s16, $0xb8;
	[tilespmem:$0x1E400] =	vst v63  }
0x8d: {  	_ =	swait.ge [sflag:s19], $0x2800  }
0x8e: {  	s6 =	sld [smem:$0x7FD];
	_ =	sdelay $0x2  }
0x8f: {  	[sflag:s19] =	ssyncset.done $0x0;
	s5 =	sshrl.u32 s6, $0x3  }
0x90: {  	[sflag:s19] =	ssyncadd.s32 $0xFFFFD800;
	s8 =	sadd.s32 s9, s5  }
0x91: {  	[tilespmem:s4], [sflag:$0x1] =	stream.linear.gather [hbm4b:s8+s4], $0x50, $0x38;
	[tilespmem:$0x1E400] =	vst v63  }
0x92: {  	s5 =	sadd.s32 s11, s5  }
0x93: {  	[tilespmem:s29], [sflag:$0x1] =	stream.linear.gather [hbm4b:s5+s4], $0x50, $0x38;
	[tilespmem:$0x1E400] =	vst v63  }
0x94: {  	_ =	swait.ge [sflag:s20], $0x50  }
0x95: {  	[sflag:s20] =	ssyncset.done $0x0  }
0x96: {  	[sflag:s20] =	ssyncadd.s32 $0xFFFFFFB0  }
0x97: {  	_ =	swait.ge [sflag:s20], $0x50  }
0x98: {  	[sflag:s20] =	ssyncset.done $0x0  }
0x99: {  	[sflag:s20] =	ssyncadd.s32 $0xFFFFFFB0  }
0x9a: {  	[tilespmem:s28], [sflag:$0x8] =	stream.indirect.gather [hbm4b:s15+s16], $0x80, s17, s16, $0xb8;
	[tilespmem:$0x1E400] =	vst v63  }
0x9b: {  	_ =	swait.ge [sflag:s21], $0x2800  }
0x9c: {  	[sflag:s21] =	ssyncset.done $0x0  }
0x9d: {  	[sflag:s21] =	ssyncadd.s32 $0xFFFFD800  }
0x9e: {  	[spmem:s2] =	stream.indirect.scatter.add.f32 [tilespmem:s18], [sflag:$0xB], $0x80, s3, s16, $0xb8;
	[tilespmem:$0x1E400] =	vst v63  }
0x9f: {  	_ =	swait.ge [sflag:s22], $0x2800  }
0xa0: {  	s5 =	rddreg [dreg:$0x9];
	[sflag:s22] =	ssyncset.done $0x0  }
0xa1: {  	s8 =	rddreg [dreg:$0x8];
	[sflag:s22] =	ssyncadd.s32 $0xFFFFD800;
	s5 =	sadd.s32 $0x0, s5  }
0xa2: {  	[tilespmem:s12], [sflag:$0x2] =	stream.linear.gather [hbm4b:s5+s4], $0x50, $0x38;
	[tilespmem:$0x1E400] =	vst v63  }
0xa3: {  	s8 =	sadd.s32 $0x0, s8  }
0xa4: {  	[tilespmem:s1], [sflag:$0x2] =	stream.linear.gather [hbm4b:s8+s4], $0x50, $0x38;
	[tilespmem:$0x1E400] =	vst v63  }
0xa5: {  	_ =	swait.ge [sflag:s14], $0x50  }
0xa6: {  	[sflag:s14] =	ssyncset.done $0x0  }
0xa7: {  	[sflag:s14] =	ssyncadd.s32 $0xFFFFFFB0  }
0xa8: {  	_ =	swait.ge [sflag:s14], $0x50  }
0xa9: {  	[sflag:s14] =	ssyncset.done $0x0  }
0xaa: {  	s5 =	simm.s32 $0x400;
	[sflag:s14] =	ssyncadd.s32 $0xFFFFFFB0  }
0xab: {  	[tilespmem:s5], [sflag:$0x5] =	stream.indirect.gather [hbm4b:s15+s16], $0x80, s4, s16, $0xb8;
	[tilespmem:$0x1E400] =	vst v63  }
0xac: {  	_ =	swait.ge [sflag:s23], $0x2800  }
0xad: {  	[sflag:s23] =	ssyncset.done $0x0  }
0xae: {  	[sflag:s23] =	ssyncadd.s32 $0xFFFFD800  }
0xaf: {  	[spmem:s2] =	stream.indirect.scatter.add.f32 [tilespmem:s28], [sflag:$0xC], $0x80, s25, s16, $0xb8;
	[tilespmem:$0x1E400] =	vst v63  }
0xb0: {  	_ =	swait.ge [sflag:s24], $0x2800  }
0xb1: {  	s8 =	rddreg [dreg:$0x7];
	[sflag:s24] =	ssyncset.done $0x0  }
0xb2: {  	s28 =	rddreg [dreg:$0x6];
	[sflag:s24] =	ssyncadd.s32 $0xFFFFD800;
	s5 =	sadd.s32 $0x0, s8  }
0xb3: {  	[tilespmem:s31], [sflag:$0x3] =	stream.linear.gather [hbm4b:s5+s4], $0x50, $0x38;
	[tilespmem:$0x1E400] =	vst v63  }
0xb4: {  	s8 =	sadd.s32 $0x0, s28  }
0xb5: {  	[tilespmem:s3], [sflag:$0x3] =	stream.linear.gather [hbm4b:s8+s4], $0x50, $0x38;
	[tilespmem:$0x1E400] =	vst v63  }
0xb6: {  	_ =	swait.ge [sflag:s30], $0x50  }
0xb7: {  	[sflag:s30] =	ssyncset.done $0x0  }
0xb8: {  	[sflag:s30] =	ssyncadd.s32 $0xFFFFFFB0  }
0xb9: {  	_ =	swait.ge [sflag:s30], $0x50  }
0xba: {  	[sflag:s30] =	ssyncset.done $0x0  }
0xbb: {  	[sflag:s30] =	ssyncadd.s32 $0xFFFFFFB0  }
0xbc: {  	[tilespmem:s10], [sflag:$0x6] =	stream.indirect.gather [hbm4b:s15+s16], $0x80, s12, s16, $0xb8;
	[tilespmem:$0x1E400] =	vst v63  }
0xbd: {  	_ =	swait.ge [sflag:s0], $0x2800  }
0xbe: {  	[sflag:s0] =	ssyncset.done $0x0  }
0xbf: {  	s29 =	simm.s32 $0x200;
	s1 =	simm.s32 $0x400;
	[sflag:s0] =	ssyncadd.s32 $0xFFFFD800  }
0xc0: {  	[spmem:s2] =	stream.indirect.scatter.add.f32 [tilespmem:s1], [sflag:$0x9], $0x80, s29, s16, $0xb8;
	[tilespmem:$0x1E400] =	vst v63  }
0xc1: {  	_ =	swait.ge [sflag:s13], $0x2800  }
0xc2: {  	s12 =	rddreg [dreg:$0x5];
	[sflag:s13] =	ssyncset.done $0x0  }
0xc3: {  	s28 =	rddreg [dreg:$0x4];
	[sflag:s13] =	ssyncadd.s32 $0xFFFFD800;
	s5 =	sadd.s32 $0x0, s12  }
0xc4: {  	[tilespmem:s17], [sflag:$0x4] =	stream.linear.gather [hbm4b:s5+s4], $0x50, $0x38;
	[tilespmem:$0x1E400] =	vst v63  }
0xc5: {  	s29 =	sadd.s32 $0x0, s28  }
0xc6: {  	[tilespmem:s25], [sflag:$0x4] =	stream.linear.gather [hbm4b:s29+s4], $0x50, $0x38;
	[tilespmem:$0x1E400] =	vst v63  }
0xc7: {  	_ =	swait.ge [sflag:s7], $0x50  }
0xc8: {  	[sflag:s7] =	ssyncset.done $0x0  }
0xc9: {  	[sflag:s7] =	ssyncadd.s32 $0xFFFFFFB0  }
0xca: {  	_ =	swait.ge [sflag:s7], $0x50  }
0xcb: {  	[sflag:s7] =	ssyncset.done $0x0  }
0xcc: {  	[sflag:s7] =	ssyncadd.s32 $0xFFFFFFB0  }
0xcd: {  	[tilespmem:s18], [sflag:$0x7] =	stream.indirect.gather [hbm4b:s15+s16], $0x80, s31, s16, $0xb8;
	[tilespmem:$0x1E400] =	vst v63  }
0xce: {  	_ =	swait.ge [sflag:s26], $0x2800  }
0xcf: {  	s8 =	simm.s32 $0x28;
	[sflag:s26] =	ssyncset.done $0x0  }
0xd0: {  	s17 =	simm.s32 $0x80;
	s25 =	sadd.s32 $0x140, s6;
	[sflag:s26] =	ssyncadd.s32 $0xFFFFD800  }
.LBB2_2:
0xd1: {  	s29 =	simm.s32 $0x280;
	s13 =	simm.s32 $0x2C00  }
0xd2: {  	[spmem:s2] =	stream.indirect.scatter.add.f32 [tilespmem:s13], [sflag:$0xA], $0x80, s29, s16, $0xb8;
	[tilespmem:$0x1E400] =	vst v63  }
0xd3: {  	_ =	swait.ge [sflag:s19], $0x2800  }
0xd4: {  	s6 =	sshrl.u32 s25, $0x3;
	[sflag:s19] =	ssyncset.done $0x0  }
0xd5: {  	s3 =	sadd.s32 s9, s6;
	[sflag:s19] =	ssyncadd.s32 $0xFFFFD800  }
0xd6: {  	[tilespmem:s4], [sflag:$0x1] =	stream.linear.gather [hbm4b:s3+s4], $0x50, $0x38;
	[tilespmem:$0x1E400] =	vst v63  }
0xd7: {  	s12 =	simm.s32 $0x200;
	s6 =	sadd.s32 s11, s6  }
0xd8: {  	[tilespmem:s12], [sflag:$0x1] =	stream.linear.gather [hbm4b:s6+s4], $0x50, $0x38;
	[tilespmem:$0x1E400] =	vst v63  }
0xd9: {  	_ =	swait.ge [sflag:s20], $0x50  }
0xda: {  	[sflag:s20] =	ssyncset.done $0x0  }
0xdb: {  	[sflag:s20] =	ssyncadd.s32 $0xFFFFFFB0  }
0xdc: {  	_ =	swait.ge [sflag:s20], $0x50  }
0xdd: {  	[sflag:s20] =	ssyncset.done $0x0  }
0xde: {  	s31 =	simm.s32 $0x7C00;
	s26 =	simm.s32 $0x180;
	[sflag:s20] =	ssyncadd.s32 $0xFFFFFFB0  }
0xdf: {  	[tilespmem:s31], [sflag:$0x8] =	stream.indirect.gather [hbm4b:s15+s16], $0x80, s26, s16, $0xb8;
	[tilespmem:$0x1E400] =	vst v63  }
0xe0: {  	_ =	swait.ge [sflag:s21], $0x2800  }
0xe1: {  	[sflag:s21] =	ssyncset.done $0x0  }
0xe2: {  	s1 =	simm.s32 $0x300;
	s18 =	simm.s32 $0x5400;
	[sflag:s21] =	ssyncadd.s32 $0xFFFFD800  }
0xe3: {  	[spmem:s2] =	stream.indirect.scatter.add.f32 [tilespmem:s18], [sflag:$0xB], $0x80, s1, s16, $0xb8;
	[tilespmem:$0x1E400] =	vst v63  }
0xe4: {  	s5 =	smov.u32 s8;
	_ =	swait.ge [sflag:s22], $0x2800  }
0xe5: {  	s10 =	smov.u32 s9;
	s9 =	rddreg [dreg:$0x9];
	[sflag:s22] =	ssyncset.done $0x0  }
0xe6: {  	s0 =	rddreg [dreg:$0x8];
	[sflag:s22] =	ssyncadd.s32 $0xFFFFD800;
	s6 =	sadd.s32 s5, s9  }
0xe7: {  	[tilespmem:s17], [sflag:$0x2] =	stream.linear.gather [hbm4b:s6+s4], $0x50, $0x38;
	[tilespmem:$0x1E400] =	vst v63  }
0xe8: {  	s3 =	sadd.s32 s5, s0  }
0xe9: {  	[tilespmem:s29], [sflag:$0x2] =	stream.linear.gather [hbm4b:s3+s4], $0x50, $0x38;
	[tilespmem:$0x1E400] =	vst v63  }
0xea: {  	_ =	swait.ge [sflag:s14], $0x50  }
0xeb: {  	[sflag:s14] =	ssyncset.done $0x0  }
0xec: {  	[sflag:s14] =	ssyncadd.s32 $0xFFFFFFB0  }
0xed: {  	_ =	swait.ge [sflag:s14], $0x50  }
0xee: {  	[sflag:s14] =	ssyncset.done $0x0  }
0xef: {  	s29 =	simm.s32 $0x400;
	[sflag:s14] =	ssyncadd.s32 $0xFFFFFFB0  }
0xf0: {  	[tilespmem:s29], [sflag:$0x5] =	stream.indirect.gather [hbm4b:s15+s16], $0x80, s4, s16, $0xb8;
	[tilespmem:$0x1E400] =	vst v63  }
0xf1: {  	_ =	swait.ge [sflag:s23], $0x2800  }
0xf2: {  	[sflag:s23] =	ssyncset.done $0x0  }
0xf3: {  	s0 =	simm.s32 $0x380;
	[sflag:s23] =	ssyncadd.s32 $0xFFFFD800  }
0xf4: {  	[spmem:s2] =	stream.indirect.scatter.add.f32 [tilespmem:s31], [sflag:$0xC], $0x80, s0, s16, $0xb8;
	[tilespmem:$0x1E400] =	vst v63  }
0xf5: {  	_ =	swait.ge [sflag:s24], $0x2800  }
0xf6: {  	s31 =	simm.s32 $0x100;
	s9 =	rddreg [dreg:$0x7];
	[sflag:s24] =	ssyncset.done $0x0  }
0xf7: {  	s3 =	rddreg [dreg:$0x6];
	[sflag:s24] =	ssyncadd.s32 $0xFFFFD800;
	s6 =	sadd.s32 s5, s9  }
0xf8: {  	[tilespmem:s31], [sflag:$0x3] =	stream.linear.gather [hbm4b:s6+s4], $0x50, $0x38;
	[tilespmem:$0x1E400] =	vst v63  }
0xf9: {  	s9 =	sadd.s32 s5, s3  }
0xfa: {  	[tilespmem:s1], [sflag:$0x3] =	stream.linear.gather [hbm4b:s9+s4], $0x50, $0x38;
	[tilespmem:$0x1E400] =	vst v63  }
0xfb: {  	_ =	swait.ge [sflag:s30], $0x50  }
0xfc: {  	[sflag:s30] =	ssyncset.done $0x0  }
0xfd: {  	[sflag:s30] =	ssyncadd.s32 $0xFFFFFFB0  }
0xfe: {  	_ =	swait.ge [sflag:s30], $0x50  }
0xff: {  	[sflag:s30] =	ssyncset.done $0x0  }
0x100: {  	[sflag:s30] =	ssyncadd.s32 $0xFFFFFFB0  }
0x101: {  	[tilespmem:s13], [sflag:$0x6] =	stream.indirect.gather [hbm4b:s15+s16], $0x80, s17, s16, $0xb8;
	[tilespmem:$0x1E400] =	vst v63  }
0x102: {  	s13 =	simm.s32 $0x5  }
0x103: {  	_ =	swait.ge [sflag:s13], $0x2800  }
0x104: {  	[sflag:s13] =	ssyncset.done $0x0  }
0x105: {  	s6 =	simm.s32 $0xC;
	[sflag:s13] =	ssyncadd.s32 $0xFFFFD800  }
0x106: {  	[spmem:s2] =	stream.indirect.scatter.add.f32 [tilespmem:s29], [sflag:$0x9], $0x80, s12, s16, $0xb8;
	[tilespmem:$0x1E400] =	vst v63  }
0x107: {  	_ =	swait.ge [sflag:s6], $0x2800  }
0x108: {  	s9 =	rddreg [dreg:$0x5];
	[sflag:s6] =	ssyncset.done $0x0  }
0x109: {  	s12 =	rddreg [dreg:$0x4];
	[sflag:s6] =	ssyncadd.s32 $0xFFFFD800;
	s6 =	sadd.s32 s5, s9  }
0x10a: {  	[tilespmem:s26], [sflag:$0x4] =	stream.linear.gather [hbm4b:s6+s4], $0x50, $0x38;
	[tilespmem:$0x1E400] =	vst v63  }
0x10b: {  	s5 =	sadd.s32 s5, s12  }
0x10c: {  	[tilespmem:s0], [sflag:$0x4] =	stream.linear.gather [hbm4b:s5+s4], $0x50, $0x38;
	[tilespmem:$0x1E400] =	vst v63  }
0x10d: {  	_ =	swait.ge [sflag:s7], $0x50  }
0x10e: {  	[sflag:s7] =	ssyncset.done $0x0  }
0x10f: {  	[sflag:s7] =	ssyncadd.s32 $0xFFFFFFB0  }
0x110: {  	_ =	swait.ge [sflag:s7], $0x50  }
0x111: {  	p0 =	sne.s32 s8, $0x488;
	s8 =	sadd.s32 $0x28, s8;
	[sflag:s7] =	ssyncset.done $0x0  }
.Ltmp0:
0x112: {  	s29 =	simm.s32 $0x6;
	[sflag:s7] =	ssyncadd.s32 $0xFFFFFFB0;
	(pc) =	sbr.rel @p0 .LBB2_2-.Ltmp0, $4  }
0x113: {  	[tilespmem:s18], [sflag:$0x7] =	stream.indirect.gather [hbm4b:s15+s16], $0x80, s31, s16, $0xb8;
	[tilespmem:$0x1E400] =	vst v63  }
0x114: {  	s28 =	simm.s32 $0x280;
	s25 =	sadd.s32 $0x140, s25;
	_ =	swait.ge [sflag:s29], $0x2800  }
0x115: {  	s3 =	simm.s32 $0x300;
	s13 =	simm.s32 $0x180;
	[sflag:s29] =	ssyncset.done $0x0  }
0x116: {  	s9 =	smov.u32 s10;
	s10 =	simm.s32 $0x380;
	[sflag:s29] =	ssyncadd.s32 $0xFFFFD800  }
0x117: {  	s1 =	simm.s32 $0x2C00  }
0x118: {  	[spmem:s2] =	stream.indirect.scatter.add.f32 [tilespmem:s1], [sflag:$0xA], $0x80, s28, s16, $0xb8;
	[tilespmem:$0x1E400] =	vst v63  }
0x119: {  	_ =	swait.ge [sflag:s19], $0x2800  }
0x11a: {  	s5 =	sld [smem:$0x7FA]  }
0x11b: {  	[sflag:s19] =	ssyncset.done $0x0  }
0x11c: {  	s26 =	sld [smem:$0x7FB];
	[sflag:s19] =	ssyncadd.s32 $0xFFFFD800  }
0x11d: {  	[tilespmem:s4], [sflag:$0x1] =	stream.linear.gather [hbm4b:s5+s4], $0x50, $0x38;
	[tilespmem:$0x1E400] =	vst v63  }
0x11e: {  	s6 =	simm.s32 $0x200  }
0x11f: {  	[tilespmem:s6], [sflag:$0x1] =	stream.linear.gather [hbm4b:s26+s4], $0x50, $0x38;
	[tilespmem:$0x1E400] =	vst v63  }
0x120: {  	_ =	swait.ge [sflag:s20], $0x50  }
0x121: {  	[sflag:s20] =	ssyncset.done $0x0  }
0x122: {  	[sflag:s20] =	ssyncadd.s32 $0xFFFFFFB0  }
0x123: {  	_ =	swait.ge [sflag:s20], $0x50  }
0x124: {  	[sflag:s20] =	ssyncset.done $0x0  }
0x125: {  	s12 =	simm.s32 $0x7C00;
	[sflag:s20] =	ssyncadd.s32 $0xFFFFFFB0  }
0x126: {  	[tilespmem:s12], [sflag:$0x8] =	stream.indirect.gather [hbm4b:s15+s16], $0x80, s13, s16, $0xb8;
	[tilespmem:$0x1E400] =	vst v63  }
0x127: {  	_ =	swait.ge [sflag:s21], $0x2800  }
0x128: {  	[sflag:s21] =	ssyncset.done $0x0  }
0x129: {  	s13 =	simm.s32 $0x5400;
	[sflag:s21] =	ssyncadd.s32 $0xFFFFD800  }
0x12a: {  	[spmem:s2] =	stream.indirect.scatter.add.f32 [tilespmem:s13], [sflag:$0xB], $0x80, s3, s16, $0xb8;
	[tilespmem:$0x1E400] =	vst v63  }
0x12b: {  	_ =	swait.ge [sflag:s14], $0x50  }
0x12c: {  	[sflag:s14] =	ssyncset.done $0x0  }
0x12d: {  	[sflag:s14] =	ssyncadd.s32 $0xFFFFFFB0  }
0x12e: {  	_ =	swait.ge [sflag:s14], $0x50  }
0x12f: {  	[sflag:s14] =	ssyncset.done $0x0  }
0x130: {  	s8 =	simm.s32 $0x400;
	[sflag:s14] =	ssyncadd.s32 $0xFFFFFFB0  }
0x131: {  	[tilespmem:s8], [sflag:$0x5] =	stream.indirect.gather [hbm4b:s15+s16], $0x80, s4, s16, $0xb8;
	[tilespmem:$0x1E400] =	vst v63  }
0x132: {  	_ =	swait.ge [sflag:s23], $0x2800  }
0x133: {  	[sflag:s23] =	ssyncset.done $0x0  }
0x134: {  	s0 =	simm.s32 $0x5;
	[sflag:s23] =	ssyncadd.s32 $0xFFFFD800  }
0x135: {  	[spmem:s2] =	stream.indirect.scatter.add.f32 [tilespmem:s12], [sflag:$0xC], $0x80, s10, s16, $0xb8;
	[tilespmem:$0x1E400] =	vst v63  }
0x136: {  	_ =	swait.ge [sflag:s0], $0x2800  }
0x137: {  	[sflag:s0] =	ssyncset.done $0x0  }
0x138: {  	[sflag:s0] =	ssyncadd.s32 $0xFFFFD800  }
0x139: {  	[spmem:s2] =	stream.indirect.scatter.add.f32 [tilespmem:s8], [sflag:$0x9], $0x80, s6, s16, $0xb8;
	[tilespmem:$0x1E400] =	vst v63  }
0x13a: {  	_ =	swait.ge [sflag:s22], $0x2800  }
0x13b: {  	[sflag:s22] =	ssyncset.done $0x0  }
0x13c: {  	[sflag:s22] =	ssyncadd.s32 $0xFFFFD800  }
0x13d: {  	_ =	swait.ge [sflag:s24], $0x2800  }
0x13e: {  	[sflag:s24] =	ssyncset.done $0x0  }
0x13f: {  	s3 =	simm.s32 $0xC;
	[sflag:s24] =	ssyncadd.s32 $0xFFFFD800  }
0x140: {  	_ =	swait.ge [sflag:s3], $0x2800  }
0x141: {  	[sflag:s3] =	ssyncset.done $0x0  }
0x142: {  	[sflag:s3] =	ssyncadd.s32 $0xFFFFD800  }
0x143: {  	_ =	swait.ge [sflag:s19], $0x2800  }
0x144: {  	[sflag:s19] =	ssyncset.done $0x0  }
0x145: {  	[sflag:s19] =	ssyncadd.s32 $0xFFFFD800  }
0x146: {  	[bflag:$0x0] =	sbarrier.arrive $0xFFFF  }
0x147: {  	s29 =	rddreg [dreg:$0x14]  }
0x148: {  	[tilespmem:s8], [sflag:$0x5] =	stream.linear.gather [spmem:s29], $0x2800, $0x38;
	[tilespmem:$0x1E400] =	vst v63  }
0x149: {  	s17 =	rddreg [dreg:$0x15]  }
0x14a: {  	[tilespmem:s1], [sflag:$0x6] =	stream.linear.gather [spmem:s17], $0x2800, $0x38;
	[tilespmem:$0x1E400] =	vst v63  }
0x14b: {  	_ =	swait.ge [sflag:s0], $0x2800  }
0x14c: {  	[sflag:s0] =	ssyncset.done $0x0  }
0x14d: {  	s28 =	rddreg [dreg:$0xa];
	[sflag:s0] =	ssyncadd.s32 $0xFFFFD800  }
0x14e: {  	[hbm4b:s28+s4] =	stream.linear.scatter [tilespmem:s8], [sflag:$0x9], $0x2800, $0x38;
	[tilespmem:$0x1E400] =	vst v63  }
0x14f: {  	s10 =	simm.s32 $0x6;
	s18 =	rddreg [dreg:$0x16]  }
0x150: {  	[tilespmem:s13], [sflag:$0x7] =	stream.linear.gather [spmem:s18], $0x2800, $0x38;
	[tilespmem:$0x1E400] =	vst v63  }
0x151: {  	_ =	swait.ge [sflag:s10], $0x2800  }
0x152: {  	[sflag:s10] =	ssyncset.done $0x0  }
0x153: {  	s6 =	rddreg [dreg:$0xb];
	[sflag:s10] =	ssyncadd.s32 $0xFFFFD800  }
0x154: {  	[hbm4b:s6+s4] =	stream.linear.scatter [tilespmem:s1], [sflag:$0xA], $0x2800, $0x38;
	[tilespmem:$0x1E400] =	vst v63  }
0x155: {  	s28 =	rddreg [dreg:$0x17]  }
0x156: {  	[tilespmem:s12], [sflag:$0x8] =	stream.linear.gather [spmem:s28], $0x2800, $0x38;
	[tilespmem:$0x1E400] =	vst v63  }
0x157: {  	_ =	swait.ge [sflag:s21], $0x2800  }
0x158: {  	[sflag:s21] =	ssyncset.done $0x0  }
0x159: {  	s25 =	rddreg [dreg:$0xc];
	[sflag:s21] =	ssyncadd.s32 $0xFFFFD800  }
0x15a: {  	[hbm4b:s25+s4] =	stream.linear.scatter [tilespmem:s13], [sflag:$0xB], $0x2800, $0x38;
	[tilespmem:$0x1E400] =	vst v63  }
0x15b: {  	_ =	swait.ge [sflag:s19], $0x2800  }
0x15c: {  	[sflag:s19] =	ssyncset.done $0x0  }
0x15d: {  	s25 =	rddreg [dreg:$0x18];
	[sflag:s19] =	ssyncadd.s32 $0xFFFFD800  }
0x15e: {  	[tilespmem:s8], [sflag:$0x5] =	stream.linear.gather [spmem:s25], $0x2800, $0x38;
	[tilespmem:$0x1E400] =	vst v63  }
0x15f: {  	_ =	swait.ge [sflag:s23], $0x2800  }
0x160: {  	[sflag:s23] =	ssyncset.done $0x0  }
0x161: {  	s26 =	rddreg [dreg:$0xd];
	[sflag:s23] =	ssyncadd.s32 $0xFFFFD800  }
0x162: {  	[hbm4b:s26+s4] =	stream.linear.scatter [tilespmem:s12], [sflag:$0xC], $0x2800, $0x38;
	[tilespmem:$0x1E400] =	vst v63  }
0x163: {  	_ =	swait.ge [sflag:s22], $0x2800  }
0x164: {  	[sflag:s22] =	ssyncset.done $0x0  }
0x165: {  	s6 =	rddreg [dreg:$0x19];
	[sflag:s22] =	ssyncadd.s32 $0xFFFFD800  }
0x166: {  	[tilespmem:s1], [sflag:$0x6] =	stream.linear.gather [spmem:s6], $0x2800, $0x38;
	[tilespmem:$0x1E400] =	vst v63  }
0x167: {  	_ =	swait.ge [sflag:s0], $0x2800  }
0x168: {  	[sflag:s0] =	ssyncset.done $0x0  }
0x169: {  	[sflag:s0] =	ssyncadd.s32 $0xFFFFD800;
	s0 =	rddreg [dreg:$0xe]  }
0x16a: {  	[hbm4b:s0+s4] =	stream.linear.scatter [tilespmem:s8], [sflag:$0x9], $0x2800, $0x38;
	[tilespmem:$0x1E400] =	vst v63  }
0x16b: {  	_ =	swait.ge [sflag:s24], $0x2800  }
0x16c: {  	[sflag:s24] =	ssyncset.done $0x0  }
0x16d: {  	s8 =	rddreg [dreg:$0x1a];
	[sflag:s24] =	ssyncadd.s32 $0xFFFFD800  }
0x16e: {  	[tilespmem:s13], [sflag:$0x7] =	stream.linear.gather [spmem:s8], $0x2800, $0x38;
	[tilespmem:$0x1E400] =	vst v63  }
0x16f: {  	_ =	swait.ge [sflag:s10], $0x2800  }
0x170: {  	[sflag:s10] =	ssyncset.done $0x0  }
0x171: {  	s26 =	rddreg [dreg:$0xf];
	[sflag:s10] =	ssyncadd.s32 $0xFFFFD800  }
0x172: {  	[hbm4b:s26+s4] =	stream.linear.scatter [tilespmem:s1], [sflag:$0xA], $0x2800, $0x38;
	[tilespmem:$0x1E400] =	vst v63  }
0x173: {  	_ =	swait.ge [sflag:s3], $0x2800  }
0x174: {  	[sflag:s3] =	ssyncset.done $0x0  }
0x175: {  	s10 =	rddreg [dreg:$0x1b];
	[sflag:s3] =	ssyncadd.s32 $0xFFFFD800  }
0x176: {  	[tilespmem:s12], [sflag:$0x8] =	stream.linear.gather [spmem:s10], $0x2800, $0x38;
	[tilespmem:$0x1E400] =	vst v63  }
0x177: {  	_ =	swait.ge [sflag:s21], $0x2800  }
0x178: {  	[sflag:s21] =	ssyncset.done $0x0  }
0x179: {  	s0 =	rddreg [dreg:$0x10];
	[sflag:s21] =	ssyncadd.s32 $0xFFFFD800  }
0x17a: {  	[hbm4b:s0+s4] =	stream.linear.scatter [tilespmem:s13], [sflag:$0xB], $0x2800, $0x38;
	[tilespmem:$0x1E400] =	vst v63  }
0x17b: {  	_ =	swait.ge [sflag:s23], $0x2800  }
0x17c: {  	[sflag:s23] =	ssyncset.done $0x0  }
0x17d: {  	s1 =	rddreg [dreg:$0x11];
	[sflag:s23] =	ssyncadd.s32 $0xFFFFD800  }
0x17e: {  	[hbm4b:s1+s4] =	stream.linear.scatter [tilespmem:s12], [sflag:$0xC], $0x2800, $0x38;
	[tilespmem:$0x1E400] =	vst v63  }
0x17f: {  	_ =	swait.ge [sflag:s19], $0x2800  }
0x180: {  	[sflag:s19] =	ssyncset.done $0x0  }
0x181: {  	[sflag:s19] =	ssyncadd.s32 $0xFFFFD800  }
0x182: {  	_ =	swait.ge [sflag:s22], $0x2800  }
0x183: {  	[sflag:s22] =	ssyncset.done $0x0  }
0x184: {  	[sflag:s22] =	ssyncadd.s32 $0xFFFFD800  }
0x185: {  	_ =	swait.ge [sflag:s24], $0x2800  }
0x186: {  	[sflag:s24] =	ssyncset.done $0x0  }
0x187: {  	[sflag:s24] =	ssyncadd.s32 $0xFFFFD800  }
0x188: {  	_ =	swait.ge [sflag:s3], $0x2800  }
0x189: {  	s13 =	sld [smem:$0x7F7]  }
0x18a: {  	s26 =	sld [smem:$0x7FC];
	_ =	sdelay $0x1  }
0x18b: {  	s0 =	sadd.s32 $0x1, s13  }
0x18c: {  	p0 =	sne.s32 s0, s26  }
.Ltmp1:
0x18d: {  	_ = 	snop;
	(pc) =	sbr.rel @p0 .LBB2_1-.Ltmp1, $3  }
0x18e: {  	_ =	sdelay $0x1  }
0x18f: {  	s12 =	simm.s32 $0x80;
	[sflag:s3] =	ssyncset.done $0x0  }
0x190: {  	[sflag:s3] =	ssyncadd.s32 $0xFFFFD800;
	s26 =	smov.u32 s11;
	s11 =	smov.u32 s28  }
0x191: {  	_ =	sfence.sel $0x180000  }
0x192: {  	[bflag:$0x0] =	sbarrier.arrive $0xFFFF  }
0x193: {  	_ =	strace $0x9000004D  }
0x194: {  	s0 =	stileid.u32;
	[bflag:$0x2] =	sbarrier.arrive $0xFFFF  }
0x195: {  	p0 =	sne.s32 s0, $0x0;
	s0 =	rddreg [dreg:$0x3]  }
0x196: {  	s0 =	sadd.s32 @!p0 $0x100000, s0  }
0x197: {  	[sflag:s0] =	ssyncadd.tile.s32 @!p0 $0x1;
	_ =	shalt  }
.Lfunc_end2:
_tile_overlayer_lowered:
.L_overlay_start_2:
0x198: {  	(tag) =	ssettag $0x2  }
0x199: {  	s0 =	rddreg [dreg:$0x0];
	s2 =	stileid.u32  }
0x19a: {  	s1 =	rddreg [dreg:$0x1];
	p0 =	sne.s32 s2, $0x0  }
0x19b: {  	s3 =	rddreg [dreg:$0x2];
	[bflag:$0x3] =	sbarrier.arrive $0xFFFF;
	s2 =	simm.s32 @!p0 $0x1C0D  }
0x19c: {  	[timem:s3], [sflag:s2] =	dma.local @!p0 [hbm:s0], s1  }
0x19d: {  	s0 =	simm.s32 @!p0 $0xD  }
0x19e: {  	_ =	swait.ge @!p0 [sflag:s0], s1  }
0x19f: {  	s1 =	ssub.s32 @!p0 $0x0, s1;
	[sflag:s0] =	ssyncset.done @!p0 $0x0  }
0x1a0: {  	[sflag:s0] =	ssyncadd.s32 @!p0 s1  }
0x1a1: {  	[bflag:$0x3] =	sbarrier.arrive $0xFFFF  }
0x1a2: {  	_ =	shalt  }

// kernel: kernel.8.cloned.1.call-start
scs
__scs_entry_jumppad:
0x0: {  	(pc) =	sbr.rel $0x88, $3  }
0x1: {  	(tag) =	ssettag $0x0;
	lr =	simm.s32 $0x1  }
0x2: {  	[smem:$0x3F99] =	sst lr;
	_ =	strace $0xD0000000  }
0x3: {  	_ = 	snop  }
0x4: {  	_ = 	snop  }
0x5: {  	_ = 	snop  }
0x6: {  	_ = 	snop  }
0x7: {  	_ = 	snop  }
__scs_overlays_trampoline_lowered:
0x8: {  	[smem:$0x3FA8] =	sst s0  }
0x9: {  	[smem:$0x3FA9] =	sst s1  }
0xa: {  	[smem:$0x3FAA] =	sst s2  }
0xb: {  	[smem:$0x3FAB] =	sst s3  }
0xc: {  	[smem:$0x3FAC] =	sst s4  }
0xd: {  	[smem:$0x3FAD] =	sst s5  }
0xe: {  	[smem:$0x3FAE] =	sst s6  }
0xf: {  	[smem:$0x3FAF] =	sst s7  }
0x10: {  	[smem:$0x3FB0] =	sst s8  }
0x11: {  	[smem:$0x3FB1] =	sst s9;
	s0 =	simm.s32 @!p0 $0x0  }
0x12: {  	s1 =	sld [smem:$0x3F97];
	s0 =	simm.s32 @p0 $0x1  }
0x13: {  	[smem:$0x3FB2] =	sst s0;
	s0 =	simm.s32 @!p1 $0x0  }
0x14: {  	s2 =	sld [smem:$0x3F96];
	s0 =	simm.s32 @p1 $0x1  }
0x15: {  	[smem:$0x3FB3] =	sst s0;
	s0 =	simm.s32 @!p2 $0x0  }
0x16: {  	s3 =	sld [smem:$0x3FDB];
	s0 =	simm.s32 @p2 $0x1  }
0x17: {  	s4 =	simm.s32 $0x1BF5;
	[smem:$0x3FB5] =	sst s0  }
0x18: {  	s0 =	sld [smem:$0x3F98];
	_ =	swait.ge [sflag:s4], $0x0  }
0x19: {  	s7 =	sld [smem:$0x3F99]  }
0x1a: {  	s8 =	sadd.s32 $0xFFFFE003, lr  }
0x1b: {  	s9 =	sadd.s32 $0xFFFFFEF7, lr;
	s5 =	simm.s32 $0xFFFFFFFF;
	p2 =	slt.u32 s8, $0xFFFFF086  }
0x1c: {  	p1 =	slt.u32 s9, $0xF7A;
	s5 =	simm.s32 @!p2 $0x0  }
0x1d: {  	s5 =	simm.s32 @p1 $0x1;
	p0 =	seq.s32 s7, s2  }
0x1e: {  	s7 =	smul.u32 @!p0 $0xF7A, s2;
	p2 =	seq.s32 @!p0 s5, $0x0  }
0x1f: {  	s9 =	smul.u32 $0xF7A, s1;
	s8 =	simm.s32 @!p0 $0x1BF5;
	p2 =	por !p2, p0  }
0x20: {  	[sflag:s8] =	ssyncset.s32 @!p0 $0xFFFFF086;
	s6 =	sadd.s32 @!p0 s3, s7;
	s7 =	simm.s32 @!p0 $0x108  }
0x21: {  	s3 =	sadd.s32 s3, s9;
	s6 =	sadd.s32 @!p0 $0x88, s6;
	s7 =	simm.s32 @p2 $0x1082  }
0x22: {  	[simem:s7], [sflag:s8] =	dma.local @!p0 [hbm:s6], $0xF7A  }
0x23: {  	s9 =	sor.u32 $0xD0000000, s2;
	s6 =	simm.s32 $0x108;
	_ =	swait.ge @!p0 [sflag:s8], $0x0  }
0x24: {  	s3 =	sadd.s32 $0x88, s3;
	s6 =	simm.s32 @!p1 $0x1082;
	[sflag:s4] =	ssyncset.s32 $0xFFFFF086  }
0x25: {  	[simem:s6], [sflag:s4] =	dma.local [hbm:s3], $0xF7A  }
0x26: {  	[smem:$0x3F99] =	sst s1;
	(tag) =	ssettag s2;
	_ =	strace s9  }
0x27: {  	s1 =	sld [smem:$0x3FA9]  }
0x28: {  	s2 =	sld [smem:$0x3FAA]  }
0x29: {  	s4 =	sld [smem:$0x3FAC]  }
0x2a: {  	p0 =	seq.s32 s5, $0x0;
	s5 =	sld [smem:$0x3FAD]  }
0x2b: {  	s6 =	sld [smem:$0x3FAE]  }
0x2c: {  	s7 =	sld [smem:$0x3FAF]  }
0x2d: {  	s3 =	simm.s32 $0x108;
	s8 =	sld [smem:$0x3FB0]  }
0x2e: {  	s3 =	simm.s32 @!p0 $0x1082;
	s9 =	sld [smem:$0x3FB1]  }
0x2f: {  	lr =	sadd.s32 s0, s3;
	s0 =	sld [smem:$0x3FA8]  }
0x30: {  	s3 =	sld [smem:$0x3FAB]  }
0x31: {  	[smem:$0x3FB4] =	sst s10  }
0x32: {  	s10 =	sld [smem:$0x3FB2];
	_ =	sdelay $0x3  }
0x33: {  	p0 =	seq.s32 s10, $0x1;
	s10 =	sld [smem:$0x3FB4];
	_ =	sdelay $0x3  }
0x34: {  	[smem:$0x3FB4] =	sst s10  }
0x35: {  	s10 =	sld [smem:$0x3FB3];
	_ =	sdelay $0x3  }
0x36: {  	p1 =	seq.s32 s10, $0x1;
	s10 =	sld [smem:$0x3FB4];
	_ =	sdelay $0x3  }
0x37: {  	[smem:$0x3FB4] =	sst s10  }
0x38: {  	s10 =	sld [smem:$0x3FB5]  }
0x39: {  	_ = 	snop;
	(pc) =	sbr.ind lr, $3  }
0x3a: {  	_ = 	snop  }
0x3b: {  	_ = 	snop  }
0x3c: {  	p2 =	seq.s32 s10, $0x1;
	s10 =	sld [smem:$0x3FB4]  }
0x3d: {  	_ =	shalt  }
0x3e: {  	_ =	shalt  }
0x3f: {  	_ =	shalt  }
0x40: {  	_ =	shalt  }
0x41: {  	_ =	shalt  }
0x42: {  	_ =	shalt  }
0x43: {  	_ =	shalt  }
0x44: {  	_ =	shalt  }
0x45: {  	_ =	shalt  }
0x46: {  	_ =	shalt  }
0x47: {  	_ =	shalt  }
0x48: {  	_ =	shalt  }
0x49: {  	_ =	shalt  }
0x4a: {  	_ =	shalt  }
0x4b: {  	_ =	shalt  }
0x4c: {  	_ =	shalt  }
0x4d: {  	_ =	shalt  }
0x4e: {  	_ =	shalt  }
0x4f: {  	_ =	shalt  }
0x50: {  	_ =	shalt  }
0x51: {  	_ =	shalt  }
0x52: {  	_ =	shalt  }
0x53: {  	_ =	shalt  }
0x54: {  	_ =	shalt  }
0x55: {  	_ =	shalt  }
0x56: {  	_ =	shalt  }
0x57: {  	_ =	shalt  }
0x58: {  	_ =	shalt  }
0x59: {  	_ =	shalt  }
0x5a: {  	_ =	shalt  }
0x5b: {  	_ =	shalt  }
0x5c: {  	_ =	shalt  }
0x5d: {  	_ =	shalt  }
0x5e: {  	_ =	shalt  }
0x5f: {  	_ =	shalt  }
0x60: {  	_ =	shalt  }
0x61: {  	_ =	shalt  }
0x62: {  	_ =	shalt  }
0x63: {  	_ =	shalt  }
0x64: {  	_ =	shalt  }
0x65: {  	_ =	shalt  }
0x66: {  	_ =	shalt  }
0x67: {  	_ =	shalt  }
0x68: {  	_ =	shalt  }
0x69: {  	_ =	shalt  }
0x6a: {  	_ =	shalt  }
0x6b: {  	_ =	shalt  }
0x6c: {  	_ =	shalt  }
0x6d: {  	_ =	shalt  }
0x6e: {  	_ =	shalt  }
0x6f: {  	_ =	shalt  }
0x70: {  	_ =	shalt  }
0x71: {  	_ =	shalt  }
0x72: {  	_ =	shalt  }
0x73: {  	_ =	shalt  }
0x74: {  	_ =	shalt  }
0x75: {  	_ =	shalt  }
0x76: {  	_ =	shalt  }
0x77: {  	_ =	shalt  }
0x78: {  	_ =	shalt  }
0x79: {  	_ =	shalt  }
0x7a: {  	_ =	shalt  }
0x7b: {  	_ =	shalt  }
0x7c: {  	_ =	shalt  }
0x7d: {  	_ =	shalt  }
0x7e: {  	_ =	shalt  }
0x7f: {  	_ =	shalt  }
0x80: {  	_ =	shalt  }
0x81: {  	_ =	shalt  }
0x82: {  	_ =	shalt  }
0x83: {  	_ =	shalt  }
0x84: {  	_ =	shalt  }
0x85: {  	_ =	shalt  }
0x86: {  	_ =	shalt  }
0x87: {  	_ =	shalt  }
.Lfunc_end0:
.L_simem_size_0:
called_computation_lowered:
.L_overlay_start_0:
0x88: {  	s2 =	sld [smem:$0x3FD9]  }
0x89: {  	s3 =	sld [smem:$0x3FFE];
	_ =	sdelay $0x1  }
0x8a: {  	s1 =	srdreg.scid  }
0x8b: {  	s0 =	sand.u32 $0x1, s1  }
0x8c: {  	s17 =	sshll.u32 s0, $0xA;
	s2 =	sadd.s32 s3, s2  }
0x8d: {  	s2 =	sadd.s32 s2, s17  }
0x8e: {  	[smem:$0x3FC0] =	sst s2  }
0x8f: {  	_ = 	snop  }
0x90: {  	s2 =	sld [smem:$0x3FD0];
	(tm) =	ssettm $0x1  }
0x91: {  	s18 =	sld [smem:$0x3FFB];
	_ =	sdelay $0x3  }
0x92: {  	_ =	strace s18  }
0x93: {  	s3 =	sld [smem:$0x3FFC];
	_ =	sdelay $0x3  }
0x94: {  	_ =	strace s3  }
0x95: {  	s3 =	sld [smem:$0x3FFD];
	_ =	sdelay $0x3  }
0x96: {  	_ =	strace s3  }
0x97: {  	_ =	strace $0x8FFFFFFF  }
0x98: {  	s19 =	sld [smem:$0x3FDB];
	_ =	sdelay $0x1  }
0x99: {  	s4 =	simm.s32 $_scs_section_size  }
0x9a: {  	s5 =	simm.s32 $_size__tile_overlayer_lowered;
	s6 =	simm.s32 $_tile_overlayer_lowered  }
0x9b: {  	s22 =	simm.s32 $0x1BFF;
	s21 =	sshll.u32 s6, $0x1;
	s3 =	sadd.s32 s4, s19  }
0x9c: {  	s7 =	simm.s32 $0x0;
	s20 =	sshll.u32 s5, $0x1;
	s5 =	sadd.s32 s21, s3  }
0x9d: {  	[timem:s7], [sflag:s22] =	dma.local [hbm:s5], s20  }
0x9e: {  	_ =	swait.ge [sflag:s22], s20  }
0x9f: {  	s4 =	ssub.s32 $0x0, s20;
	[sflag:s22] =	ssyncset.done $0x0  }
0xa0: {  	[sflag:s22] =	ssyncadd.s32 s4;
	_ =	sdelay $0x1  }
0xa1: {  	s23 =	simm.s32 $0x1B8B  }
0xa2: {  	_ =	swait.ge [sflag:s23], $0x1  }
0xa3: {  	[sflag:s23] =	ssyncset.done $0x0  }
0xa4: {  	s25 =	simm.s32 $0x1B8E;
	s24 =	sld [smem:$0x3FFE];
	[sflag:s23] =	ssyncadd.s32 $0xFFFFFFFF  }
0xa5: {  	s26 =	simm.s32 $execute0_lowered;
	[smem:$0x3FD2] =	sst s25  }
0xa6: {  	s5 =	sshll.u32 s26, $0x1;
	_ =	strace $0x80000046;
	[dreg:$0x1] =	wrdreg $0xFFFFFFFF  }
0xa7: {  	s28 =	simm.s32 $_size_execute0_lowered;
	s3 =	sadd.s32 s3, s5;
	[dreg:$0x0] =	wrdreg $0x0  }
0xa8: {  	s5 =	sshll.u32 s28, $0x1;
	[dreg:$0x2] =	wrdreg s3  }
0xa9: {  	[dreg:$0x3] =	wrdreg s5  }
0xaa: {  	[dreg:$0x4] =	wrdreg $0xC0  }
0xab: {  	_ =	task [dreg:s7], $0x5FFFF  }
0xac: {  	[dreg:$0x1] =	wrdreg $0xFFFFFFFF  }
0xad: {  	[dreg:$0x0] =	wrdreg $0x60  }
0xae: {  	[dreg:$0x2] =	wrdreg s24  }
0xaf: {  	[dreg:$0x3] =	wrdreg s2  }
0xb0: {  	[dreg:$0x4] =	wrdreg $0x5000  }
0xb1: {  	[dreg:$0x5] =	wrdreg $0x9  }
0xb2: {  	_ =	task.clear_ibuf [dreg:s7], $0x6FFFF;
	_ =	strace $0x90000046  }
0xb3: {  	s29 =	simm.s32 $0x9;
	_ =	strace $0x80000048  }
0xb4: {  	_ =	swait.ge [sflag:s29], $0x1  }
0xb5: {  	[sflag:s29] =	ssyncadd.s32 $0xFFFFFFFF  }
0xb6: {  	_ =	strace $0x90000048  }
0xb7: {  	_ =	sfence  }
0xb8: {  	s30 =	sld [smem:$0x0];
	_ =	sdelay $0x2  }
0xb9: {  	s31 =	sshll.u32 s1, $0xD;
	s1 =	sshrl.u32 s1, $0x2  }
0xba: {  	s3 =	sand.u32 $0x4000, s31;
	s1 =	sadd.s32 s1, s30  }
0xbb: {  	s0 =	sor.u32 s3, s0;
	s1 =	sshll.u32 s1, $0x11  }
0xbc: {  	s0 =	sor.u32 s1, s0  }
0xbd: {  	s0 =	sadd.s32 $0x8F2B, s0  }
0xbe: {  	[sflag:s0] =	ssyncadd.remote.s32 $0x1  }
0xbf: {  	_ =	sfence.sel $0xFFFF  }
0xc0: {  	[dreg:$0x0] =	wrdreg $0xFFFFFFFF;
	(pc) =	sbr.abs _section_cstart, $3  }
0xc1: {  	[dreg:$0x1] =	wrdreg $0xFFFFFFFF  }
0xc2: {  	_ =	task.clear_ibuf [dreg:s7], $0x2FFFF;
	_ =	strace $0x9FFFFFFF  }
0xc3: {  	(tm) =	ssettm $0x7FFFFFFF  }
tec
execute0_lowered:
.L_overlay_start_1:
0x0: {  	(tag) =	ssettag $0x1  }
0x1: {  	s0 =	rddreg [dreg:$0x0]  }
0x2: {  	s3 =	rddreg [dreg:$0x2];
	s4 =	simm.s32 $0x0  }
0x3: {  	s1 =	srdreg.scid;
	s10 =	stileid.u32;
	s28 =	simm.s32 $0x2  }
0x4: {  	s29 =	simm.s32 $0x5;
	s30 =	simm.s32 $0x3;
	s31 =	simm.s32 $0x6  }
0x5: {  	[smem:$0x7FF] =	sst s4;
	s1 =	sand.u32 $0x1, s1;
	s2 =	smul.u32 $0x500, s10  }
0x6: {  	s5 =	sadd.s32 $0xB600, s0;
	s8 =	smul.u32 $0xA00, s10;
	s11 =	sadd.s32 $0x15400, s0  }
0x7: {  	s19 =	smul.u32 $0x2710, s10;
	_ =	strace $0x80000047;
	s6 =	sshll.u32 s1, $0x7  }
0x8: {  	s16 =	sshll.u32 s1, $0x4;
	s7 =	ssub.s32 $0x2, s1;
	[dreg:$0x4] =	wrdreg s11  }
0x9: {  	s1 =	smul.u32 $0x27100, s1;
	s2 =	sor.u32 s6, s2;
	s6 =	sor.u32 s10, s16  }
0xa: {  	s9 =	sshrl.u32 s7, $0x1;
	s18 =	sshrl.u32 s8, $0x2;
	s2 =	sshrl.u32 s2, $0x3  }
0xb: {  	s6 =	smul.u32 $0x2710, s6;
	s17 =	ssub.s32 s7, s9;
	s7 =	sadd.s32 s18, s3  }
0xc: {  	s24 =	sadd.s32 s19, s1;
	s19 =	simm.s32 $0x200;
	s0 =	sadd.s32 s2, s0  }
0xd: {  	s14 =	smax.u32 s17, $0x1;
	s1 =	sadd.s32 $0x230, s24;
	s25 =	sadd.s32 $0x1E0, s24  }
0xe: {  	s18 =	sadd.s32 $0x140, s24;
	s6 =	sshrl.u32 s6, $0x3;
	s13 =	sadd.s32 $0x15600, s0  }
0xf: {  	s1 =	sshrl.u32 s1, $0x3;
	s2 =	sshrl.u32 s25, $0x3;
	s25 =	simm.s32 $0x50  }
0x10: {  	s0 =	simm.s32 $0x4;
	s8 =	sadd.s32 s5, s6;
	s6 =	sadd.s32 $0x190, s24  }
0x11: {  	s15 =	sadd.s32 s1, s5;
	s16 =	sadd.s32 s2, s5;
	s20 =	sadd.s32 $0xA, s8  }
0x12: {  	s24 =	simm.s32 $0x1;
	s21 =	sadd.s32 $0x14, s8;
	[dreg:$0x5] =	wrdreg s20  }
0x13: {  	s2 =	simm.s32 $0x7;
	s22 =	sadd.s32 $0x1E, s8;
	[dreg:$0x6] =	wrdreg s21  }
0x14: {  	s1 =	simm.s32 $0x8;
	s23 =	sadd.s32 $0x4D8, s8;
	[dreg:$0x7] =	wrdreg s22  }
0x15: {  	s26 =	sshrl.u32 s6, $0x3;
	s6 =	simm.s32 $0x0;
	[dreg:$0x8] =	wrdreg s23  }
0x16: {  	s17 =	sadd.s32 s26, s5;
	s20 =	simm.s32 $0x9;
	s21 =	simm.s32 $0x280  }
0x17: {  	s22 =	simm.s32 $0x80;
	s23 =	simm.s32 $0x100;
	s26 =	simm.s32 $0x180  }
.LBB2_1:
0x18: {  	s9 =	rddreg [dreg:$0x4]  }
0x19: {  	[tilespmem:s19], [sflag:$0x9] =	stream.linear.gather [hbm4b:s9+s4], $0x80, $0x38;
	[tilespmem:$0x780] =	vst v63  }
0x1a: {  	_ =	swait.ge [sflag:s20], $0x80  }
0x1b: {  	[sflag:s20] =	ssyncset.done $0x0  }
0x1c: {  	[sflag:s20] =	ssyncadd.s32 $0xFFFFFF80  }
0x1d: {  	s11 =	rddreg [dreg:$0x1]  }
0x1e: {  	[tilespmem:s21], [sflag:$0x9] =	stream.linear.gather [hbm4b:s11+s4], $0x280, $0x38;
	[tilespmem:$0x780] =	vst v63  }
0x1f: {  	_ =	swait.ge [sflag:s20], $0x280  }
0x20: {  	[sflag:s20] =	ssyncset.done $0x0  }
0x21: {  	[sflag:s20] =	ssyncadd.s32 $0xFFFFFD80  }
0x22: {  	[spmem:s7] =	stream.linear.scatter [tilespmem:s21], [sflag:$0x9], $0x280, $0x38;
	[tilespmem:$0x780] =	vst v63  }
0x23: {  	_ =	swait.ge [sflag:s20], $0x280  }
0x24: {  	[sflag:s20] =	ssyncset.done $0x0  }
0x25: {  	[sflag:s20] =	ssyncadd.s32 $0xFFFFFD80  }
0x26: {  	[bflag:$0x0] =	sbarrier.arrive $0xFFFF  }
0x27: {  	[tilespmem:s4], [sflag:$0x1] =	stream.linear.gather [hbm4b:s8+s4], $0x50, $0x38;
	[tilespmem:$0x780] =	vst v63  }
0x28: {  	s12 =	rddreg [dreg:$0x5]  }
0x29: {  	[tilespmem:s22], [sflag:$0x2] =	stream.linear.gather [hbm4b:s12+s4], $0x50, $0x38;
	[tilespmem:$0x780] =	vst v63  }
0x2a: {  	s10 =	rddreg [dreg:$0x6]  }
0x2b: {  	[tilespmem:s23], [sflag:$0x3] =	stream.linear.gather [hbm4b:s10+s4], $0x50, $0x38;
	[tilespmem:$0x780] =	vst v63  }
0x2c: {  	_ =	swait.ge [sflag:s24], $0x50  }
0x2d: {  	[sflag:s24] =	ssyncset.done $0x0  }
0x2e: {  	[sflag:s24] =	ssyncadd.s32 $0xFFFFFFB0  }
0x2f: {  	[spmem:s3] =	stream.indirect.scatter.add.f32 [tilespmem:s19], [sflag:$0x5], $0x1, s4, s25, $0xb8;
	[tilespmem:$0x780] =	vst v63  }
0x30: {  	s11 =	rddreg [dreg:$0x7]  }
0x31: {  	[tilespmem:s26], [sflag:$0x4] =	stream.linear.gather [hbm4b:s11+s4], $0x50, $0x38;
	[tilespmem:$0x780] =	vst v63  }
0x32: {  	_ =	swait.ge [sflag:s28], $0x50  }
0x33: {  	[sflag:s28] =	ssyncset.done $0x0  }
0x34: {  	[sflag:s28] =	ssyncadd.s32 $0xFFFFFFB0  }
0x35: {  	[spmem:s3] =	stream.indirect.scatter.add.f32 [tilespmem:s19], [sflag:$0x6], $0x1, s22, s25, $0xb8;
	[tilespmem:$0x780] =	vst v63  }
0x36: {  	_ =	swait.ge [sflag:s29], $0x50  }
0x37: {  	s12 =	sshrl.u32 s18, $0x3;
	[sflag:s29] =	ssyncset.done $0x0  }
0x38: {  	s9 =	sadd.s32 s5, s12;
	[sflag:s29] =	ssyncadd.s32 $0xFFFFFFB0  }
0x39: {  	[tilespmem:s4], [sflag:$0x1] =	stream.linear.gather [hbm4b:s9+s4], $0x50, $0x38;
	[tilespmem:$0x780] =	vst v63  }
0x3a: {  	_ =	swait.ge [sflag:s30], $0x50  }
0x3b: {  	[sflag:s30] =	ssyncset.done $0x0  }
0x3c: {  	[sflag:s30] =	ssyncadd.s32 $0xFFFFFFB0  }
0x3d: {  	[spmem:s3] =	stream.indirect.scatter.add.f32 [tilespmem:s19], [sflag:$0x7], $0x1, s23, s25, $0xb8;
	[tilespmem:$0x780] =	vst v63  }
0x3e: {  	_ =	swait.ge [sflag:s31], $0x50  }
0x3f: {  	[sflag:s31] =	ssyncset.done $0x0  }
0x40: {  	s10 =	sadd.s32 $0x0, s17;
	[sflag:s31] =	ssyncadd.s32 $0xFFFFFFB0  }
0x41: {  	[tilespmem:s22], [sflag:$0x2] =	stream.linear.gather [hbm4b:s10+s4], $0x50, $0x38;
	[tilespmem:$0x780] =	vst v63  }
0x42: {  	_ =	swait.ge [sflag:s0], $0x50  }
0x43: {  	[sflag:s0] =	ssyncset.done $0x0  }
0x44: {  	[sflag:s0] =	ssyncadd.s32 $0xFFFFFFB0  }
0x45: {  	[spmem:s3] =	stream.indirect.scatter.add.f32 [tilespmem:s19], [sflag:$0x8], $0x1, s26, s25, $0xb8;
	[tilespmem:$0x780] =	vst v63  }
0x46: {  	_ =	swait.ge [sflag:s2], $0x50  }
0x47: {  	[sflag:s2] =	ssyncset.done $0x0  }
0x48: {  	s11 =	sadd.s32 $0x0, s16;
	[sflag:s2] =	ssyncadd.s32 $0xFFFFFFB0  }
0x49: {  	[tilespmem:s23], [sflag:$0x3] =	stream.linear.gather [hbm4b:s11+s4], $0x50, $0x38;
	[tilespmem:$0x780] =	vst v63  }
0x4a: {  	_ =	swait.ge [sflag:s24], $0x50  }
0x4b: {  	[sflag:s24] =	ssyncset.done $0x0  }
0x4c: {  	[sflag:s24] =	ssyncadd.s32 $0xFFFFFFB0  }
0x4d: {  	[spmem:s3] =	stream.indirect.scatter.add.f32 [tilespmem:s19], [sflag:$0x5], $0x1, s4, s25, $0xb8;
	[tilespmem:$0x780] =	vst v63  }
0x4e: {  	_ =	swait.ge [sflag:s1], $0x50  }
0x4f: {  	[sflag:s1] =	ssyncset.done $0x0  }
0x50: {  	s12 =	sadd.s32 $0x0, s15;
	[sflag:s1] =	ssyncadd.s32 $0xFFFFFFB0  }
0x51: {  	[tilespmem:s26], [sflag:$0x4] =	stream.linear.gather [hbm4b:s12+s4], $0x50, $0x38;
	[tilespmem:$0x780] =	vst v63  }
0x52: {  	_ =	swait.ge [sflag:s28], $0x50  }
0x53: {  	[sflag:s28] =	ssyncset.done $0x0  }
0x54: {  	s9 =	simm.s32 $0x28;
	s10 =	sadd.s32 $0x140, s18;
	[sflag:s28] =	ssyncadd.s32 $0xFFFFFFB0  }
.LBB2_2:
0x55: {  	[spmem:s3] =	stream.indirect.scatter.add.f32 [tilespmem:s19], [sflag:$0x6], $0x1, s22, s25, $0xb8;
	[tilespmem:$0x780] =	vst v63  }
0x56: {  	s11 =	smov.u32 s9  }
0x57: {  	p0 =	sne.s32 s9, $0x488;
	s9 =	sadd.s32 $0x28, s9;
	_ =	swait.ge [sflag:s29], $0x50  }
0x58: {  	s12 =	sshrl.u32 s10, $0x3;
	[sflag:s29] =	ssyncset.done $0x0  }
0x59: {  	s12 =	sadd.s32 s5, s12;
	[sflag:s29] =	ssyncadd.s32 $0xFFFFFFB0  }
0x5a: {  	[tilespmem:s4], [sflag:$0x1] =	stream.linear.gather [hbm4b:s12+s4], $0x50, $0x38;
	[tilespmem:$0x780] =	vst v63  }
0x5b: {  	_ =	swait.ge [sflag:s30], $0x50  }
0x5c: {  	[sflag:s30] =	ssyncset.done $0x0  }
0x5d: {  	[sflag:s30] =	ssyncadd.s32 $0xFFFFFFB0  }
0x5e: {  	[spmem:s3] =	stream.indirect.scatter.add.f32 [tilespmem:s19], [sflag:$0x7], $0x1, s23, s25, $0xb8;
	[tilespmem:$0x780] =	vst v63  }
0x5f: {  	_ =	swait.ge [sflag:s31], $0x50  }
0x60: {  	[sflag:s31] =	ssyncset.done $0x0  }
0x61: {  	s12 =	sadd.s32 s11, s17;
	[sflag:s31] =	ssyncadd.s32 $0xFFFFFFB0  }
0x62: {  	[tilespmem:s22], [sflag:$0x2] =	stream.linear.gather [hbm4b:s12+s4], $0x50, $0x38;
	[tilespmem:$0x780] =	vst v63  }
0x63: {  	_ =	swait.ge [sflag:s0], $0x50  }
0x64: {  	[sflag:s0] =	ssyncset.done $0x0  }
0x65: {  	[sflag:s0] =	ssyncadd.s32 $0xFFFFFFB0  }
0x66: {  	[spmem:s3] =	stream.indirect.scatter.add.f32 [tilespmem:s19], [sflag:$0x8], $0x1, s26, s25, $0xb8;
	[tilespmem:$0x780] =	vst v63  }
0x67: {  	_ =	swait.ge [sflag:s2], $0x50  }
0x68: {  	[sflag:s2] =	ssyncset.done $0x0  }
0x69: {  	s12 =	sadd.s32 s11, s16;
	[sflag:s2] =	ssyncadd.s32 $0xFFFFFFB0  }
0x6a: {  	[tilespmem:s23], [sflag:$0x3] =	stream.linear.gather [hbm4b:s12+s4], $0x50, $0x38;
	[tilespmem:$0x780] =	vst v63  }
0x6b: {  	_ =	swait.ge [sflag:s24], $0x50  }
0x6c: {  	[sflag:s24] =	ssyncset.done $0x0  }
0x6d: {  	[sflag:s24] =	ssyncadd.s32 $0xFFFFFFB0  }
0x6e: {  	[spmem:s3] =	stream.indirect.scatter.add.f32 [tilespmem:s19], [sflag:$0x5], $0x1, s4, s25, $0xb8;
	[tilespmem:$0x780] =	vst v63  }
0x6f: {  	_ =	swait.ge [sflag:s1], $0x50  }
0x70: {  	[sflag:s1] =	ssyncset.done $0x0  }
.Ltmp0:
0x71: {  	s11 =	sadd.s32 s11, s15;
	[sflag:s1] =	ssyncadd.s32 $0xFFFFFFB0;
	(pc) =	sbr.rel @p0 .LBB2_2-.Ltmp0, $4  }
0x72: {  	[tilespmem:s26], [sflag:$0x4] =	stream.linear.gather [hbm4b:s11+s4], $0x50, $0x38;
	[tilespmem:$0x780] =	vst v63  }
0x73: {  	_ =	swait.ge [sflag:s28], $0x50  }
0x74: {  	[sflag:s28] =	ssyncset.done $0x0  }
0x75: {  	s10 =	sadd.s32 $0x140, s10;
	[sflag:s28] =	ssyncadd.s32 $0xFFFFFFB0  }
0x76: {  	[spmem:s3] =	stream.indirect.scatter.add.f32 [tilespmem:s19], [sflag:$0x6], $0x1, s22, s25, $0xb8;
	[tilespmem:$0x780] =	vst v63  }
0x77: {  	_ =	swait.ge [sflag:s29], $0x50  }
0x78: {  	[sflag:s29] =	ssyncset.done $0x0  }
0x79: {  	s9 =	rddreg [dreg:$0x8];
	[sflag:s29] =	ssyncadd.s32 $0xFFFFFFB0  }
0x7a: {  	[tilespmem:s4], [sflag:$0x1] =	stream.linear.gather [hbm4b:s9+s4], $0x50, $0x38;
	[tilespmem:$0x780] =	vst v63  }
0x7b: {  	_ =	swait.ge [sflag:s30], $0x50  }
0x7c: {  	[sflag:s30] =	ssyncset.done $0x0  }
0x7d: {  	[sflag:s30] =	ssyncadd.s32 $0xFFFFFFB0  }
0x7e: {  	[spmem:s3] =	stream.indirect.scatter.add.f32 [tilespmem:s19], [sflag:$0x7], $0x1, s23, s25, $0xb8;
	[tilespmem:$0x780] =	vst v63  }
0x7f: {  	_ =	swait.ge [sflag:s0], $0x50  }
0x80: {  	[sflag:s0] =	ssyncset.done $0x0  }
0x81: {  	[sflag:s0] =	ssyncadd.s32 $0xFFFFFFB0  }
0x82: {  	[spmem:s3] =	stream.indirect.scatter.add.f32 [tilespmem:s19], [sflag:$0x8], $0x1, s26, s25, $0xb8;
	[tilespmem:$0x780] =	vst v63  }
0x83: {  	_ =	swait.ge [sflag:s24], $0x50  }
0x84: {  	[sflag:s24] =	ssyncset.done $0x0  }
0x85: {  	[sflag:s24] =	ssyncadd.s32 $0xFFFFFFB0  }
0x86: {  	[spmem:s3] =	stream.indirect.scatter.add.f32 [tilespmem:s19], [sflag:$0x5], $0x1, s4, s25, $0xb8;
	[tilespmem:$0x780] =	vst v63  }
0x87: {  	_ =	swait.ge [sflag:s31], $0x50  }
0x88: {  	[sflag:s31] =	ssyncset.done $0x0  }
0x89: {  	[sflag:s31] =	ssyncadd.s32 $0xFFFFFFB0  }
0x8a: {  	_ =	swait.ge [sflag:s2], $0x50  }
0x8b: {  	[sflag:s2] =	ssyncset.done $0x0  }
0x8c: {  	[sflag:s2] =	ssyncadd.s32 $0xFFFFFFB0  }
0x8d: {  	_ =	swait.ge [sflag:s1], $0x50  }
0x8e: {  	[sflag:s1] =	ssyncset.done $0x0  }
0x8f: {  	[sflag:s1] =	ssyncadd.s32 $0xFFFFFFB0  }
0x90: {  	_ =	swait.ge [sflag:s29], $0x50  }
0x91: {  	[sflag:s29] =	ssyncset.done $0x0  }
0x92: {  	[sflag:s29] =	ssyncadd.s32 $0xFFFFFFB0  }
0x93: {  	[bflag:$0x0] =	sbarrier.arrive $0xFFFF  }
0x94: {  	[tilespmem:s21], [sflag:$0x9] =	stream.linear.gather [spmem:s7], $0x280, $0x38;
	[tilespmem:$0x780] =	vst v63  }
0x95: {  	s6 =	sadd.s32 $0x1, s6;
	_ =	swait.ge [sflag:s20], $0x280  }
0x96: {  	p0 =	sne.s32 s6, s14;
	[sflag:s20] =	ssyncset.done $0x0  }
.Ltmp1:
0x97: {  	[sflag:s20] =	ssyncadd.s32 $0xFFFFFD80;
	(pc) =	sbr.rel @p0 .LBB2_1-.Ltmp1, $4  }
0x98: {  	[hbm4b:s13+s22] =	stream.strided.scatter [tilespmem:s21], [sflag:$0x9], $0x280, s23, s22, $0x38;
	[tilespmem:$0x780] =	vst v63  }
0x99: {  	_ =	swait.ge [sflag:s20], $0x280  }
0x9a: {  	[sflag:s20] =	ssyncset.done $0x0  }
0x9b: {  	[sflag:s20] =	ssyncadd.s32 $0xFFFFFD80  }
0x9c: {  	_ =	sfence.sel $0x180000  }
0x9d: {  	[bflag:$0x0] =	sbarrier.arrive $0xFFFF  }
0x9e: {  	_ =	strace $0x90000047  }
0x9f: {  	s0 =	stileid.u32;
	[bflag:$0x2] =	sbarrier.arrive $0xFFFF  }
0xa0: {  	p0 =	sne.s32 s0, $0x0;
	s0 =	rddreg [dreg:$0x3]  }
0xa1: {  	s0 =	sadd.s32 @!p0 $0x100000, s0  }
0xa2: {  	[sflag:s0] =	ssyncadd.tile.s32 @!p0 $0x1;
	_ =	shalt  }
.Lfunc_end2:
_tile_overlayer_lowered:
.L_overlay_start_2:
0xa3: {  	(tag) =	ssettag $0x2  }
0xa4: {  	s0 =	rddreg [dreg:$0x0];
	s2 =	stileid.u32  }
0xa5: {  	s1 =	rddreg [dreg:$0x1];
	p0 =	sne.s32 s2, $0x0  }
0xa6: {  	s3 =	rddreg [dreg:$0x2];
	[bflag:$0x3] =	sbarrier.arrive $0xFFFF;
	s2 =	simm.s32 @!p0 $0x1C09  }
0xa7: {  	[timem:s3], [sflag:s2] =	dma.local @!p0 [hbm:s0], s1  }
0xa8: {  	s0 =	simm.s32 @!p0 $0x9  }
0xa9: {  	_ =	swait.ge @!p0 [sflag:s0], s1  }
0xaa: {  	s1 =	ssub.s32 @!p0 $0x0, s1;
	[sflag:s0] =	ssyncset.done @!p0 $0x0  }
0xab: {  	[sflag:s0] =	ssyncadd.s32 @!p0 s1  }
0xac: {  	[bflag:$0x3] =	sbarrier.arrive $0xFFFF  }
0xad: {  	_ =	shalt  }

</sc_bundles>
